<compile_context>
chip_gen: v7x
topology: tpu7x:2x2x1
jax: 0.10.2.dev20260603
libtpu: 0.0.44.dev20260713+nightly
codegen_flags: <defaults>
</compile_context>

<pallas_src>
import functools

import jax
import jax.numpy as jnp
from jax import lax
from jax.experimental import pallas as pl
from jax.experimental.pallas import tpu as pltpu
from jax.experimental.pallas import tpu_sc as plsc

F32 = jnp.float32
BF16 = jnp.bfloat16
I32 = jnp.int32
LANE = 128
TOPK = 2


def _dot(a, b):
    return jax.lax.dot_general(a, b, (((a.ndim - 1,), (0,)), ((), ())),
                               preferred_element_type=F32)


def _gelu(v):
    return 0.5 * v * (1.0 + jax.lax.erf(v * 0.7071067811865476))



def _pre_kernel(x_ref, wt_ref, bt_ref, xe_ref):
    xe_ref[...] = _gelu(_dot(x_ref[...], wt_ref[...]) + bt_ref[...])



def _gate_kernel(xe_ref, emb_ref, wg_ref, bgp_ref, xb_ref, meta_ref):
    bm = xe_ref.shape[0]
    lanes = jax.lax.broadcasted_iota(I32, (bm, LANE), 1)
    xf = xe_ref[...] + emb_ref[0]
    xb_ref[...] = xf.astype(BF16)
    logits = _dot(xf.astype(BF16), wg_ref[...]) + bgp_ref[...]
    m = jnp.max(logits, axis=1, keepdims=True)
    ex = jnp.exp(logits - m)
    probs = ex / jnp.sum(ex, axis=1, keepdims=True)
    v1 = jnp.max(probs, axis=1, keepdims=True)
    f1 = jnp.min(jnp.where(probs == v1, lanes, LANE), axis=1, keepdims=True)
    sel1 = lanes == f1
    p2 = jnp.where(sel1, -1.0, probs)
    v2 = jnp.max(p2, axis=1, keepdims=True)
    f2 = jnp.min(jnp.where(p2 == v2, lanes, LANE), axis=1, keepdims=True)
    meta_ref[...] = (jnp.where(lanes == 0, f1.astype(F32), 0.0)
                     + jnp.where(lanes == 1, f2.astype(F32), 0.0)
                     + jnp.where(lanes == 2, v1, 0.0)
                     + jnp.where(lanes == 3, v2, 0.0))



def _sc_row_gather(table, idx, chunk=128):
    nr = idx.shape[0]
    d = table.shape[1]
    info = plsc.get_sparse_core_info()
    nw = info.num_cores * info.num_subcores
    nper = nr // nw
    chunk = min(chunk, nper)
    assert nper % chunk == 0 and nper % 8 == 0
    nchunks = nper // chunk
    mesh = plsc.VectorSubcoreMesh(core_axis_name="c", subcore_axis_name="s")

    @functools.partial(
        pl.kernel, mesh=mesh,
        out_type=jax.ShapeDtypeStruct((nr, d), table.dtype),
        scratch_types=[
            pltpu.VMEM((chunk,), I32),
            pltpu.VMEM((chunk, d), table.dtype),
            pltpu.SemaphoreType.DMA,
        ],
    )
    def g(table_hbm, idx_hbm, out_hbm, idx_v, rows_v, sem):
        wid = lax.axis_index("s") * info.num_cores + lax.axis_index("c")
        base = wid * nper
        for c in range(nchunks):
            off = base + c * chunk
            pltpu.sync_copy(idx_hbm.at[pl.ds(off, chunk)], idx_v)
            pltpu.async_copy(table_hbm.at[idx_v], rows_v, sem).wait()
            pltpu.sync_copy(rows_v, out_hbm.at[pl.ds(off, chunk)])

    return g(table, idx)



def _group_kernel(te_ref, xs_ref, w1_ref, b1_ref, w2_ref, b2_ref, y_ref):
    h = _gelu(_dot(xs_ref[...], w1_ref[0]) + b1_ref[0])
    y_ref[...] = (_dot(h.astype(BF16), w2_ref[0]) + b2_ref[0]).astype(BF16)



def _comb_kernel(ys0_ref, ys1_ref, meta_ref, xe_ref, emb_ref, g_ref,
                 be_ref, wp_ref, bp_ref, out_ref):
    w0 = meta_ref[:, 2:3]
    w1 = meta_ref[:, 3:4]
    mo = w0 * ys0_ref[...].astype(F32) + w1 * ys1_ref[...].astype(F32)
    m = jnp.mean(mo, axis=1, keepdims=True)
    v = jnp.mean((mo - m) ** 2, axis=1, keepdims=True)
    ln = (mo - m) / jnp.sqrt(v + 1e-5) * g_ref[0] + be_ref[0]
    y = _gelu(ln) + (xe_ref[...] + emb_ref[0])
    out_ref[...] = _dot(y.astype(BF16), wp_ref[0]) + bp_ref[0]


def kernel(x, W_txt, b_txt, l2_emb, cl_emb, Wg, bg, W1, b1, W2, b2,
           g_l2, be_l2, g_cl, be_cl, W_t2v, b_t2v, W_cl, b_cl):
    B, S, TD = x.shape
    H = W_txt.shape[1]
    E = Wg.shape[1]
    SD = W_t2v.shape[1]
    T = B * S
    TT = 2 * T
    N = TOPK * TT
    bm = min(1024, T)
    nrb = T // bm
    MG = min(512, T)
    ntiles = N // MG + E
    NPAD = ntiles * MG
    bmc = min(1024, T)
    nrc = T // bmc

    xf = x.reshape(T, TD).astype(BF16)

    xe = pl.pallas_call(
        _pre_kernel,
        grid=(nrb,),
        in_specs=[
            pl.BlockSpec((bm, TD), lambda i: (i, 0)),
            pl.BlockSpec((TD, H), lambda i: (0, 0)),
            pl.BlockSpec((1, H), lambda i: (0, 0)),
        ],
        out_specs=pl.BlockSpec((bm, H), lambda i: (i, 0)),
        out_shape=jax.ShapeDtypeStruct((T, H), F32),
    )(xf, W_txt.astype(BF16), b_txt.reshape(1, H))

    emb = jnp.concatenate([l2_emb.reshape(1, 1, H), cl_emb.reshape(1, 1, H)],
                          axis=0)
    wg_pad = jnp.zeros((H, LANE), F32).at[:, :E].set(Wg).astype(BF16)
    bg_pad = jnp.full((1, LANE), -1e30, F32).at[0, :E].set(bg)

    xb, meta = pl.pallas_call(
        _gate_kernel,
        grid=(2 * nrb,),
        in_specs=[
            pl.BlockSpec((bm, H), lambda i: (i % nrb, 0)),
            pl.BlockSpec((1, 1, H), lambda i: (i // nrb, 0, 0)),
            pl.BlockSpec((H, LANE), lambda i: (0, 0)),
            pl.BlockSpec((1, LANE), lambda i: (0, 0)),
        ],
        out_specs=[
            pl.BlockSpec((bm, H), lambda i: (i, 0)),
            pl.BlockSpec((bm, LANE), lambda i: (i, 0)),
        ],
        out_shape=[
            jax.ShapeDtypeStruct((TT, H), BF16),
            jax.ShapeDtypeStruct((TT, LANE), F32),
        ],
    )(xe, emb, wg_pad, bg_pad)

    i1 = meta[:, 0].astype(I32)
    i2 = meta[:, 1].astype(I32)
    ee = jnp.stack([i1, i2], axis=1).reshape(-1)
    oh = (ee[:, None] == jnp.arange(E, dtype=I32)[None, :]).astype(I32)
    ranks = jnp.cumsum(oh, axis=0) - 1
    rank = jnp.take_along_axis(ranks, ee[:, None], axis=1)[:, 0]
    counts = ranks[-1] + 1
    tcaps = (counts + MG - 1) // MG
    starts = jnp.concatenate(
        [jnp.zeros((1,), I32), jnp.cumsum(tcaps * MG)[:-1].astype(I32)])
    pos = starts[ee] + rank
    tok = jnp.repeat(jnp.arange(TT, dtype=I32), TOPK)
    row_src = jnp.zeros((NPAD,), I32).at[pos].set(tok)
    tile_expert = jnp.minimum(
        jnp.searchsorted(jnp.cumsum(tcaps), jnp.arange(ntiles), side='right'),
        E - 1).astype(I32)
    pos2 = jnp.concatenate([pos[0::2], pos[1::2]])

    def _to_i32(a):
        r, hh = a.shape
        return jax.lax.bitcast_convert_type(a.reshape(r, hh // 2, 2), I32)

    def _to_bf16(a):
        r, hw = a.shape
        return jax.lax.bitcast_convert_type(a, BF16).reshape(r, hw * 2)

    xs = _to_bf16(_sc_row_gather(_to_i32(xb), row_src))

    y = pl.pallas_call(
        _group_kernel,
        grid_spec=pltpu.PrefetchScalarGridSpec(
            num_scalar_prefetch=1,
            grid=(ntiles,),
            in_specs=[
                pl.BlockSpec((MG, H), lambda t, te: (t, 0)),
                pl.BlockSpec((1, H, H), lambda t, te: (te[t], 0, 0)),
                pl.BlockSpec((1, 1, H), lambda t, te: (te[t], 0, 0)),
                pl.BlockSpec((1, H, H), lambda t, te: (te[t], 0, 0)),
                pl.BlockSpec((1, 1, H), lambda t, te: (te[t], 0, 0)),
            ],
            out_specs=pl.BlockSpec((MG, H), lambda t, te: (t, 0)),
        ),
        out_shape=jax.ShapeDtypeStruct((NPAD, H), BF16),
        compiler_params=pltpu.CompilerParams(
            dimension_semantics=("arbitrary",)),
    )(tile_expert, xs, W1.astype(BF16), b1.reshape(E, 1, H),
      W2.astype(BF16), b2.reshape(E, 1, H))

    ys = _to_bf16(_sc_row_gather(_to_i32(y), pos2))

    g2 = jnp.concatenate([g_l2.reshape(1, 1, H), g_cl.reshape(1, 1, H)], 0)
    be2 = jnp.concatenate([be_l2.reshape(1, 1, H), be_cl.reshape(1, 1, H)], 0)
    wp = jnp.stack([W_t2v, W_cl], axis=0).astype(BF16)
    bp = jnp.concatenate([b_t2v.reshape(1, 1, SD), b_cl.reshape(1, 1, H)], 0)
    nd = TT // bmc

    out = pl.pallas_call(
        _comb_kernel,
        grid=(nd,),
        in_specs=[
            pl.BlockSpec((bmc, H), lambda t: (t, 0)),
            pl.BlockSpec((bmc, H), lambda t: (t + nd, 0)),
            pl.BlockSpec((bmc, LANE), lambda t: (t, 0)),
            pl.BlockSpec((bmc, H), lambda t: (t % nrc, 0)),
            pl.BlockSpec((1, 1, H), lambda t: (t // nrc, 0, 0)),
            pl.BlockSpec((1, 1, H), lambda t: (t // nrc, 0, 0)),
            pl.BlockSpec((1, 1, H), lambda t: (t // nrc, 0, 0)),
            pl.BlockSpec((1, H, H), lambda t: (t // nrc, 0, 0)),
            pl.BlockSpec((1, 1, H), lambda t: (t // nrc, 0, 0)),
        ],
        out_specs=pl.BlockSpec((bmc, H), lambda t: (t, 0)),
        out_shape=jax.ShapeDtypeStruct((TT, H), F32),
    )(ys, ys, meta, xe, emb, g2, be2, wp, bp)

    return (out[:T].reshape(B, S, SD), out[T:].reshape(B, S, H))

# --- scband reference (transcript-rebuilt; emitter-appended) ---
"""Pipeline reference for scband-mo-e-predictor-55327768708275 (READ-ONLY COPY).

The authoritative reference and input builder live on the scoring server;
editing this copy changes nothing except your own understanding.
"""

import jax, jax.numpy as jnp
import numpy as np

B, S, TD, SD, H, E, K = 2, 2048, 1024, 1024, 1024, 8, 2

def setup_inputs(seed: int = 0) -> dict:
    key = jax.random.key(seed)
    ks = jax.random.split(key, 12)
    s = 0.02
    return {
        "x": jax.random.normal(ks[0], (B, S, TD), jnp.float32),
        "W_txt": jax.random.normal(ks[1], (TD, H), jnp.float32) * s,
        "b_txt": jnp.zeros((H,), jnp.float32),
        "l2_emb": jax.random.normal(ks[2], (1, 1, H), jnp.float32) * s,
        "cl_emb": jax.random.normal(ks[3], (1, 1, H), jnp.float32) * s,
        "Wg": jax.random.normal(ks[4], (H, E), jnp.float32) * s,
        "bg": jnp.zeros((E,), jnp.float32),
        "W1": jax.random.normal(ks[5], (E, H, H), jnp.float32) * s,
        "b1": jnp.zeros((E, H), jnp.float32),
        "W2": jax.random.normal(ks[6], (E, H, H), jnp.float32) * s,
        "b2": jnp.zeros((E, H), jnp.float32),
        "g_l2": jnp.ones((H,), jnp.float32),
        "be_l2": jnp.zeros((H,), jnp.float32),
        "g_cl": jnp.ones((H,), jnp.float32),
        "be_cl": jnp.zeros((H,), jnp.float32),
        "W_t2v": jax.random.normal(ks[7], (H, SD), jnp.float32) * s,
        "b_t2v": jnp.zeros((SD,), jnp.float32),
        "W_cl": jax.random.normal(ks[8], (H, H), jnp.float32) * s,
        "b_cl": jnp.zeros((H,), jnp.float32),
    }

def _layernorm(x, g, b):
    m = jnp.mean(x, axis=-1, keepdims=True)
    v = jnp.var(x, axis=-1, keepdims=True)
    return (x - m) / jnp.sqrt(v + 1e-5) * g + b

def _moe(x, Wg, bg, W1, b1, W2, b2):
    # gate + softmax + top-k
    gate = jax.nn.softmax(x @ Wg + bg, axis=-1)              # [B,S,E]
    topk_vals, topk_idx = jax.lax.top_k(gate, K)             # [B,S,K]
    # dense expert stack: every expert runs on every token
    h = jax.nn.gelu(jnp.einsum('bsh,ehk->bsek', x, W1) + b1, approximate=False)
    expert_outputs = jnp.einsum('bsek,ekh->bseh', h, W2) + b2  # [B,S,E,H]
    # gather selected experts along expert dim
    sel = jnp.take_along_axis(expert_outputs, topk_idx[..., None], axis=2)  # [B,S,K,H]
    weighted = sel * topk_vals[..., None]
    return weighted.sum(axis=2)

def reference(x, W_txt, b_txt, l2_emb, cl_emb, Wg, bg, W1, b1, W2, b2,
              g_l2, be_l2, g_cl, be_cl, W_t2v, b_t2v, W_cl, b_cl):
    # task == 'text2voice'
    xe = jax.nn.gelu(x @ W_txt + b_txt, approximate=False)
    x1 = xe + jnp.broadcast_to(l2_emb, xe.shape)
    x2 = xe + jnp.broadcast_to(cl_emb, xe.shape)
    l2 = _moe(x1, Wg, bg, W1, b1, W2, b2)
    l2 = jax.nn.gelu(_layernorm(l2, g_l2, be_l2), approximate=False) + x1
    cl = _moe(x2, Wg, bg, W1, b1, W2, b2)
    cl = jax.nn.gelu(_layernorm(cl, g_cl, be_cl), approximate=False) + x2
    return (l2 @ W_t2v + b_t2v, cl @ W_cl + b_cl)

if __name__ == "__main__":
    import jax
    _d = setup_inputs()
    print(jax.jit(kernel)(*tuple(_d.values())))

</pallas_src>

<mosaic_0001>
#map = affine_map<(d0, d1) -> (0, 0)>
#map1 = affine_map<(d0, d1) -> (0)>
module attributes {stable_mosaic.version = 14 : i64} {
  func.func @g(%arg0: i32, %arg1: i32, %arg2: memref<8192x512xi32, #tpu.memory_space<hbm>>, %arg3: memref<20480xi32, #tpu.memory_space<hbm>>, %arg4: memref<20480x512xi32, #tpu.memory_space<hbm>>, %arg5: memref<128xi32, #tpu.memory_space<vmem>>, %arg6: memref<128x512xi32, #tpu.memory_space<vmem>>, %arg7: memref<!tpu.dma_semaphore, #tpu.memory_space<semaphore_mem>>) attributes {dimension_semantics = [#tpu.dimension_semantics<core_parallel>, #tpu.dimension_semantics<subcore_parallel>], iteration_bounds = array<i64: 2, 16>, scalar_prefetch = 0 : i64, scratch_operands = 3 : i64, tpu.core_type = #tpu.core_type<sc_vector_subcore>, window_params = [{transform_indices = #map}, {transform_indices = #map1}, {transform_indices = #map}]} {
    %mul3A = arith.constant 2 : i32
    %mul3A_0 = arith.muli %arg1, %mul3A : i32
    %add3A = arith.addi %mul3A_0, %arg0 : i32
    %mul3A_1 = arith.constant 640 : i32
    %mul3A_2 = arith.muli %add3A, %mul3A_1 : i32
    %add3A_3 = arith.constant 0 : i32
    %add3A_4 = arith.addi %mul3A_2, %add3A_3 : i32
    "tpu.region"() ({
      %run_scoped3A = tpu.sem_alloc : memref<!tpu.dma_semaphore, #tpu.memory_space<semaphore_mem>>
      %dma_start3A_41 = tpu.memref_slice %arg3[%add3A_4] : memref<20480xi32, #tpu.memory_space<hbm>> -> memref<128xi32, #tpu.memory_space<hbm>>
      %dma_start3A_42 = tpu.memref_slice %arg3[%add3A_4] : memref<20480xi32, #tpu.memory_space<hbm>> -> memref<128xi32, #tpu.memory_space<hbm>>
      tpu.enqueue_dma source(%dma_start3A_42 : memref<128xi32, #tpu.memory_space<hbm>>) target(%arg5 : memref<128xi32, #tpu.memory_space<vmem>>) target_semaphore(%run_scoped3A : memref<!tpu.dma_semaphore, #tpu.memory_space<semaphore_mem>>)
      %dma_wait3A_43 = tpu.memref_slice %arg3[%add3A_4] : memref<20480xi32, #tpu.memory_space<hbm>> -> memref<128xi32, #tpu.memory_space<hbm>>
      %dma_wait3A_44 = tpu.memref_slice %arg3[%add3A_4] : memref<20480xi32, #tpu.memory_space<hbm>> -> memref<128xi32, #tpu.memory_space<hbm>>
      tpu.wait_dma2 semaphore(%run_scoped3A : memref<!tpu.dma_semaphore, #tpu.memory_space<semaphore_mem>>) src(%dma_wait3A_44 : memref<128xi32, #tpu.memory_space<hbm>>) dst(%arg5 : memref<128xi32, #tpu.memory_space<vmem>>)
      tpu.yield
    }) : () -> ()
    %dma_start3A = arith.constant 0 : i32
    %dma_start3A_5 = arith.constant 0 : i32
    %dma_start3A_6 = tpu.memref_slice %arg2[%dma_start3A, %dma_start3A_5] : memref<8192x512xi32, #tpu.memory_space<hbm>> -> memref<8192x512xi32, #tpu.memory_space<hbm>>
    tpu.enqueue_indirect_dma source(%dma_start3A_6 : memref<8192x512xi32, #tpu.memory_space<hbm>>) target(%arg6 : memref<128x512xi32, #tpu.memory_space<vmem>>) offsets(%arg5 : memref<128xi32, #tpu.memory_space<vmem>>) semaphore(%arg7 : memref<!tpu.dma_semaphore, #tpu.memory_space<semaphore_mem>>)
    %dma_wait3A = arith.constant 0 : i32
    %dma_wait3A_7 = arith.constant 0 : i32
    %dma_wait3A_8 = tpu.memref_slice %arg2[%dma_wait3A, %dma_wait3A_7] : memref<8192x512xi32, #tpu.memory_space<hbm>> -> memref<8192x512xi32, #tpu.memory_space<hbm>>
    tpu.wait_indirect_dma semaphore(%arg7 : memref<!tpu.dma_semaphore, #tpu.memory_space<semaphore_mem>>) src(%dma_wait3A_8 : memref<8192x512xi32, #tpu.memory_space<hbm>>) dst(%arg6 : memref<128x512xi32, #tpu.memory_space<vmem>>)
    "tpu.region"() ({
      %run_scoped3A = tpu.sem_alloc : memref<!tpu.dma_semaphore, #tpu.memory_space<semaphore_mem>>
      %dma_start3A_41 = arith.constant 0 : i32
      %dma_start3A_42 = tpu.memref_slice %arg4[%add3A_4, %dma_start3A_41] : memref<20480x512xi32, #tpu.memory_space<hbm>> -> memref<128x512xi32, #tpu.memory_space<hbm>>
      %dma_start3A_43 = arith.constant 0 : i32
      %dma_start3A_44 = tpu.memref_slice %arg4[%add3A_4, %dma_start3A_43] : memref<20480x512xi32, #tpu.memory_space<hbm>> -> memref<128x512xi32, #tpu.memory_space<hbm>>
      tpu.enqueue_dma source(%arg6 : memref<128x512xi32, #tpu.memory_space<vmem>>) target(%dma_start3A_44 : memref<128x512xi32, #tpu.memory_space<hbm>>) target_semaphore(%run_scoped3A : memref<!tpu.dma_semaphore, #tpu.memory_space<semaphore_mem>>)
      %dma_wait3A_45 = arith.constant 0 : i32
      %dma_wait3A_46 = tpu.memref_slice %arg4[%add3A_4, %dma_wait3A_45] : memref<20480x512xi32, #tpu.memory_space<hbm>> -> memref<128x512xi32, #tpu.memory_space<hbm>>
      %dma_wait3A_47 = arith.constant 0 : i32
      %dma_wait3A_48 = tpu.memref_slice %arg4[%add3A_4, %dma_wait3A_47] : memref<20480x512xi32, #tpu.memory_space<hbm>> -> memref<128x512xi32, #tpu.memory_space<hbm>>
      tpu.wait_dma2 semaphore(%run_scoped3A : memref<!tpu.dma_semaphore, #tpu.memory_space<semaphore_mem>>) src(%arg6 : memref<128x512xi32, #tpu.memory_space<vmem>>) dst(%dma_wait3A_48 : memref<128x512xi32, #tpu.memory_space<hbm>>)
      tpu.yield
    }) : () -> ()
    %add3A_9 = arith.constant 128 : i32
    %add3A_10 = arith.addi %mul3A_2, %add3A_9 : i32
    "tpu.region"() ({
      %run_scoped3A = tpu.sem_alloc : memref<!tpu.dma_semaphore, #tpu.memory_space<semaphore_mem>>
      %dma_start3A_41 = tpu.memref_slice %arg3[%add3A_10] : memref<20480xi32, #tpu.memory_space<hbm>> -> memref<128xi32, #tpu.memory_space<hbm>>
      %dma_start3A_42 = tpu.memref_slice %arg3[%add3A_10] : memref<20480xi32, #tpu.memory_space<hbm>> -> memref<128xi32, #tpu.memory_space<hbm>>
      tpu.enqueue_dma source(%dma_start3A_42 : memref<128xi32, #tpu.memory_space<hbm>>) target(%arg5 : memref<128xi32, #tpu.memory_space<vmem>>) target_semaphore(%run_scoped3A : memref<!tpu.dma_semaphore, #tpu.memory_space<semaphore_mem>>)
      %dma_wait3A_43 = tpu.memref_slice %arg3[%add3A_10] : memref<20480xi32, #tpu.memory_space<hbm>> -> memref<128xi32, #tpu.memory_space<hbm>>
      %dma_wait3A_44 = tpu.memref_slice %arg3[%add3A_10] : memref<20480xi32, #tpu.memory_space<hbm>> -> memref<128xi32, #tpu.memory_space<hbm>>
      tpu.wait_dma2 semaphore(%run_scoped3A : memref<!tpu.dma_semaphore, #tpu.memory_space<semaphore_mem>>) src(%dma_wait3A_44 : memref<128xi32, #tpu.memory_space<hbm>>) dst(%arg5 : memref<128xi32, #tpu.memory_space<vmem>>)
      tpu.yield
    }) : () -> ()
    %dma_start3A_11 = arith.constant 0 : i32
    %dma_start3A_12 = arith.constant 0 : i32
    %dma_start3A_13 = tpu.memref_slice %arg2[%dma_start3A_11, %dma_start3A_12] : memref<8192x512xi32, #tpu.memory_space<hbm>> -> memref<8192x512xi32, #tpu.memory_space<hbm>>
    tpu.enqueue_indirect_dma source(%dma_start3A_13 : memref<8192x512xi32, #tpu.memory_space<hbm>>) target(%arg6 : memref<128x512xi32, #tpu.memory_space<vmem>>) offsets(%arg5 : memref<128xi32, #tpu.memory_space<vmem>>) semaphore(%arg7 : memref<!tpu.dma_semaphore, #tpu.memory_space<semaphore_mem>>)
    %dma_wait3A_14 = arith.constant 0 : i32
    %dma_wait3A_15 = arith.constant 0 : i32
    %dma_wait3A_16 = tpu.memref_slice %arg2[%dma_wait3A_14, %dma_wait3A_15] : memref<8192x512xi32, #tpu.memory_space<hbm>> -> memref<8192x512xi32, #tpu.memory_space<hbm>>
    tpu.wait_indirect_dma semaphore(%arg7 : memref<!tpu.dma_semaphore, #tpu.memory_space<semaphore_mem>>) src(%dma_wait3A_16 : memref<8192x512xi32, #tpu.memory_space<hbm>>) dst(%arg6 : memref<128x512xi32, #tpu.memory_space<vmem>>)
    "tpu.region"() ({
      %run_scoped3A = tpu.sem_alloc : memref<!tpu.dma_semaphore, #tpu.memory_space<semaphore_mem>>
      %dma_start3A_41 = arith.constant 0 : i32
      %dma_start3A_42 = tpu.memref_slice %arg4[%add3A_10, %dma_start3A_41] : memref<20480x512xi32, #tpu.memory_space<hbm>> -> memref<128x512xi32, #tpu.memory_space<hbm>>
      %dma_start3A_43 = arith.constant 0 : i32
      %dma_start3A_44 = tpu.memref_slice %arg4[%add3A_10, %dma_start3A_43] : memref<20480x512xi32, #tpu.memory_space<hbm>> -> memref<128x512xi32, #tpu.memory_space<hbm>>
      tpu.enqueue_dma source(%arg6 : memref<128x512xi32, #tpu.memory_space<vmem>>) target(%dma_start3A_44 : memref<128x512xi32, #tpu.memory_space<hbm>>) target_semaphore(%run_scoped3A : memref<!tpu.dma_semaphore, #tpu.memory_space<semaphore_mem>>)
      %dma_wait3A_45 = arith.constant 0 : i32
      %dma_wait3A_46 = tpu.memref_slice %arg4[%add3A_10, %dma_wait3A_45] : memref<20480x512xi32, #tpu.memory_space<hbm>> -> memref<128x512xi32, #tpu.memory_space<hbm>>
      %dma_wait3A_47 = arith.constant 0 : i32
      %dma_wait3A_48 = tpu.memref_slice %arg4[%add3A_10, %dma_wait3A_47] : memref<20480x512xi32, #tpu.memory_space<hbm>> -> memref<128x512xi32, #tpu.memory_space<hbm>>
      tpu.wait_dma2 semaphore(%run_scoped3A : memref<!tpu.dma_semaphore, #tpu.memory_space<semaphore_mem>>) src(%arg6 : memref<128x512xi32, #tpu.memory_space<vmem>>) dst(%dma_wait3A_48 : memref<128x512xi32, #tpu.memory_space<hbm>>)
      tpu.yield
    }) : () -> ()
    %add3A_17 = arith.constant 256 : i32
    %add3A_18 = arith.addi %mul3A_2, %add3A_17 : i32
    "tpu.region"() ({
      %run_scoped3A = tpu.sem_alloc : memref<!tpu.dma_semaphore, #tpu.memory_space<semaphore_mem>>
      %dma_start3A_41 = tpu.memref_slice %arg3[%add3A_18] : memref<20480xi32, #tpu.memory_space<hbm>> -> memref<128xi32, #tpu.memory_space<hbm>>
      %dma_start3A_42 = tpu.memref_slice %arg3[%add3A_18] : memref<20480xi32, #tpu.memory_space<hbm>> -> memref<128xi32, #tpu.memory_space<hbm>>
      tpu.enqueue_dma source(%dma_start3A_42 : memref<128xi32, #tpu.memory_space<hbm>>) target(%arg5 : memref<128xi32, #tpu.memory_space<vmem>>) target_semaphore(%run_scoped3A : memref<!tpu.dma_semaphore, #tpu.memory_space<semaphore_mem>>)
      %dma_wait3A_43 = tpu.memref_slice %arg3[%add3A_18] : memref<20480xi32, #tpu.memory_space<hbm>> -> memref<128xi32, #tpu.memory_space<hbm>>
      %dma_wait3A_44 = tpu.memref_slice %arg3[%add3A_18] : memref<20480xi32, #tpu.memory_space<hbm>> -> memref<128xi32, #tpu.memory_space<hbm>>
      tpu.wait_dma2 semaphore(%run_scoped3A : memref<!tpu.dma_semaphore, #tpu.memory_space<semaphore_mem>>) src(%dma_wait3A_44 : memref<128xi32, #tpu.memory_space<hbm>>) dst(%arg5 : memref<128xi32, #tpu.memory_space<vmem>>)
      tpu.yield
    }) : () -> ()
    %dma_start3A_19 = arith.constant 0 : i32
    %dma_start3A_20 = arith.constant 0 : i32
    %dma_start3A_21 = tpu.memref_slice %arg2[%dma_start3A_19, %dma_start3A_20] : memref<8192x512xi32, #tpu.memory_space<hbm>> -> memref<8192x512xi32, #tpu.memory_space<hbm>>
    tpu.enqueue_indirect_dma source(%dma_start3A_21 : memref<8192x512xi32, #tpu.memory_space<hbm>>) target(%arg6 : memref<128x512xi32, #tpu.memory_space<vmem>>) offsets(%arg5 : memref<128xi32, #tpu.memory_space<vmem>>) semaphore(%arg7 : memref<!tpu.dma_semaphore, #tpu.memory_space<semaphore_mem>>)
    %dma_wait3A_22 = arith.constant 0 : i32
    %dma_wait3A_23 = arith.constant 0 : i32
    %dma_wait3A_24 = tpu.memref_slice %arg2[%dma_wait3A_22, %dma_wait3A_23] : memref<8192x512xi32, #tpu.memory_space<hbm>> -> memref<8192x512xi32, #tpu.memory_space<hbm>>
    tpu.wait_indirect_dma semaphore(%arg7 : memref<!tpu.dma_semaphore, #tpu.memory_space<semaphore_mem>>) src(%dma_wait3A_24 : memref<8192x512xi32, #tpu.memory_space<hbm>>) dst(%arg6 : memref<128x512xi32, #tpu.memory_space<vmem>>)
    "tpu.region"() ({
      %run_scoped3A = tpu.sem_alloc : memref<!tpu.dma_semaphore, #tpu.memory_space<semaphore_mem>>
      %dma_start3A_41 = arith.constant 0 : i32
      %dma_start3A_42 = tpu.memref_slice %arg4[%add3A_18, %dma_start3A_41] : memref<20480x512xi32, #tpu.memory_space<hbm>> -> memref<128x512xi32, #tpu.memory_space<hbm>>
      %dma_start3A_43 = arith.constant 0 : i32
      %dma_start3A_44 = tpu.memref_slice %arg4[%add3A_18, %dma_start3A_43] : memref<20480x512xi32, #tpu.memory_space<hbm>> -> memref<128x512xi32, #tpu.memory_space<hbm>>
      tpu.enqueue_dma source(%arg6 : memref<128x512xi32, #tpu.memory_space<vmem>>) target(%dma_start3A_44 : memref<128x512xi32, #tpu.memory_space<hbm>>) target_semaphore(%run_scoped3A : memref<!tpu.dma_semaphore, #tpu.memory_space<semaphore_mem>>)
      %dma_wait3A_45 = arith.constant 0 : i32
      %dma_wait3A_46 = tpu.memref_slice %arg4[%add3A_18, %dma_wait3A_45] : memref<20480x512xi32, #tpu.memory_space<hbm>> -> memref<128x512xi32, #tpu.memory_space<hbm>>
      %dma_wait3A_47 = arith.constant 0 : i32
      %dma_wait3A_48 = tpu.memref_slice %arg4[%add3A_18, %dma_wait3A_47] : memref<20480x512xi32, #tpu.memory_space<hbm>> -> memref<128x512xi32, #tpu.memory_space<hbm>>
      tpu.wait_dma2 semaphore(%run_scoped3A : memref<!tpu.dma_semaphore, #tpu.memory_space<semaphore_mem>>) src(%arg6 : memref<128x512xi32, #tpu.memory_space<vmem>>) dst(%dma_wait3A_48 : memref<128x512xi32, #tpu.memory_space<hbm>>)
      tpu.yield
    }) : () -> ()
    %add3A_25 = arith.constant 384 : i32
    %add3A_26 = arith.addi %mul3A_2, %add3A_25 : i32
    "tpu.region"() ({
      %run_scoped3A = tpu.sem_alloc : memref<!tpu.dma_semaphore, #tpu.memory_space<semaphore_mem>>
      %dma_start3A_41 = tpu.memref_slice %arg3[%add3A_26] : memref<20480xi32, #tpu.memory_space<hbm>> -> memref<128xi32, #tpu.memory_space<hbm>>
      %dma_start3A_42 = tpu.memref_slice %arg3[%add3A_26] : memref<20480xi32, #tpu.memory_space<hbm>> -> memref<128xi32, #tpu.memory_space<hbm>>
      tpu.enqueue_dma source(%dma_start3A_42 : memref<128xi32, #tpu.memory_space<hbm>>) target(%arg5 : memref<128xi32, #tpu.memory_space<vmem>>) target_semaphore(%run_scoped3A : memref<!tpu.dma_semaphore, #tpu.memory_space<semaphore_mem>>)
      %dma_wait3A_43 = tpu.memref_slice %arg3[%add3A_26] : memref<20480xi32, #tpu.memory_space<hbm>> -> memref<128xi32, #tpu.memory_space<hbm>>
      %dma_wait3A_44 = tpu.memref_slice %arg3[%add3A_26] : memref<20480xi32, #tpu.memory_space<hbm>> -> memref<128xi32, #tpu.memory_space<hbm>>
      tpu.wait_dma2 semaphore(%run_scoped3A : memref<!tpu.dma_semaphore, #tpu.memory_space<semaphore_mem>>) src(%dma_wait3A_44 : memref<128xi32, #tpu.memory_space<hbm>>) dst(%arg5 : memref<128xi32, #tpu.memory_space<vmem>>)
      tpu.yield
    }) : () -> ()
    %dma_start3A_27 = arith.constant 0 : i32
    %dma_start3A_28 = arith.constant 0 : i32
    %dma_start3A_29 = tpu.memref_slice %arg2[%dma_start3A_27, %dma_start3A_28] : memref<8192x512xi32, #tpu.memory_space<hbm>> -> memref<8192x512xi32, #tpu.memory_space<hbm>>
    tpu.enqueue_indirect_dma source(%dma_start3A_29 : memref<8192x512xi32, #tpu.memory_space<hbm>>) target(%arg6 : memref<128x512xi32, #tpu.memory_space<vmem>>) offsets(%arg5 : memref<128xi32, #tpu.memory_space<vmem>>) semaphore(%arg7 : memref<!tpu.dma_semaphore, #tpu.memory_space<semaphore_mem>>)
    %dma_wait3A_30 = arith.constant 0 : i32
    %dma_wait3A_31 = arith.constant 0 : i32
    %dma_wait3A_32 = tpu.memref_slice %arg2[%dma_wait3A_30, %dma_wait3A_31] : memref<8192x512xi32, #tpu.memory_space<hbm>> -> memref<8192x512xi32, #tpu.memory_space<hbm>>
    tpu.wait_indirect_dma semaphore(%arg7 : memref<!tpu.dma_semaphore, #tpu.memory_space<semaphore_mem>>) src(%dma_wait3A_32 : memref<8192x512xi32, #tpu.memory_space<hbm>>) dst(%arg6 : memref<128x512xi32, #tpu.memory_space<vmem>>)
    "tpu.region"() ({
      %run_scoped3A = tpu.sem_alloc : memref<!tpu.dma_semaphore, #tpu.memory_space<semaphore_mem>>
      %dma_start3A_41 = arith.constant 0 : i32
      %dma_start3A_42 = tpu.memref_slice %arg4[%add3A_26, %dma_start3A_41] : memref<20480x512xi32, #tpu.memory_space<hbm>> -> memref<128x512xi32, #tpu.memory_space<hbm>>
      %dma_start3A_43 = arith.constant 0 : i32
      %dma_start3A_44 = tpu.memref_slice %arg4[%add3A_26, %dma_start3A_43] : memref<20480x512xi32, #tpu.memory_space<hbm>> -> memref<128x512xi32, #tpu.memory_space<hbm>>
      tpu.enqueue_dma source(%arg6 : memref<128x512xi32, #tpu.memory_space<vmem>>) target(%dma_start3A_44 : memref<128x512xi32, #tpu.memory_space<hbm>>) target_semaphore(%run_scoped3A : memref<!tpu.dma_semaphore, #tpu.memory_space<semaphore_mem>>)
      %dma_wait3A_45 = arith.constant 0 : i32
      %dma_wait3A_46 = tpu.memref_slice %arg4[%add3A_26, %dma_wait3A_45] : memref<20480x512xi32, #tpu.memory_space<hbm>> -> memref<128x512xi32, #tpu.memory_space<hbm>>
      %dma_wait3A_47 = arith.constant 0 : i32
      %dma_wait3A_48 = tpu.memref_slice %arg4[%add3A_26, %dma_wait3A_47] : memref<20480x512xi32, #tpu.memory_space<hbm>> -> memref<128x512xi32, #tpu.memory_space<hbm>>
      tpu.wait_dma2 semaphore(%run_scoped3A : memref<!tpu.dma_semaphore, #tpu.memory_space<semaphore_mem>>) src(%arg6 : memref<128x512xi32, #tpu.memory_space<vmem>>) dst(%dma_wait3A_48 : memref<128x512xi32, #tpu.memory_space<hbm>>)
      tpu.yield
    }) : () -> ()
    %add3A_33 = arith.constant 512 : i32
    %add3A_34 = arith.addi %mul3A_2, %add3A_33 : i32
    "tpu.region"() ({
      %run_scoped3A = tpu.sem_alloc : memref<!tpu.dma_semaphore, #tpu.memory_space<semaphore_mem>>
      %dma_start3A_41 = tpu.memref_slice %arg3[%add3A_34] : memref<20480xi32, #tpu.memory_space<hbm>> -> memref<128xi32, #tpu.memory_space<hbm>>
      %dma_start3A_42 = tpu.memref_slice %arg3[%add3A_34] : memref<20480xi32, #tpu.memory_space<hbm>> -> memref<128xi32, #tpu.memory_space<hbm>>
      tpu.enqueue_dma source(%dma_start3A_42 : memref<128xi32, #tpu.memory_space<hbm>>) target(%arg5 : memref<128xi32, #tpu.memory_space<vmem>>) target_semaphore(%run_scoped3A : memref<!tpu.dma_semaphore, #tpu.memory_space<semaphore_mem>>)
      %dma_wait3A_43 = tpu.memref_slice %arg3[%add3A_34] : memref<20480xi32, #tpu.memory_space<hbm>> -> memref<128xi32, #tpu.memory_space<hbm>>
      %dma_wait3A_44 = tpu.memref_slice %arg3[%add3A_34] : memref<20480xi32, #tpu.memory_space<hbm>> -> memref<128xi32, #tpu.memory_space<hbm>>
      tpu.wait_dma2 semaphore(%run_scoped3A : memref<!tpu.dma_semaphore, #tpu.memory_space<semaphore_mem>>) src(%dma_wait3A_44 : memref<128xi32, #tpu.memory_space<hbm>>) dst(%arg5 : memref<128xi32, #tpu.memory_space<vmem>>)
      tpu.yield
    }) : () -> ()
    %dma_start3A_35 = arith.constant 0 : i32
    %dma_start3A_36 = arith.constant 0 : i32
    %dma_start3A_37 = tpu.memref_slice %arg2[%dma_start3A_35, %dma_start3A_36] : memref<8192x512xi32, #tpu.memory_space<hbm>> -> memref<8192x512xi32, #tpu.memory_space<hbm>>
    tpu.enqueue_indirect_dma source(%dma_start3A_37 : memref<8192x512xi32, #tpu.memory_space<hbm>>) target(%arg6 : memref<128x512xi32, #tpu.memory_space<vmem>>) offsets(%arg5 : memref<128xi32, #tpu.memory_space<vmem>>) semaphore(%arg7 : memref<!tpu.dma_semaphore, #tpu.memory_space<semaphore_mem>>)
    %dma_wait3A_38 = arith.constant 0 : i32
    %dma_wait3A_39 = arith.constant 0 : i32
    %dma_wait3A_40 = tpu.memref_slice %arg2[%dma_wait3A_38, %dma_wait3A_39] : memref<8192x512xi32, #tpu.memory_space<hbm>> -> memref<8192x512xi32, #tpu.memory_space<hbm>>
    tpu.wait_indirect_dma semaphore(%arg7 : memref<!tpu.dma_semaphore, #tpu.memory_space<semaphore_mem>>) src(%dma_wait3A_40 : memref<8192x512xi32, #tpu.memory_space<hbm>>) dst(%arg6 : memref<128x512xi32, #tpu.memory_space<vmem>>)
    "tpu.region"() ({
      %run_scoped3A = tpu.sem_alloc : memref<!tpu.dma_semaphore, #tpu.memory_space<semaphore_mem>>
      %dma_start3A_41 = arith.constant 0 : i32
      %dma_start3A_42 = tpu.memref_slice %arg4[%add3A_34, %dma_start3A_41] : memref<20480x512xi32, #tpu.memory_space<hbm>> -> memref<128x512xi32, #tpu.memory_space<hbm>>
      %dma_start3A_43 = arith.constant 0 : i32
      %dma_start3A_44 = tpu.memref_slice %arg4[%add3A_34, %dma_start3A_43] : memref<20480x512xi32, #tpu.memory_space<hbm>> -> memref<128x512xi32, #tpu.memory_space<hbm>>
      tpu.enqueue_dma source(%arg6 : memref<128x512xi32, #tpu.memory_space<vmem>>) target(%dma_start3A_44 : memref<128x512xi32, #tpu.memory_space<hbm>>) target_semaphore(%run_scoped3A : memref<!tpu.dma_semaphore, #tpu.memory_space<semaphore_mem>>)
      %dma_wait3A_45 = arith.constant 0 : i32
      %dma_wait3A_46 = tpu.memref_slice %arg4[%add3A_34, %dma_wait3A_45] : memref<20480x512xi32, #tpu.memory_space<hbm>> -> memref<128x512xi32, #tpu.memory_space<hbm>>
      %dma_wait3A_47 = arith.constant 0 : i32
      %dma_wait3A_48 = tpu.memref_slice %arg4[%add3A_34, %dma_wait3A_47] : memref<20480x512xi32, #tpu.memory_space<hbm>> -> memref<128x512xi32, #tpu.memory_space<hbm>>
      tpu.wait_dma2 semaphore(%run_scoped3A : memref<!tpu.dma_semaphore, #tpu.memory_space<semaphore_mem>>) src(%arg6 : memref<128x512xi32, #tpu.memory_space<vmem>>) dst(%dma_wait3A_48 : memref<128x512xi32, #tpu.memory_space<hbm>>)
      tpu.yield
    }) : () -> ()
    return
  }
}

#map = affine_map<(d0, d1) -> (0, 0)>
#map1 = affine_map<(d0, d1) -> (0)>
module attributes {stable_mosaic.version = 14 : i64} {
  func.func @g(%arg0: i32, %arg1: i32, %arg2: memref<20480x512xi32, #tpu.memory_space<hbm>>, %arg3: memref<16384xi32, #tpu.memory_space<hbm>>, %arg4: memref<16384x512xi32, #tpu.memory_space<hbm>>, %arg5: memref<128xi32, #tpu.memory_space<vmem>>, %arg6: memref<128x512xi32, #tpu.memory_space<vmem>>, %arg7: memref<!tpu.dma_semaphore, #tpu.memory_space<semaphore_mem>>) attributes {dimension_semantics = [#tpu.dimension_semantics<core_parallel>, #tpu.dimension_semantics<subcore_parallel>], iteration_bounds = array<i64: 2, 16>, scalar_prefetch = 0 : i64, scratch_operands = 3 : i64, tpu.core_type = #tpu.core_type<sc_vector_subcore>, window_params = [{transform_indices = #map}, {transform_indices = #map1}, {transform_indices = #map}]} {
    %mul3A = arith.constant 2 : i32
    %mul3A_0 = arith.muli %arg1, %mul3A : i32
    %add3A = arith.addi %mul3A_0, %arg0 : i32
    %mul3A_1 = arith.constant 512 : i32
    %mul3A_2 = arith.muli %add3A, %mul3A_1 : i32
    %add3A_3 = arith.constant 0 : i32
    %add3A_4 = arith.addi %mul3A_2, %add3A_3 : i32
    "tpu.region"() ({
      %run_scoped3A = tpu.sem_alloc : memref<!tpu.dma_semaphore, #tpu.memory_space<semaphore_mem>>
      %dma_start3A_33 = tpu.memref_slice %arg3[%add3A_4] : memref<16384xi32, #tpu.memory_space<hbm>> -> memref<128xi32, #tpu.memory_space<hbm>>
      %dma_start3A_34 = tpu.memref_slice %arg3[%add3A_4] : memref<16384xi32, #tpu.memory_space<hbm>> -> memref<128xi32, #tpu.memory_space<hbm>>
      tpu.enqueue_dma source(%dma_start3A_34 : memref<128xi32, #tpu.memory_space<hbm>>) target(%arg5 : memref<128xi32, #tpu.memory_space<vmem>>) target_semaphore(%run_scoped3A : memref<!tpu.dma_semaphore, #tpu.memory_space<semaphore_mem>>)
      %dma_wait3A_35 = tpu.memref_slice %arg3[%add3A_4] : memref<16384xi32, #tpu.memory_space<hbm>> -> memref<128xi32, #tpu.memory_space<hbm>>
      %dma_wait3A_36 = tpu.memref_slice %arg3[%add3A_4] : memref<16384xi32, #tpu.memory_space<hbm>> -> memref<128xi32, #tpu.memory_space<hbm>>
      tpu.wait_dma2 semaphore(%run_scoped3A : memref<!tpu.dma_semaphore, #tpu.memory_space<semaphore_mem>>) src(%dma_wait3A_36 : memref<128xi32, #tpu.memory_space<hbm>>) dst(%arg5 : memref<128xi32, #tpu.memory_space<vmem>>)
      tpu.yield
    }) : () -> ()
    %dma_start3A = arith.constant 0 : i32
    %dma_start3A_5 = arith.constant 0 : i32
    %dma_start3A_6 = tpu.memref_slice %arg2[%dma_start3A, %dma_start3A_5] : memref<20480x512xi32, #tpu.memory_space<hbm>> -> memref<20480x512xi32, #tpu.memory_space<hbm>>
    tpu.enqueue_indirect_dma source(%dma_start3A_6 : memref<20480x512xi32, #tpu.memory_space<hbm>>) target(%arg6 : memref<128x512xi32, #tpu.memory_space<vmem>>) offsets(%arg5 : memref<128xi32, #tpu.memory_space<vmem>>) semaphore(%arg7 : memref<!tpu.dma_semaphore, #tpu.memory_space<semaphore_mem>>)
    %dma_wait3A = arith.constant 0 : i32
    %dma_wait3A_7 = arith.constant 0 : i32
    %dma_wait3A_8 = tpu.memref_slice %arg2[%dma_wait3A, %dma_wait3A_7] : memref<20480x512xi32, #tpu.memory_space<hbm>> -> memref<20480x512xi32, #tpu.memory_space<hbm>>
    tpu.wait_indirect_dma semaphore(%arg7 : memref<!tpu.dma_semaphore, #tpu.memory_space<semaphore_mem>>) src(%dma_wait3A_8 : memref<20480x512xi32, #tpu.memory_space<hbm>>) dst(%arg6 : memref<128x512xi32, #tpu.memory_space<vmem>>)
    "tpu.region"() ({
      %run_scoped3A = tpu.sem_alloc : memref<!tpu.dma_semaphore, #tpu.memory_space<semaphore_mem>>
      %dma_start3A_33 = arith.constant 0 : i32
      %dma_start3A_34 = tpu.memref_slice %arg4[%add3A_4, %dma_start3A_33] : memref<16384x512xi32, #tpu.memory_space<hbm>> -> memref<128x512xi32, #tpu.memory_space<hbm>>
      %dma_start3A_35 = arith.constant 0 : i32
      %dma_start3A_36 = tpu.memref_slice %arg4[%add3A_4, %dma_start3A_35] : memref<16384x512xi32, #tpu.memory_space<hbm>> -> memref<128x512xi32, #tpu.memory_space<hbm>>
      tpu.enqueue_dma source(%arg6 : memref<128x512xi32, #tpu.memory_space<vmem>>) target(%dma_start3A_36 : memref<128x512xi32, #tpu.memory_space<hbm>>) target_semaphore(%run_scoped3A : memref<!tpu.dma_semaphore, #tpu.memory_space<semaphore_mem>>)
      %dma_wait3A_37 = arith.constant 0 : i32
      %dma_wait3A_38 = tpu.memref_slice %arg4[%add3A_4, %dma_wait3A_37] : memref<16384x512xi32, #tpu.memory_space<hbm>> -> memref<128x512xi32, #tpu.memory_space<hbm>>
      %dma_wait3A_39 = arith.constant 0 : i32
      %dma_wait3A_40 = tpu.memref_slice %arg4[%add3A_4, %dma_wait3A_39] : memref<16384x512xi32, #tpu.memory_space<hbm>> -> memref<128x512xi32, #tpu.memory_space<hbm>>
      tpu.wait_dma2 semaphore(%run_scoped3A : memref<!tpu.dma_semaphore, #tpu.memory_space<semaphore_mem>>) src(%arg6 : memref<128x512xi32, #tpu.memory_space<vmem>>) dst(%dma_wait3A_40 : memref<128x512xi32, #tpu.memory_space<hbm>>)
      tpu.yield
    }) : () -> ()
    %add3A_9 = arith.constant 128 : i32
    %add3A_10 = arith.addi %mul3A_2, %add3A_9 : i32
    "tpu.region"() ({
      %run_scoped3A = tpu.sem_alloc : memref<!tpu.dma_semaphore, #tpu.memory_space<semaphore_mem>>
      %dma_start3A_33 = tpu.memref_slice %arg3[%add3A_10] : memref<16384xi32, #tpu.memory_space<hbm>> -> memref<128xi32, #tpu.memory_space<hbm>>
      %dma_start3A_34 = tpu.memref_slice %arg3[%add3A_10] : memref<16384xi32, #tpu.memory_space<hbm>> -> memref<128xi32, #tpu.memory_space<hbm>>
      tpu.enqueue_dma source(%dma_start3A_34 : memref<128xi32, #tpu.memory_space<hbm>>) target(%arg5 : memref<128xi32, #tpu.memory_space<vmem>>) target_semaphore(%run_scoped3A : memref<!tpu.dma_semaphore, #tpu.memory_space<semaphore_mem>>)
      %dma_wait3A_35 = tpu.memref_slice %arg3[%add3A_10] : memref<16384xi32, #tpu.memory_space<hbm>> -> memref<128xi32, #tpu.memory_space<hbm>>
      %dma_wait3A_36 = tpu.memref_slice %arg3[%add3A_10] : memref<16384xi32, #tpu.memory_space<hbm>> -> memref<128xi32, #tpu.memory_space<hbm>>
      tpu.wait_dma2 semaphore(%run_scoped3A : memref<!tpu.dma_semaphore, #tpu.memory_space<semaphore_mem>>) src(%dma_wait3A_36 : memref<128xi32, #tpu.memory_space<hbm>>) dst(%arg5 : memref<128xi32, #tpu.memory_space<vmem>>)
      tpu.yield
    }) : () -> ()
    %dma_start3A_11 = arith.constant 0 : i32
    %dma_start3A_12 = arith.constant 0 : i32
    %dma_start3A_13 = tpu.memref_slice %arg2[%dma_start3A_11, %dma_start3A_12] : memref<20480x512xi32, #tpu.memory_space<hbm>> -> memref<20480x512xi32, #tpu.memory_space<hbm>>
    tpu.enqueue_indirect_dma source(%dma_start3A_13 : memref<20480x512xi32, #tpu.memory_space<hbm>>) target(%arg6 : memref<128x512xi32, #tpu.memory_space<vmem>>) offsets(%arg5 : memref<128xi32, #tpu.memory_space<vmem>>) semaphore(%arg7 : memref<!tpu.dma_semaphore, #tpu.memory_space<semaphore_mem>>)
    %dma_wait3A_14 = arith.constant 0 : i32
    %dma_wait3A_15 = arith.constant 0 : i32
    %dma_wait3A_16 = tpu.memref_slice %arg2[%dma_wait3A_14, %dma_wait3A_15] : memref<20480x512xi32, #tpu.memory_space<hbm>> -> memref<20480x512xi32, #tpu.memory_space<hbm>>
    tpu.wait_indirect_dma semaphore(%arg7 : memref<!tpu.dma_semaphore, #tpu.memory_space<semaphore_mem>>) src(%dma_wait3A_16 : memref<20480x512xi32, #tpu.memory_space<hbm>>) dst(%arg6 : memref<128x512xi32, #tpu.memory_space<vmem>>)
    "tpu.region"() ({
      %run_scoped3A = tpu.sem_alloc : memref<!tpu.dma_semaphore, #tpu.memory_space<semaphore_mem>>
      %dma_start3A_33 = arith.constant 0 : i32
      %dma_start3A_34 = tpu.memref_slice %arg4[%add3A_10, %dma_start3A_33] : memref<16384x512xi32, #tpu.memory_space<hbm>> -> memref<128x512xi32, #tpu.memory_space<hbm>>
      %dma_start3A_35 = arith.constant 0 : i32
      %dma_start3A_36 = tpu.memref_slice %arg4[%add3A_10, %dma_start3A_35] : memref<16384x512xi32, #tpu.memory_space<hbm>> -> memref<128x512xi32, #tpu.memory_space<hbm>>
      tpu.enqueue_dma source(%arg6 : memref<128x512xi32, #tpu.memory_space<vmem>>) target(%dma_start3A_36 : memref<128x512xi32, #tpu.memory_space<hbm>>) target_semaphore(%run_scoped3A : memref<!tpu.dma_semaphore, #tpu.memory_space<semaphore_mem>>)
      %dma_wait3A_37 = arith.constant 0 : i32
      %dma_wait3A_38 = tpu.memref_slice %arg4[%add3A_10, %dma_wait3A_37] : memref<16384x512xi32, #tpu.memory_space<hbm>> -> memref<128x512xi32, #tpu.memory_space<hbm>>
      %dma_wait3A_39 = arith.constant 0 : i32
      %dma_wait3A_40 = tpu.memref_slice %arg4[%add3A_10, %dma_wait3A_39] : memref<16384x512xi32, #tpu.memory_space<hbm>> -> memref<128x512xi32, #tpu.memory_space<hbm>>
      tpu.wait_dma2 semaphore(%run_scoped3A : memref<!tpu.dma_semaphore, #tpu.memory_space<semaphore_mem>>) src(%arg6 : memref<128x512xi32, #tpu.memory_space<vmem>>) dst(%dma_wait3A_40 : memref<128x512xi32, #tpu.memory_space<hbm>>)
      tpu.yield
    }) : () -> ()
    %add3A_17 = arith.constant 256 : i32
    %add3A_18 = arith.addi %mul3A_2, %add3A_17 : i32
    "tpu.region"() ({
      %run_scoped3A = tpu.sem_alloc : memref<!tpu.dma_semaphore, #tpu.memory_space<semaphore_mem>>
      %dma_start3A_33 = tpu.memref_slice %arg3[%add3A_18] : memref<16384xi32, #tpu.memory_space<hbm>> -> memref<128xi32, #tpu.memory_space<hbm>>
      %dma_start3A_34 = tpu.memref_slice %arg3[%add3A_18] : memref<16384xi32, #tpu.memory_space<hbm>> -> memref<128xi32, #tpu.memory_space<hbm>>
      tpu.enqueue_dma source(%dma_start3A_34 : memref<128xi32, #tpu.memory_space<hbm>>) target(%arg5 : memref<128xi32, #tpu.memory_space<vmem>>) target_semaphore(%run_scoped3A : memref<!tpu.dma_semaphore, #tpu.memory_space<semaphore_mem>>)
      %dma_wait3A_35 = tpu.memref_slice %arg3[%add3A_18] : memref<16384xi32, #tpu.memory_space<hbm>> -> memref<128xi32, #tpu.memory_space<hbm>>
      %dma_wait3A_36 = tpu.memref_slice %arg3[%add3A_18] : memref<16384xi32, #tpu.memory_space<hbm>> -> memref<128xi32, #tpu.memory_space<hbm>>
      tpu.wait_dma2 semaphore(%run_scoped3A : memref<!tpu.dma_semaphore, #tpu.memory_space<semaphore_mem>>) src(%dma_wait3A_36 : memref<128xi32, #tpu.memory_space<hbm>>) dst(%arg5 : memref<128xi32, #tpu.memory_space<vmem>>)
      tpu.yield
    }) : () -> ()
    %dma_start3A_19 = arith.constant 0 : i32
    %dma_start3A_20 = arith.constant 0 : i32
    %dma_start3A_21 = tpu.memref_slice %arg2[%dma_start3A_19, %dma_start3A_20] : memref<20480x512xi32, #tpu.memory_space<hbm>> -> memref<20480x512xi32, #tpu.memory_space<hbm>>
    tpu.enqueue_indirect_dma source(%dma_start3A_21 : memref<20480x512xi32, #tpu.memory_space<hbm>>) target(%arg6 : memref<128x512xi32, #tpu.memory_space<vmem>>) offsets(%arg5 : memref<128xi32, #tpu.memory_space<vmem>>) semaphore(%arg7 : memref<!tpu.dma_semaphore, #tpu.memory_space<semaphore_mem>>)
    %dma_wait3A_22 = arith.constant 0 : i32
    %dma_wait3A_23 = arith.constant 0 : i32
    %dma_wait3A_24 = tpu.memref_slice %arg2[%dma_wait3A_22, %dma_wait3A_23] : memref<20480x512xi32, #tpu.memory_space<hbm>> -> memref<20480x512xi32, #tpu.memory_space<hbm>>
    tpu.wait_indirect_dma semaphore(%arg7 : memref<!tpu.dma_semaphore, #tpu.memory_space<semaphore_mem>>) src(%dma_wait3A_24 : memref<20480x512xi32, #tpu.memory_space<hbm>>) dst(%arg6 : memref<128x512xi32, #tpu.memory_space<vmem>>)
    "tpu.region"() ({
      %run_scoped3A = tpu.sem_alloc : memref<!tpu.dma_semaphore, #tpu.memory_space<semaphore_mem>>
      %dma_start3A_33 = arith.constant 0 : i32
      %dma_start3A_34 = tpu.memref_slice %arg4[%add3A_18, %dma_start3A_33] : memref<16384x512xi32, #tpu.memory_space<hbm>> -> memref<128x512xi32, #tpu.memory_space<hbm>>
      %dma_start3A_35 = arith.constant 0 : i32
      %dma_start3A_36 = tpu.memref_slice %arg4[%add3A_18, %dma_start3A_35] : memref<16384x512xi32, #tpu.memory_space<hbm>> -> memref<128x512xi32, #tpu.memory_space<hbm>>
      tpu.enqueue_dma source(%arg6 : memref<128x512xi32, #tpu.memory_space<vmem>>) target(%dma_start3A_36 : memref<128x512xi32, #tpu.memory_space<hbm>>) target_semaphore(%run_scoped3A : memref<!tpu.dma_semaphore, #tpu.memory_space<semaphore_mem>>)
      %dma_wait3A_37 = arith.constant 0 : i32
      %dma_wait3A_38 = tpu.memref_slice %arg4[%add3A_18, %dma_wait3A_37] : memref<16384x512xi32, #tpu.memory_space<hbm>> -> memref<128x512xi32, #tpu.memory_space<hbm>>
      %dma_wait3A_39 = arith.constant 0 : i32
      %dma_wait3A_40 = tpu.memref_slice %arg4[%add3A_18, %dma_wait3A_39] : memref<16384x512xi32, #tpu.memory_space<hbm>> -> memref<128x512xi32, #tpu.memory_space<hbm>>
      tpu.wait_dma2 semaphore(%run_scoped3A : memref<!tpu.dma_semaphore, #tpu.memory_space<semaphore_mem>>) src(%arg6 : memref<128x512xi32, #tpu.memory_space<vmem>>) dst(%dma_wait3A_40 : memref<128x512xi32, #tpu.memory_space<hbm>>)
      tpu.yield
    }) : () -> ()
    %add3A_25 = arith.constant 384 : i32
    %add3A_26 = arith.addi %mul3A_2, %add3A_25 : i32
    "tpu.region"() ({
      %run_scoped3A = tpu.sem_alloc : memref<!tpu.dma_semaphore, #tpu.memory_space<semaphore_mem>>
      %dma_start3A_33 = tpu.memref_slice %arg3[%add3A_26] : memref<16384xi32, #tpu.memory_space<hbm>> -> memref<128xi32, #tpu.memory_space<hbm>>
      %dma_start3A_34 = tpu.memref_slice %arg3[%add3A_26] : memref<16384xi32, #tpu.memory_space<hbm>> -> memref<128xi32, #tpu.memory_space<hbm>>
      tpu.enqueue_dma source(%dma_start3A_34 : memref<128xi32, #tpu.memory_space<hbm>>) target(%arg5 : memref<128xi32, #tpu.memory_space<vmem>>) target_semaphore(%run_scoped3A : memref<!tpu.dma_semaphore, #tpu.memory_space<semaphore_mem>>)
      %dma_wait3A_35 = tpu.memref_slice %arg3[%add3A_26] : memref<16384xi32, #tpu.memory_space<hbm>> -> memref<128xi32, #tpu.memory_space<hbm>>
      %dma_wait3A_36 = tpu.memref_slice %arg3[%add3A_26] : memref<16384xi32, #tpu.memory_space<hbm>> -> memref<128xi32, #tpu.memory_space<hbm>>
      tpu.wait_dma2 semaphore(%run_scoped3A : memref<!tpu.dma_semaphore, #tpu.memory_space<semaphore_mem>>) src(%dma_wait3A_36 : memref<128xi32, #tpu.memory_space<hbm>>) dst(%arg5 : memref<128xi32, #tpu.memory_space<vmem>>)
      tpu.yield
    }) : () -> ()
    %dma_start3A_27 = arith.constant 0 : i32
    %dma_start3A_28 = arith.constant 0 : i32
    %dma_start3A_29 = tpu.memref_slice %arg2[%dma_start3A_27, %dma_start3A_28] : memref<20480x512xi32, #tpu.memory_space<hbm>> -> memref<20480x512xi32, #tpu.memory_space<hbm>>
    tpu.enqueue_indirect_dma source(%dma_start3A_29 : memref<20480x512xi32, #tpu.memory_space<hbm>>) target(%arg6 : memref<128x512xi32, #tpu.memory_space<vmem>>) offsets(%arg5 : memref<128xi32, #tpu.memory_space<vmem>>) semaphore(%arg7 : memref<!tpu.dma_semaphore, #tpu.memory_space<semaphore_mem>>)
    %dma_wait3A_30 = arith.constant 0 : i32
    %dma_wait3A_31 = arith.constant 0 : i32
    %dma_wait3A_32 = tpu.memref_slice %arg2[%dma_wait3A_30, %dma_wait3A_31] : memref<20480x512xi32, #tpu.memory_space<hbm>> -> memref<20480x512xi32, #tpu.memory_space<hbm>>
    tpu.wait_indirect_dma semaphore(%arg7 : memref<!tpu.dma_semaphore, #tpu.memory_space<semaphore_mem>>) src(%dma_wait3A_32 : memref<20480x512xi32, #tpu.memory_space<hbm>>) dst(%arg6 : memref<128x512xi32, #tpu.memory_space<vmem>>)
    "tpu.region"() ({
      %run_scoped3A = tpu.sem_alloc : memref<!tpu.dma_semaphore, #tpu.memory_space<semaphore_mem>>
      %dma_start3A_33 = arith.constant 0 : i32
      %dma_start3A_34 = tpu.memref_slice %arg4[%add3A_26, %dma_start3A_33] : memref<16384x512xi32, #tpu.memory_space<hbm>> -> memref<128x512xi32, #tpu.memory_space<hbm>>
      %dma_start3A_35 = arith.constant 0 : i32
      %dma_start3A_36 = tpu.memref_slice %arg4[%add3A_26, %dma_start3A_35] : memref<16384x512xi32, #tpu.memory_space<hbm>> -> memref<128x512xi32, #tpu.memory_space<hbm>>
      tpu.enqueue_dma source(%arg6 : memref<128x512xi32, #tpu.memory_space<vmem>>) target(%dma_start3A_36 : memref<128x512xi32, #tpu.memory_space<hbm>>) target_semaphore(%run_scoped3A : memref<!tpu.dma_semaphore, #tpu.memory_space<semaphore_mem>>)
      %dma_wait3A_37 = arith.constant 0 : i32
      %dma_wait3A_38 = tpu.memref_slice %arg4[%add3A_26, %dma_wait3A_37] : memref<16384x512xi32, #tpu.memory_space<hbm>> -> memref<128x512xi32, #tpu.memory_space<hbm>>
      %dma_wait3A_39 = arith.constant 0 : i32
      %dma_wait3A_40 = tpu.memref_slice %arg4[%add3A_26, %dma_wait3A_39] : memref<16384x512xi32, #tpu.memory_space<hbm>> -> memref<128x512xi32, #tpu.memory_space<hbm>>
      tpu.wait_dma2 semaphore(%run_scoped3A : memref<!tpu.dma_semaphore, #tpu.memory_space<semaphore_mem>>) src(%arg6 : memref<128x512xi32, #tpu.memory_space<vmem>>) dst(%dma_wait3A_40 : memref<128x512xi32, #tpu.memory_space<hbm>>)
      tpu.yield
    }) : () -> ()
    return
  }
}

module attributes {stable_mosaic.version = 14 : i64} {
  func.func @_pre_kernel(%arg0: i32, %arg1: memref<1024x1024xbf16, #tpu.memory_space<vmem>>, %arg2: memref<1024x1024xbf16, #tpu.memory_space<vmem>>, %arg3: memref<1x1024xf32, #tpu.memory_space<vmem>>, %arg4: memref<1024x1024xf32, #tpu.memory_space<vmem>>) attributes {dimension_semantics = [#tpu.dimension_semantics<arbitrary>], iteration_bounds = array<i64: 4>, scalar_prefetch = 0 : i64, scratch_operands = 0 : i64, tpu.core_type = #tpu.core_type<tc>, window_params = [{transform_indices = @transform_0, window_bounds = array<i64: 1024, 1024>}, {pipeline_mode = #tpu.pipeline_mode<synchronous>, transform_indices = @transform_1, window_bounds = array<i64: 1024, 1024>}, {pipeline_mode = #tpu.pipeline_mode<synchronous>, transform_indices = @transform_2, window_bounds = array<i64: 1, 1024>}, {transform_indices = @transform_3, window_bounds = array<i64: 1024, 1024>}]} {
    %get3A = arith.constant 0 : index
    %get3A_0 = arith.constant 0 : index
    %get3A_1 = vector.load %arg1[%get3A, %get3A_0] : memref<1024x1024xbf16, #tpu.memory_space<vmem>>, vector<1024x1024xbf16>
    %get3A_2 = arith.constant 0 : index
    %get3A_3 = arith.constant 0 : index
    %get3A_4 = vector.load %arg2[%get3A_2, %get3A_3] : memref<1024x1024xbf16, #tpu.memory_space<vmem>>, vector<1024x1024xbf16>
    %dot_general3A = arith.constant dense<0.000000e+00> : vector<1024x1024xf32>
    %dot_general3A_5 = tpu.matmul %get3A_1, %get3A_4, %dot_general3A {dimension_numbers = #tpu.dot_dimension_numbers<[1], [0], [0], [1], [0, 0, 1, 1], [], []>, transpose_lhs_hint = false} : vector<1024x1024xbf16>, vector<1024x1024xbf16>, vector<1024x1024xf32> -> vector<1024x1024xf32>
    %get3A_6 = arith.constant 0 : index
    %get3A_7 = arith.constant 0 : index
    %get3A_8 = vector.load %arg3[%get3A_6, %get3A_7] : memref<1x1024xf32, #tpu.memory_space<vmem>>, vector<1x1024xf32>
    %add3A = vector.broadcast %get3A_8 : vector<1x1024xf32> to vector<1024x1024xf32>
    %add3A_9 = arith.addf %dot_general3A_5, %add3A : vector<1024x1024xf32>
    %mul3A = arith.constant 5.000000e-01 : f32
    %mul3A_10 = vector.broadcast %mul3A : f32 to vector<1024x1024xf32>
    %mul3A_11 = arith.mulf %mul3A_10, %add3A_9 : vector<1024x1024xf32>
    %mul3A_12 = arith.constant 0.707106769 : f32
    %mul3A_13 = vector.broadcast %mul3A_12 : f32 to vector<1024x1024xf32>
    %mul3A_14 = arith.mulf %add3A_9, %mul3A_13 : vector<1024x1024xf32>
    %erf3A = math.erf %mul3A_14 : vector<1024x1024xf32>
    %add3A_15 = arith.constant 1.000000e+00 : f32
    %add3A_16 = vector.broadcast %add3A_15 : f32 to vector<1024x1024xf32>
    %add3A_17 = arith.addf %add3A_16, %erf3A : vector<1024x1024xf32>
    %mul3A_18 = arith.mulf %mul3A_11, %add3A_17 : vector<1024x1024xf32>
    %swap3A = arith.constant 0 : index
    %swap3A_19 = arith.constant 0 : index
    %swap3A_20 = vector.load %arg4[%swap3A, %swap3A_19] : memref<1024x1024xf32, #tpu.memory_space<vmem>>, vector<1024x1024xf32>
    tpu.vector_store %arg4[%swap3A, %swap3A_19], %mul3A_18 {strides = array<i32>} : memref<1024x1024xf32, #tpu.memory_space<vmem>>, vector<1024x1024xf32>,
    return
  }
  func.func @transform_0(%arg0: i32) -> (i32, i32) {
    %c0_i32 = arith.constant 0 : i32
    %c0_i32_0 = arith.constant 0 : i32
    return %arg0, %c0_i32 : i32, i32
  }
  func.func @transform_1(%arg0: i32) -> (i32, i32) {
    %c0_i32 = arith.constant 0 : i32
    %c0_i32_0 = arith.constant 0 : i32
    %c0_i32_1 = arith.constant 0 : i32
    return %c0_i32, %c0_i32_0 : i32, i32
  }
  func.func @transform_2(%arg0: i32) -> (i32, i32) {
    %c0_i32 = arith.constant 0 : i32
    %c0_i32_0 = arith.constant 0 : i32
    %c0_i32_1 = arith.constant 0 : i32
    return %c0_i32, %c0_i32_0 : i32, i32
  }
  func.func @transform_3(%arg0: i32) -> (i32, i32) {
    %c0_i32 = arith.constant 0 : i32
    %c0_i32_0 = arith.constant 0 : i32
    return %arg0, %c0_i32 : i32, i32
  }
}

module attributes {stable_mosaic.version = 14 : i64} {
  func.func @_gate_kernel(%arg0: i32, %arg1: memref<1024x1024xf32, #tpu.memory_space<vmem>>, %arg2: memref<1x1x1024xf32, #tpu.memory_space<vmem>>, %arg3: memref<1024x128xbf16, #tpu.memory_space<vmem>>, %arg4: memref<1x128xf32, #tpu.memory_space<vmem>>, %arg5: memref<1024x1024xbf16, #tpu.memory_space<vmem>>, %arg6: memref<1024x128xf32, #tpu.memory_space<vmem>>) attributes {dimension_semantics = [#tpu.dimension_semantics<arbitrary>], iteration_bounds = array<i64: 8>, scalar_prefetch = 0 : i64, scratch_operands = 0 : i64, tpu.core_type = #tpu.core_type<tc>, window_params = [{transform_indices = @transform_0, window_bounds = array<i64: 1024, 1024>}, {transform_indices = @transform_1, window_bounds = array<i64: 1, 1, 1024>}, {pipeline_mode = #tpu.pipeline_mode<synchronous>, transform_indices = @transform_2, window_bounds = array<i64: 1024, 128>}, {pipeline_mode = #tpu.pipeline_mode<synchronous>, transform_indices = @transform_3, window_bounds = array<i64: 1, 128>}, {transform_indices = @transform_4, window_bounds = array<i64: 1024, 1024>}, {transform_indices = @transform_5, window_bounds = array<i64: 1024, 128>}]} {
    %iota3A = tpu.iota {dimensions = array<i32: 1>} : vector<1024x128xi32>
    %get3A = arith.constant 0 : index
    %get3A_0 = arith.constant 0 : index
    %get3A_1 = vector.load %arg1[%get3A, %get3A_0] : memref<1024x1024xf32, #tpu.memory_space<vmem>>, vector<1024x1024xf32>
    %get3A_2 = arith.constant 0 : index
    %get3A_3 = arith.constant 0 : index
    %get3A_4 = arith.constant 0 : index
    %get3A_5 = vector.load %arg2[%get3A_2, %get3A_3, %get3A_4] : memref<1x1x1024xf32, #tpu.memory_space<vmem>>, vector<1x1x1024xf32>
    %get3A_6 = vector.shape_cast %get3A_5 : vector<1x1x1024xf32> to vector<1x1024xf32>
    %add3A = vector.broadcast %get3A_6 : vector<1x1024xf32> to vector<1024x1024xf32>
    %add3A_7 = arith.addf %get3A_1, %add3A : vector<1024x1024xf32>
    %convert_element_type3A = arith.truncf %add3A_7 : vector<1024x1024xf32> to vector<1024x1024xbf16>
    %swap3A = arith.constant 0 : index
    %swap3A_8 = arith.constant 0 : index
    %swap3A_9 = vector.load %arg5[%swap3A, %swap3A_8] : memref<1024x1024xbf16, #tpu.memory_space<vmem>>, vector<1024x1024xbf16>
    tpu.vector_store %arg5[%swap3A, %swap3A_8], %convert_element_type3A {strides = array<i32>} : memref<1024x1024xbf16, #tpu.memory_space<vmem>>, vector<1024x1024xbf16>,
    %convert_element_type3A_10 = arith.truncf %add3A_7 : vector<1024x1024xf32> to vector<1024x1024xbf16>
    %get3A_11 = arith.constant 0 : index
    %get3A_12 = arith.constant 0 : index
    %get3A_13 = vector.load %arg3[%get3A_11, %get3A_12] : memref<1024x128xbf16, #tpu.memory_space<vmem>>, vector<1024x128xbf16>
    %dot_general3A = arith.constant dense<0.000000e+00> : vector<1024x128xf32>
    %dot_general3A_14 = tpu.matmul %convert_element_type3A_10, %get3A_13, %dot_general3A {dimension_numbers = #tpu.dot_dimension_numbers<[1], [0], [0], [1], [0, 0, 1, 1], [], []>, transpose_lhs_hint = false} : vector<1024x1024xbf16>, vector<1024x128xbf16>, vector<1024x128xf32> -> vector<1024x128xf32>
    %get3A_15 = arith.constant 0 : index
    %get3A_16 = arith.constant 0 : index
    %get3A_17 = vector.load %arg4[%get3A_15, %get3A_16] : memref<1x128xf32, #tpu.memory_space<vmem>>, vector<1x128xf32>
    %add3A_18 = vector.broadcast %get3A_17 : vector<1x128xf32> to vector<1024x128xf32>
    %add3A_19 = arith.addf %dot_general3A_14, %add3A_18 : vector<1024x128xf32>
    %reduce_max3A = arith.constant dense<0xFF800000> : vector<1024xf32>
    %reduce_max3A_20 = vector.multi_reduction <maximumf>, %add3A_19, %reduce_max3A [1] : vector<1024x128xf32> to vector<1024xf32>
    %broadcast_in_dim3A = vector.shape_cast %reduce_max3A_20 : vector<1024xf32> to vector<1024x1xf32>
    %sub3A = vector.broadcast %broadcast_in_dim3A : vector<1024x1xf32> to vector<1024x128xf32>
    %sub3A_21 = arith.subf %add3A_19, %sub3A : vector<1024x128xf32>
    %exp3A = math.exp %sub3A_21 : vector<1024x128xf32>
    %reduce_sum3A = arith.constant dense<0.000000e+00> : vector<1024xf32>
    %reduce_sum3A_22 = vector.multi_reduction <add>, %exp3A, %reduce_sum3A [1] : vector<1024x128xf32> to vector<1024xf32>
    %broadcast_in_dim3A_23 = vector.shape_cast %reduce_sum3A_22 : vector<1024xf32> to vector<1024x1xf32>
    %div3A = vector.broadcast %broadcast_in_dim3A_23 : vector<1024x1xf32> to vector<1024x128xf32>
    %div3A_24 = arith.divf %exp3A, %div3A : vector<1024x128xf32>
    %reduce_max3A_25 = arith.constant dense<0xFF800000> : vector<1024xf32>
    %reduce_max3A_26 = vector.multi_reduction <maximumf>, %div3A_24, %reduce_max3A_25 [1] : vector<1024x128xf32> to vector<1024xf32>
    %broadcast_in_dim3A_27 = vector.shape_cast %reduce_max3A_26 : vector<1024xf32> to vector<1024x1xf32>
    %eq3A = vector.broadcast %broadcast_in_dim3A_27 : vector<1024x1xf32> to vector<1024x128xf32>
    %eq3A_28 = arith.cmpf oeq, %div3A_24, %eq3A : vector<1024x128xf32>
    %jit3A = arith.constant 128 : i32
    %broadcast_in_dim3A_29 = vector.broadcast %jit3A : i32 to vector<1024x128xi32>
    %select_n3A = arith.select %eq3A_28, %iota3A, %broadcast_in_dim3A_29 : vector<1024x128xi1>, vector<1024x128xi32>
    %reduce_min3A = arith.constant dense<2147483647> : vector<1024xi32>
    %reduce_min3A_30 = vector.multi_reduction <minsi>, %select_n3A, %reduce_min3A [1] : vector<1024x128xi32> to vector<1024xi32>
    %broadcast_in_dim3A_31 = vector.shape_cast %reduce_min3A_30 : vector<1024xi32> to vector<1024x1xi32>
    %eq3A_32 = vector.broadcast %broadcast_in_dim3A_31 : vector<1024x1xi32> to vector<1024x128xi32>
    %eq3A_33 = arith.cmpi eq, %iota3A, %eq3A_32 : vector<1024x128xi32>
    %jit3A_34 = arith.constant -1.000000e+00 : f32
    %broadcast_in_dim3A_35 = vector.broadcast %jit3A_34 : f32 to vector<1024x128xf32>
    %select_n3A_36 = arith.select %eq3A_33, %broadcast_in_dim3A_35, %div3A_24 : vector<1024x128xi1>, vector<1024x128xf32>
    %reduce_max3A_37 = arith.constant dense<0xFF800000> : vector<1024xf32>
    %reduce_max3A_38 = vector.multi_reduction <maximumf>, %select_n3A_36, %reduce_max3A_37 [1] : vector<1024x128xf32> to vector<1024xf32>
    %broadcast_in_dim3A_39 = vector.shape_cast %reduce_max3A_38 : vector<1024xf32> to vector<1024x1xf32>
    %eq3A_40 = vector.broadcast %broadcast_in_dim3A_39 : vector<1024x1xf32> to vector<1024x128xf32>
    %eq3A_41 = arith.cmpf oeq, %select_n3A_36, %eq3A_40 : vector<1024x128xf32>
    %jit3A_42 = arith.constant 128 : i32
    %broadcast_in_dim3A_43 = vector.broadcast %jit3A_42 : i32 to vector<1024x128xi32>
    %select_n3A_44 = arith.select %eq3A_41, %iota3A, %broadcast_in_dim3A_43 : vector<1024x128xi1>, vector<1024x128xi32>
    %reduce_min3A_45 = arith.constant dense<2147483647> : vector<1024xi32>
    %reduce_min3A_46 = vector.multi_reduction <minsi>, %select_n3A_44, %reduce_min3A_45 [1] : vector<1024x128xi32> to vector<1024xi32>
    %broadcast_in_dim3A_47 = vector.shape_cast %reduce_min3A_46 : vector<1024xi32> to vector<1024x1xi32>
    %eq3A_48 = arith.constant 0 : i32
    %eq3A_49 = vector.broadcast %eq3A_48 : i32 to vector<1024x128xi32>
    %eq3A_50 = arith.cmpi eq, %iota3A, %eq3A_49 : vector<1024x128xi32>
    %convert_element_type3A_51 = arith.sitofp %broadcast_in_dim3A_31 : vector<1024x1xi32> to vector<1024x1xf32>
    %jit3A_52 = arith.constant 0.000000e+00 : f32
    %broadcast_in_dim3A_53 = vector.shape_cast %convert_element_type3A_51 : vector<1024x1xf32> to vector<1024x1xf32>
    %broadcast_in_dim3A_54 = vector.broadcast %broadcast_in_dim3A_53 : vector<1024x1xf32> to vector<1024x128xf32>
    %broadcast_in_dim3A_55 = vector.broadcast %jit3A_52 : f32 to vector<1024x128xf32>
    %select_n3A_56 = arith.select %eq3A_50, %broadcast_in_dim3A_54, %broadcast_in_dim3A_55 : vector<1024x128xi1>, vector<1024x128xf32>
    %eq3A_57 = arith.constant 1 : i32
    %eq3A_58 = vector.broadcast %eq3A_57 : i32 to vector<1024x128xi32>
    %eq3A_59 = arith.cmpi eq, %iota3A, %eq3A_58 : vector<1024x128xi32>
    %convert_element_type3A_60 = arith.sitofp %broadcast_in_dim3A_47 : vector<1024x1xi32> to vector<1024x1xf32>
    %jit3A_61 = arith.constant 0.000000e+00 : f32
    %broadcast_in_dim3A_62 = vector.shape_cast %convert_element_type3A_60 : vector<1024x1xf32> to vector<1024x1xf32>
    %broadcast_in_dim3A_63 = vector.broadcast %broadcast_in_dim3A_62 : vector<1024x1xf32> to vector<1024x128xf32>
    %broadcast_in_dim3A_64 = vector.broadcast %jit3A_61 : f32 to vector<1024x128xf32>
    %select_n3A_65 = arith.select %eq3A_59, %broadcast_in_dim3A_63, %broadcast_in_dim3A_64 : vector<1024x128xi1>, vector<1024x128xf32>
    %add3A_66 = arith.addf %select_n3A_56, %select_n3A_65 : vector<1024x128xf32>
    %eq3A_67 = arith.constant 2 : i32
    %eq3A_68 = vector.broadcast %eq3A_67 : i32 to vector<1024x128xi32>
    %eq3A_69 = arith.cmpi eq, %iota3A, %eq3A_68 : vector<1024x128xi32>
    %jit3A_70 = arith.constant 0.000000e+00 : f32
    %broadcast_in_dim3A_71 = vector.shape_cast %broadcast_in_dim3A_27 : vector<1024x1xf32> to vector<1024x1xf32>
    %broadcast_in_dim3A_72 = vector.broadcast %broadcast_in_dim3A_71 : vector<1024x1xf32> to vector<1024x128xf32>
    %broadcast_in_dim3A_73 = vector.broadcast %jit3A_70 : f32 to vector<1024x128xf32>
    %select_n3A_74 = arith.select %eq3A_69, %broadcast_in_dim3A_72, %broadcast_in_dim3A_73 : vector<1024x128xi1>, vector<1024x128xf32>
    %add3A_75 = arith.addf %add3A_66, %select_n3A_74 : vector<1024x128xf32>
    %eq3A_76 = arith.constant 3 : i32
    %eq3A_77 = vector.broadcast %eq3A_76 : i32 to vector<1024x128xi32>
    %eq3A_78 = arith.cmpi eq, %iota3A, %eq3A_77 : vector<1024x128xi32>
    %jit3A_79 = arith.constant 0.000000e+00 : f32
    %broadcast_in_dim3A_80 = vector.shape_cast %broadcast_in_dim3A_39 : vector<1024x1xf32> to vector<1024x1xf32>
    %broadcast_in_dim3A_81 = vector.broadcast %broadcast_in_dim3A_80 : vector<1024x1xf32> to vector<1024x128xf32>
    %broadcast_in_dim3A_82 = vector.broadcast %jit3A_79 : f32 to vector<1024x128xf32>
    %select_n3A_83 = arith.select %eq3A_78, %broadcast_in_dim3A_81, %broadcast_in_dim3A_82 : vector<1024x128xi1>, vector<1024x128xf32>
    %add3A_84 = arith.addf %add3A_75, %select_n3A_83 : vector<1024x128xf32>
    %swap3A_85 = arith.constant 0 : index
    %swap3A_86 = arith.constant 0 : index
    %swap3A_87 = vector.load %arg6[%swap3A_85, %swap3A_86] : memref<1024x128xf32, #tpu.memory_space<vmem>>, vector<1024x128xf32>
    tpu.vector_store %arg6[%swap3A_85, %swap3A_86], %add3A_84 {strides = array<i32>} : memref<1024x128xf32, #tpu.memory_space<vmem>>, vector<1024x128xf32>,
    return
  }
  func.func @transform_0(%arg0: i32) -> (i32, i32) {
    %jit3A = arith.constant 4 : i32
    %eq3A = arith.constant 0 : i32
    %eq3A_0 = arith.cmpi eq, %jit3A, %eq3A : i32
    %jit3A_1 = arith.constant 1 : i32
    %select_n3A = arith.select %eq3A_0, %jit3A_1, %jit3A : i32
    %rem3A = arith.remsi %arg0, %select_n3A : i32
    %ne3A = arith.constant 0 : i32
    %ne3A_2 = arith.cmpi ne, %rem3A, %ne3A : i32
    %lt3A = arith.constant 0 : i32
    %lt3A_3 = arith.cmpi slt, %rem3A, %lt3A : i32
    %lt3A_4 = arith.constant 0 : i32
    %lt3A_5 = arith.cmpi slt, %select_n3A, %lt3A_4 : i32
    %ne3A_6 = arith.xori %lt3A_3, %lt3A_5 : i1
    %and3A = arith.andi %ne3A_6, %ne3A_2 : i1
    %add3A = arith.addi %rem3A, %select_n3A : i32
    %select_n3A_7 = arith.select %and3A, %add3A, %rem3A : i32
    %c0_i32 = arith.constant 0 : i32
    %c0_i32_8 = arith.constant 0 : i32
    return %select_n3A_7, %c0_i32 : i32, i32
  }
  func.func @transform_1(%arg0: i32) -> (i32, i32, i32) {
    %jit3A = arith.constant 4 : i32
    %div3A = arith.divsi %arg0, %jit3A : i32
    %sign3A = arith.constant 0 : i32
    %sign3A_0 = arith.cmpi sgt, %arg0, %sign3A : i32
    %sign3A_1 = arith.extui %sign3A_0 : i1 to i32
    %sign3A_2 = arith.constant 0 : i32
    %sign3A_3 = arith.cmpi slt, %arg0, %sign3A_2 : i32
    %sign3A_4 = arith.extui %sign3A_3 : i1 to i32
    %sign3A_5 = arith.subi %sign3A_1, %sign3A_4 : i32
    %sign3A_6 = arith.constant 0 : i32
    %sign3A_7 = arith.cmpi sgt, %jit3A, %sign3A_6 : i32
    %sign3A_8 = arith.extui %sign3A_7 : i1 to i32
    %sign3A_9 = arith.constant 0 : i32
    %sign3A_10 = arith.cmpi slt, %jit3A, %sign3A_9 : i32
    %sign3A_11 = arith.extui %sign3A_10 : i1 to i32
    %sign3A_12 = arith.subi %sign3A_8, %sign3A_11 : i32
    %ne3A = arith.cmpi ne, %sign3A_5, %sign3A_12 : i32
    %rem3A = arith.remsi %arg0, %jit3A : i32
    %ne3A_13 = arith.constant 0 : i32
    %ne3A_14 = arith.cmpi ne, %rem3A, %ne3A_13 : i32
    %and3A = arith.andi %ne3A, %ne3A_14 : i1
    %sub3A = arith.constant 1 : i32
    %sub3A_15 = arith.subi %div3A, %sub3A : i32
    %select_n3A = arith.select %and3A, %sub3A_15, %div3A : i32
    %c0_i32 = arith.constant 0 : i32
    %c0_i32_16 = arith.constant 0 : i32
    %c0_i32_17 = arith.constant 0 : i32
    return %select_n3A, %c0_i32, %c0_i32_16 : i32, i32, i32
  }
  func.func @transform_2(%arg0: i32) -> (i32, i32) {
    %c0_i32 = arith.constant 0 : i32
    %c0_i32_0 = arith.constant 0 : i32
    %c0_i32_1 = arith.constant 0 : i32
    return %c0_i32, %c0_i32_0 : i32, i32
  }
  func.func @transform_3(%arg0: i32) -> (i32, i32) {
    %c0_i32 = arith.constant 0 : i32
    %c0_i32_0 = arith.constant 0 : i32
    %c0_i32_1 = arith.constant 0 : i32
    return %c0_i32, %c0_i32_0 : i32, i32
  }
  func.func @transform_4(%arg0: i32) -> (i32, i32) {
    %c0_i32 = arith.constant 0 : i32
    %c0_i32_0 = arith.constant 0 : i32
    return %arg0, %c0_i32 : i32, i32
  }
  func.func @transform_5(%arg0: i32) -> (i32, i32) {
    %c0_i32 = arith.constant 0 : i32
    %c0_i32_0 = arith.constant 0 : i32
    return %arg0, %c0_i32 : i32, i32
  }
}

module attributes {stable_mosaic.version = 14 : i64} {
  func.func @_group_kernel(%arg0: i32, %arg1: memref<40xi32, #tpu.memory_space<smem>>, %arg2: memref<512x1024xbf16, #tpu.memory_space<vmem>>, %arg3: memref<1x1024x1024xbf16, #tpu.memory_space<vmem>>, %arg4: memref<1x1x1024xf32, #tpu.memory_space<vmem>>, %arg5: memref<1x1024x1024xbf16, #tpu.memory_space<vmem>>, %arg6: memref<1x1x1024xf32, #tpu.memory_space<vmem>>, %arg7: memref<512x1024xbf16, #tpu.memory_space<vmem>>) attributes {dimension_semantics = [#tpu.dimension_semantics<arbitrary>], iteration_bounds = array<i64: 40>, scalar_prefetch = 1 : i64, scratch_operands = 0 : i64, tpu.core_type = #tpu.core_type<tc>, window_params = [{transform_indices = @transform_0, window_bounds = array<i64: 512, 1024>}, {transform_indices = @transform_1, window_bounds = array<i64: 1, 1024, 1024>}, {transform_indices = @transform_2, window_bounds = array<i64: 1, 1, 1024>}, {transform_indices = @transform_3, window_bounds = array<i64: 1, 1024, 1024>}, {transform_indices = @transform_4, window_bounds = array<i64: 1, 1, 1024>}, {transform_indices = @transform_5, window_bounds = array<i64: 512, 1024>}]} {
    %get3A = arith.constant 0 : index
    %get3A_0 = arith.constant 0 : index
    %get3A_1 = vector.load %arg2[%get3A, %get3A_0] : memref<512x1024xbf16, #tpu.memory_space<vmem>>, vector<512x1024xbf16>
    %get3A_2 = arith.constant 0 : index
    %get3A_3 = arith.constant 0 : index
    %get3A_4 = arith.constant 0 : index
    %get3A_5 = vector.load %arg3[%get3A_2, %get3A_3, %get3A_4] : memref<1x1024x1024xbf16, #tpu.memory_space<vmem>>, vector<1x1024x1024xbf16>
    %get3A_6 = vector.shape_cast %get3A_5 : vector<1x1024x1024xbf16> to vector<1024x1024xbf16>
    %dot_general3A = arith.constant dense<0.000000e+00> : vector<512x1024xf32>
    %dot_general3A_7 = tpu.matmul %get3A_1, %get3A_6, %dot_general3A {dimension_numbers = #tpu.dot_dimension_numbers<[1], [0], [0], [1], [0, 0, 1, 1], [], []>, transpose_lhs_hint = false} : vector<512x1024xbf16>, vector<1024x1024xbf16>, vector<512x1024xf32> -> vector<512x1024xf32>
    %get3A_8 = arith.constant 0 : index
    %get3A_9 = arith.constant 0 : index
    %get3A_10 = arith.constant 0 : index
    %get3A_11 = vector.load %arg4[%get3A_8, %get3A_9, %get3A_10] : memref<1x1x1024xf32, #tpu.memory_space<vmem>>, vector<1x1x1024xf32>
    %get3A_12 = vector.shape_cast %get3A_11 : vector<1x1x1024xf32> to vector<1x1024xf32>
    %add3A = vector.broadcast %get3A_12 : vector<1x1024xf32> to vector<512x1024xf32>
    %add3A_13 = arith.addf %dot_general3A_7, %add3A : vector<512x1024xf32>
    %mul3A = arith.constant 5.000000e-01 : f32
    %mul3A_14 = vector.broadcast %mul3A : f32 to vector<512x1024xf32>
    %mul3A_15 = arith.mulf %mul3A_14, %add3A_13 : vector<512x1024xf32>
    %mul3A_16 = arith.constant 0.707106769 : f32
    %mul3A_17 = vector.broadcast %mul3A_16 : f32 to vector<512x1024xf32>
    %mul3A_18 = arith.mulf %add3A_13, %mul3A_17 : vector<512x1024xf32>
    %erf3A = math.erf %mul3A_18 : vector<512x1024xf32>
    %add3A_19 = arith.constant 1.000000e+00 : f32
    %add3A_20 = vector.broadcast %add3A_19 : f32 to vector<512x1024xf32>
    %add3A_21 = arith.addf %add3A_20, %erf3A : vector<512x1024xf32>
    %mul3A_22 = arith.mulf %mul3A_15, %add3A_21 : vector<512x1024xf32>
    %convert_element_type3A = arith.truncf %mul3A_22 : vector<512x1024xf32> to vector<512x1024xbf16>
    %get3A_23 = arith.constant 0 : index
    %get3A_24 = arith.constant 0 : index
    %get3A_25 = arith.constant 0 : index
    %get3A_26 = vector.load %arg5[%get3A_23, %get3A_24, %get3A_25] : memref<1x1024x1024xbf16, #tpu.memory_space<vmem>>, vector<1x1024x1024xbf16>
    %get3A_27 = vector.shape_cast %get3A_26 : vector<1x1024x1024xbf16> to vector<1024x1024xbf16>
    %dot_general3A_28 = arith.constant dense<0.000000e+00> : vector<512x1024xf32>
    %dot_general3A_29 = tpu.matmul %convert_element_type3A, %get3A_27, %dot_general3A_28 {dimension_numbers = #tpu.dot_dimension_numbers<[1], [0], [0], [1], [0, 0, 1, 1], [], []>, transpose_lhs_hint = false} : vector<512x1024xbf16>, vector<1024x1024xbf16>, vector<512x1024xf32> -> vector<512x1024xf32>
    %get3A_30 = arith.constant 0 : index
    %get3A_31 = arith.constant 0 : index
    %get3A_32 = arith.constant 0 : index
    %get3A_33 = vector.load %arg6[%get3A_30, %get3A_31, %get3A_32] : memref<1x1x1024xf32, #tpu.memory_space<vmem>>, vector<1x1x1024xf32>
    %get3A_34 = vector.shape_cast %get3A_33 : vector<1x1x1024xf32> to vector<1x1024xf32>
    %add3A_35 = vector.broadcast %get3A_34 : vector<1x1024xf32> to vector<512x1024xf32>
    %add3A_36 = arith.addf %dot_general3A_29, %add3A_35 : vector<512x1024xf32>
    %convert_element_type3A_37 = arith.truncf %add3A_36 : vector<512x1024xf32> to vector<512x1024xbf16>
    %swap3A = arith.constant 0 : index
    %swap3A_38 = arith.constant 0 : index
    %swap3A_39 = vector.load %arg7[%swap3A, %swap3A_38] : memref<512x1024xbf16, #tpu.memory_space<vmem>>, vector<512x1024xbf16>
    tpu.vector_store %arg7[%swap3A, %swap3A_38], %convert_element_type3A_37 {strides = array<i32>} : memref<512x1024xbf16, #tpu.memory_space<vmem>>, vector<512x1024xbf16>,
    return
  }
  func.func @transform_0(%arg0: i32, %arg1: memref<40xi32, #tpu.memory_space<smem>>) -> (i32, i32) {
    %c0_i32 = arith.constant 0 : i32
    %c0_i32_0 = arith.constant 0 : i32
    return %arg0, %c0_i32 : i32, i32
  }
  func.func @transform_1(%arg0: i32, %arg1: memref<40xi32, #tpu.memory_space<smem>>) -> (i32, i32, i32) {
    %get3A = arith.index_cast %arg0 : i32 to index
    %get3A_0 = memref.load %arg1[%get3A] : memref<40xi32, #tpu.memory_space<smem>>
    %c0_i32 = arith.constant 0 : i32
    %c0_i32_1 = arith.constant 0 : i32
    %c0_i32_2 = arith.constant 0 : i32
    return %get3A_0, %c0_i32, %c0_i32_1 : i32, i32, i32
  }
  func.func @transform_2(%arg0: i32, %arg1: memref<40xi32, #tpu.memory_space<smem>>) -> (i32, i32, i32) {
    %get3A = arith.index_cast %arg0 : i32 to index
    %get3A_0 = memref.load %arg1[%get3A] : memref<40xi32, #tpu.memory_space<smem>>
    %c0_i32 = arith.constant 0 : i32
    %c0_i32_1 = arith.constant 0 : i32
    %c0_i32_2 = arith.constant 0 : i32
    return %get3A_0, %c0_i32, %c0_i32_1 : i32, i32, i32
  }
  func.func @transform_3(%arg0: i32, %arg1: memref<40xi32, #tpu.memory_space<smem>>) -> (i32, i32, i32) {
    %get3A = arith.index_cast %arg0 : i32 to index
    %get3A_0 = memref.load %arg1[%get3A] : memref<40xi32, #tpu.memory_space<smem>>
    %c0_i32 = arith.constant 0 : i32
    %c0_i32_1 = arith.constant 0 : i32
    %c0_i32_2 = arith.constant 0 : i32
    return %get3A_0, %c0_i32, %c0_i32_1 : i32, i32, i32
  }
  func.func @transform_4(%arg0: i32, %arg1: memref<40xi32, #tpu.memory_space<smem>>) -> (i32, i32, i32) {
    %get3A = arith.index_cast %arg0 : i32 to index
    %get3A_0 = memref.load %arg1[%get3A] : memref<40xi32, #tpu.memory_space<smem>>
    %c0_i32 = arith.constant 0 : i32
    %c0_i32_1 = arith.constant 0 : i32
    %c0_i32_2 = arith.constant 0 : i32
    return %get3A_0, %c0_i32, %c0_i32_1 : i32, i32, i32
  }
  func.func @transform_5(%arg0: i32, %arg1: memref<40xi32, #tpu.memory_space<smem>>) -> (i32, i32) {
    %c0_i32 = arith.constant 0 : i32
    %c0_i32_0 = arith.constant 0 : i32
    return %arg0, %c0_i32 : i32, i32
  }
}

module attributes {stable_mosaic.version = 14 : i64} {
  func.func @_comb_kernel(%arg0: i32, %arg1: memref<1024x1024xbf16, #tpu.memory_space<vmem>>, %arg2: memref<1024x1024xbf16, #tpu.memory_space<vmem>>, %arg3: memref<1024x128xf32, #tpu.memory_space<vmem>>, %arg4: memref<1024x1024xf32, #tpu.memory_space<vmem>>, %arg5: memref<1x1x1024xf32, #tpu.memory_space<vmem>>, %arg6: memref<1x1x1024xf32, #tpu.memory_space<vmem>>, %arg7: memref<1x1x1024xf32, #tpu.memory_space<vmem>>, %arg8: memref<1x1024x1024xbf16, #tpu.memory_space<vmem>>, %arg9: memref<1x1x1024xf32, #tpu.memory_space<vmem>>, %arg10: memref<1024x1024xf32, #tpu.memory_space<vmem>>) attributes {dimension_semantics = [#tpu.dimension_semantics<arbitrary>], iteration_bounds = array<i64: 8>, scalar_prefetch = 0 : i64, scratch_operands = 0 : i64, tpu.core_type = #tpu.core_type<tc>, window_params = [{transform_indices = @transform_0, window_bounds = array<i64: 1024, 1024>}, {transform_indices = @transform_1, window_bounds = array<i64: 1024, 1024>}, {transform_indices = @transform_2, window_bounds = array<i64: 1024, 128>}, {transform_indices = @transform_3, window_bounds = array<i64: 1024, 1024>}, {transform_indices = @transform_4, window_bounds = array<i64: 1, 1, 1024>}, {transform_indices = @transform_5, window_bounds = array<i64: 1, 1, 1024>}, {transform_indices = @transform_6, window_bounds = array<i64: 1, 1, 1024>}, {transform_indices = @transform_7, window_bounds = array<i64: 1, 1024, 1024>}, {transform_indices = @transform_8, window_bounds = array<i64: 1, 1, 1024>}, {transform_indices = @transform_9, window_bounds = array<i64: 1024, 1024>}]} {
    %get3A = arith.constant 0 : index
    %get3A_0 = arith.constant 2 : index
    %get3A_1 = vector.load %arg3[%get3A, %get3A_0] : memref<1024x128xf32, #tpu.memory_space<vmem>>, vector<1024x1xf32>
    %get3A_2 = arith.constant 0 : index
    %get3A_3 = arith.constant 3 : index
    %get3A_4 = vector.load %arg3[%get3A_2, %get3A_3] : memref<1024x128xf32, #tpu.memory_space<vmem>>, vector<1024x1xf32>
    %get3A_5 = arith.constant 0 : index
    %get3A_6 = arith.constant 0 : index
    %get3A_7 = vector.load %arg1[%get3A_5, %get3A_6] : memref<1024x1024xbf16, #tpu.memory_space<vmem>>, vector<1024x1024xbf16>
    %convert_element_type3A = arith.extf %get3A_7 : vector<1024x1024xbf16> to vector<1024x1024xf32>
    %mul3A = vector.broadcast %get3A_1 : vector<1024x1xf32> to vector<1024x1024xf32>
    %mul3A_8 = arith.mulf %mul3A, %convert_element_type3A : vector<1024x1024xf32>
    %get3A_9 = arith.constant 0 : index
    %get3A_10 = arith.constant 0 : index
    %get3A_11 = vector.load %arg2[%get3A_9, %get3A_10] : memref<1024x1024xbf16, #tpu.memory_space<vmem>>, vector<1024x1024xbf16>
    %convert_element_type3A_12 = arith.extf %get3A_11 : vector<1024x1024xbf16> to vector<1024x1024xf32>
    %mul3A_13 = vector.broadcast %get3A_4 : vector<1024x1xf32> to vector<1024x1024xf32>
    %mul3A_14 = arith.mulf %mul3A_13, %convert_element_type3A_12 : vector<1024x1024xf32>
    %add3A = arith.addf %mul3A_8, %mul3A_14 : vector<1024x1024xf32>
    %reduce_sum3A = arith.constant dense<0.000000e+00> : vector<1024xf32>
    %reduce_sum3A_15 = vector.multi_reduction <add>, %add3A, %reduce_sum3A [1] : vector<1024x1024xf32> to vector<1024xf32>
    %broadcast_in_dim3A = vector.shape_cast %reduce_sum3A_15 : vector<1024xf32> to vector<1024x1xf32>
    %div3A = arith.constant 1.024000e+03 : f32
    %div3A_16 = vector.broadcast %div3A : f32 to vector<1024x1xf32>
    %div3A_17 = arith.divf %broadcast_in_dim3A, %div3A_16 : vector<1024x1xf32>
    %sub3A = vector.broadcast %div3A_17 : vector<1024x1xf32> to vector<1024x1024xf32>
    %sub3A_18 = arith.subf %add3A, %sub3A : vector<1024x1024xf32>
    %integer_pow3A = arith.mulf %sub3A_18, %sub3A_18 : vector<1024x1024xf32>
    %reduce_sum3A_19 = arith.constant dense<0.000000e+00> : vector<1024xf32>
    %reduce_sum3A_20 = vector.multi_reduction <add>, %integer_pow3A, %reduce_sum3A_19 [1] : vector<1024x1024xf32> to vector<1024xf32>
    %broadcast_in_dim3A_21 = vector.shape_cast %reduce_sum3A_20 : vector<1024xf32> to vector<1024x1xf32>
    %div3A_22 = arith.constant 1.024000e+03 : f32
    %div3A_23 = vector.broadcast %div3A_22 : f32 to vector<1024x1xf32>
    %div3A_24 = arith.divf %broadcast_in_dim3A_21, %div3A_23 : vector<1024x1xf32>
    %sub3A_25 = vector.broadcast %div3A_17 : vector<1024x1xf32> to vector<1024x1024xf32>
    %sub3A_26 = arith.subf %add3A, %sub3A_25 : vector<1024x1024xf32>
    %add3A_27 = arith.constant 9.99999974E-6 : f32
    %add3A_28 = vector.broadcast %add3A_27 : f32 to vector<1024x1xf32>
    %add3A_29 = arith.addf %div3A_24, %add3A_28 : vector<1024x1xf32>
    %sqrt3A = math.sqrt %add3A_29 : vector<1024x1xf32>
    %div3A_30 = vector.broadcast %sqrt3A : vector<1024x1xf32> to vector<1024x1024xf32>
    %div3A_31 = arith.divf %sub3A_26, %div3A_30 : vector<1024x1024xf32>
    %get3A_32 = arith.constant 0 : index
    %get3A_33 = arith.constant 0 : index
    %get3A_34 = arith.constant 0 : index
    %get3A_35 = vector.load %arg6[%get3A_32, %get3A_33, %get3A_34] : memref<1x1x1024xf32, #tpu.memory_space<vmem>>, vector<1x1x1024xf32>
    %get3A_36 = vector.shape_cast %get3A_35 : vector<1x1x1024xf32> to vector<1x1024xf32>
    %mul3A_37 = vector.broadcast %get3A_36 : vector<1x1024xf32> to vector<1024x1024xf32>
    %mul3A_38 = arith.mulf %div3A_31, %mul3A_37 : vector<1024x1024xf32>
    %get3A_39 = arith.constant 0 : index
    %get3A_40 = arith.constant 0 : index
    %get3A_41 = arith.constant 0 : index
    %get3A_42 = vector.load %arg7[%get3A_39, %get3A_40, %get3A_41] : memref<1x1x1024xf32, #tpu.memory_space<vmem>>, vector<1x1x1024xf32>
    %get3A_43 = vector.shape_cast %get3A_42 : vector<1x1x1024xf32> to vector<1x1024xf32>
    %add3A_44 = vector.broadcast %get3A_43 : vector<1x1024xf32> to vector<1024x1024xf32>
    %add3A_45 = arith.addf %mul3A_38, %add3A_44 : vector<1024x1024xf32>
    %mul3A_46 = arith.constant 5.000000e-01 : f32
    %mul3A_47 = vector.broadcast %mul3A_46 : f32 to vector<1024x1024xf32>
    %mul3A_48 = arith.mulf %mul3A_47, %add3A_45 : vector<1024x1024xf32>
    %mul3A_49 = arith.constant 0.707106769 : f32
    %mul3A_50 = vector.broadcast %mul3A_49 : f32 to vector<1024x1024xf32>
    %mul3A_51 = arith.mulf %add3A_45, %mul3A_50 : vector<1024x1024xf32>
    %erf3A = math.erf %mul3A_51 : vector<1024x1024xf32>
    %add3A_52 = arith.constant 1.000000e+00 : f32
    %add3A_53 = vector.broadcast %add3A_52 : f32 to vector<1024x1024xf32>
    %add3A_54 = arith.addf %add3A_53, %erf3A : vector<1024x1024xf32>
    %mul3A_55 = arith.mulf %mul3A_48, %add3A_54 : vector<1024x1024xf32>
    %get3A_56 = arith.constant 0 : index
    %get3A_57 = arith.constant 0 : index
    %get3A_58 = vector.load %arg4[%get3A_56, %get3A_57] : memref<1024x1024xf32, #tpu.memory_space<vmem>>, vector<1024x1024xf32>
    %get3A_59 = arith.constant 0 : index
    %get3A_60 = arith.constant 0 : index
    %get3A_61 = arith.constant 0 : index
    %get3A_62 = vector.load %arg5[%get3A_59, %get3A_60, %get3A_61] : memref<1x1x1024xf32, #tpu.memory_space<vmem>>, vector<1x1x1024xf32>
    %get3A_63 = vector.shape_cast %get3A_62 : vector<1x1x1024xf32> to vector<1x1024xf32>
    %add3A_64 = vector.broadcast %get3A_63 : vector<1x1024xf32> to vector<1024x1024xf32>
    %add3A_65 = arith.addf %get3A_58, %add3A_64 : vector<1024x1024xf32>
    %add3A_66 = arith.addf %mul3A_55, %add3A_65 : vector<1024x1024xf32>
    %convert_element_type3A_67 = arith.truncf %add3A_66 : vector<1024x1024xf32> to vector<1024x1024xbf16>
    %get3A_68 = arith.constant 0 : index
    %get3A_69 = arith.constant 0 : index
    %get3A_70 = arith.constant 0 : index
    %get3A_71 = vector.load %arg8[%get3A_68, %get3A_69, %get3A_70] : memref<1x1024x1024xbf16, #tpu.memory_space<vmem>>, vector<1x1024x1024xbf16>
    %get3A_72 = vector.shape_cast %get3A_71 : vector<1x1024x1024xbf16> to vector<1024x1024xbf16>
    %dot_general3A = arith.constant dense<0.000000e+00> : vector<1024x1024xf32>
    %dot_general3A_73 = tpu.matmul %convert_element_type3A_67, %get3A_72, %dot_general3A {dimension_numbers = #tpu.dot_dimension_numbers<[1], [0], [0], [1], [0, 0, 1, 1], [], []>, transpose_lhs_hint = false} : vector<1024x1024xbf16>, vector<1024x1024xbf16>, vector<1024x1024xf32> -> vector<1024x1024xf32>
    %get3A_74 = arith.constant 0 : index
    %get3A_75 = arith.constant 0 : index
    %get3A_76 = arith.constant 0 : index
    %get3A_77 = vector.load %arg9[%get3A_74, %get3A_75, %get3A_76] : memref<1x1x1024xf32, #tpu.memory_space<vmem>>, vector<1x1x1024xf32>
    %get3A_78 = vector.shape_cast %get3A_77 : vector<1x1x1024xf32> to vector<1x1024xf32>
    %add3A_79 = vector.broadcast %get3A_78 : vector<1x1024xf32> to vector<1024x1024xf32>
    %add3A_80 = arith.addf %dot_general3A_73, %add3A_79 : vector<1024x1024xf32>
    %swap3A = arith.constant 0 : index
    %swap3A_81 = arith.constant 0 : index
    %swap3A_82 = vector.load %arg10[%swap3A, %swap3A_81] : memref<1024x1024xf32, #tpu.memory_space<vmem>>, vector<1024x1024xf32>
    tpu.vector_store %arg10[%swap3A, %swap3A_81], %add3A_80 {strides = array<i32>} : memref<1024x1024xf32, #tpu.memory_space<vmem>>, vector<1024x1024xf32>,
    return
  }
  func.func @transform_0(%arg0: i32) -> (i32, i32) {
    %c0_i32 = arith.constant 0 : i32
    %c0_i32_0 = arith.constant 0 : i32
    return %arg0, %c0_i32 : i32, i32
  }
  func.func @transform_1(%arg0: i32) -> (i32, i32) {
    %add3A = arith.constant 8 : i32
    %add3A_0 = arith.addi %arg0, %add3A : i32
    %c0_i32 = arith.constant 0 : i32
    %c0_i32_1 = arith.constant 0 : i32
    return %add3A_0, %c0_i32 : i32, i32
  }
  func.func @transform_2(%arg0: i32) -> (i32, i32) {
    %c0_i32 = arith.constant 0 : i32
    %c0_i32_0 = arith.constant 0 : i32
    return %arg0, %c0_i32 : i32, i32
  }
  func.func @transform_3(%arg0: i32) -> (i32, i32) {
    %jit3A = arith.constant 4 : i32
    %eq3A = arith.constant 0 : i32
    %eq3A_0 = arith.cmpi eq, %jit3A, %eq3A : i32
    %jit3A_1 = arith.constant 1 : i32
    %select_n3A = arith.select %eq3A_0, %jit3A_1, %jit3A : i32
    %rem3A = arith.remsi %arg0, %select_n3A : i32
    %ne3A = arith.constant 0 : i32
    %ne3A_2 = arith.cmpi ne, %rem3A, %ne3A : i32
    %lt3A = arith.constant 0 : i32
    %lt3A_3 = arith.cmpi slt, %rem3A, %lt3A : i32
    %lt3A_4 = arith.constant 0 : i32
    %lt3A_5 = arith.cmpi slt, %select_n3A, %lt3A_4 : i32
    %ne3A_6 = arith.xori %lt3A_3, %lt3A_5 : i1
    %and3A = arith.andi %ne3A_6, %ne3A_2 : i1
    %add3A = arith.addi %rem3A, %select_n3A : i32
    %select_n3A_7 = arith.select %and3A, %add3A, %rem3A : i32
    %c0_i32 = arith.constant 0 : i32
    %c0_i32_8 = arith.constant 0 : i32
    return %select_n3A_7, %c0_i32 : i32, i32
  }
  func.func @transform_4(%arg0: i32) -> (i32, i32, i32) {
    %jit3A = arith.constant 4 : i32
    %div3A = arith.divsi %arg0, %jit3A : i32
    %sign3A = arith.constant 0 : i32
    %sign3A_0 = arith.cmpi sgt, %arg0, %sign3A : i32
    %sign3A_1 = arith.extui %sign3A_0 : i1 to i32
    %sign3A_2 = arith.constant 0 : i32
    %sign3A_3 = arith.cmpi slt, %arg0, %sign3A_2 : i32
    %sign3A_4 = arith.extui %sign3A_3 : i1 to i32
    %sign3A_5 = arith.subi %sign3A_1, %sign3A_4 : i32
    %sign3A_6 = arith.constant 0 : i32
    %sign3A_7 = arith.cmpi sgt, %jit3A, %sign3A_6 : i32
    %sign3A_8 = arith.extui %sign3A_7 : i1 to i32
    %sign3A_9 = arith.constant 0 : i32
    %sign3A_10 = arith.cmpi slt, %jit3A, %sign3A_9 : i32
    %sign3A_11 = arith.extui %sign3A_10 : i1 to i32
    %sign3A_12 = arith.subi %sign3A_8, %sign3A_11 : i32
    %ne3A = arith.cmpi ne, %sign3A_5, %sign3A_12 : i32
    %rem3A = arith.remsi %arg0, %jit3A : i32
    %ne3A_13 = arith.constant 0 : i32
    %ne3A_14 = arith.cmpi ne, %rem3A, %ne3A_13 : i32
    %and3A = arith.andi %ne3A, %ne3A_14 : i1
    %sub3A = arith.constant 1 : i32
    %sub3A_15 = arith.subi %div3A, %sub3A : i32
    %select_n3A = arith.select %and3A, %sub3A_15, %div3A : i32
    %c0_i32 = arith.constant 0 : i32
    %c0_i32_16 = arith.constant 0 : i32
    %c0_i32_17 = arith.constant 0 : i32
    return %select_n3A, %c0_i32, %c0_i32_16 : i32, i32, i32
  }
  func.func @transform_5(%arg0: i32) -> (i32, i32, i32) {
    %jit3A = arith.constant 4 : i32
    %div3A = arith.divsi %arg0, %jit3A : i32
    %sign3A = arith.constant 0 : i32
    %sign3A_0 = arith.cmpi sgt, %arg0, %sign3A : i32
    %sign3A_1 = arith.extui %sign3A_0 : i1 to i32
    %sign3A_2 = arith.constant 0 : i32
    %sign3A_3 = arith.cmpi slt, %arg0, %sign3A_2 : i32
    %sign3A_4 = arith.extui %sign3A_3 : i1 to i32
    %sign3A_5 = arith.subi %sign3A_1, %sign3A_4 : i32
    %sign3A_6 = arith.constant 0 : i32
    %sign3A_7 = arith.cmpi sgt, %jit3A, %sign3A_6 : i32
    %sign3A_8 = arith.extui %sign3A_7 : i1 to i32
    %sign3A_9 = arith.constant 0 : i32
    %sign3A_10 = arith.cmpi slt, %jit3A, %sign3A_9 : i32
    %sign3A_11 = arith.extui %sign3A_10 : i1 to i32
    %sign3A_12 = arith.subi %sign3A_8, %sign3A_11 : i32
    %ne3A = arith.cmpi ne, %sign3A_5, %sign3A_12 : i32
    %rem3A = arith.remsi %arg0, %jit3A : i32
    %ne3A_13 = arith.constant 0 : i32
    %ne3A_14 = arith.cmpi ne, %rem3A, %ne3A_13 : i32
    %and3A = arith.andi %ne3A, %ne3A_14 : i1
    %sub3A = arith.constant 1 : i32
    %sub3A_15 = arith.subi %div3A, %sub3A : i32
    %select_n3A = arith.select %and3A, %sub3A_15, %div3A : i32
    %c0_i32 = arith.constant 0 : i32
    %c0_i32_16 = arith.constant 0 : i32
    %c0_i32_17 = arith.constant 0 : i32
    return %select_n3A, %c0_i32, %c0_i32_16 : i32, i32, i32
  }
  func.func @transform_6(%arg0: i32) -> (i32, i32, i32) {
    %jit3A = arith.constant 4 : i32
    %div3A = arith.divsi %arg0, %jit3A : i32
    %sign3A = arith.constant 0 : i32
    %sign3A_0 = arith.cmpi sgt, %arg0, %sign3A : i32
    %sign3A_1 = arith.extui %sign3A_0 : i1 to i32
    %sign3A_2 = arith.constant 0 : i32
    %sign3A_3 = arith.cmpi slt, %arg0, %sign3A_2 : i32
    %sign3A_4 = arith.extui %sign3A_3 : i1 to i32
    %sign3A_5 = arith.subi %sign3A_1, %sign3A_4 : i32
    %sign3A_6 = arith.constant 0 : i32
    %sign3A_7 = arith.cmpi sgt, %jit3A, %sign3A_6 : i32
    %sign3A_8 = arith.extui %sign3A_7 : i1 to i32
    %sign3A_9 = arith.constant 0 : i32
    %sign3A_10 = arith.cmpi slt, %jit3A, %sign3A_9 : i32
    %sign3A_11 = arith.extui %sign3A_10 : i1 to i32
    %sign3A_12 = arith.subi %sign3A_8, %sign3A_11 : i32
    %ne3A = arith.cmpi ne, %sign3A_5, %sign3A_12 : i32
    %rem3A = arith.remsi %arg0, %jit3A : i32
    %ne3A_13 = arith.constant 0 : i32
    %ne3A_14 = arith.cmpi ne, %rem3A, %ne3A_13 : i32
    %and3A = arith.andi %ne3A, %ne3A_14 : i1
    %sub3A = arith.constant 1 : i32
    %sub3A_15 = arith.subi %div3A, %sub3A : i32
    %select_n3A = arith.select %and3A, %sub3A_15, %div3A : i32
    %c0_i32 = arith.constant 0 : i32
    %c0_i32_16 = arith.constant 0 : i32
    %c0_i32_17 = arith.constant 0 : i32
    return %select_n3A, %c0_i32, %c0_i32_16 : i32, i32, i32
  }
  func.func @transform_7(%arg0: i32) -> (i32, i32, i32) {
    %jit3A = arith.constant 4 : i32
    %div3A = arith.divsi %arg0, %jit3A : i32
    %sign3A = arith.constant 0 : i32
    %sign3A_0 = arith.cmpi sgt, %arg0, %sign3A : i32
    %sign3A_1 = arith.extui %sign3A_0 : i1 to i32
    %sign3A_2 = arith.constant 0 : i32
    %sign3A_3 = arith.cmpi slt, %arg0, %sign3A_2 : i32
    %sign3A_4 = arith.extui %sign3A_3 : i1 to i32
    %sign3A_5 = arith.subi %sign3A_1, %sign3A_4 : i32
    %sign3A_6 = arith.constant 0 : i32
    %sign3A_7 = arith.cmpi sgt, %jit3A, %sign3A_6 : i32
    %sign3A_8 = arith.extui %sign3A_7 : i1 to i32
    %sign3A_9 = arith.constant 0 : i32
    %sign3A_10 = arith.cmpi slt, %jit3A, %sign3A_9 : i32
    %sign3A_11 = arith.extui %sign3A_10 : i1 to i32
    %sign3A_12 = arith.subi %sign3A_8, %sign3A_11 : i32
    %ne3A = arith.cmpi ne, %sign3A_5, %sign3A_12 : i32
    %rem3A = arith.remsi %arg0, %jit3A : i32
    %ne3A_13 = arith.constant 0 : i32
    %ne3A_14 = arith.cmpi ne, %rem3A, %ne3A_13 : i32
    %and3A = arith.andi %ne3A, %ne3A_14 : i1
    %sub3A = arith.constant 1 : i32
    %sub3A_15 = arith.subi %div3A, %sub3A : i32
    %select_n3A = arith.select %and3A, %sub3A_15, %div3A : i32
    %c0_i32 = arith.constant 0 : i32
    %c0_i32_16 = arith.constant 0 : i32
    %c0_i32_17 = arith.constant 0 : i32
    return %select_n3A, %c0_i32, %c0_i32_16 : i32, i32, i32
  }
  func.func @transform_8(%arg0: i32) -> (i32, i32, i32) {
    %jit3A = arith.constant 4 : i32
    %div3A = arith.divsi %arg0, %jit3A : i32
    %sign3A = arith.constant 0 : i32
    %sign3A_0 = arith.cmpi sgt, %arg0, %sign3A : i32
    %sign3A_1 = arith.extui %sign3A_0 : i1 to i32
    %sign3A_2 = arith.constant 0 : i32
    %sign3A_3 = arith.cmpi slt, %arg0, %sign3A_2 : i32
    %sign3A_4 = arith.extui %sign3A_3 : i1 to i32
    %sign3A_5 = arith.subi %sign3A_1, %sign3A_4 : i32
    %sign3A_6 = arith.constant 0 : i32
    %sign3A_7 = arith.cmpi sgt, %jit3A, %sign3A_6 : i32
    %sign3A_8 = arith.extui %sign3A_7 : i1 to i32
    %sign3A_9 = arith.constant 0 : i32
    %sign3A_10 = arith.cmpi slt, %jit3A, %sign3A_9 : i32
    %sign3A_11 = arith.extui %sign3A_10 : i1 to i32
    %sign3A_12 = arith.subi %sign3A_8, %sign3A_11 : i32
    %ne3A = arith.cmpi ne, %sign3A_5, %sign3A_12 : i32
    %rem3A = arith.remsi %arg0, %jit3A : i32
    %ne3A_13 = arith.constant 0 : i32
    %ne3A_14 = arith.cmpi ne, %rem3A, %ne3A_13 : i32
    %and3A = arith.andi %ne3A, %ne3A_14 : i1
    %sub3A = arith.constant 1 : i32
    %sub3A_15 = arith.subi %div3A, %sub3A : i32
    %select_n3A = arith.select %and3A, %sub3A_15, %div3A : i32
    %c0_i32 = arith.constant 0 : i32
    %c0_i32_16 = arith.constant 0 : i32
    %c0_i32_17 = arith.constant 0 : i32
    return %select_n3A, %c0_i32, %c0_i32_16 : i32, i32, i32
  }
  func.func @transform_9(%arg0: i32) -> (i32, i32) {
    %c0_i32 = arith.constant 0 : i32
    %c0_i32_0 = arith.constant 0 : i32
    return %arg0, %c0_i32 : i32, i32
  }
}

</mosaic_0001>

<sc_bundles>
// kernel: gather_offload_async_start
scs
__scs_entry_jumppad:
0x0: {  	(pc) =	sbr.rel $0x88, $3  }
0x1: {  	(tag) =	ssettag $0x0;
	lr =	simm.s32 $0x1  }
0x2: {  	[smem:$0x3F8E] =	sst lr;
	_ =	strace $0xD0000000  }
0x3: {  	_ = 	snop  }
0x4: {  	_ = 	snop  }
0x5: {  	_ = 	snop  }
0x6: {  	_ = 	snop  }
0x7: {  	_ = 	snop  }
__scs_overlays_trampoline_lowered:
0x8: {  	[smem:$0x3F9D] =	sst s0  }
0x9: {  	[smem:$0x3F9E] =	sst s1  }
0xa: {  	[smem:$0x3F9F] =	sst s2  }
0xb: {  	[smem:$0x3FA0] =	sst s3  }
0xc: {  	[smem:$0x3FA1] =	sst s4  }
0xd: {  	[smem:$0x3FA2] =	sst s5  }
0xe: {  	[smem:$0x3FA3] =	sst s6  }
0xf: {  	[smem:$0x3FA4] =	sst s7  }
0x10: {  	[smem:$0x3FA5] =	sst s8  }
0x11: {  	[smem:$0x3FA6] =	sst s9;
	s0 =	simm.s32 @!p0 $0x0  }
0x12: {  	s1 =	sld [smem:$0x3F8C];
	s0 =	simm.s32 @p0 $0x1  }
0x13: {  	[smem:$0x3FA7] =	sst s0;
	s0 =	simm.s32 @!p1 $0x0  }
0x14: {  	s2 =	sld [smem:$0x3F8B];
	s0 =	simm.s32 @p1 $0x1  }
0x15: {  	[smem:$0x3FA8] =	sst s0;
	s0 =	simm.s32 @!p2 $0x0  }
0x16: {  	s3 =	sld [smem:$0x3FDB];
	s0 =	simm.s32 @p2 $0x1  }
0x17: {  	s4 =	simm.s32 $0x1BF5;
	[smem:$0x3FAA] =	sst s0  }
0x18: {  	s0 =	sld [smem:$0x3F8D];
	_ =	swait.ge [sflag:s4], $0x0  }
0x19: {  	s7 =	sld [smem:$0x3F8E]  }
0x1a: {  	s8 =	sadd.s32 $0xFFFFE003, lr  }
0x1b: {  	s9 =	sadd.s32 $0xFFFFFEF7, lr;
	s5 =	simm.s32 $0xFFFFFFFF;
	p2 =	slt.u32 s8, $0xFFFFF086  }
0x1c: {  	p1 =	slt.u32 s9, $0xF7A;
	s5 =	simm.s32 @!p2 $0x0  }
0x1d: {  	s5 =	simm.s32 @p1 $0x1;
	p0 =	seq.s32 s7, s2  }
0x1e: {  	s7 =	smul.u32 @!p0 $0xF7A, s2;
	p2 =	seq.s32 @!p0 s5, $0x0  }
0x1f: {  	s9 =	smul.u32 $0xF7A, s1;
	s8 =	simm.s32 @!p0 $0x1BF5;
	p2 =	por !p2, p0  }
0x20: {  	[sflag:s8] =	ssyncset.s32 @!p0 $0xFFFFF086;
	s6 =	sadd.s32 @!p0 s3, s7;
	s7 =	simm.s32 @!p0 $0x108  }
0x21: {  	s3 =	sadd.s32 s3, s9;
	s6 =	sadd.s32 @!p0 $0x88, s6;
	s7 =	simm.s32 @p2 $0x1082  }
0x22: {  	[simem:s7], [sflag:s8] =	dma.local @!p0 [hbm:s6], $0xF7A  }
0x23: {  	s9 =	sor.u32 $0xD0000000, s2;
	s6 =	simm.s32 $0x108;
	_ =	swait.ge @!p0 [sflag:s8], $0x0  }
0x24: {  	s3 =	sadd.s32 $0x88, s3;
	s6 =	simm.s32 @!p1 $0x1082;
	[sflag:s4] =	ssyncset.s32 $0xFFFFF086  }
0x25: {  	[simem:s6], [sflag:s4] =	dma.local [hbm:s3], $0xF7A  }
0x26: {  	[smem:$0x3F8E] =	sst s1;
	(tag) =	ssettag s2;
	_ =	strace s9  }
0x27: {  	s1 =	sld [smem:$0x3F9E]  }
0x28: {  	s2 =	sld [smem:$0x3F9F]  }
0x29: {  	s4 =	sld [smem:$0x3FA1]  }
0x2a: {  	p0 =	seq.s32 s5, $0x0;
	s5 =	sld [smem:$0x3FA2]  }
0x2b: {  	s6 =	sld [smem:$0x3FA3]  }
0x2c: {  	s7 =	sld [smem:$0x3FA4]  }
0x2d: {  	s3 =	simm.s32 $0x108;
	s8 =	sld [smem:$0x3FA5]  }
0x2e: {  	s3 =	simm.s32 @!p0 $0x1082;
	s9 =	sld [smem:$0x3FA6]  }
0x2f: {  	lr =	sadd.s32 s0, s3;
	s0 =	sld [smem:$0x3F9D]  }
0x30: {  	s3 =	sld [smem:$0x3FA0]  }
0x31: {  	[smem:$0x3FA9] =	sst s10  }
0x32: {  	s10 =	sld [smem:$0x3FA7];
	_ =	sdelay $0x3  }
0x33: {  	p0 =	seq.s32 s10, $0x1;
	s10 =	sld [smem:$0x3FA9];
	_ =	sdelay $0x3  }
0x34: {  	[smem:$0x3FA9] =	sst s10  }
0x35: {  	s10 =	sld [smem:$0x3FA8];
	_ =	sdelay $0x3  }
0x36: {  	p1 =	seq.s32 s10, $0x1;
	s10 =	sld [smem:$0x3FA9];
	_ =	sdelay $0x3  }
0x37: {  	[smem:$0x3FA9] =	sst s10  }
0x38: {  	s10 =	sld [smem:$0x3FAA]  }
0x39: {  	_ = 	snop;
	(pc) =	sbr.ind lr, $3  }
0x3a: {  	_ = 	snop  }
0x3b: {  	_ = 	snop  }
0x3c: {  	p2 =	seq.s32 s10, $0x1;
	s10 =	sld [smem:$0x3FA9]  }
0x3d: {  	_ =	shalt  }
0x3e: {  	_ =	shalt  }
0x3f: {  	_ =	shalt  }
0x40: {  	_ =	shalt  }
0x41: {  	_ =	shalt  }
0x42: {  	_ =	shalt  }
0x43: {  	_ =	shalt  }
0x44: {  	_ =	shalt  }
0x45: {  	_ =	shalt  }
0x46: {  	_ =	shalt  }
0x47: {  	_ =	shalt  }
0x48: {  	_ =	shalt  }
0x49: {  	_ =	shalt  }
0x4a: {  	_ =	shalt  }
0x4b: {  	_ =	shalt  }
0x4c: {  	_ =	shalt  }
0x4d: {  	_ =	shalt  }
0x4e: {  	_ =	shalt  }
0x4f: {  	_ =	shalt  }
0x50: {  	_ =	shalt  }
0x51: {  	_ =	shalt  }
0x52: {  	_ =	shalt  }
0x53: {  	_ =	shalt  }
0x54: {  	_ =	shalt  }
0x55: {  	_ =	shalt  }
0x56: {  	_ =	shalt  }
0x57: {  	_ =	shalt  }
0x58: {  	_ =	shalt  }
0x59: {  	_ =	shalt  }
0x5a: {  	_ =	shalt  }
0x5b: {  	_ =	shalt  }
0x5c: {  	_ =	shalt  }
0x5d: {  	_ =	shalt  }
0x5e: {  	_ =	shalt  }
0x5f: {  	_ =	shalt  }
0x60: {  	_ =	shalt  }
0x61: {  	_ =	shalt  }
0x62: {  	_ =	shalt  }
0x63: {  	_ =	shalt  }
0x64: {  	_ =	shalt  }
0x65: {  	_ =	shalt  }
0x66: {  	_ =	shalt  }
0x67: {  	_ =	shalt  }
0x68: {  	_ =	shalt  }
0x69: {  	_ =	shalt  }
0x6a: {  	_ =	shalt  }
0x6b: {  	_ =	shalt  }
0x6c: {  	_ =	shalt  }
0x6d: {  	_ =	shalt  }
0x6e: {  	_ =	shalt  }
0x6f: {  	_ =	shalt  }
0x70: {  	_ =	shalt  }
0x71: {  	_ =	shalt  }
0x72: {  	_ =	shalt  }
0x73: {  	_ =	shalt  }
0x74: {  	_ =	shalt  }
0x75: {  	_ =	shalt  }
0x76: {  	_ =	shalt  }
0x77: {  	_ =	shalt  }
0x78: {  	_ =	shalt  }
0x79: {  	_ =	shalt  }
0x7a: {  	_ =	shalt  }
0x7b: {  	_ =	shalt  }
0x7c: {  	_ =	shalt  }
0x7d: {  	_ =	shalt  }
0x7e: {  	_ =	shalt  }
0x7f: {  	_ =	shalt  }
0x80: {  	_ =	shalt  }
0x81: {  	_ =	shalt  }
0x82: {  	_ =	shalt  }
0x83: {  	_ =	shalt  }
0x84: {  	_ =	shalt  }
0x85: {  	_ =	shalt  }
0x86: {  	_ =	shalt  }
0x87: {  	_ =	shalt  }
.Lfunc_end0:
.L_simem_size_0:
called_computation.7_lowered:
.L_overlay_start_0:
0x88: {  	s2 =	sld [smem:$0x3FD9]  }
0x89: {  	s3 =	sld [smem:$0x3FFE];
	_ =	sdelay $0x1  }
0x8a: {  	s1 =	srdreg.scid  }
0x8b: {  	s0 =	sand.u32 $0x1, s1  }
0x8c: {  	s14 =	sshll.u32 s0, $0xA;
	s2 =	sadd.s32 s3, s2  }
0x8d: {  	s2 =	sadd.s32 s2, s14  }
0x8e: {  	[smem:$0x3FB5] =	sst s2  }
0x8f: {  	_ = 	snop  }
0x90: {  	s2 =	sld [smem:$0x3FD0];
	_ =	sdelay $0x2  }
0x91: {  	s15 =	simm.s32 $0xB;
	s4 =	simm.s32 $0x10  }
0x92: {  	[smem:s4], [sflag:s15] =	dma.local [hbm:s2], $0x1  }
0x93: {  	_ =	swait.eq [sflag:s15], $0x1  }
0x94: {  	[sflag:s15] =	ssyncset.done $0x0  }
0x95: {  	[sflag:s15] =	ssyncadd.s32 $0xFFFFFFFF  }
0x96: {  	s16 =	sld [smem:$0x11];
	(tm) =	ssettm $0x1  }
0x97: {  	s17 =	sld [smem:$0x3FFB];
	_ =	sdelay $0x3  }
0x98: {  	_ =	strace s17  }
0x99: {  	s3 =	sld [smem:$0x3FFC];
	_ =	sdelay $0x3  }
0x9a: {  	_ =	strace s3  }
0x9b: {  	s3 =	sld [smem:$0x3FFD];
	_ =	sdelay $0x3  }
0x9c: {  	_ =	strace s3  }
0x9d: {  	_ =	strace $0x8FFFFFFF  }
0x9e: {  	s18 =	sld [smem:$0x3FDB];
	_ =	sdelay $0x1  }
0x9f: {  	s19 =	simm.s32 $_scs_section_size  }
0xa0: {  	s5 =	simm.s32 $_size__tile_overlayer_lowered;
	s6 =	simm.s32 $_tile_overlayer_lowered  }
0xa1: {  	s22 =	simm.s32 $0x1BFF;
	s21 =	sshll.u32 s6, $0x1;
	s3 =	sadd.s32 s19, s18  }
0xa2: {  	s7 =	simm.s32 $0x0;
	s20 =	sshll.u32 s5, $0x1;
	s5 =	sadd.s32 s21, s3  }
0xa3: {  	[timem:s7], [sflag:s22] =	dma.local [hbm:s5], s20  }
0xa4: {  	_ =	swait.ge [sflag:s22], s20  }
0xa5: {  	s4 =	ssub.s32 $0x0, s20;
	[sflag:s22] =	ssyncset.done $0x0  }
0xa6: {  	[sflag:s22] =	ssyncadd.s32 s4;
	_ =	sdelay $0x1  }
0xa7: {  	s23 =	simm.s32 $0x1B8B  }
0xa8: {  	_ =	swait.ge [sflag:s23], $0x1  }
0xa9: {  	[sflag:s23] =	ssyncset.done $0x0  }
0xaa: {  	s25 =	simm.s32 $0x1B8E;
	s24 =	sld [smem:$0x3FFE];
	[sflag:s23] =	ssyncadd.s32 $0xFFFFFFFF  }
0xab: {  	s26 =	simm.s32 $execute0_lowered;
	[smem:$0x3FD2] =	sst s25  }
0xac: {  	s5 =	sshll.u32 s26, $0x1;
	_ =	strace $0x80000046;
	[dreg:$0x1] =	wrdreg $0xFFFFFFFF  }
0xad: {  	s28 =	simm.s32 $_size_execute0_lowered;
	s3 =	sadd.s32 s3, s5;
	[dreg:$0x0] =	wrdreg $0x0  }
0xae: {  	s5 =	sshll.u32 s28, $0x1;
	[dreg:$0x2] =	wrdreg s3  }
0xaf: {  	[dreg:$0x3] =	wrdreg s5  }
0xb0: {  	[dreg:$0x4] =	wrdreg $0xC0  }
0xb1: {  	_ =	task [dreg:s7], $0x5FFFF  }
0xb2: {  	[dreg:$0x1] =	wrdreg $0xFFFFFFFF  }
0xb3: {  	[dreg:$0x0] =	wrdreg $0x60  }
0xb4: {  	[dreg:$0x2] =	wrdreg s16  }
0xb5: {  	[dreg:$0x3] =	wrdreg s24  }
0xb6: {  	[dreg:$0x4] =	wrdreg $0xA  }
0xb7: {  	_ =	task.clear_ibuf [dreg:s7], $0x5FFFF;
	_ =	strace $0x90000046  }
0xb8: {  	s29 =	simm.s32 $0xA;
	_ =	strace $0x80000048  }
0xb9: {  	_ =	swait.ge [sflag:s29], $0x1  }
0xba: {  	[sflag:s29] =	ssyncadd.s32 $0xFFFFFFFF  }
0xbb: {  	_ =	strace $0x90000048  }
0xbc: {  	_ =	sfence  }
0xbd: {  	s30 =	sld [smem:$0x0];
	_ =	sdelay $0x2  }
0xbe: {  	s31 =	sshll.u32 s1, $0xD;
	s1 =	sshrl.u32 s1, $0x2  }
0xbf: {  	s3 =	sand.u32 $0x4000, s31;
	s1 =	sadd.s32 s1, s30  }
0xc0: {  	s0 =	sor.u32 s3, s0;
	s1 =	sshll.u32 s1, $0x11  }
0xc1: {  	s0 =	sor.u32 s1, s0  }
0xc2: {  	s0 =	sadd.s32 $0x8F2B, s0  }
0xc3: {  	[sflag:s0] =	ssyncadd.remote.s32 $0x1  }
0xc4: {  	_ =	sfence.sel $0xFFFF  }
0xc5: {  	[dreg:$0x0] =	wrdreg $0xFFFFFFFF;
	(pc) =	sbr.abs _section_cstart, $3  }
0xc6: {  	[dreg:$0x1] =	wrdreg $0xFFFFFFFF  }
0xc7: {  	_ =	task.clear_ibuf [dreg:s7], $0x2FFFF;
	_ =	strace $0x9FFFFFFF  }
0xc8: {  	(tm) =	ssettm $0x7FFFFFFF  }
0xc9: {  	_ =	shalt  }
tec
execute0_lowered:
.L_overlay_start_1:
0x0: {  	(tag) =	ssettag $0x1  }
0x1: {  	s1 =	srdreg.scid;
	s2 =	rddreg [dreg:$0x0]  }
0x2: {  	s0 =	stileid.u32;
	s5 =	rddreg [dreg:$0x1];
	s6 =	simm.s32 $0x1  }
0x3: {  	s9 =	simm.s32 $0x1;
	s10 =	simm.s32 $0x3;
	s1 =	sshll.u32 s1, $0x8  }
0x4: {  	s13 =	simm.s32 $0x0;
	s3 =	sshll.u32 s0, $0x9;
	s4 =	sand.u32 $0x100, s1  }
0x5: {  	s12 =	simm.s32 $0x0;
	s1 =	rddreg [dreg:$0x2];
	s3 =	sor.u32 s3, s4  }
0x6: {  	_ =	strace $0x80000047;
	s4 =	sadd.s32 $0x23400, s5;
	s8 =	ssub.s32 $0x4000, s3  }
.Ltmp0:
0x7: {  	s5 =	sadd.s32 $0x23C00, s5;
	s7 =	sand.u32 $0x1F00, s8;
	(pc) =	sbr.rel .LBB2_1-.Ltmp0, $4  }
0x8: {  	[sflag:s6] =	ssyncpa.u1 $0x0;
	s11 =	smov.u32 s3;
	p0 =	sne.s32 s7, $0x0  }
0x9: {  	s8 =	sshrl.u32 s8, $0xD;
	s7 =	simm.s32 $0x2;
	s9 =	simm.s32 @!p0 $0x0  }
0xa: {  	[sflag:s7] =	ssyncpa.u1 $0x0;
	p0 =	por $0x0, $0x0;
	s8 =	sadd.s32 s9, s8  }
0xb: {  	vm0 =	vmmov $0xffff;
	[sflag:s10] =	ssyncpa.u1 $0x0;
	s10 =	simm.s32 $0x0;
	s9 =	sadd.s32 $0x1, s8  }
.LBB2_4:
0xc: {  	v5 =	vshrl.u32 v1, $0xE;
	v6 =	vshll.u32 v1, $0x7  }
0xd: {  	vm1 =	veq.s32 v1, $0x80000000;
	v58 =	vand.u32 $0x7, v5;
	v59 =	vand.u32 $0x1FFF80, v6  }
0xe: {  	v1 =	vsel vm1, $0xFFFFFFFF, v58;
	v5 =	vsel vm1, $0xFFFFFF80, v59  }
0xf: {  	v3 =	vor.u32 v4, v3;
	v60 =	vand.u32 $0xFFFFFC00, v5;
	v61 =	vand.u32 $0xFFFFFC00, v1  }
0x10: {  	v2 =	vor.u32 v2, v3;
	v63 =	vand.u32 $0x380, v5;
	v62 =	vadd.s32 v61, v60  }
0x11: {  	v1 =	vand.u32 $0x7F, v1;
	v3 =	vor.u32 v63, v62  }
0x12: {  	v1 =	vor.u32 v1, v3  }
0x13: {  	[tilespmem:s15], [sflag:$0x1] =	stream.indirect_vreg.gather [hbm4b:s2+s10], $0x1, v0, vm0, $0x4038;
	[tilespmem:$0x400] =	vst v63  }
0x14: {  	(ifvalue) =	ssetifvalue $0x7FFFFFFF  }
0x15: {  	[tilespmem:s16], [sflag:$0x1] =	stream.indirect_vreg.gather [hbm4b:s2+s10], $0x1, v2, vm0, $0x4038;
	[tilespmem:$0x400] =	vst v63  }
0x16: {  	s29 =	sadd.s32 $0x10, s16;
	(ifvalue) =	ssetifvalue $0x7FFFFFFF  }
0x17: {  	[tilespmem:s29], [sflag:$0x1] =	stream.indirect_vreg.gather [hbm4b:s2+s10], $0x1, v1, vm0, $0x4038;
	[tilespmem:$0x400] =	vst v63  }
0x18: {  	_ =	swait.ge [sflag:s6], $0x100  }
0x19: {  	s30 =	sshrl.u32 s13, $0x3;
	[sflag:s6] =	ssyncset.done $0x0  }
0x1a: {  	s31 =	sand.u32 $0x7, s13;
	s15 =	sadd.s32 s5, s30;
	[sflag:s6] =	ssyncadd.s32 $0xFFFFFF00  }
0x1b: {  	[hbm4b:s15+s31] =	stream.linear.scatter [tilespmem:s14], [sflag:$0x3], $0x100, $0x38;
	[tilespmem:$0x400] =	vst v63  }
.LBB2_5:
0x1c: {  	s15 =	sadd.s32 $0x2000, s11  }
0x1d: {  	p2 =	sgt.s32 s15, $0x3FFF  }
0x1e: {  	s15 =	smov.u32 @p2 s3;
	p2 =	sne.s32 s12, s9  }
.Ltmp1:
0x1f: {  	p1 =	slt.u32 s12, $0x2;
	(pc) =	sbr.rel @!p2 .LBB2_6-.Ltmp1, $4  }
0x20: {  	s14 =	simm.s32 @!p1 $0x3  }
0x21: {  	s16 =	sadd.s32 $0x1, s12;
	_ =	swait.ge @!p1 [sflag:s14], $0x100  }
0x22: {  	s13 =	smov.u32 s11;
	p0 =	por !p0, !p0;
	[sflag:s14] =	ssyncset.done @!p1 $0x0  }
0x23: {  	s12 =	smov.u32 s16;
	s11 =	smov.u32 s15;
	[sflag:s14] =	ssyncadd.s32 @!p1 $0xFFFFFF00  }
.LBB2_1:
0x24: {  	p1 =	sge.u32 s12, s8  }
0x25: {  	s14 =	sxor.u32 @!p1 $0xFFFFFFFF, s12  }
0x26: {  	s31 =	sadd.s32 $0xFFFFFFFF, s12;
	s15 =	sshrl.u32 @!p1 s11, $0x3;
	s14 =	sshll.u32 @!p1 s14, $0x8  }
0x27: {  	s16 =	sand.u32 @!p1 $0x7, s11;
	s15 =	sadd.s32 @!p1 s4, s15;
	s14 =	sand.u32 @!p1 $0x100, s14  }
0x28: {  	[tilespmem:s14], [sflag:$0x2] =	stream.linear.gather @!p1 [hbm4b:s15+s16], $0x100, $0x38;
	[tilespmem:$0x400] =	vst v63  }
0x29: {  	p1 =	sge.u32 s31, s8  }
.Ltmp2:
0x2a: {  	_ = 	snop;
	(pc) =	sbr.rel @p1 .LBB2_5-.Ltmp2, $1  }
0x2b: {  	_ =	sdelay $0x3  }
0x2c: {  	s14 =	simm.s32 $0x1  }
0x2d: {  	_ =	swait.ge [sflag:s7], $0x100;
	s14 =	simm.s32 @!p0 $0x0  }
0x2e: {  	[sflag:s7] =	ssyncset.done $0x0;
	s14 =	sshll.u32 s14, $0x8  }
0x2f: {  	[sflag:s7] =	ssyncadd.s32 $0xFFFFFF00;
	(ifvalue) =	ssetifvalue $0x7FFFFFFF;
	v0 =	vld.msk [tilespmem:s14+$0x0 ss:$0x1], $0xffff;
	_ =	sdelay $0x4  }
0x30: {  	s15 =	sadd.s32 $0x10, s14;
	v2 =	vshrl.u32 v0, $0xE;
	v3 =	vshll.u32 v0, $0x7  }
0x31: {  	v1 =	vld.msk [tilespmem:s15+$0x0 ss:$0x1], $0xffff;
	vm1 =	veq.s32 v0, $0x80000000;
	v0 =	vand.u32 $0x7, v2;
	v2 =	vand.u32 $0x1FFF80, v3  }
0x32: {  	v0 =	vsel vm1, $0xFFFFFFFF, v0;
	v2 =	vsel vm1, $0xFFFFFF80, v2  }
0x33: {  	v3 =	vand.u32 $0xFFFFFC00, v2;
	v4 =	vand.u32 $0xFFFFFC00, v0  }
0x34: {  	v2 =	vand.u32 $0x380, v2;
	v3 =	vadd.s32 v4, v3  }
0x35: {  	v0 =	vand.u32 $0x7F, v0;
	v2 =	vor.u32 v2, v3  }
0x36: {  	v5 =	vshll.u32 v1, $0x7;
	v4 =	vshrl.u32 v1, $0xE;
	v0 =	vor.u32 v0, v2  }
0x37: {  	s16 =	sshll.u32 s12, $0x8;
	vm1 =	veq.s32 v1, $0x80000000;
	v1 =	vand.u32 $0x7, v4;
	v4 =	vand.u32 $0x1FFF80, v5  }
0x38: {  	s16 =	sand.u32 $0x100, s16;
	s18 =	sadd.s32 $0x10, s15;
	v3 =	vsel vm1, $0xFFFFFFFF, v1;
	v4 =	vsel vm1, $0xFFFFFF80, v4  }
0x39: {  	s17 =	simm.s32 $0x20;
	s15 =	sor.u32 $0x200, s14;
	s14 =	sor.u32 $0x200, s16;
	v1 =	vld.msk [tilespmem:s18+$0x0 ss:$0x1], $0xffff;
	v5 =	vand.u32 $0xFFFFFC00, v4;
	v6 =	vand.u32 $0xFFFFFC00, v3  }
0x3a: {  	s16 =	sadd.s32 $0x10, s15;
	s18 =	sadd.s32 $0x10, s18;
	(ifvalue) =	ssetifvalue $0x7FFFFFFF;
	v2 =	vand.u32 $0x7F, v3;
	v4 =	vand.u32 $0x380, v4;
	v3 =	vadd.s32 v6, v5  }
.LBB2_3:
0x3b: {  	[tilespmem:s15], [sflag:$0x1] =	stream.indirect_vreg.gather [hbm4b:s2+s10], $0x1, v0, vm0, $0x4038;
	[tilespmem:$0x400] =	vst v63  }
0x3c: {  	s17 =	sadd.s32 $0x10, s17  }
0x3d: {  	v3 =	vor.u32 v4, v3;
	p1 =	slt.u32 s17, $0xF0  }
.Ltmp3:
0x3e: {  	v4 =	vshrl.u32 v1, $0xE;
	v5 =	vshll.u32 v1, $0x7;
	s15 =	smov.u32 s16;
	v0 =	vor.u32 v2, v3;
	v2 =	vmovc v1;
	v1 =	vld.msk [tilespmem:s18+$0x0 ss:$0x1], $0xffff;
	(pc) =	sbr.rel @p1 .LBB2_3-.Ltmp3, $4  }
0x3f: {  	v3 =	vand.u32 $0x1FFF80, v5;
	vm1 =	veq.s32 v2, $0x80000000;
	v2 =	vand.u32 $0x7, v4  }
0x40: {  	v4 =	vsel vm1, $0xFFFFFFFF, v2;
	v5 =	vsel vm1, $0xFFFFFF80, v3  }
0x41: {  	v2 =	vand.u32 $0x7F, v4;
	v3 =	vand.u32 $0xFFFFFC00, v5;
	v4 =	vand.u32 $0xFFFFFC00, v4  }
0x42: {  	s16 =	sadd.s32 $0x10, s16;
	s18 =	sadd.s32 $0x10, s18;
	v3 =	vadd.s32 v4, v3;
	v4 =	vand.u32 $0x380, v5;
	(ifvalue) =	ssetifvalue $0x7FFFFFFF  }
.Ltmp4:
0x43: {  	_ = 	snop;
	(pc) =	sbr.rel .LBB2_4-.Ltmp4, $1  }
0x44: {  	_ =	sdelay $0x3  }
.LBB2_6:
0x45: {  	_ =	sfence.sel $0x180000  }
0x46: {  	s2 =	simm.s32 $0x2;
	[bflag:$0x0] =	sbarrier.arrive $0xFFFF  }
0x47: {  	s30 =	simm.s32 $0x3;
	[sflag:s2] =	ssyncpa.u1 $0x1  }
0x48: {  	s31 =	simm.s32 $0x1;
	[sflag:s30] =	ssyncpa.u1 $0x1  }
0x49: {  	[sflag:s31] =	ssyncpa.u1 $0x1  }
0x4a: {  	p0 =	sne.s32 s0, $0x0;
	_ =	strace $0x90000047  }
0x4b: {  	s0 =	sadd.s32 @!p0 $0x100000, s1;
	[bflag:$0x2] =	sbarrier.arrive $0xFFFF  }
0x4c: {  	[sflag:s0] =	ssyncadd.tile.s32 @!p0 $0x1;
	_ =	shalt  }
.Lfunc_end2:
_tile_overlayer_lowered:
.L_overlay_start_2:
0x4d: {  	(tag) =	ssettag $0x2  }
0x4e: {  	s0 =	rddreg [dreg:$0x0];
	s2 =	stileid.u32  }
0x4f: {  	s1 =	rddreg [dreg:$0x1];
	p0 =	sne.s32 s2, $0x0  }
0x50: {  	s3 =	rddreg [dreg:$0x2];
	[bflag:$0x3] =	sbarrier.arrive $0xFFFF;
	s2 =	simm.s32 @!p0 $0x1C01  }
0x51: {  	[timem:s3], [sflag:s2] =	dma.local @!p0 [hbm:s0], s1  }
0x52: {  	s0 =	simm.s32 @!p0 $0x1  }
0x53: {  	_ =	swait.ge @!p0 [sflag:s0], s1  }
0x54: {  	s1 =	ssub.s32 @!p0 $0x0, s1;
	[sflag:s0] =	ssyncset.done @!p0 $0x0  }
0x55: {  	[sflag:s0] =	ssyncadd.s32 @!p0 s1  }
0x56: {  	[bflag:$0x3] =	sbarrier.arrive $0xFFFF  }
0x57: {  	_ =	shalt  }

// kernel: kernel.11.cloned.1.call-start
scs
__scs_entry_jumppad:
0x0: {  	(pc) =	sbr.rel $0x88, $3  }
0x1: {  	(tag) =	ssettag $0x0;
	lr =	simm.s32 $0x1  }
0x2: {  	[smem:$0x3F8E] =	sst lr;
	_ =	strace $0xD0000000  }
0x3: {  	_ = 	snop  }
0x4: {  	_ = 	snop  }
0x5: {  	_ = 	snop  }
0x6: {  	_ = 	snop  }
0x7: {  	_ = 	snop  }
__scs_overlays_trampoline_lowered:
0x8: {  	[smem:$0x3F9D] =	sst s0  }
0x9: {  	[smem:$0x3F9E] =	sst s1  }
0xa: {  	[smem:$0x3F9F] =	sst s2  }
0xb: {  	[smem:$0x3FA0] =	sst s3  }
0xc: {  	[smem:$0x3FA1] =	sst s4  }
0xd: {  	[smem:$0x3FA2] =	sst s5  }
0xe: {  	[smem:$0x3FA3] =	sst s6  }
0xf: {  	[smem:$0x3FA4] =	sst s7  }
0x10: {  	[smem:$0x3FA5] =	sst s8  }
0x11: {  	[smem:$0x3FA6] =	sst s9;
	s0 =	simm.s32 @!p0 $0x0  }
0x12: {  	s1 =	sld [smem:$0x3F8C];
	s0 =	simm.s32 @p0 $0x1  }
0x13: {  	[smem:$0x3FA7] =	sst s0;
	s0 =	simm.s32 @!p1 $0x0  }
0x14: {  	s2 =	sld [smem:$0x3F8B];
	s0 =	simm.s32 @p1 $0x1  }
0x15: {  	[smem:$0x3FA8] =	sst s0;
	s0 =	simm.s32 @!p2 $0x0  }
0x16: {  	s3 =	sld [smem:$0x3FDB];
	s0 =	simm.s32 @p2 $0x1  }
0x17: {  	s4 =	simm.s32 $0x1BF5;
	[smem:$0x3FAA] =	sst s0  }
0x18: {  	s0 =	sld [smem:$0x3F8D];
	_ =	swait.ge [sflag:s4], $0x0  }
0x19: {  	s7 =	sld [smem:$0x3F8E]  }
0x1a: {  	s8 =	sadd.s32 $0xFFFFE003, lr  }
0x1b: {  	s9 =	sadd.s32 $0xFFFFFEF7, lr;
	s5 =	simm.s32 $0xFFFFFFFF;
	p2 =	slt.u32 s8, $0xFFFFF086  }
0x1c: {  	p1 =	slt.u32 s9, $0xF7A;
	s5 =	simm.s32 @!p2 $0x0  }
0x1d: {  	s5 =	simm.s32 @p1 $0x1;
	p0 =	seq.s32 s7, s2  }
0x1e: {  	s7 =	smul.u32 @!p0 $0xF7A, s2;
	p2 =	seq.s32 @!p0 s5, $0x0  }
0x1f: {  	s9 =	smul.u32 $0xF7A, s1;
	s8 =	simm.s32 @!p0 $0x1BF5;
	p2 =	por !p2, p0  }
0x20: {  	[sflag:s8] =	ssyncset.s32 @!p0 $0xFFFFF086;
	s6 =	sadd.s32 @!p0 s3, s7;
	s7 =	simm.s32 @!p0 $0x108  }
0x21: {  	s3 =	sadd.s32 s3, s9;
	s6 =	sadd.s32 @!p0 $0x88, s6;
	s7 =	simm.s32 @p2 $0x1082  }
0x22: {  	[simem:s7], [sflag:s8] =	dma.local @!p0 [hbm:s6], $0xF7A  }
0x23: {  	s9 =	sor.u32 $0xD0000000, s2;
	s6 =	simm.s32 $0x108;
	_ =	swait.ge @!p0 [sflag:s8], $0x0  }
0x24: {  	s3 =	sadd.s32 $0x88, s3;
	s6 =	simm.s32 @!p1 $0x1082;
	[sflag:s4] =	ssyncset.s32 $0xFFFFF086  }
0x25: {  	[simem:s6], [sflag:s4] =	dma.local [hbm:s3], $0xF7A  }
0x26: {  	[smem:$0x3F8E] =	sst s1;
	(tag) =	ssettag s2;
	_ =	strace s9  }
0x27: {  	s1 =	sld [smem:$0x3F9E]  }
0x28: {  	s2 =	sld [smem:$0x3F9F]  }
0x29: {  	s4 =	sld [smem:$0x3FA1]  }
0x2a: {  	p0 =	seq.s32 s5, $0x0;
	s5 =	sld [smem:$0x3FA2]  }
0x2b: {  	s6 =	sld [smem:$0x3FA3]  }
0x2c: {  	s7 =	sld [smem:$0x3FA4]  }
0x2d: {  	s3 =	simm.s32 $0x108;
	s8 =	sld [smem:$0x3FA5]  }
0x2e: {  	s3 =	simm.s32 @!p0 $0x1082;
	s9 =	sld [smem:$0x3FA6]  }
0x2f: {  	lr =	sadd.s32 s0, s3;
	s0 =	sld [smem:$0x3F9D]  }
0x30: {  	s3 =	sld [smem:$0x3FA0]  }
0x31: {  	[smem:$0x3FA9] =	sst s10  }
0x32: {  	s10 =	sld [smem:$0x3FA7];
	_ =	sdelay $0x3  }
0x33: {  	p0 =	seq.s32 s10, $0x1;
	s10 =	sld [smem:$0x3FA9];
	_ =	sdelay $0x3  }
0x34: {  	[smem:$0x3FA9] =	sst s10  }
0x35: {  	s10 =	sld [smem:$0x3FA8];
	_ =	sdelay $0x3  }
0x36: {  	p1 =	seq.s32 s10, $0x1;
	s10 =	sld [smem:$0x3FA9];
	_ =	sdelay $0x3  }
0x37: {  	[smem:$0x3FA9] =	sst s10  }
0x38: {  	s10 =	sld [smem:$0x3FAA]  }
0x39: {  	_ = 	snop;
	(pc) =	sbr.ind lr, $3  }
0x3a: {  	_ = 	snop  }
0x3b: {  	_ = 	snop  }
0x3c: {  	p2 =	seq.s32 s10, $0x1;
	s10 =	sld [smem:$0x3FA9]  }
0x3d: {  	_ =	shalt  }
0x3e: {  	_ =	shalt  }
0x3f: {  	_ =	shalt  }
0x40: {  	_ =	shalt  }
0x41: {  	_ =	shalt  }
0x42: {  	_ =	shalt  }
0x43: {  	_ =	shalt  }
0x44: {  	_ =	shalt  }
0x45: {  	_ =	shalt  }
0x46: {  	_ =	shalt  }
0x47: {  	_ =	shalt  }
0x48: {  	_ =	shalt  }
0x49: {  	_ =	shalt  }
0x4a: {  	_ =	shalt  }
0x4b: {  	_ =	shalt  }
0x4c: {  	_ =	shalt  }
0x4d: {  	_ =	shalt  }
0x4e: {  	_ =	shalt  }
0x4f: {  	_ =	shalt  }
0x50: {  	_ =	shalt  }
0x51: {  	_ =	shalt  }
0x52: {  	_ =	shalt  }
0x53: {  	_ =	shalt  }
0x54: {  	_ =	shalt  }
0x55: {  	_ =	shalt  }
0x56: {  	_ =	shalt  }
0x57: {  	_ =	shalt  }
0x58: {  	_ =	shalt  }
0x59: {  	_ =	shalt  }
0x5a: {  	_ =	shalt  }
0x5b: {  	_ =	shalt  }
0x5c: {  	_ =	shalt  }
0x5d: {  	_ =	shalt  }
0x5e: {  	_ =	shalt  }
0x5f: {  	_ =	shalt  }
0x60: {  	_ =	shalt  }
0x61: {  	_ =	shalt  }
0x62: {  	_ =	shalt  }
0x63: {  	_ =	shalt  }
0x64: {  	_ =	shalt  }
0x65: {  	_ =	shalt  }
0x66: {  	_ =	shalt  }
0x67: {  	_ =	shalt  }
0x68: {  	_ =	shalt  }
0x69: {  	_ =	shalt  }
0x6a: {  	_ =	shalt  }
0x6b: {  	_ =	shalt  }
0x6c: {  	_ =	shalt  }
0x6d: {  	_ =	shalt  }
0x6e: {  	_ =	shalt  }
0x6f: {  	_ =	shalt  }
0x70: {  	_ =	shalt  }
0x71: {  	_ =	shalt  }
0x72: {  	_ =	shalt  }
0x73: {  	_ =	shalt  }
0x74: {  	_ =	shalt  }
0x75: {  	_ =	shalt  }
0x76: {  	_ =	shalt  }
0x77: {  	_ =	shalt  }
0x78: {  	_ =	shalt  }
0x79: {  	_ =	shalt  }
0x7a: {  	_ =	shalt  }
0x7b: {  	_ =	shalt  }
0x7c: {  	_ =	shalt  }
0x7d: {  	_ =	shalt  }
0x7e: {  	_ =	shalt  }
0x7f: {  	_ =	shalt  }
0x80: {  	_ =	shalt  }
0x81: {  	_ =	shalt  }
0x82: {  	_ =	shalt  }
0x83: {  	_ =	shalt  }
0x84: {  	_ =	shalt  }
0x85: {  	_ =	shalt  }
0x86: {  	_ =	shalt  }
0x87: {  	_ =	shalt  }
.Lfunc_end0:
.L_simem_size_0:
called_computation.9_lowered:
.L_overlay_start_0:
0x88: {  	s2 =	sld [smem:$0x3FD9]  }
0x89: {  	s3 =	sld [smem:$0x3FFE];
	_ =	sdelay $0x1  }
0x8a: {  	s1 =	srdreg.scid  }
0x8b: {  	s0 =	sand.u32 $0x1, s1  }
0x8c: {  	s14 =	sshll.u32 s0, $0xA;
	s2 =	sadd.s32 s3, s2  }
0x8d: {  	s2 =	sadd.s32 s2, s14  }
0x8e: {  	[smem:$0x3FB5] =	sst s2  }
0x8f: {  	_ = 	snop  }
0x90: {  	s2 =	sld [smem:$0x3FD0];
	_ =	sdelay $0x2  }
0x91: {  	s15 =	simm.s32 $0xB;
	s4 =	simm.s32 $0x10  }
0x92: {  	[smem:s4], [sflag:s15] =	dma.local [hbm:s2], $0x1  }
0x93: {  	_ =	swait.eq [sflag:s15], $0x1  }
0x94: {  	[sflag:s15] =	ssyncset.done $0x0  }
0x95: {  	[sflag:s15] =	ssyncadd.s32 $0xFFFFFFFF  }
0x96: {  	s16 =	sld [smem:$0x11];
	(tm) =	ssettm $0x1  }
0x97: {  	s17 =	sld [smem:$0x3FFB];
	_ =	sdelay $0x3  }
0x98: {  	_ =	strace s17  }
0x99: {  	s3 =	sld [smem:$0x3FFC];
	_ =	sdelay $0x3  }
0x9a: {  	_ =	strace s3  }
0x9b: {  	s3 =	sld [smem:$0x3FFD];
	_ =	sdelay $0x3  }
0x9c: {  	_ =	strace s3  }
0x9d: {  	_ =	strace $0x8FFFFFFF  }
0x9e: {  	s18 =	sld [smem:$0x3FDB];
	_ =	sdelay $0x1  }
0x9f: {  	s19 =	simm.s32 $_scs_section_size  }
0xa0: {  	s5 =	simm.s32 $_size__tile_overlayer_lowered;
	s6 =	simm.s32 $_tile_overlayer_lowered  }
0xa1: {  	s22 =	simm.s32 $0x1BFF;
	s21 =	sshll.u32 s6, $0x1;
	s3 =	sadd.s32 s19, s18  }
0xa2: {  	s7 =	simm.s32 $0x0;
	s20 =	sshll.u32 s5, $0x1;
	s5 =	sadd.s32 s21, s3  }
0xa3: {  	[timem:s7], [sflag:s22] =	dma.local [hbm:s5], s20  }
0xa4: {  	_ =	swait.ge [sflag:s22], s20  }
0xa5: {  	s4 =	ssub.s32 $0x0, s20;
	[sflag:s22] =	ssyncset.done $0x0  }
0xa6: {  	[sflag:s22] =	ssyncadd.s32 s4;
	_ =	sdelay $0x1  }
0xa7: {  	s23 =	simm.s32 $0x1B8B  }
0xa8: {  	_ =	swait.ge [sflag:s23], $0x1  }
0xa9: {  	[sflag:s23] =	ssyncset.done $0x0  }
0xaa: {  	s25 =	simm.s32 $0x1B8E;
	s24 =	sld [smem:$0x3FFE];
	[sflag:s23] =	ssyncadd.s32 $0xFFFFFFFF  }
0xab: {  	s26 =	simm.s32 $execute0_lowered;
	[smem:$0x3FD2] =	sst s25  }
0xac: {  	s5 =	sshll.u32 s26, $0x1;
	_ =	strace $0x8000005B;
	[dreg:$0x1] =	wrdreg $0xFFFFFFFF  }
0xad: {  	s28 =	simm.s32 $_size_execute0_lowered;
	s3 =	sadd.s32 s3, s5;
	[dreg:$0x0] =	wrdreg $0x0  }
0xae: {  	s5 =	sshll.u32 s28, $0x1;
	[dreg:$0x2] =	wrdreg s3  }
0xaf: {  	[dreg:$0x3] =	wrdreg s5  }
0xb0: {  	[dreg:$0x4] =	wrdreg $0xC0  }
0xb1: {  	_ =	task [dreg:s7], $0x5FFFF  }
0xb2: {  	[dreg:$0x1] =	wrdreg $0xFFFFFFFF  }
0xb3: {  	[dreg:$0x0] =	wrdreg $0x60  }
0xb4: {  	[dreg:$0x2] =	wrdreg s24  }
0xb5: {  	[dreg:$0x3] =	wrdreg s16  }
0xb6: {  	[dreg:$0x4] =	wrdreg $0x9  }
0xb7: {  	_ =	task.clear_ibuf [dreg:s7], $0x5FFFF;
	_ =	strace $0x9000005B  }
0xb8: {  	s29 =	simm.s32 $0x9;
	_ =	strace $0x8000005D  }
0xb9: {  	_ =	swait.ge [sflag:s29], $0x1  }
0xba: {  	[sflag:s29] =	ssyncadd.s32 $0xFFFFFFFF  }
0xbb: {  	_ =	strace $0x9000005D  }
0xbc: {  	_ =	sfence  }
0xbd: {  	s30 =	sld [smem:$0x0];
	_ =	sdelay $0x2  }
0xbe: {  	s31 =	sshll.u32 s1, $0xD;
	s1 =	sshrl.u32 s1, $0x2  }
0xbf: {  	s3 =	sand.u32 $0x4000, s31;
	s1 =	sadd.s32 s1, s30  }
0xc0: {  	s0 =	sor.u32 s3, s0;
	s1 =	sshll.u32 s1, $0x11  }
0xc1: {  	s0 =	sor.u32 s1, s0  }
0xc2: {  	s0 =	sadd.s32 $0x8F2B, s0  }
0xc3: {  	[sflag:s0] =	ssyncadd.remote.s32 $0x1  }
0xc4: {  	_ =	sfence.sel $0xFFFF  }
0xc5: {  	[dreg:$0x0] =	wrdreg $0xFFFFFFFF;
	(pc) =	sbr.abs _section_cstart, $3  }
0xc6: {  	[dreg:$0x1] =	wrdreg $0xFFFFFFFF  }
0xc7: {  	_ =	task.clear_ibuf [dreg:s7], $0x2FFFF;
	_ =	strace $0x9FFFFFFF  }
0xc8: {  	(tm) =	ssettm $0x7FFFFFFF  }
0xc9: {  	_ =	shalt  }
tec
execute0_lowered:
.L_overlay_start_1:
0x0: {  	(tag) =	ssettag $0x1  }
0x1: {  	s0 =	rddreg [dreg:$0x0]  }
0x2: {  	s1 =	rddreg [dreg:$0x1];
	s2 =	simm.s32 $0x0  }
0x3: {  	s3 =	srdreg.scid;
	s5 =	stileid.u32;
	s14 =	simm.s32 $0x1  }
0x4: {  	[smem:$0x7FF] =	sst s2;
	s4 =	sand.u32 $0x1, s3;
	s5 =	sshll.u32 s5, $0xA  }
0x5: {  	s3 =	sadd.s32 $0x24000, s0;
	s19 =	sadd.s32 $0x164000, s0;
	s6 =	sshll.u32 s4, $0x9  }
0x6: {  	_ =	strace $0x8000005C;
	s4 =	ssub.s32 $0x2, s4;
	s5 =	sor.u32 s6, s5  }
0x7: {  	s7 =	sshrl.u32 s4, $0x1;
	s6 =	simm.s32 $0x2;
	s8 =	sshrl.u32 s5, $0x3  }
0x8: {  	s9 =	sshll.u32 s5, $0x6;
	s10 =	sor.u32 $0x80, s5;
	s25 =	sor.u32 $0x100, s5  }
0x9: {  	s7 =	ssub.s32 s4, s7;
	s5 =	sor.u32 $0x180, s5;
	s8 =	sadd.s32 s1, s8  }
0xa: {  	s20 =	sadd.s32 s19, s9;
	s21 =	sshrl.u32 s10, $0x3;
	[dreg:$0x3] =	wrdreg s8  }
0xb: {  	s23 =	sshll.u32 s10, $0x6;
	[dreg:$0x4] =	wrdreg s20;
	s22 =	sadd.s32 s1, s21  }
0xc: {  	s26 =	sshrl.u32 s25, $0x3;
	s24 =	sadd.s32 s19, s23;
	[dreg:$0x5] =	wrdreg s22  }
0xd: {  	s28 =	sshll.u32 s25, $0x6;
	s4 =	sadd.s32 s1, s26;
	[dreg:$0x6] =	wrdreg s24  }
0xe: {  	s30 =	sshrl.u32 s5, $0x3;
	s29 =	sadd.s32 s19, s28;
	[dreg:$0x7] =	wrdreg s4  }
0xf: {  	v2 =	vlaneseq.u32;
	s5 =	sshll.u32 s5, $0x6;
	s1 =	sadd.s32 s1, s30;
	[dreg:$0x8] =	wrdreg s29  }
0x10: {  	vm0 =	vmmov $0xffff;
	v1 =	vshrl.u32 v2, $0x3;
	s25 =	simm.s32 $0x80;
	s31 =	sadd.s32 s19, s5;
	[dreg:$0x9] =	wrdreg s1  }
0x11: {  	v0 =	vand.u32 $0x7, v2;
	v2 =	vor.u32 $0x8, v2;
	v1 =	vmul.u32 $0x8, v1;
	s5 =	smax.u32 s7, $0x1;
	s4 =	sadd.s32 $0x24100, s0;
	[dreg:$0xa] =	wrdreg s31  }
.LBB2_1:
0x12: {  	s15 =	rddreg [dreg:$0x3]  }
0x13: {  	[tilespmem:s2], [sflag:$0x2] =	stream.linear.gather [hbm4b:s15+s2], $0x80, $0x38;
	[tilespmem:$0x10080] =	vst v63  }
0x14: {  	_ =	swait.ge [sflag:s6], $0x80  }
0x15: {  	[sflag:s6] =	ssyncset.done $0x0  }
0x16: {  	[sflag:s6] =	ssyncadd.s32 $0xFFFFFF80  }
0x17: {  	v3 =	vld [tilespmem:$0x0];
	_ =	sdelay $0x4  }
0x18: {  	v4 =	vshll.u32 v3, $0x2  }
0x19: {  	v3 =	vand.u32 $0x7, v3;
	v4 =	vand.u32 $0xFFFFFFE0, v4  }
0x1a: {  	v3 =	vor.u32 v3, v4  }
0x1b: {  	v4 =	vperm.xlane v3, v0;
	_ =	sdelay $0x1  }
0x1c: {  	v4 =	vadd.s32 v1, v4;
	_ =	sdelay $0x1  }
0x1d: {  	v3 =	vperm.xlane v3, v2;
	_ =	sdelay $0x1  }
0x1e: {  	v3 =	vadd.s32 v1, v3  }
0x1f: {  	[tilespmem:s25], [sflag:$0x1] =	stream.indirect_vreg.gather [hbm4b:s3+s2], $0x80, v4, vm0, $0xb8;
	[tilespmem:$0x10080] =	vst v63  }
0x20: {  	s0 =	simm.s32 $0x880  }
0x21: {  	[tilespmem:s0], [sflag:$0x1] =	stream.indirect_vreg.gather [hbm4b:s4+s2], $0x80, v4, vm0, $0xb8;
	[tilespmem:$0x10080] =	vst v63  }
0x22: {  	s7 =	simm.s32 $0x1080  }
0x23: {  	[tilespmem:s7], [sflag:$0x1] =	stream.indirect_vreg.gather [hbm4b:s3+s2], $0x80, v3, vm0, $0xb8;
	[tilespmem:$0x10080] =	vst v63  }
0x24: {  	s8 =	simm.s32 $0x1880  }
0x25: {  	[tilespmem:s8], [sflag:$0x1] =	stream.indirect_vreg.gather [hbm4b:s4+s2], $0x80, v3, vm0, $0xb8;
	[tilespmem:$0x10080] =	vst v63  }
0x26: {  	v3 =	vld [tilespmem:$0x10];
	_ =	sdelay $0x4  }
0x27: {  	v33 =	vshll.u32 v3, $0x2  }
0x28: {  	v3 =	vand.u32 $0x7, v3;
	v4 =	vand.u32 $0xFFFFFFE0, v33  }
0x29: {  	v3 =	vor.u32 v3, v4  }
0x2a: {  	v4 =	vperm.xlane v3, v0;
	_ =	sdelay $0x1  }
0x2b: {  	v4 =	vadd.s32 v1, v4;
	_ =	sdelay $0x1  }
0x2c: {  	v3 =	vperm.xlane v3, v2;
	_ =	sdelay $0x1  }
0x2d: {  	s9 =	simm.s32 $0x2080;
	v3 =	vadd.s32 v1, v3  }
0x2e: {  	[tilespmem:s9], [sflag:$0x1] =	stream.indirect_vreg.gather [hbm4b:s3+s2], $0x80, v4, vm0, $0xb8;
	[tilespmem:$0x10080] =	vst v63  }
0x2f: {  	s10 =	simm.s32 $0x2880  }
0x30: {  	[tilespmem:s10], [sflag:$0x1] =	stream.indirect_vreg.gather [hbm4b:s4+s2], $0x80, v4, vm0, $0xb8;
	[tilespmem:$0x10080] =	vst v63  }
0x31: {  	s11 =	simm.s32 $0x3080  }
0x32: {  	[tilespmem:s11], [sflag:$0x1] =	stream.indirect_vreg.gather [hbm4b:s3+s2], $0x80, v3, vm0, $0xb8;
	[tilespmem:$0x10080] =	vst v63  }
0x33: {  	s12 =	simm.s32 $0x3880  }
0x34: {  	[tilespmem:s12], [sflag:$0x1] =	stream.indirect_vreg.gather [hbm4b:s4+s2], $0x80, v3, vm0, $0xb8;
	[tilespmem:$0x10080] =	vst v63  }
0x35: {  	v3 =	vld [tilespmem:$0x20];
	_ =	sdelay $0x4  }
0x36: {  	v34 =	vshll.u32 v3, $0x2  }
0x37: {  	v3 =	vand.u32 $0x7, v3;
	v4 =	vand.u32 $0xFFFFFFE0, v34  }
0x38: {  	v3 =	vor.u32 v3, v4  }
0x39: {  	v4 =	vperm.xlane v3, v0;
	_ =	sdelay $0x1  }
0x3a: {  	v4 =	vadd.s32 v1, v4;
	_ =	sdelay $0x1  }
0x3b: {  	v3 =	vperm.xlane v3, v2;
	_ =	sdelay $0x1  }
0x3c: {  	s13 =	simm.s32 $0x4080;
	v3 =	vadd.s32 v1, v3  }
0x3d: {  	[tilespmem:s13], [sflag:$0x1] =	stream.indirect_vreg.gather [hbm4b:s3+s2], $0x80, v4, vm0, $0xb8;
	[tilespmem:$0x10080] =	vst v63  }
0x3e: {  	s15 =	simm.s32 $0x4880  }
0x3f: {  	[tilespmem:s15], [sflag:$0x1] =	stream.indirect_vreg.gather [hbm4b:s4+s2], $0x80, v4, vm0, $0xb8;
	[tilespmem:$0x10080] =	vst v63  }
0x40: {  	s16 =	simm.s32 $0x5080  }
0x41: {  	[tilespmem:s16], [sflag:$0x1] =	stream.indirect_vreg.gather [hbm4b:s3+s2], $0x80, v3, vm0, $0xb8;
	[tilespmem:$0x10080] =	vst v63  }
0x42: {  	s17 =	simm.s32 $0x5880  }
0x43: {  	[tilespmem:s17], [sflag:$0x1] =	stream.indirect_vreg.gather [hbm4b:s4+s2], $0x80, v3, vm0, $0xb8;
	[tilespmem:$0x10080] =	vst v63  }
0x44: {  	v3 =	vld [tilespmem:$0x30];
	_ =	sdelay $0x4  }
0x45: {  	v35 =	vshll.u32 v3, $0x2  }
0x46: {  	v3 =	vand.u32 $0x7, v3;
	v4 =	vand.u32 $0xFFFFFFE0, v35  }
0x47: {  	v3 =	vor.u32 v3, v4  }
0x48: {  	v4 =	vperm.xlane v3, v0;
	_ =	sdelay $0x1  }
0x49: {  	v4 =	vadd.s32 v1, v4;
	_ =	sdelay $0x1  }
0x4a: {  	v3 =	vperm.xlane v3, v2;
	_ =	sdelay $0x1  }
0x4b: {  	s18 =	simm.s32 $0x6080;
	v3 =	vadd.s32 v1, v3  }
0x4c: {  	[tilespmem:s18], [sflag:$0x1] =	stream.indirect_vreg.gather [hbm4b:s3+s2], $0x80, v4, vm0, $0xb8;
	[tilespmem:$0x10080] =	vst v63  }
0x4d: {  	s19 =	simm.s32 $0x6880  }
0x4e: {  	[tilespmem:s19], [sflag:$0x1] =	stream.indirect_vreg.gather [hbm4b:s4+s2], $0x80, v4, vm0, $0xb8;
	[tilespmem:$0x10080] =	vst v63  }
0x4f: {  	s20 =	simm.s32 $0x7080  }
0x50: {  	[tilespmem:s20], [sflag:$0x1] =	stream.indirect_vreg.gather [hbm4b:s3+s2], $0x80, v3, vm0, $0xb8;
	[tilespmem:$0x10080] =	vst v63  }
0x51: {  	s21 =	simm.s32 $0x7880  }
0x52: {  	[tilespmem:s21], [sflag:$0x1] =	stream.indirect_vreg.gather [hbm4b:s4+s2], $0x80, v3, vm0, $0xb8;
	[tilespmem:$0x10080] =	vst v63  }
0x53: {  	v3 =	vld [tilespmem:$0x40];
	_ =	sdelay $0x4  }
0x54: {  	v36 =	vshll.u32 v3, $0x2  }
0x55: {  	v3 =	vand.u32 $0x7, v3;
	v4 =	vand.u32 $0xFFFFFFE0, v36  }
0x56: {  	v3 =	vor.u32 v3, v4  }
0x57: {  	v4 =	vperm.xlane v3, v0;
	_ =	sdelay $0x1  }
0x58: {  	v4 =	vadd.s32 v1, v4;
	_ =	sdelay $0x1  }
0x59: {  	v3 =	vperm.xlane v3, v2;
	_ =	sdelay $0x1  }
0x5a: {  	s22 =	simm.s32 $0x8080;
	v3 =	vadd.s32 v1, v3  }
0x5b: {  	[tilespmem:s22], [sflag:$0x1] =	stream.indirect_vreg.gather [hbm4b:s3+s2], $0x80, v4, vm0, $0xb8;
	[tilespmem:$0x10080] =	vst v63  }
0x5c: {  	s23 =	simm.s32 $0x8880  }
0x5d: {  	[tilespmem:s23], [sflag:$0x1] =	stream.indirect_vreg.gather [hbm4b:s4+s2], $0x80, v4, vm0, $0xb8;
	[tilespmem:$0x10080] =	vst v63  }
0x5e: {  	s24 =	simm.s32 $0x9080  }
0x5f: {  	[tilespmem:s24], [sflag:$0x1] =	stream.indirect_vreg.gather [hbm4b:s3+s2], $0x80, v3, vm0, $0xb8;
	[tilespmem:$0x10080] =	vst v63  }
0x60: {  	s26 =	simm.s32 $0x9880  }
0x61: {  	[tilespmem:s26], [sflag:$0x1] =	stream.indirect_vreg.gather [hbm4b:s4+s2], $0x80, v3, vm0, $0xb8;
	[tilespmem:$0x10080] =	vst v63  }
0x62: {  	v3 =	vld [tilespmem:$0x50];
	_ =	sdelay $0x4  }
0x63: {  	v37 =	vshll.u32 v3, $0x2  }
0x64: {  	v3 =	vand.u32 $0x7, v3;
	v4 =	vand.u32 $0xFFFFFFE0, v37  }
0x65: {  	v3 =	vor.u32 v3, v4  }
0x66: {  	v4 =	vperm.xlane v3, v0;
	_ =	sdelay $0x1  }
0x67: {  	v4 =	vadd.s32 v1, v4;
	_ =	sdelay $0x1  }
0x68: {  	v3 =	vperm.xlane v3, v2;
	_ =	sdelay $0x1  }
0x69: {  	s28 =	simm.s32 $0xA080;
	v3 =	vadd.s32 v1, v3  }
0x6a: {  	[tilespmem:s28], [sflag:$0x1] =	stream.indirect_vreg.gather [hbm4b:s3+s2], $0x80, v4, vm0, $0xb8;
	[tilespmem:$0x10080] =	vst v63  }
0x6b: {  	s29 =	simm.s32 $0xA880  }
0x6c: {  	[tilespmem:s29], [sflag:$0x1] =	stream.indirect_vreg.gather [hbm4b:s4+s2], $0x80, v4, vm0, $0xb8;
	[tilespmem:$0x10080] =	vst v63  }
0x6d: {  	s30 =	simm.s32 $0xB080  }
0x6e: {  	[tilespmem:s30], [sflag:$0x1] =	stream.indirect_vreg.gather [hbm4b:s3+s2], $0x80, v3, vm0, $0xb8;
	[tilespmem:$0x10080] =	vst v63  }
0x6f: {  	s31 =	simm.s32 $0xB880  }
0x70: {  	[tilespmem:s31], [sflag:$0x1] =	stream.indirect_vreg.gather [hbm4b:s4+s2], $0x80, v3, vm0, $0xb8;
	[tilespmem:$0x10080] =	vst v63  }
0x71: {  	v3 =	vld [tilespmem:$0x60];
	_ =	sdelay $0x4  }
0x72: {  	v38 =	vshll.u32 v3, $0x2  }
0x73: {  	v3 =	vand.u32 $0x7, v3;
	v4 =	vand.u32 $0xFFFFFFE0, v38  }
0x74: {  	v3 =	vor.u32 v3, v4  }
0x75: {  	v4 =	vperm.xlane v3, v0;
	_ =	sdelay $0x1  }
0x76: {  	v4 =	vadd.s32 v1, v4;
	_ =	sdelay $0x1  }
0x77: {  	v3 =	vperm.xlane v3, v2;
	_ =	sdelay $0x1  }
0x78: {  	s0 =	simm.s32 $0xC080;
	v3 =	vadd.s32 v1, v3  }
0x79: {  	[tilespmem:s0], [sflag:$0x1] =	stream.indirect_vreg.gather [hbm4b:s3+s2], $0x80, v4, vm0, $0xb8;
	[tilespmem:$0x10080] =	vst v63  }
0x7a: {  	s13 =	simm.s32 $0xC880  }
0x7b: {  	[tilespmem:s13], [sflag:$0x1] =	stream.indirect_vreg.gather [hbm4b:s4+s2], $0x80, v4, vm0, $0xb8;
	[tilespmem:$0x10080] =	vst v63  }
0x7c: {  	s16 =	simm.s32 $0xD080  }
0x7d: {  	[tilespmem:s16], [sflag:$0x1] =	stream.indirect_vreg.gather [hbm4b:s3+s2], $0x80, v3, vm0, $0xb8;
	[tilespmem:$0x10080] =	vst v63  }
0x7e: {  	s17 =	simm.s32 $0xD880  }
0x7f: {  	[tilespmem:s17], [sflag:$0x1] =	stream.indirect_vreg.gather [hbm4b:s4+s2], $0x80, v3, vm0, $0xb8;
	[tilespmem:$0x10080] =	vst v63  }
0x80: {  	v3 =	vld [tilespmem:$0x70];
	_ =	sdelay $0x4  }
0x81: {  	v39 =	vshll.u32 v3, $0x2  }
0x82: {  	v3 =	vand.u32 $0x7, v3;
	v4 =	vand.u32 $0xFFFFFFE0, v39  }
0x83: {  	v3 =	vor.u32 v3, v4  }
0x84: {  	v4 =	vperm.xlane v3, v0;
	_ =	sdelay $0x1  }
0x85: {  	v4 =	vadd.s32 v1, v4;
	_ =	sdelay $0x1  }
0x86: {  	v3 =	vperm.xlane v3, v2;
	_ =	sdelay $0x1  }
0x87: {  	s18 =	simm.s32 $0xE080;
	v3 =	vadd.s32 v1, v3  }
0x88: {  	[tilespmem:s18], [sflag:$0x1] =	stream.indirect_vreg.gather [hbm4b:s3+s2], $0x80, v4, vm0, $0xb8;
	[tilespmem:$0x10080] =	vst v63  }
0x89: {  	s19 =	simm.s32 $0xE880  }
0x8a: {  	[tilespmem:s19], [sflag:$0x1] =	stream.indirect_vreg.gather [hbm4b:s4+s2], $0x80, v4, vm0, $0xb8;
	[tilespmem:$0x10080] =	vst v63  }
0x8b: {  	s20 =	simm.s32 $0xF080  }
0x8c: {  	[tilespmem:s20], [sflag:$0x1] =	stream.indirect_vreg.gather [hbm4b:s3+s2], $0x80, v3, vm0, $0xb8;
	[tilespmem:$0x10080] =	vst v63  }
0x8d: {  	s21 =	simm.s32 $0xF880  }
0x8e: {  	[tilespmem:s21], [sflag:$0x1] =	stream.indirect_vreg.gather [hbm4b:s4+s2], $0x80, v3, vm0, $0xb8;
	[tilespmem:$0x10080] =	vst v63  }
0x8f: {  	_ =	swait.ge [sflag:s14], $0x10000  }
0x90: {  	[sflag:s14] =	ssyncset.done $0x0  }
0x91: {  	s24 =	rddreg [dreg:$0x4];
	[sflag:s14] =	ssyncadd.s32 $0xFFFF0000  }
0x92: {  	[hbm4b:s24+s2] =	stream.linear.scatter [tilespmem:s25], [sflag:$0x2], $0x10000, $0x38;
	[tilespmem:$0x10080] =	vst v63  }
0x93: {  	_ =	swait.ge [sflag:s6], $0x10000  }
0x94: {  	[sflag:s6] =	ssyncset.done $0x0  }
0x95: {  	s26 =	rddreg [dreg:$0x5];
	[sflag:s6] =	ssyncadd.s32 $0xFFFF0000  }
0x96: {  	[tilespmem:s2], [sflag:$0x2] =	stream.linear.gather [hbm4b:s26+s2], $0x80, $0x38;
	[tilespmem:$0x10080] =	vst v63  }
0x97: {  	_ =	swait.ge [sflag:s6], $0x80  }
0x98: {  	[sflag:s6] =	ssyncset.done $0x0  }
0x99: {  	[sflag:s6] =	ssyncadd.s32 $0xFFFFFF80  }
0x9a: {  	v3 =	vld [tilespmem:$0x0];
	_ =	sdelay $0x4  }
0x9b: {  	v40 =	vshll.u32 v3, $0x2  }
0x9c: {  	v3 =	vand.u32 $0x7, v3;
	v4 =	vand.u32 $0xFFFFFFE0, v40  }
0x9d: {  	v3 =	vor.u32 v3, v4  }
0x9e: {  	v4 =	vperm.xlane v3, v0;
	_ =	sdelay $0x1  }
0x9f: {  	v4 =	vadd.s32 v1, v4;
	_ =	sdelay $0x1  }
0xa0: {  	v3 =	vperm.xlane v3, v2;
	_ =	sdelay $0x1  }
0xa1: {  	v3 =	vadd.s32 v1, v3  }
0xa2: {  	[tilespmem:s25], [sflag:$0x1] =	stream.indirect_vreg.gather [hbm4b:s3+s2], $0x80, v4, vm0, $0xb8;
	[tilespmem:$0x10080] =	vst v63  }
0xa3: {  	s1 =	simm.s32 $0x880  }
0xa4: {  	[tilespmem:s1], [sflag:$0x1] =	stream.indirect_vreg.gather [hbm4b:s4+s2], $0x80, v4, vm0, $0xb8;
	[tilespmem:$0x10080] =	vst v63  }
0xa5: {  	s7 =	simm.s32 $0x1080  }
0xa6: {  	[tilespmem:s7], [sflag:$0x1] =	stream.indirect_vreg.gather [hbm4b:s3+s2], $0x80, v3, vm0, $0xb8;
	[tilespmem:$0x10080] =	vst v63  }
0xa7: {  	s16 =	simm.s32 $0x1880  }
0xa8: {  	[tilespmem:s16], [sflag:$0x1] =	stream.indirect_vreg.gather [hbm4b:s4+s2], $0x80, v3, vm0, $0xb8;
	[tilespmem:$0x10080] =	vst v63  }
0xa9: {  	v3 =	vld [tilespmem:$0x10];
	_ =	sdelay $0x4  }
0xaa: {  	v41 =	vshll.u32 v3, $0x2  }
0xab: {  	v3 =	vand.u32 $0x7, v3;
	v4 =	vand.u32 $0xFFFFFFE0, v41  }
0xac: {  	v3 =	vor.u32 v3, v4  }
0xad: {  	v4 =	vperm.xlane v3, v0;
	_ =	sdelay $0x1  }
0xae: {  	v4 =	vadd.s32 v1, v4;
	_ =	sdelay $0x1  }
0xaf: {  	v3 =	vperm.xlane v3, v2;
	_ =	sdelay $0x1  }
0xb0: {  	s8 =	simm.s32 $0x2080;
	v3 =	vadd.s32 v1, v3  }
0xb1: {  	[tilespmem:s8], [sflag:$0x1] =	stream.indirect_vreg.gather [hbm4b:s3+s2], $0x80, v4, vm0, $0xb8;
	[tilespmem:$0x10080] =	vst v63  }
0xb2: {  	s9 =	simm.s32 $0x2880  }
0xb3: {  	[tilespmem:s9], [sflag:$0x1] =	stream.indirect_vreg.gather [hbm4b:s4+s2], $0x80, v4, vm0, $0xb8;
	[tilespmem:$0x10080] =	vst v63  }
0xb4: {  	s10 =	simm.s32 $0x3080  }
0xb5: {  	[tilespmem:s10], [sflag:$0x1] =	stream.indirect_vreg.gather [hbm4b:s3+s2], $0x80, v3, vm0, $0xb8;
	[tilespmem:$0x10080] =	vst v63  }
0xb6: {  	s12 =	simm.s32 $0x3880  }
0xb7: {  	[tilespmem:s12], [sflag:$0x1] =	stream.indirect_vreg.gather [hbm4b:s4+s2], $0x80, v3, vm0, $0xb8;
	[tilespmem:$0x10080] =	vst v63  }
0xb8: {  	v3 =	vld [tilespmem:$0x20];
	_ =	sdelay $0x4  }
0xb9: {  	v42 =	vshll.u32 v3, $0x2  }
0xba: {  	v3 =	vand.u32 $0x7, v3;
	v4 =	vand.u32 $0xFFFFFFE0, v42  }
0xbb: {  	v3 =	vor.u32 v3, v4  }
0xbc: {  	v4 =	vperm.xlane v3, v0;
	_ =	sdelay $0x1  }
0xbd: {  	v4 =	vadd.s32 v1, v4;
	_ =	sdelay $0x1  }
0xbe: {  	v3 =	vperm.xlane v3, v2;
	_ =	sdelay $0x1  }
0xbf: {  	s11 =	simm.s32 $0x4080;
	v3 =	vadd.s32 v1, v3  }
0xc0: {  	[tilespmem:s11], [sflag:$0x1] =	stream.indirect_vreg.gather [hbm4b:s3+s2], $0x80, v4, vm0, $0xb8;
	[tilespmem:$0x10080] =	vst v63  }
0xc1: {  	s24 =	simm.s32 $0x4880  }
0xc2: {  	[tilespmem:s24], [sflag:$0x1] =	stream.indirect_vreg.gather [hbm4b:s4+s2], $0x80, v4, vm0, $0xb8;
	[tilespmem:$0x10080] =	vst v63  }
0xc3: {  	s12 =	simm.s32 $0x5080  }
0xc4: {  	[tilespmem:s12], [sflag:$0x1] =	stream.indirect_vreg.gather [hbm4b:s3+s2], $0x80, v3, vm0, $0xb8;
	[tilespmem:$0x10080] =	vst v63  }
0xc5: {  	s13 =	simm.s32 $0x5880  }
0xc6: {  	[tilespmem:s13], [sflag:$0x1] =	stream.indirect_vreg.gather [hbm4b:s4+s2], $0x80, v3, vm0, $0xb8;
	[tilespmem:$0x10080] =	vst v63  }
0xc7: {  	v3 =	vld [tilespmem:$0x30];
	_ =	sdelay $0x4  }
0xc8: {  	v43 =	vshll.u32 v3, $0x2  }
0xc9: {  	v3 =	vand.u32 $0x7, v3;
	v4 =	vand.u32 $0xFFFFFFE0, v43  }
0xca: {  	v3 =	vor.u32 v3, v4  }
0xcb: {  	v4 =	vperm.xlane v3, v0;
	_ =	sdelay $0x1  }
0xcc: {  	v4 =	vadd.s32 v1, v4;
	_ =	sdelay $0x1  }
0xcd: {  	v3 =	vperm.xlane v3, v2;
	_ =	sdelay $0x1  }
0xce: {  	s17 =	simm.s32 $0x6080;
	v3 =	vadd.s32 v1, v3  }
0xcf: {  	[tilespmem:s17], [sflag:$0x1] =	stream.indirect_vreg.gather [hbm4b:s3+s2], $0x80, v4, vm0, $0xb8;
	[tilespmem:$0x10080] =	vst v63  }
0xd0: {  	s18 =	simm.s32 $0x6880  }
0xd1: {  	[tilespmem:s18], [sflag:$0x1] =	stream.indirect_vreg.gather [hbm4b:s4+s2], $0x80, v4, vm0, $0xb8;
	[tilespmem:$0x10080] =	vst v63  }
0xd2: {  	s19 =	simm.s32 $0x7080  }
0xd3: {  	[tilespmem:s19], [sflag:$0x1] =	stream.indirect_vreg.gather [hbm4b:s3+s2], $0x80, v3, vm0, $0xb8;
	[tilespmem:$0x10080] =	vst v63  }
0xd4: {  	s20 =	simm.s32 $0x7880  }
0xd5: {  	[tilespmem:s20], [sflag:$0x1] =	stream.indirect_vreg.gather [hbm4b:s4+s2], $0x80, v3, vm0, $0xb8;
	[tilespmem:$0x10080] =	vst v63  }
0xd6: {  	v3 =	vld [tilespmem:$0x40];
	_ =	sdelay $0x4  }
0xd7: {  	v44 =	vshll.u32 v3, $0x2  }
0xd8: {  	v3 =	vand.u32 $0x7, v3;
	v4 =	vand.u32 $0xFFFFFFE0, v44  }
0xd9: {  	v3 =	vor.u32 v3, v4  }
0xda: {  	v4 =	vperm.xlane v3, v0;
	_ =	sdelay $0x1  }
0xdb: {  	v4 =	vadd.s32 v1, v4;
	_ =	sdelay $0x1  }
0xdc: {  	v3 =	vperm.xlane v3, v2;
	_ =	sdelay $0x1  }
0xdd: {  	s0 =	simm.s32 $0x8080;
	v3 =	vadd.s32 v1, v3  }
0xde: {  	[tilespmem:s0], [sflag:$0x1] =	stream.indirect_vreg.gather [hbm4b:s3+s2], $0x80, v4, vm0, $0xb8;
	[tilespmem:$0x10080] =	vst v63  }
0xdf: {  	s1 =	simm.s32 $0x8880  }
0xe0: {  	[tilespmem:s1], [sflag:$0x1] =	stream.indirect_vreg.gather [hbm4b:s4+s2], $0x80, v4, vm0, $0xb8;
	[tilespmem:$0x10080] =	vst v63  }
0xe1: {  	s7 =	simm.s32 $0x9080  }
0xe2: {  	[tilespmem:s7], [sflag:$0x1] =	stream.indirect_vreg.gather [hbm4b:s3+s2], $0x80, v3, vm0, $0xb8;
	[tilespmem:$0x10080] =	vst v63  }
0xe3: {  	s11 =	simm.s32 $0x9880  }
0xe4: {  	[tilespmem:s11], [sflag:$0x1] =	stream.indirect_vreg.gather [hbm4b:s4+s2], $0x80, v3, vm0, $0xb8;
	[tilespmem:$0x10080] =	vst v63  }
0xe5: {  	v3 =	vld [tilespmem:$0x50];
	_ =	sdelay $0x4  }
0xe6: {  	v45 =	vshll.u32 v3, $0x2  }
0xe7: {  	v3 =	vand.u32 $0x7, v3;
	v4 =	vand.u32 $0xFFFFFFE0, v45  }
0xe8: {  	v3 =	vor.u32 v3, v4  }
0xe9: {  	v4 =	vperm.xlane v3, v0;
	_ =	sdelay $0x1  }
0xea: {  	v4 =	vadd.s32 v1, v4;
	_ =	sdelay $0x1  }
0xeb: {  	v3 =	vperm.xlane v3, v2;
	_ =	sdelay $0x1  }
0xec: {  	s8 =	simm.s32 $0xA080;
	v3 =	vadd.s32 v1, v3  }
0xed: {  	[tilespmem:s8], [sflag:$0x1] =	stream.indirect_vreg.gather [hbm4b:s3+s2], $0x80, v4, vm0, $0xb8;
	[tilespmem:$0x10080] =	vst v63  }
0xee: {  	s9 =	simm.s32 $0xA880  }
0xef: {  	[tilespmem:s9], [sflag:$0x1] =	stream.indirect_vreg.gather [hbm4b:s4+s2], $0x80, v4, vm0, $0xb8;
	[tilespmem:$0x10080] =	vst v63  }
0xf0: {  	s10 =	simm.s32 $0xB080  }
0xf1: {  	[tilespmem:s10], [sflag:$0x1] =	stream.indirect_vreg.gather [hbm4b:s3+s2], $0x80, v3, vm0, $0xb8;
	[tilespmem:$0x10080] =	vst v63  }
0xf2: {  	s23 =	simm.s32 $0xB880  }
0xf3: {  	[tilespmem:s23], [sflag:$0x1] =	stream.indirect_vreg.gather [hbm4b:s4+s2], $0x80, v3, vm0, $0xb8;
	[tilespmem:$0x10080] =	vst v63  }
0xf4: {  	v3 =	vld [tilespmem:$0x60];
	_ =	sdelay $0x4  }
0xf5: {  	v46 =	vshll.u32 v3, $0x2  }
0xf6: {  	v3 =	vand.u32 $0x7, v3;
	v4 =	vand.u32 $0xFFFFFFE0, v46  }
0xf7: {  	v3 =	vor.u32 v3, v4  }
0xf8: {  	v4 =	vperm.xlane v3, v0;
	_ =	sdelay $0x1  }
0xf9: {  	v4 =	vadd.s32 v1, v4;
	_ =	sdelay $0x1  }
0xfa: {  	v3 =	vperm.xlane v3, v2;
	_ =	sdelay $0x1  }
0xfb: {  	s30 =	simm.s32 $0xC080;
	v3 =	vadd.s32 v1, v3  }
0xfc: {  	[tilespmem:s30], [sflag:$0x1] =	stream.indirect_vreg.gather [hbm4b:s3+s2], $0x80, v4, vm0, $0xb8;
	[tilespmem:$0x10080] =	vst v63  }
0xfd: {  	s28 =	simm.s32 $0xC880  }
0xfe: {  	[tilespmem:s28], [sflag:$0x1] =	stream.indirect_vreg.gather [hbm4b:s4+s2], $0x80, v4, vm0, $0xb8;
	[tilespmem:$0x10080] =	vst v63  }
0xff: {  	s29 =	simm.s32 $0xD080  }
0x100: {  	[tilespmem:s29], [sflag:$0x1] =	stream.indirect_vreg.gather [hbm4b:s3+s2], $0x80, v3, vm0, $0xb8;
	[tilespmem:$0x10080] =	vst v63  }
0x101: {  	s22 =	simm.s32 $0xD880  }
0x102: {  	[tilespmem:s22], [sflag:$0x1] =	stream.indirect_vreg.gather [hbm4b:s4+s2], $0x80, v3, vm0, $0xb8;
	[tilespmem:$0x10080] =	vst v63  }
0x103: {  	v3 =	vld [tilespmem:$0x70];
	_ =	sdelay $0x4  }
0x104: {  	v47 =	vshll.u32 v3, $0x2  }
0x105: {  	v3 =	vand.u32 $0x7, v3;
	v4 =	vand.u32 $0xFFFFFFE0, v47  }
0x106: {  	v3 =	vor.u32 v3, v4  }
0x107: {  	v4 =	vperm.xlane v3, v0;
	_ =	sdelay $0x1  }
0x108: {  	v4 =	vadd.s32 v1, v4;
	_ =	sdelay $0x1  }
0x109: {  	v3 =	vperm.xlane v3, v2;
	_ =	sdelay $0x1  }
0x10a: {  	s28 =	simm.s32 $0xE080;
	v3 =	vadd.s32 v1, v3  }
0x10b: {  	[tilespmem:s28], [sflag:$0x1] =	stream.indirect_vreg.gather [hbm4b:s3+s2], $0x80, v4, vm0, $0xb8;
	[tilespmem:$0x10080] =	vst v63  }
0x10c: {  	s29 =	simm.s32 $0xE880  }
0x10d: {  	[tilespmem:s29], [sflag:$0x1] =	stream.indirect_vreg.gather [hbm4b:s4+s2], $0x80, v4, vm0, $0xb8;
	[tilespmem:$0x10080] =	vst v63  }
0x10e: {  	s30 =	simm.s32 $0xF080  }
0x10f: {  	[tilespmem:s30], [sflag:$0x1] =	stream.indirect_vreg.gather [hbm4b:s3+s2], $0x80, v3, vm0, $0xb8;
	[tilespmem:$0x10080] =	vst v63  }
0x110: {  	s21 =	simm.s32 $0xF880  }
0x111: {  	[tilespmem:s21], [sflag:$0x1] =	stream.indirect_vreg.gather [hbm4b:s4+s2], $0x80, v3, vm0, $0xb8;
	[tilespmem:$0x10080] =	vst v63  }
0x112: {  	_ =	swait.ge [sflag:s14], $0x10000  }
0x113: {  	[sflag:s14] =	ssyncset.done $0x0  }
0x114: {  	s21 =	rddreg [dreg:$0x6];
	[sflag:s14] =	ssyncadd.s32 $0xFFFF0000  }
0x115: {  	[hbm4b:s21+s2] =	stream.linear.scatter [tilespmem:s25], [sflag:$0x2], $0x10000, $0x38;
	[tilespmem:$0x10080] =	vst v63  }
0x116: {  	_ =	swait.ge [sflag:s6], $0x10000  }
0x117: {  	[sflag:s6] =	ssyncset.done $0x0  }
0x118: {  	s22 =	rddreg [dreg:$0x7];
	[sflag:s6] =	ssyncadd.s32 $0xFFFF0000  }
0x119: {  	[tilespmem:s2], [sflag:$0x2] =	stream.linear.gather [hbm4b:s22+s2], $0x80, $0x38;
	[tilespmem:$0x10080] =	vst v63  }
0x11a: {  	_ =	swait.ge [sflag:s6], $0x80  }
0x11b: {  	[sflag:s6] =	ssyncset.done $0x0  }
0x11c: {  	[sflag:s6] =	ssyncadd.s32 $0xFFFFFF80  }
0x11d: {  	v3 =	vld [tilespmem:$0x0];
	_ =	sdelay $0x4  }
0x11e: {  	v48 =	vshll.u32 v3, $0x2  }
0x11f: {  	v3 =	vand.u32 $0x7, v3;
	v4 =	vand.u32 $0xFFFFFFE0, v48  }
0x120: {  	v3 =	vor.u32 v3, v4  }
0x121: {  	v4 =	vperm.xlane v3, v0;
	_ =	sdelay $0x1  }
0x122: {  	v4 =	vadd.s32 v1, v4;
	_ =	sdelay $0x1  }
0x123: {  	v3 =	vperm.xlane v3, v2;
	_ =	sdelay $0x1  }
0x124: {  	v3 =	vadd.s32 v1, v3  }
0x125: {  	[tilespmem:s25], [sflag:$0x1] =	stream.indirect_vreg.gather [hbm4b:s3+s2], $0x80, v4, vm0, $0xb8;
	[tilespmem:$0x10080] =	vst v63  }
0x126: {  	s26 =	simm.s32 $0x880  }
0x127: {  	[tilespmem:s26], [sflag:$0x1] =	stream.indirect_vreg.gather [hbm4b:s4+s2], $0x80, v4, vm0, $0xb8;
	[tilespmem:$0x10080] =	vst v63  }
0x128: {  	s26 =	simm.s32 $0x1080  }
0x129: {  	[tilespmem:s26], [sflag:$0x1] =	stream.indirect_vreg.gather [hbm4b:s3+s2], $0x80, v3, vm0, $0xb8;
	[tilespmem:$0x10080] =	vst v63  }
0x12a: {  	_ = 	snop  }
0x12b: {  	[tilespmem:s16], [sflag:$0x1] =	stream.indirect_vreg.gather [hbm4b:s4+s2], $0x80, v3, vm0, $0xb8;
	[tilespmem:$0x10080] =	vst v63  }
0x12c: {  	v3 =	vld [tilespmem:$0x10];
	_ =	sdelay $0x4  }
0x12d: {  	v49 =	vshll.u32 v3, $0x2  }
0x12e: {  	v3 =	vand.u32 $0x7, v3;
	v4 =	vand.u32 $0xFFFFFFE0, v49  }
0x12f: {  	v3 =	vor.u32 v3, v4  }
0x130: {  	v4 =	vperm.xlane v3, v0;
	_ =	sdelay $0x1  }
0x131: {  	v4 =	vadd.s32 v1, v4;
	_ =	sdelay $0x1  }
0x132: {  	v3 =	vperm.xlane v3, v2;
	_ =	sdelay $0x1  }
0x133: {  	s16 =	simm.s32 $0x2080;
	v3 =	vadd.s32 v1, v3  }
0x134: {  	[tilespmem:s16], [sflag:$0x1] =	stream.indirect_vreg.gather [hbm4b:s3+s2], $0x80, v4, vm0, $0xb8;
	[tilespmem:$0x10080] =	vst v63  }
0x135: {  	s26 =	simm.s32 $0x2880  }
0x136: {  	[tilespmem:s26], [sflag:$0x1] =	stream.indirect_vreg.gather [hbm4b:s4+s2], $0x80, v4, vm0, $0xb8;
	[tilespmem:$0x10080] =	vst v63  }
0x137: {  	s16 =	simm.s32 $0x3080  }
0x138: {  	[tilespmem:s16], [sflag:$0x1] =	stream.indirect_vreg.gather [hbm4b:s3+s2], $0x80, v3, vm0, $0xb8;
	[tilespmem:$0x10080] =	vst v63  }
0x139: {  	s26 =	simm.s32 $0x3880  }
0x13a: {  	[tilespmem:s26], [sflag:$0x1] =	stream.indirect_vreg.gather [hbm4b:s4+s2], $0x80, v3, vm0, $0xb8;
	[tilespmem:$0x10080] =	vst v63  }
0x13b: {  	v3 =	vld [tilespmem:$0x20];
	_ =	sdelay $0x4  }
0x13c: {  	v50 =	vshll.u32 v3, $0x2  }
0x13d: {  	v3 =	vand.u32 $0x7, v3;
	v4 =	vand.u32 $0xFFFFFFE0, v50  }
0x13e: {  	v3 =	vor.u32 v3, v4  }
0x13f: {  	v4 =	vperm.xlane v3, v0;
	_ =	sdelay $0x1  }
0x140: {  	v4 =	vadd.s32 v1, v4;
	_ =	sdelay $0x1  }
0x141: {  	v3 =	vperm.xlane v3, v2;
	_ =	sdelay $0x1  }
0x142: {  	s16 =	simm.s32 $0x4080;
	v3 =	vadd.s32 v1, v3  }
0x143: {  	[tilespmem:s16], [sflag:$0x1] =	stream.indirect_vreg.gather [hbm4b:s3+s2], $0x80, v4, vm0, $0xb8;
	[tilespmem:$0x10080] =	vst v63  }
0x144: {  	_ = 	snop  }
0x145: {  	[tilespmem:s24], [sflag:$0x1] =	stream.indirect_vreg.gather [hbm4b:s4+s2], $0x80, v4, vm0, $0xb8;
	[tilespmem:$0x10080] =	vst v63  }
0x146: {  	_ = 	snop  }
0x147: {  	[tilespmem:s12], [sflag:$0x1] =	stream.indirect_vreg.gather [hbm4b:s3+s2], $0x80, v3, vm0, $0xb8;
	[tilespmem:$0x10080] =	vst v63  }
0x148: {  	_ = 	snop  }
0x149: {  	[tilespmem:s13], [sflag:$0x1] =	stream.indirect_vreg.gather [hbm4b:s4+s2], $0x80, v3, vm0, $0xb8;
	[tilespmem:$0x10080] =	vst v63  }
0x14a: {  	v3 =	vld [tilespmem:$0x30];
	_ =	sdelay $0x4  }
0x14b: {  	v51 =	vshll.u32 v3, $0x2  }
0x14c: {  	v3 =	vand.u32 $0x7, v3;
	v4 =	vand.u32 $0xFFFFFFE0, v51  }
0x14d: {  	v3 =	vor.u32 v3, v4  }
0x14e: {  	v4 =	vperm.xlane v3, v0;
	_ =	sdelay $0x1  }
0x14f: {  	v4 =	vadd.s32 v1, v4;
	_ =	sdelay $0x1  }
0x150: {  	v3 =	vperm.xlane v3, v2;
	_ =	sdelay $0x1  }
0x151: {  	v3 =	vadd.s32 v1, v3  }
0x152: {  	[tilespmem:s17], [sflag:$0x1] =	stream.indirect_vreg.gather [hbm4b:s3+s2], $0x80, v4, vm0, $0xb8;
	[tilespmem:$0x10080] =	vst v63  }
0x153: {  	_ = 	snop  }
0x154: {  	[tilespmem:s18], [sflag:$0x1] =	stream.indirect_vreg.gather [hbm4b:s4+s2], $0x80, v4, vm0, $0xb8;
	[tilespmem:$0x10080] =	vst v63  }
0x155: {  	_ = 	snop  }
0x156: {  	[tilespmem:s19], [sflag:$0x1] =	stream.indirect_vreg.gather [hbm4b:s3+s2], $0x80, v3, vm0, $0xb8;
	[tilespmem:$0x10080] =	vst v63  }
0x157: {  	_ = 	snop  }
0x158: {  	[tilespmem:s20], [sflag:$0x1] =	stream.indirect_vreg.gather [hbm4b:s4+s2], $0x80, v3, vm0, $0xb8;
	[tilespmem:$0x10080] =	vst v63  }
0x159: {  	v3 =	vld [tilespmem:$0x40];
	_ =	sdelay $0x4  }
0x15a: {  	v52 =	vshll.u32 v3, $0x2  }
0x15b: {  	v3 =	vand.u32 $0x7, v3;
	v4 =	vand.u32 $0xFFFFFFE0, v52  }
0x15c: {  	v3 =	vor.u32 v3, v4  }
0x15d: {  	v4 =	vperm.xlane v3, v0;
	_ =	sdelay $0x1  }
0x15e: {  	v4 =	vadd.s32 v1, v4;
	_ =	sdelay $0x1  }
0x15f: {  	v3 =	vperm.xlane v3, v2;
	_ =	sdelay $0x1  }
0x160: {  	v3 =	vadd.s32 v1, v3  }
0x161: {  	[tilespmem:s0], [sflag:$0x1] =	stream.indirect_vreg.gather [hbm4b:s3+s2], $0x80, v4, vm0, $0xb8;
	[tilespmem:$0x10080] =	vst v63  }
0x162: {  	_ = 	snop  }
0x163: {  	[tilespmem:s1], [sflag:$0x1] =	stream.indirect_vreg.gather [hbm4b:s4+s2], $0x80, v4, vm0, $0xb8;
	[tilespmem:$0x10080] =	vst v63  }
0x164: {  	_ = 	snop  }
0x165: {  	[tilespmem:s7], [sflag:$0x1] =	stream.indirect_vreg.gather [hbm4b:s3+s2], $0x80, v3, vm0, $0xb8;
	[tilespmem:$0x10080] =	vst v63  }
0x166: {  	_ = 	snop  }
0x167: {  	[tilespmem:s11], [sflag:$0x1] =	stream.indirect_vreg.gather [hbm4b:s4+s2], $0x80, v3, vm0, $0xb8;
	[tilespmem:$0x10080] =	vst v63  }
0x168: {  	v3 =	vld [tilespmem:$0x50];
	_ =	sdelay $0x4  }
0x169: {  	v53 =	vshll.u32 v3, $0x2  }
0x16a: {  	v3 =	vand.u32 $0x7, v3;
	v4 =	vand.u32 $0xFFFFFFE0, v53  }
0x16b: {  	v3 =	vor.u32 v3, v4  }
0x16c: {  	v4 =	vperm.xlane v3, v0;
	_ =	sdelay $0x1  }
0x16d: {  	v4 =	vadd.s32 v1, v4;
	_ =	sdelay $0x1  }
0x16e: {  	v3 =	vperm.xlane v3, v2;
	_ =	sdelay $0x1  }
0x16f: {  	v3 =	vadd.s32 v1, v3  }
0x170: {  	[tilespmem:s8], [sflag:$0x1] =	stream.indirect_vreg.gather [hbm4b:s3+s2], $0x80, v4, vm0, $0xb8;
	[tilespmem:$0x10080] =	vst v63  }
0x171: {  	_ = 	snop  }
0x172: {  	[tilespmem:s9], [sflag:$0x1] =	stream.indirect_vreg.gather [hbm4b:s4+s2], $0x80, v4, vm0, $0xb8;
	[tilespmem:$0x10080] =	vst v63  }
0x173: {  	_ = 	snop  }
0x174: {  	[tilespmem:s10], [sflag:$0x1] =	stream.indirect_vreg.gather [hbm4b:s3+s2], $0x80, v3, vm0, $0xb8;
	[tilespmem:$0x10080] =	vst v63  }
0x175: {  	s26 =	simm.s32 $0xB880  }
0x176: {  	[tilespmem:s26], [sflag:$0x1] =	stream.indirect_vreg.gather [hbm4b:s4+s2], $0x80, v3, vm0, $0xb8;
	[tilespmem:$0x10080] =	vst v63  }
0x177: {  	v3 =	vld [tilespmem:$0x60];
	_ =	sdelay $0x4  }
0x178: {  	v54 =	vshll.u32 v3, $0x2  }
0x179: {  	v3 =	vand.u32 $0x7, v3;
	v4 =	vand.u32 $0xFFFFFFE0, v54  }
0x17a: {  	v3 =	vor.u32 v3, v4  }
0x17b: {  	v4 =	vperm.xlane v3, v0;
	_ =	sdelay $0x1  }
0x17c: {  	v4 =	vadd.s32 v1, v4;
	_ =	sdelay $0x1  }
0x17d: {  	v3 =	vperm.xlane v3, v2;
	_ =	sdelay $0x1  }
0x17e: {  	s31 =	simm.s32 $0xC080;
	v3 =	vadd.s32 v1, v3  }
0x17f: {  	[tilespmem:s31], [sflag:$0x1] =	stream.indirect_vreg.gather [hbm4b:s3+s2], $0x80, v4, vm0, $0xb8;
	[tilespmem:$0x10080] =	vst v63  }
0x180: {  	s24 =	simm.s32 $0xC880  }
0x181: {  	[tilespmem:s24], [sflag:$0x1] =	stream.indirect_vreg.gather [hbm4b:s4+s2], $0x80, v4, vm0, $0xb8;
	[tilespmem:$0x10080] =	vst v63  }
0x182: {  	s23 =	simm.s32 $0xD080  }
0x183: {  	[tilespmem:s23], [sflag:$0x1] =	stream.indirect_vreg.gather [hbm4b:s3+s2], $0x80, v3, vm0, $0xb8;
	[tilespmem:$0x10080] =	vst v63  }
0x184: {  	s26 =	simm.s32 $0xD880  }
0x185: {  	[tilespmem:s26], [sflag:$0x1] =	stream.indirect_vreg.gather [hbm4b:s4+s2], $0x80, v3, vm0, $0xb8;
	[tilespmem:$0x10080] =	vst v63  }
0x186: {  	v3 =	vld [tilespmem:$0x70];
	_ =	sdelay $0x4  }
0x187: {  	v55 =	vshll.u32 v3, $0x2  }
0x188: {  	v3 =	vand.u32 $0x7, v3;
	v4 =	vand.u32 $0xFFFFFFE0, v55  }
0x189: {  	v3 =	vor.u32 v3, v4  }
0x18a: {  	v4 =	vperm.xlane v3, v0;
	_ =	sdelay $0x1  }
0x18b: {  	v4 =	vadd.s32 v1, v4;
	_ =	sdelay $0x1  }
0x18c: {  	v3 =	vperm.xlane v3, v2;
	_ =	sdelay $0x1  }
0x18d: {  	s28 =	simm.s32 $0xE080;
	v3 =	vadd.s32 v1, v3  }
0x18e: {  	[tilespmem:s28], [sflag:$0x1] =	stream.indirect_vreg.gather [hbm4b:s3+s2], $0x80, v4, vm0, $0xb8;
	[tilespmem:$0x10080] =	vst v63  }
0x18f: {  	s29 =	simm.s32 $0xE880  }
0x190: {  	[tilespmem:s29], [sflag:$0x1] =	stream.indirect_vreg.gather [hbm4b:s4+s2], $0x80, v4, vm0, $0xb8;
	[tilespmem:$0x10080] =	vst v63  }
0x191: {  	s30 =	simm.s32 $0xF080  }
0x192: {  	[tilespmem:s30], [sflag:$0x1] =	stream.indirect_vreg.gather [hbm4b:s3+s2], $0x80, v3, vm0, $0xb8;
	[tilespmem:$0x10080] =	vst v63  }
0x193: {  	s29 =	simm.s32 $0xF880  }
0x194: {  	[tilespmem:s29], [sflag:$0x1] =	stream.indirect_vreg.gather [hbm4b:s4+s2], $0x80, v3, vm0, $0xb8;
	[tilespmem:$0x10080] =	vst v63  }
0x195: {  	_ =	swait.ge [sflag:s14], $0x10000  }
0x196: {  	[sflag:s14] =	ssyncset.done $0x0  }
0x197: {  	s30 =	rddreg [dreg:$0x8];
	[sflag:s14] =	ssyncadd.s32 $0xFFFF0000  }
0x198: {  	[hbm4b:s30+s2] =	stream.linear.scatter [tilespmem:s25], [sflag:$0x2], $0x10000, $0x38;
	[tilespmem:$0x10080] =	vst v63  }
0x199: {  	_ =	swait.ge [sflag:s6], $0x10000  }
0x19a: {  	[sflag:s6] =	ssyncset.done $0x0  }
0x19b: {  	s30 =	rddreg [dreg:$0x9];
	[sflag:s6] =	ssyncadd.s32 $0xFFFF0000  }
0x19c: {  	[tilespmem:s2], [sflag:$0x2] =	stream.linear.gather [hbm4b:s30+s2], $0x80, $0x38;
	[tilespmem:$0x10080] =	vst v63  }
0x19d: {  	_ =	swait.ge [sflag:s6], $0x80  }
0x19e: {  	[sflag:s6] =	ssyncset.done $0x0  }
0x19f: {  	[sflag:s6] =	ssyncadd.s32 $0xFFFFFF80  }
0x1a0: {  	v3 =	vld [tilespmem:$0x0];
	_ =	sdelay $0x4  }
0x1a1: {  	v56 =	vshll.u32 v3, $0x2  }
0x1a2: {  	v3 =	vand.u32 $0x7, v3;
	v4 =	vand.u32 $0xFFFFFFE0, v56  }
0x1a3: {  	v3 =	vor.u32 v3, v4  }
0x1a4: {  	v4 =	vperm.xlane v3, v0;
	_ =	sdelay $0x1  }
0x1a5: {  	v4 =	vadd.s32 v1, v4;
	_ =	sdelay $0x1  }
0x1a6: {  	v3 =	vperm.xlane v3, v2;
	_ =	sdelay $0x1  }
0x1a7: {  	v3 =	vadd.s32 v1, v3  }
0x1a8: {  	[tilespmem:s25], [sflag:$0x1] =	stream.indirect_vreg.gather [hbm4b:s3+s2], $0x80, v4, vm0, $0xb8;
	[tilespmem:$0x10080] =	vst v63  }
0x1a9: {  	s22 =	simm.s32 $0x880  }
0x1aa: {  	[tilespmem:s22], [sflag:$0x1] =	stream.indirect_vreg.gather [hbm4b:s4+s2], $0x80, v4, vm0, $0xb8;
	[tilespmem:$0x10080] =	vst v63  }
0x1ab: {  	s30 =	simm.s32 $0x1080  }
0x1ac: {  	[tilespmem:s30], [sflag:$0x1] =	stream.indirect_vreg.gather [hbm4b:s3+s2], $0x80, v3, vm0, $0xb8;
	[tilespmem:$0x10080] =	vst v63  }
0x1ad: {  	s21 =	simm.s32 $0x1880  }
0x1ae: {  	[tilespmem:s21], [sflag:$0x1] =	stream.indirect_vreg.gather [hbm4b:s4+s2], $0x80, v3, vm0, $0xb8;
	[tilespmem:$0x10080] =	vst v63  }
0x1af: {  	v3 =	vld [tilespmem:$0x10];
	_ =	sdelay $0x4  }
0x1b0: {  	v57 =	vshll.u32 v3, $0x2  }
0x1b1: {  	v3 =	vand.u32 $0x7, v3;
	v4 =	vand.u32 $0xFFFFFFE0, v57  }
0x1b2: {  	v3 =	vor.u32 v3, v4  }
0x1b3: {  	v4 =	vperm.xlane v3, v0;
	_ =	sdelay $0x1  }
0x1b4: {  	v4 =	vadd.s32 v1, v4;
	_ =	sdelay $0x1  }
0x1b5: {  	v3 =	vperm.xlane v3, v2;
	_ =	sdelay $0x1  }
0x1b6: {  	s22 =	simm.s32 $0x2080;
	v3 =	vadd.s32 v1, v3  }
0x1b7: {  	[tilespmem:s22], [sflag:$0x1] =	stream.indirect_vreg.gather [hbm4b:s3+s2], $0x80, v4, vm0, $0xb8;
	[tilespmem:$0x10080] =	vst v63  }
0x1b8: {  	s30 =	simm.s32 $0x2880  }
0x1b9: {  	[tilespmem:s30], [sflag:$0x1] =	stream.indirect_vreg.gather [hbm4b:s4+s2], $0x80, v4, vm0, $0xb8;
	[tilespmem:$0x10080] =	vst v63  }
0x1ba: {  	s21 =	simm.s32 $0x3080  }
0x1bb: {  	[tilespmem:s21], [sflag:$0x1] =	stream.indirect_vreg.gather [hbm4b:s3+s2], $0x80, v3, vm0, $0xb8;
	[tilespmem:$0x10080] =	vst v63  }
0x1bc: {  	s22 =	simm.s32 $0x3880  }
0x1bd: {  	[tilespmem:s22], [sflag:$0x1] =	stream.indirect_vreg.gather [hbm4b:s4+s2], $0x80, v3, vm0, $0xb8;
	[tilespmem:$0x10080] =	vst v63  }
0x1be: {  	v3 =	vld [tilespmem:$0x20];
	_ =	sdelay $0x4  }
0x1bf: {  	v58 =	vshll.u32 v3, $0x2  }
0x1c0: {  	v3 =	vand.u32 $0x7, v3;
	v4 =	vand.u32 $0xFFFFFFE0, v58  }
0x1c1: {  	v3 =	vor.u32 v3, v4  }
0x1c2: {  	v4 =	vperm.xlane v3, v0;
	_ =	sdelay $0x1  }
0x1c3: {  	v4 =	vadd.s32 v1, v4;
	_ =	sdelay $0x1  }
0x1c4: {  	v3 =	vperm.xlane v3, v2;
	_ =	sdelay $0x1  }
0x1c5: {  	s30 =	simm.s32 $0x4080;
	v3 =	vadd.s32 v1, v3  }
0x1c6: {  	[tilespmem:s30], [sflag:$0x1] =	stream.indirect_vreg.gather [hbm4b:s3+s2], $0x80, v4, vm0, $0xb8;
	[tilespmem:$0x10080] =	vst v63  }
0x1c7: {  	s16 =	simm.s32 $0x4880  }
0x1c8: {  	[tilespmem:s16], [sflag:$0x1] =	stream.indirect_vreg.gather [hbm4b:s4+s2], $0x80, v4, vm0, $0xb8;
	[tilespmem:$0x10080] =	vst v63  }
0x1c9: {  	s12 =	simm.s32 $0x5080  }
0x1ca: {  	[tilespmem:s12], [sflag:$0x1] =	stream.indirect_vreg.gather [hbm4b:s3+s2], $0x80, v3, vm0, $0xb8;
	[tilespmem:$0x10080] =	vst v63  }
0x1cb: {  	s13 =	simm.s32 $0x5880  }
0x1cc: {  	[tilespmem:s13], [sflag:$0x1] =	stream.indirect_vreg.gather [hbm4b:s4+s2], $0x80, v3, vm0, $0xb8;
	[tilespmem:$0x10080] =	vst v63  }
0x1cd: {  	v3 =	vld [tilespmem:$0x30];
	_ =	sdelay $0x4  }
0x1ce: {  	v59 =	vshll.u32 v3, $0x2  }
0x1cf: {  	v3 =	vand.u32 $0x7, v3;
	v4 =	vand.u32 $0xFFFFFFE0, v59  }
0x1d0: {  	v3 =	vor.u32 v3, v4  }
0x1d1: {  	v4 =	vperm.xlane v3, v0;
	_ =	sdelay $0x1  }
0x1d2: {  	v4 =	vadd.s32 v1, v4;
	_ =	sdelay $0x1  }
0x1d3: {  	v3 =	vperm.xlane v3, v2;
	_ =	sdelay $0x1  }
0x1d4: {  	s17 =	simm.s32 $0x6080;
	v3 =	vadd.s32 v1, v3  }
0x1d5: {  	[tilespmem:s17], [sflag:$0x1] =	stream.indirect_vreg.gather [hbm4b:s3+s2], $0x80, v4, vm0, $0xb8;
	[tilespmem:$0x10080] =	vst v63  }
0x1d6: {  	s18 =	simm.s32 $0x6880  }
0x1d7: {  	[tilespmem:s18], [sflag:$0x1] =	stream.indirect_vreg.gather [hbm4b:s4+s2], $0x80, v4, vm0, $0xb8;
	[tilespmem:$0x10080] =	vst v63  }
0x1d8: {  	s19 =	simm.s32 $0x7080  }
0x1d9: {  	[tilespmem:s19], [sflag:$0x1] =	stream.indirect_vreg.gather [hbm4b:s3+s2], $0x80, v3, vm0, $0xb8;
	[tilespmem:$0x10080] =	vst v63  }
0x1da: {  	s20 =	simm.s32 $0x7880  }
0x1db: {  	[tilespmem:s20], [sflag:$0x1] =	stream.indirect_vreg.gather [hbm4b:s4+s2], $0x80, v3, vm0, $0xb8;
	[tilespmem:$0x10080] =	vst v63  }
0x1dc: {  	v3 =	vld [tilespmem:$0x40];
	_ =	sdelay $0x4  }
0x1dd: {  	v60 =	vshll.u32 v3, $0x2  }
0x1de: {  	v3 =	vand.u32 $0x7, v3;
	v4 =	vand.u32 $0xFFFFFFE0, v60  }
0x1df: {  	v3 =	vor.u32 v3, v4  }
0x1e0: {  	v4 =	vperm.xlane v3, v0;
	_ =	sdelay $0x1  }
0x1e1: {  	v4 =	vadd.s32 v1, v4;
	_ =	sdelay $0x1  }
0x1e2: {  	v3 =	vperm.xlane v3, v2;
	_ =	sdelay $0x1  }
0x1e3: {  	s0 =	simm.s32 $0x8080;
	v3 =	vadd.s32 v1, v3  }
0x1e4: {  	[tilespmem:s0], [sflag:$0x1] =	stream.indirect_vreg.gather [hbm4b:s3+s2], $0x80, v4, vm0, $0xb8;
	[tilespmem:$0x10080] =	vst v63  }
0x1e5: {  	s1 =	simm.s32 $0x8880  }
0x1e6: {  	[tilespmem:s1], [sflag:$0x1] =	stream.indirect_vreg.gather [hbm4b:s4+s2], $0x80, v4, vm0, $0xb8;
	[tilespmem:$0x10080] =	vst v63  }
0x1e7: {  	s7 =	simm.s32 $0x9080  }
0x1e8: {  	[tilespmem:s7], [sflag:$0x1] =	stream.indirect_vreg.gather [hbm4b:s3+s2], $0x80, v3, vm0, $0xb8;
	[tilespmem:$0x10080] =	vst v63  }
0x1e9: {  	s11 =	simm.s32 $0x9880  }
0x1ea: {  	[tilespmem:s11], [sflag:$0x1] =	stream.indirect_vreg.gather [hbm4b:s4+s2], $0x80, v3, vm0, $0xb8;
	[tilespmem:$0x10080] =	vst v63  }
0x1eb: {  	v3 =	vld [tilespmem:$0x50];
	_ =	sdelay $0x4  }
0x1ec: {  	v61 =	vshll.u32 v3, $0x2  }
0x1ed: {  	v3 =	vand.u32 $0x7, v3;
	v4 =	vand.u32 $0xFFFFFFE0, v61  }
0x1ee: {  	v3 =	vor.u32 v3, v4  }
0x1ef: {  	v4 =	vperm.xlane v3, v0;
	_ =	sdelay $0x1  }
0x1f0: {  	v4 =	vadd.s32 v1, v4;
	_ =	sdelay $0x1  }
0x1f1: {  	v3 =	vperm.xlane v3, v2;
	_ =	sdelay $0x1  }
0x1f2: {  	s8 =	simm.s32 $0xA080;
	v3 =	vadd.s32 v1, v3  }
0x1f3: {  	[tilespmem:s8], [sflag:$0x1] =	stream.indirect_vreg.gather [hbm4b:s3+s2], $0x80, v4, vm0, $0xb8;
	[tilespmem:$0x10080] =	vst v63  }
0x1f4: {  	s9 =	simm.s32 $0xA880  }
0x1f5: {  	[tilespmem:s9], [sflag:$0x1] =	stream.indirect_vreg.gather [hbm4b:s4+s2], $0x80, v4, vm0, $0xb8;
	[tilespmem:$0x10080] =	vst v63  }
0x1f6: {  	s10 =	simm.s32 $0xB080  }
0x1f7: {  	[tilespmem:s10], [sflag:$0x1] =	stream.indirect_vreg.gather [hbm4b:s3+s2], $0x80, v3, vm0, $0xb8;
	[tilespmem:$0x10080] =	vst v63  }
0x1f8: {  	s21 =	simm.s32 $0xB880  }
0x1f9: {  	[tilespmem:s21], [sflag:$0x1] =	stream.indirect_vreg.gather [hbm4b:s4+s2], $0x80, v3, vm0, $0xb8;
	[tilespmem:$0x10080] =	vst v63  }
0x1fa: {  	v3 =	vld [tilespmem:$0x60];
	_ =	sdelay $0x4  }
0x1fb: {  	v62 =	vshll.u32 v3, $0x2  }
0x1fc: {  	v3 =	vand.u32 $0x7, v3;
	v4 =	vand.u32 $0xFFFFFFE0, v62  }
0x1fd: {  	v3 =	vor.u32 v3, v4  }
0x1fe: {  	v4 =	vperm.xlane v3, v0;
	_ =	sdelay $0x1  }
0x1ff: {  	v4 =	vadd.s32 v1, v4;
	_ =	sdelay $0x1  }
0x200: {  	v3 =	vperm.xlane v3, v2;
	_ =	sdelay $0x1  }
0x201: {  	s31 =	simm.s32 $0xC080;
	v3 =	vadd.s32 v1, v3  }
0x202: {  	[tilespmem:s31], [sflag:$0x1] =	stream.indirect_vreg.gather [hbm4b:s3+s2], $0x80, v4, vm0, $0xb8;
	[tilespmem:$0x10080] =	vst v63  }
0x203: {  	s22 =	simm.s32 $0xC880  }
0x204: {  	[tilespmem:s22], [sflag:$0x1] =	stream.indirect_vreg.gather [hbm4b:s4+s2], $0x80, v4, vm0, $0xb8;
	[tilespmem:$0x10080] =	vst v63  }
0x205: {  	s24 =	simm.s32 $0xD080  }
0x206: {  	[tilespmem:s24], [sflag:$0x1] =	stream.indirect_vreg.gather [hbm4b:s3+s2], $0x80, v3, vm0, $0xb8;
	[tilespmem:$0x10080] =	vst v63  }
0x207: {  	s30 =	simm.s32 $0xD880  }
0x208: {  	[tilespmem:s30], [sflag:$0x1] =	stream.indirect_vreg.gather [hbm4b:s4+s2], $0x80, v3, vm0, $0xb8;
	[tilespmem:$0x10080] =	vst v63  }
0x209: {  	v3 =	vld [tilespmem:$0x70];
	_ =	sdelay $0x4  }
0x20a: {  	v63 =	vshll.u32 v3, $0x2  }
0x20b: {  	v3 =	vand.u32 $0x7, v3;
	v4 =	vand.u32 $0xFFFFFFE0, v63  }
0x20c: {  	v3 =	vor.u32 v3, v4  }
0x20d: {  	v4 =	vperm.xlane v3, v0;
	_ =	sdelay $0x1  }
0x20e: {  	v4 =	vadd.s32 v1, v4;
	_ =	sdelay $0x1  }
0x20f: {  	v3 =	vperm.xlane v3, v2;
	_ =	sdelay $0x1  }
0x210: {  	s23 =	simm.s32 $0xE080;
	v3 =	vadd.s32 v1, v3  }
0x211: {  	[tilespmem:s23], [sflag:$0x1] =	stream.indirect_vreg.gather [hbm4b:s3+s2], $0x80, v4, vm0, $0xb8;
	[tilespmem:$0x10080] =	vst v63  }
0x212: {  	s26 =	simm.s32 $0xE880  }
0x213: {  	[tilespmem:s26], [sflag:$0x1] =	stream.indirect_vreg.gather [hbm4b:s4+s2], $0x80, v4, vm0, $0xb8;
	[tilespmem:$0x10080] =	vst v63  }
0x214: {  	s28 =	simm.s32 $0xF080  }
0x215: {  	[tilespmem:s28], [sflag:$0x1] =	stream.indirect_vreg.gather [hbm4b:s3+s2], $0x80, v3, vm0, $0xb8;
	[tilespmem:$0x10080] =	vst v63  }
0x216: {  	s29 =	simm.s32 $0xF880  }
0x217: {  	[tilespmem:s29], [sflag:$0x1] =	stream.indirect_vreg.gather [hbm4b:s4+s2], $0x80, v3, vm0, $0xb8;
	[tilespmem:$0x10080] =	vst v63  }
0x218: {  	_ =	swait.ge [sflag:s14], $0x10000  }
0x219: {  	p0 =	sne.s32 s5, $0x1;
	[sflag:s14] =	ssyncset.done $0x0  }
.Ltmp0:
0x21a: {  	s31 =	rddreg [dreg:$0xa];
	[sflag:s14] =	ssyncadd.s32 $0xFFFF0000;
	(pc) =	sbr.rel @p0 .LBB2_1-.Ltmp0, $4  }
0x21b: {  	[hbm4b:s31+s2] =	stream.linear.scatter [tilespmem:s25], [sflag:$0x2], $0x10000, $0x38;
	[tilespmem:$0x10080] =	vst v63  }
0x21c: {  	_ =	swait.ge [sflag:s6], $0x10000  }
0x21d: {  	[sflag:s6] =	ssyncset.done $0x0  }
0x21e: {  	s5 =	sadd.s32 $0xFFFFFFFF, s5;
	[sflag:s6] =	ssyncadd.s32 $0xFFFF0000  }
0x21f: {  	_ =	sfence.sel $0x180000  }
0x220: {  	[bflag:$0x0] =	sbarrier.arrive $0xFFFF  }
0x221: {  	_ =	strace $0x9000005C  }
0x222: {  	s0 =	stileid.u32;
	[bflag:$0x2] =	sbarrier.arrive $0xFFFF  }
0x223: {  	p0 =	sne.s32 s0, $0x0;
	s0 =	rddreg [dreg:$0x2]  }
0x224: {  	s0 =	sadd.s32 @!p0 $0x100000, s0  }
0x225: {  	[sflag:s0] =	ssyncadd.tile.s32 @!p0 $0x1;
	_ =	shalt  }
.Lfunc_end2:
_tile_overlayer_lowered:
.L_overlay_start_2:
0x226: {  	(tag) =	ssettag $0x2  }
0x227: {  	s0 =	rddreg [dreg:$0x0];
	s2 =	stileid.u32  }
0x228: {  	s1 =	rddreg [dreg:$0x1];
	p0 =	sne.s32 s2, $0x0  }
0x229: {  	s3 =	rddreg [dreg:$0x2];
	[bflag:$0x3] =	sbarrier.arrive $0xFFFF;
	s2 =	simm.s32 @!p0 $0x1C02  }
0x22a: {  	[timem:s3], [sflag:s2] =	dma.local @!p0 [hbm:s0], s1  }
0x22b: {  	s0 =	simm.s32 @!p0 $0x2  }
0x22c: {  	_ =	swait.ge @!p0 [sflag:s0], s1  }
0x22d: {  	s1 =	ssub.s32 @!p0 $0x0, s1;
	[sflag:s0] =	ssyncset.done @!p0 $0x0  }
0x22e: {  	[sflag:s0] =	ssyncadd.s32 @!p0 s1  }
0x22f: {  	[bflag:$0x3] =	sbarrier.arrive $0xFFFF  }
0x230: {  	_ =	shalt  }

// kernel: kernel.8.cloned.1.call-start
scs
__scs_entry_jumppad:
0x0: {  	(pc) =	sbr.rel $0x88, $3  }
0x1: {  	(tag) =	ssettag $0x0;
	lr =	simm.s32 $0x1  }
0x2: {  	[smem:$0x3F8E] =	sst lr;
	_ =	strace $0xD0000000  }
0x3: {  	_ = 	snop  }
0x4: {  	_ = 	snop  }
0x5: {  	_ = 	snop  }
0x6: {  	_ = 	snop  }
0x7: {  	_ = 	snop  }
__scs_overlays_trampoline_lowered:
0x8: {  	[smem:$0x3F9D] =	sst s0  }
0x9: {  	[smem:$0x3F9E] =	sst s1  }
0xa: {  	[smem:$0x3F9F] =	sst s2  }
0xb: {  	[smem:$0x3FA0] =	sst s3  }
0xc: {  	[smem:$0x3FA1] =	sst s4  }
0xd: {  	[smem:$0x3FA2] =	sst s5  }
0xe: {  	[smem:$0x3FA3] =	sst s6  }
0xf: {  	[smem:$0x3FA4] =	sst s7  }
0x10: {  	[smem:$0x3FA5] =	sst s8  }
0x11: {  	[smem:$0x3FA6] =	sst s9;
	s0 =	simm.s32 @!p0 $0x0  }
0x12: {  	s1 =	sld [smem:$0x3F8C];
	s0 =	simm.s32 @p0 $0x1  }
0x13: {  	[smem:$0x3FA7] =	sst s0;
	s0 =	simm.s32 @!p1 $0x0  }
0x14: {  	s2 =	sld [smem:$0x3F8B];
	s0 =	simm.s32 @p1 $0x1  }
0x15: {  	[smem:$0x3FA8] =	sst s0;
	s0 =	simm.s32 @!p2 $0x0  }
0x16: {  	s3 =	sld [smem:$0x3FDB];
	s0 =	simm.s32 @p2 $0x1  }
0x17: {  	s4 =	simm.s32 $0x1BF5;
	[smem:$0x3FAA] =	sst s0  }
0x18: {  	s0 =	sld [smem:$0x3F8D];
	_ =	swait.ge [sflag:s4], $0x0  }
0x19: {  	s7 =	sld [smem:$0x3F8E]  }
0x1a: {  	s8 =	sadd.s32 $0xFFFFE003, lr  }
0x1b: {  	s9 =	sadd.s32 $0xFFFFFEF7, lr;
	s5 =	simm.s32 $0xFFFFFFFF;
	p2 =	slt.u32 s8, $0xFFFFF086  }
0x1c: {  	p1 =	slt.u32 s9, $0xF7A;
	s5 =	simm.s32 @!p2 $0x0  }
0x1d: {  	s5 =	simm.s32 @p1 $0x1;
	p0 =	seq.s32 s7, s2  }
0x1e: {  	s7 =	smul.u32 @!p0 $0xF7A, s2;
	p2 =	seq.s32 @!p0 s5, $0x0  }
0x1f: {  	s9 =	smul.u32 $0xF7A, s1;
	s8 =	simm.s32 @!p0 $0x1BF5;
	p2 =	por !p2, p0  }
0x20: {  	[sflag:s8] =	ssyncset.s32 @!p0 $0xFFFFF086;
	s6 =	sadd.s32 @!p0 s3, s7;
	s7 =	simm.s32 @!p0 $0x108  }
0x21: {  	s3 =	sadd.s32 s3, s9;
	s6 =	sadd.s32 @!p0 $0x88, s6;
	s7 =	simm.s32 @p2 $0x1082  }
0x22: {  	[simem:s7], [sflag:s8] =	dma.local @!p0 [hbm:s6], $0xF7A  }
0x23: {  	s9 =	sor.u32 $0xD0000000, s2;
	s6 =	simm.s32 $0x108;
	_ =	swait.ge @!p0 [sflag:s8], $0x0  }
0x24: {  	s3 =	sadd.s32 $0x88, s3;
	s6 =	simm.s32 @!p1 $0x1082;
	[sflag:s4] =	ssyncset.s32 $0xFFFFF086  }
0x25: {  	[simem:s6], [sflag:s4] =	dma.local [hbm:s3], $0xF7A  }
0x26: {  	[smem:$0x3F8E] =	sst s1;
	(tag) =	ssettag s2;
	_ =	strace s9  }
0x27: {  	s1 =	sld [smem:$0x3F9E]  }
0x28: {  	s2 =	sld [smem:$0x3F9F]  }
0x29: {  	s4 =	sld [smem:$0x3FA1]  }
0x2a: {  	p0 =	seq.s32 s5, $0x0;
	s5 =	sld [smem:$0x3FA2]  }
0x2b: {  	s6 =	sld [smem:$0x3FA3]  }
0x2c: {  	s7 =	sld [smem:$0x3FA4]  }
0x2d: {  	s3 =	simm.s32 $0x108;
	s8 =	sld [smem:$0x3FA5]  }
0x2e: {  	s3 =	simm.s32 @!p0 $0x1082;
	s9 =	sld [smem:$0x3FA6]  }
0x2f: {  	lr =	sadd.s32 s0, s3;
	s0 =	sld [smem:$0x3F9D]  }
0x30: {  	s3 =	sld [smem:$0x3FA0]  }
0x31: {  	[smem:$0x3FA9] =	sst s10  }
0x32: {  	s10 =	sld [smem:$0x3FA7];
	_ =	sdelay $0x3  }
0x33: {  	p0 =	seq.s32 s10, $0x1;
	s10 =	sld [smem:$0x3FA9];
	_ =	sdelay $0x3  }
0x34: {  	[smem:$0x3FA9] =	sst s10  }
0x35: {  	s10 =	sld [smem:$0x3FA8];
	_ =	sdelay $0x3  }
0x36: {  	p1 =	seq.s32 s10, $0x1;
	s10 =	sld [smem:$0x3FA9];
	_ =	sdelay $0x3  }
0x37: {  	[smem:$0x3FA9] =	sst s10  }
0x38: {  	s10 =	sld [smem:$0x3FAA]  }
0x39: {  	_ = 	snop;
	(pc) =	sbr.ind lr, $3  }
0x3a: {  	_ = 	snop  }
0x3b: {  	_ = 	snop  }
0x3c: {  	p2 =	seq.s32 s10, $0x1;
	s10 =	sld [smem:$0x3FA9]  }
0x3d: {  	_ =	shalt  }
0x3e: {  	_ =	shalt  }
0x3f: {  	_ =	shalt  }
0x40: {  	_ =	shalt  }
0x41: {  	_ =	shalt  }
0x42: {  	_ =	shalt  }
0x43: {  	_ =	shalt  }
0x44: {  	_ =	shalt  }
0x45: {  	_ =	shalt  }
0x46: {  	_ =	shalt  }
0x47: {  	_ =	shalt  }
0x48: {  	_ =	shalt  }
0x49: {  	_ =	shalt  }
0x4a: {  	_ =	shalt  }
0x4b: {  	_ =	shalt  }
0x4c: {  	_ =	shalt  }
0x4d: {  	_ =	shalt  }
0x4e: {  	_ =	shalt  }
0x4f: {  	_ =	shalt  }
0x50: {  	_ =	shalt  }
0x51: {  	_ =	shalt  }
0x52: {  	_ =	shalt  }
0x53: {  	_ =	shalt  }
0x54: {  	_ =	shalt  }
0x55: {  	_ =	shalt  }
0x56: {  	_ =	shalt  }
0x57: {  	_ =	shalt  }
0x58: {  	_ =	shalt  }
0x59: {  	_ =	shalt  }
0x5a: {  	_ =	shalt  }
0x5b: {  	_ =	shalt  }
0x5c: {  	_ =	shalt  }
0x5d: {  	_ =	shalt  }
0x5e: {  	_ =	shalt  }
0x5f: {  	_ =	shalt  }
0x60: {  	_ =	shalt  }
0x61: {  	_ =	shalt  }
0x62: {  	_ =	shalt  }
0x63: {  	_ =	shalt  }
0x64: {  	_ =	shalt  }
0x65: {  	_ =	shalt  }
0x66: {  	_ =	shalt  }
0x67: {  	_ =	shalt  }
0x68: {  	_ =	shalt  }
0x69: {  	_ =	shalt  }
0x6a: {  	_ =	shalt  }
0x6b: {  	_ =	shalt  }
0x6c: {  	_ =	shalt  }
0x6d: {  	_ =	shalt  }
0x6e: {  	_ =	shalt  }
0x6f: {  	_ =	shalt  }
0x70: {  	_ =	shalt  }
0x71: {  	_ =	shalt  }
0x72: {  	_ =	shalt  }
0x73: {  	_ =	shalt  }
0x74: {  	_ =	shalt  }
0x75: {  	_ =	shalt  }
0x76: {  	_ =	shalt  }
0x77: {  	_ =	shalt  }
0x78: {  	_ =	shalt  }
0x79: {  	_ =	shalt  }
0x7a: {  	_ =	shalt  }
0x7b: {  	_ =	shalt  }
0x7c: {  	_ =	shalt  }
0x7d: {  	_ =	shalt  }
0x7e: {  	_ =	shalt  }
0x7f: {  	_ =	shalt  }
0x80: {  	_ =	shalt  }
0x81: {  	_ =	shalt  }
0x82: {  	_ =	shalt  }
0x83: {  	_ =	shalt  }
0x84: {  	_ =	shalt  }
0x85: {  	_ =	shalt  }
0x86: {  	_ =	shalt  }
0x87: {  	_ =	shalt  }
.Lfunc_end0:
.L_simem_size_0:
called_computation.8_lowered:
.L_overlay_start_0:
0x88: {  	s2 =	sld [smem:$0x3FD9]  }
0x89: {  	s3 =	sld [smem:$0x3FFE];
	_ =	sdelay $0x1  }
0x8a: {  	s1 =	srdreg.scid  }
0x8b: {  	s0 =	sand.u32 $0x1, s1  }
0x8c: {  	s16 =	sshll.u32 s0, $0xA;
	s2 =	sadd.s32 s3, s2  }
0x8d: {  	s2 =	sadd.s32 s2, s16  }
0x8e: {  	[smem:$0x3FB5] =	sst s2  }
0x8f: {  	_ = 	snop  }
0x90: {  	(tm) =	ssettm $0x1  }
0x91: {  	s17 =	sld [smem:$0x3FFB];
	_ =	sdelay $0x3  }
0x92: {  	_ =	strace s17  }
0x93: {  	s2 =	sld [smem:$0x3FFC];
	_ =	sdelay $0x3  }
0x94: {  	_ =	strace s2  }
0x95: {  	s2 =	sld [smem:$0x3FFD];
	_ =	sdelay $0x3  }
0x96: {  	_ =	strace s2  }
0x97: {  	_ =	strace $0x8FFFFFFF  }
0x98: {  	s18 =	sld [smem:$0x3FDB];
	_ =	sdelay $0x1  }
0x99: {  	s19 =	simm.s32 $_scs_section_size  }
0x9a: {  	s4 =	simm.s32 $_size__tile_overlayer_lowered;
	s5 =	simm.s32 $_tile_overlayer_lowered  }
0x9b: {  	s22 =	simm.s32 $0x1BFF;
	s21 =	sshll.u32 s5, $0x1;
	s2 =	sadd.s32 s19, s18  }
0x9c: {  	s6 =	simm.s32 $0x0;
	s20 =	sshll.u32 s4, $0x1;
	s4 =	sadd.s32 s21, s2  }
0x9d: {  	[timem:s6], [sflag:s22] =	dma.local [hbm:s4], s20  }
0x9e: {  	_ =	swait.ge [sflag:s22], s20  }
0x9f: {  	s3 =	ssub.s32 $0x0, s20;
	[sflag:s22] =	ssyncset.done $0x0  }
0xa0: {  	[sflag:s22] =	ssyncadd.s32 s3;
	_ =	sdelay $0x1  }
0xa1: {  	s23 =	simm.s32 $0x1B8B  }
0xa2: {  	_ =	swait.ge [sflag:s23], $0x1  }
0xa3: {  	[sflag:s23] =	ssyncset.done $0x0  }
0xa4: {  	s25 =	simm.s32 $0x1B8E;
	s24 =	sld [smem:$0x3FFE];
	[sflag:s23] =	ssyncadd.s32 $0xFFFFFFFF  }
0xa5: {  	s26 =	simm.s32 $execute0_lowered;
	[smem:$0x3FD2] =	sst s25  }
0xa6: {  	s4 =	sshll.u32 s26, $0x1;
	_ =	strace $0x8000004C;
	[dreg:$0x1] =	wrdreg $0xFFFFFFFF  }
0xa7: {  	s28 =	simm.s32 $_size_execute0_lowered;
	s2 =	sadd.s32 s2, s4;
	[dreg:$0x0] =	wrdreg $0x0  }
0xa8: {  	s4 =	sshll.u32 s28, $0x1;
	[dreg:$0x2] =	wrdreg s2  }
0xa9: {  	[dreg:$0x3] =	wrdreg s4  }
0xaa: {  	[dreg:$0x4] =	wrdreg $0xC0  }
0xab: {  	_ =	task [dreg:s6], $0x5FFFF  }
0xac: {  	[dreg:$0x1] =	wrdreg $0xFFFFFFFF  }
0xad: {  	[dreg:$0x0] =	wrdreg $0x60  }
0xae: {  	[dreg:$0x2] =	wrdreg s24  }
0xaf: {  	[dreg:$0x3] =	wrdreg $0x9  }
0xb0: {  	_ =	task.clear_ibuf [dreg:s6], $0x4FFFF;
	_ =	strace $0x9000004C  }
0xb1: {  	s29 =	simm.s32 $0x9;
	_ =	strace $0x8000004E  }
0xb2: {  	_ =	swait.ge [sflag:s29], $0x1  }
0xb3: {  	[sflag:s29] =	ssyncadd.s32 $0xFFFFFFFF  }
0xb4: {  	_ =	strace $0x9000004E  }
0xb5: {  	_ =	sfence  }
0xb6: {  	s30 =	sld [smem:$0x0];
	_ =	sdelay $0x2  }
0xb7: {  	s31 =	sshll.u32 s1, $0xD;
	s1 =	sshrl.u32 s1, $0x2  }
0xb8: {  	s3 =	sand.u32 $0x4000, s31;
	s1 =	sadd.s32 s1, s30  }
0xb9: {  	s0 =	sor.u32 s3, s0;
	s1 =	sshll.u32 s1, $0x11  }
0xba: {  	s0 =	sor.u32 s1, s0  }
0xbb: {  	s0 =	sadd.s32 $0x8F2B, s0  }
0xbc: {  	[sflag:s0] =	ssyncadd.remote.s32 $0x1  }
0xbd: {  	_ =	sfence.sel $0xFFFF  }
0xbe: {  	[dreg:$0x0] =	wrdreg $0xFFFFFFFF;
	(pc) =	sbr.abs _section_cstart, $3  }
0xbf: {  	[dreg:$0x1] =	wrdreg $0xFFFFFFFF  }
0xc0: {  	_ =	task.clear_ibuf [dreg:s6], $0x2FFFF;
	_ =	strace $0x9FFFFFFF  }
0xc1: {  	(tm) =	ssettm $0x7FFFFFFF  }
tec
execute0_lowered:
.L_overlay_start_1:
0x0: {  	(tag) =	ssettag $0x1  }
0x1: {  	s0 =	srdreg.scid  }
0x2: {  	s2 =	stileid.u32;
	s1 =	rddreg [dreg:$0x0];
	s14 =	simm.s32 $0x1  }
0x3: {  	s0 =	sand.u32 $0x1, s0;
	s3 =	sshll.u32 s2, $0x1;
	s2 =	simm.s32 $0x0  }
0x4: {  	s6 =	sadd.s32 $0x224600, s1;
	s8 =	sadd.s32 $0xA3C00, s1;
	s4 =	sor.u32 s0, s3  }
0x5: {  	[smem:$0x7FF] =	sst s2;
	s0 =	ssub.s32 $0x2, s0;
	s5 =	smul.u32 $0x280, s4  }
0x6: {  	s3 =	sadd.s32 $0x23C00, s1;
	s4 =	smul.u32 $0xA000, s4;
	s9 =	sshrl.u32 s0, $0x1  }
0x7: {  	_ =	strace $0x8000004D;
	s0 =	ssub.s32 s0, s9;
	s7 =	sshrl.u32 s5, $0x3  }
0x8: {  	s4 =	sadd.s32 s8, s4;
	s19 =	sadd.s32 $0x80, s5;
	s10 =	sadd.s32 $0x100, s5  }
0x9: {  	s26 =	sadd.s32 $0x180, s5;
	s5 =	sadd.s32 $0x200, s5;
	s7 =	sadd.s32 s6, s7  }
0xa: {  	[dreg:$0x3] =	wrdreg s4;
	s20 =	sshrl.u32 s19, $0x3;
	s22 =	sshrl.u32 s10, $0x3  }
0xb: {  	s24 =	sshll.u32 s10, $0x6;
	[dreg:$0x2] =	wrdreg s7;
	s4 =	sadd.s32 s6, s20  }
0xc: {  	s30 =	sshrl.u32 s5, $0x3;
	s23 =	sadd.s32 s6, s22;
	[dreg:$0x4] =	wrdreg s4  }
0xd: {  	s5 =	sshll.u32 s5, $0x6;
	s25 =	sadd.s32 s8, s24;
	[dreg:$0x6] =	wrdreg s23  }
0xe: {  	s7 =	sshll.u32 s19, $0x6;
	s31 =	sadd.s32 s8, s5;
	[dreg:$0x7] =	wrdreg s25  }
0xf: {  	s28 =	sshrl.u32 s26, $0x3;
	s21 =	sadd.s32 s8, s7;
	[dreg:$0xb] =	wrdreg s31  }
0x10: {  	s5 =	smax.u32 s0, $0x1;
	s4 =	sadd.s32 s6, s28;
	[dreg:$0x5] =	wrdreg s21  }
0x11: {  	v2 =	vlaneseq.u32;
	s7 =	sshll.u32 s26, $0x6;
	s6 =	sadd.s32 s6, s30;
	[dreg:$0x8] =	wrdreg s4  }
0x12: {  	vm0 =	vmmov $0xffff;
	v1 =	vshrl.u32 v2, $0x3;
	s25 =	simm.s32 $0x80;
	s29 =	sadd.s32 s8, s7;
	[dreg:$0xa] =	wrdreg s6  }
0x13: {  	v0 =	vand.u32 $0x7, v2;
	v2 =	vor.u32 $0x8, v2;
	v1 =	vmul.u32 $0x8, v1;
	s4 =	sadd.s32 $0x23D00, s1;
	s6 =	simm.s32 $0x2;
	[dreg:$0x9] =	wrdreg s29  }
.LBB2_1:
0x14: {  	s15 =	rddreg [dreg:$0x2]  }
0x15: {  	[tilespmem:s2], [sflag:$0x2] =	stream.linear.gather [hbm4b:s15+s2], $0x80, $0x38;
	[tilespmem:$0x10080] =	vst v63  }
0x16: {  	_ =	swait.ge [sflag:s6], $0x80  }
0x17: {  	[sflag:s6] =	ssyncset.done $0x0  }
0x18: {  	[sflag:s6] =	ssyncadd.s32 $0xFFFFFF80  }
0x19: {  	v3 =	vld [tilespmem:$0x0];
	_ =	sdelay $0x4  }
0x1a: {  	v4 =	vshll.u32 v3, $0x2  }
0x1b: {  	v3 =	vand.u32 $0x7, v3;
	v4 =	vand.u32 $0xFFFFFFE0, v4  }
0x1c: {  	v3 =	vor.u32 v3, v4  }
0x1d: {  	v4 =	vperm.xlane v3, v0;
	_ =	sdelay $0x1  }
0x1e: {  	v4 =	vadd.s32 v1, v4;
	_ =	sdelay $0x1  }
0x1f: {  	v3 =	vperm.xlane v3, v2;
	_ =	sdelay $0x1  }
0x20: {  	v3 =	vadd.s32 v1, v3  }
0x21: {  	[tilespmem:s25], [sflag:$0x1] =	stream.indirect_vreg.gather [hbm4b:s3+s2], $0x80, v4, vm0, $0xb8;
	[tilespmem:$0x10080] =	vst v63  }
0x22: {  	s0 =	simm.s32 $0x880  }
0x23: {  	[tilespmem:s0], [sflag:$0x1] =	stream.indirect_vreg.gather [hbm4b:s4+s2], $0x80, v4, vm0, $0xb8;
	[tilespmem:$0x10080] =	vst v63  }
0x24: {  	s7 =	simm.s32 $0x1080  }
0x25: {  	[tilespmem:s7], [sflag:$0x1] =	stream.indirect_vreg.gather [hbm4b:s3+s2], $0x80, v3, vm0, $0xb8;
	[tilespmem:$0x10080] =	vst v63  }
0x26: {  	s8 =	simm.s32 $0x1880  }
0x27: {  	[tilespmem:s8], [sflag:$0x1] =	stream.indirect_vreg.gather [hbm4b:s4+s2], $0x80, v3, vm0, $0xb8;
	[tilespmem:$0x10080] =	vst v63  }
0x28: {  	v3 =	vld [tilespmem:$0x10];
	_ =	sdelay $0x4  }
0x29: {  	v25 =	vshll.u32 v3, $0x2  }
0x2a: {  	v3 =	vand.u32 $0x7, v3;
	v4 =	vand.u32 $0xFFFFFFE0, v25  }
0x2b: {  	v3 =	vor.u32 v3, v4  }
0x2c: {  	v4 =	vperm.xlane v3, v0;
	_ =	sdelay $0x1  }
0x2d: {  	v4 =	vadd.s32 v1, v4;
	_ =	sdelay $0x1  }
0x2e: {  	v3 =	vperm.xlane v3, v2;
	_ =	sdelay $0x1  }
0x2f: {  	s9 =	simm.s32 $0x2080;
	v3 =	vadd.s32 v1, v3  }
0x30: {  	[tilespmem:s9], [sflag:$0x1] =	stream.indirect_vreg.gather [hbm4b:s3+s2], $0x80, v4, vm0, $0xb8;
	[tilespmem:$0x10080] =	vst v63  }
0x31: {  	s10 =	simm.s32 $0x2880  }
0x32: {  	[tilespmem:s10], [sflag:$0x1] =	stream.indirect_vreg.gather [hbm4b:s4+s2], $0x80, v4, vm0, $0xb8;
	[tilespmem:$0x10080] =	vst v63  }
0x33: {  	s11 =	simm.s32 $0x3080  }
0x34: {  	[tilespmem:s11], [sflag:$0x1] =	stream.indirect_vreg.gather [hbm4b:s3+s2], $0x80, v3, vm0, $0xb8;
	[tilespmem:$0x10080] =	vst v63  }
0x35: {  	s12 =	simm.s32 $0x3880  }
0x36: {  	[tilespmem:s12], [sflag:$0x1] =	stream.indirect_vreg.gather [hbm4b:s4+s2], $0x80, v3, vm0, $0xb8;
	[tilespmem:$0x10080] =	vst v63  }
0x37: {  	v3 =	vld [tilespmem:$0x20];
	_ =	sdelay $0x4  }
0x38: {  	v26 =	vshll.u32 v3, $0x2  }
0x39: {  	v3 =	vand.u32 $0x7, v3;
	v4 =	vand.u32 $0xFFFFFFE0, v26  }
0x3a: {  	v3 =	vor.u32 v3, v4  }
0x3b: {  	v4 =	vperm.xlane v3, v0;
	_ =	sdelay $0x1  }
0x3c: {  	v4 =	vadd.s32 v1, v4;
	_ =	sdelay $0x1  }
0x3d: {  	v3 =	vperm.xlane v3, v2;
	_ =	sdelay $0x1  }
0x3e: {  	s13 =	simm.s32 $0x4080;
	v3 =	vadd.s32 v1, v3  }
0x3f: {  	[tilespmem:s13], [sflag:$0x1] =	stream.indirect_vreg.gather [hbm4b:s3+s2], $0x80, v4, vm0, $0xb8;
	[tilespmem:$0x10080] =	vst v63  }
0x40: {  	s15 =	simm.s32 $0x4880  }
0x41: {  	[tilespmem:s15], [sflag:$0x1] =	stream.indirect_vreg.gather [hbm4b:s4+s2], $0x80, v4, vm0, $0xb8;
	[tilespmem:$0x10080] =	vst v63  }
0x42: {  	s16 =	simm.s32 $0x5080  }
0x43: {  	[tilespmem:s16], [sflag:$0x1] =	stream.indirect_vreg.gather [hbm4b:s3+s2], $0x80, v3, vm0, $0xb8;
	[tilespmem:$0x10080] =	vst v63  }
0x44: {  	s17 =	simm.s32 $0x5880  }
0x45: {  	[tilespmem:s17], [sflag:$0x1] =	stream.indirect_vreg.gather [hbm4b:s4+s2], $0x80, v3, vm0, $0xb8;
	[tilespmem:$0x10080] =	vst v63  }
0x46: {  	v3 =	vld [tilespmem:$0x30];
	_ =	sdelay $0x4  }
0x47: {  	v27 =	vshll.u32 v3, $0x2  }
0x48: {  	v3 =	vand.u32 $0x7, v3;
	v4 =	vand.u32 $0xFFFFFFE0, v27  }
0x49: {  	v3 =	vor.u32 v3, v4  }
0x4a: {  	v4 =	vperm.xlane v3, v0;
	_ =	sdelay $0x1  }
0x4b: {  	v4 =	vadd.s32 v1, v4;
	_ =	sdelay $0x1  }
0x4c: {  	v3 =	vperm.xlane v3, v2;
	_ =	sdelay $0x1  }
0x4d: {  	s18 =	simm.s32 $0x6080;
	v3 =	vadd.s32 v1, v3  }
0x4e: {  	[tilespmem:s18], [sflag:$0x1] =	stream.indirect_vreg.gather [hbm4b:s3+s2], $0x80, v4, vm0, $0xb8;
	[tilespmem:$0x10080] =	vst v63  }
0x4f: {  	s19 =	simm.s32 $0x6880  }
0x50: {  	[tilespmem:s19], [sflag:$0x1] =	stream.indirect_vreg.gather [hbm4b:s4+s2], $0x80, v4, vm0, $0xb8;
	[tilespmem:$0x10080] =	vst v63  }
0x51: {  	s20 =	simm.s32 $0x7080  }
0x52: {  	[tilespmem:s20], [sflag:$0x1] =	stream.indirect_vreg.gather [hbm4b:s3+s2], $0x80, v3, vm0, $0xb8;
	[tilespmem:$0x10080] =	vst v63  }
0x53: {  	s21 =	simm.s32 $0x7880  }
0x54: {  	[tilespmem:s21], [sflag:$0x1] =	stream.indirect_vreg.gather [hbm4b:s4+s2], $0x80, v3, vm0, $0xb8;
	[tilespmem:$0x10080] =	vst v63  }
0x55: {  	v3 =	vld [tilespmem:$0x40];
	_ =	sdelay $0x4  }
0x56: {  	v28 =	vshll.u32 v3, $0x2  }
0x57: {  	v3 =	vand.u32 $0x7, v3;
	v4 =	vand.u32 $0xFFFFFFE0, v28  }
0x58: {  	v3 =	vor.u32 v3, v4  }
0x59: {  	v4 =	vperm.xlane v3, v0;
	_ =	sdelay $0x1  }
0x5a: {  	v4 =	vadd.s32 v1, v4;
	_ =	sdelay $0x1  }
0x5b: {  	v3 =	vperm.xlane v3, v2;
	_ =	sdelay $0x1  }
0x5c: {  	s22 =	simm.s32 $0x8080;
	v3 =	vadd.s32 v1, v3  }
0x5d: {  	[tilespmem:s22], [sflag:$0x1] =	stream.indirect_vreg.gather [hbm4b:s3+s2], $0x80, v4, vm0, $0xb8;
	[tilespmem:$0x10080] =	vst v63  }
0x5e: {  	s23 =	simm.s32 $0x8880  }
0x5f: {  	[tilespmem:s23], [sflag:$0x1] =	stream.indirect_vreg.gather [hbm4b:s4+s2], $0x80, v4, vm0, $0xb8;
	[tilespmem:$0x10080] =	vst v63  }
0x60: {  	s24 =	simm.s32 $0x9080  }
0x61: {  	[tilespmem:s24], [sflag:$0x1] =	stream.indirect_vreg.gather [hbm4b:s3+s2], $0x80, v3, vm0, $0xb8;
	[tilespmem:$0x10080] =	vst v63  }
0x62: {  	s26 =	simm.s32 $0x9880  }
0x63: {  	[tilespmem:s26], [sflag:$0x1] =	stream.indirect_vreg.gather [hbm4b:s4+s2], $0x80, v3, vm0, $0xb8;
	[tilespmem:$0x10080] =	vst v63  }
0x64: {  	v3 =	vld [tilespmem:$0x50];
	_ =	sdelay $0x4  }
0x65: {  	v29 =	vshll.u32 v3, $0x2  }
0x66: {  	v3 =	vand.u32 $0x7, v3;
	v4 =	vand.u32 $0xFFFFFFE0, v29  }
0x67: {  	v3 =	vor.u32 v3, v4  }
0x68: {  	v4 =	vperm.xlane v3, v0;
	_ =	sdelay $0x1  }
0x69: {  	v4 =	vadd.s32 v1, v4;
	_ =	sdelay $0x1  }
0x6a: {  	v3 =	vperm.xlane v3, v2;
	_ =	sdelay $0x1  }
0x6b: {  	s28 =	simm.s32 $0xA080;
	v3 =	vadd.s32 v1, v3  }
0x6c: {  	[tilespmem:s28], [sflag:$0x1] =	stream.indirect_vreg.gather [hbm4b:s3+s2], $0x80, v4, vm0, $0xb8;
	[tilespmem:$0x10080] =	vst v63  }
0x6d: {  	s29 =	simm.s32 $0xA880  }
0x6e: {  	[tilespmem:s29], [sflag:$0x1] =	stream.indirect_vreg.gather [hbm4b:s4+s2], $0x80, v4, vm0, $0xb8;
	[tilespmem:$0x10080] =	vst v63  }
0x6f: {  	s30 =	simm.s32 $0xB080  }
0x70: {  	[tilespmem:s30], [sflag:$0x1] =	stream.indirect_vreg.gather [hbm4b:s3+s2], $0x80, v3, vm0, $0xb8;
	[tilespmem:$0x10080] =	vst v63  }
0x71: {  	s31 =	simm.s32 $0xB880  }
0x72: {  	[tilespmem:s31], [sflag:$0x1] =	stream.indirect_vreg.gather [hbm4b:s4+s2], $0x80, v3, vm0, $0xb8;
	[tilespmem:$0x10080] =	vst v63  }
0x73: {  	v3 =	vld [tilespmem:$0x60];
	_ =	sdelay $0x4  }
0x74: {  	v30 =	vshll.u32 v3, $0x2  }
0x75: {  	v3 =	vand.u32 $0x7, v3;
	v4 =	vand.u32 $0xFFFFFFE0, v30  }
0x76: {  	v3 =	vor.u32 v3, v4  }
0x77: {  	v4 =	vperm.xlane v3, v0;
	_ =	sdelay $0x1  }
0x78: {  	v4 =	vadd.s32 v1, v4;
	_ =	sdelay $0x1  }
0x79: {  	v3 =	vperm.xlane v3, v2;
	_ =	sdelay $0x1  }
0x7a: {  	s0 =	simm.s32 $0xC080;
	v3 =	vadd.s32 v1, v3  }
0x7b: {  	[tilespmem:s0], [sflag:$0x1] =	stream.indirect_vreg.gather [hbm4b:s3+s2], $0x80, v4, vm0, $0xb8;
	[tilespmem:$0x10080] =	vst v63  }
0x7c: {  	s13 =	simm.s32 $0xC880  }
0x7d: {  	[tilespmem:s13], [sflag:$0x1] =	stream.indirect_vreg.gather [hbm4b:s4+s2], $0x80, v4, vm0, $0xb8;
	[tilespmem:$0x10080] =	vst v63  }
0x7e: {  	s16 =	simm.s32 $0xD080  }
0x7f: {  	[tilespmem:s16], [sflag:$0x1] =	stream.indirect_vreg.gather [hbm4b:s3+s2], $0x80, v3, vm0, $0xb8;
	[tilespmem:$0x10080] =	vst v63  }
0x80: {  	s17 =	simm.s32 $0xD880  }
0x81: {  	[tilespmem:s17], [sflag:$0x1] =	stream.indirect_vreg.gather [hbm4b:s4+s2], $0x80, v3, vm0, $0xb8;
	[tilespmem:$0x10080] =	vst v63  }
0x82: {  	v3 =	vld [tilespmem:$0x70];
	_ =	sdelay $0x4  }
0x83: {  	v31 =	vshll.u32 v3, $0x2  }
0x84: {  	v3 =	vand.u32 $0x7, v3;
	v4 =	vand.u32 $0xFFFFFFE0, v31  }
0x85: {  	v3 =	vor.u32 v3, v4  }
0x86: {  	v4 =	vperm.xlane v3, v0;
	_ =	sdelay $0x1  }
0x87: {  	v4 =	vadd.s32 v1, v4;
	_ =	sdelay $0x1  }
0x88: {  	v3 =	vperm.xlane v3, v2;
	_ =	sdelay $0x1  }
0x89: {  	s18 =	simm.s32 $0xE080;
	v3 =	vadd.s32 v1, v3  }
0x8a: {  	[tilespmem:s18], [sflag:$0x1] =	stream.indirect_vreg.gather [hbm4b:s3+s2], $0x80, v4, vm0, $0xb8;
	[tilespmem:$0x10080] =	vst v63  }
0x8b: {  	s19 =	simm.s32 $0xE880  }
0x8c: {  	[tilespmem:s19], [sflag:$0x1] =	stream.indirect_vreg.gather [hbm4b:s4+s2], $0x80, v4, vm0, $0xb8;
	[tilespmem:$0x10080] =	vst v63  }
0x8d: {  	s20 =	simm.s32 $0xF080  }
0x8e: {  	[tilespmem:s20], [sflag:$0x1] =	stream.indirect_vreg.gather [hbm4b:s3+s2], $0x80, v3, vm0, $0xb8;
	[tilespmem:$0x10080] =	vst v63  }
0x8f: {  	s21 =	simm.s32 $0xF880  }
0x90: {  	[tilespmem:s21], [sflag:$0x1] =	stream.indirect_vreg.gather [hbm4b:s4+s2], $0x80, v3, vm0, $0xb8;
	[tilespmem:$0x10080] =	vst v63  }
0x91: {  	_ =	swait.ge [sflag:s14], $0x10000  }
0x92: {  	[sflag:s14] =	ssyncset.done $0x0  }
0x93: {  	s24 =	rddreg [dreg:$0x3];
	[sflag:s14] =	ssyncadd.s32 $0xFFFF0000  }
0x94: {  	[hbm4b:s24+s2] =	stream.linear.scatter [tilespmem:s25], [sflag:$0x2], $0x10000, $0x38;
	[tilespmem:$0x10080] =	vst v63  }
0x95: {  	_ =	swait.ge [sflag:s6], $0x10000  }
0x96: {  	[sflag:s6] =	ssyncset.done $0x0  }
0x97: {  	s29 =	rddreg [dreg:$0x4];
	[sflag:s6] =	ssyncadd.s32 $0xFFFF0000  }
0x98: {  	[tilespmem:s2], [sflag:$0x2] =	stream.linear.gather [hbm4b:s29+s2], $0x80, $0x38;
	[tilespmem:$0x10080] =	vst v63  }
0x99: {  	_ =	swait.ge [sflag:s6], $0x80  }
0x9a: {  	[sflag:s6] =	ssyncset.done $0x0  }
0x9b: {  	[sflag:s6] =	ssyncadd.s32 $0xFFFFFF80  }
0x9c: {  	v3 =	vld [tilespmem:$0x0];
	_ =	sdelay $0x4  }
0x9d: {  	v32 =	vshll.u32 v3, $0x2  }
0x9e: {  	v3 =	vand.u32 $0x7, v3;
	v4 =	vand.u32 $0xFFFFFFE0, v32  }
0x9f: {  	v3 =	vor.u32 v3, v4  }
0xa0: {  	v4 =	vperm.xlane v3, v0;
	_ =	sdelay $0x1  }
0xa1: {  	v4 =	vadd.s32 v1, v4;
	_ =	sdelay $0x1  }
0xa2: {  	v3 =	vperm.xlane v3, v2;
	_ =	sdelay $0x1  }
0xa3: {  	v3 =	vadd.s32 v1, v3  }
0xa4: {  	[tilespmem:s25], [sflag:$0x1] =	stream.indirect_vreg.gather [hbm4b:s3+s2], $0x80, v4, vm0, $0xb8;
	[tilespmem:$0x10080] =	vst v63  }
0xa5: {  	s1 =	simm.s32 $0x880  }
0xa6: {  	[tilespmem:s1], [sflag:$0x1] =	stream.indirect_vreg.gather [hbm4b:s4+s2], $0x80, v4, vm0, $0xb8;
	[tilespmem:$0x10080] =	vst v63  }
0xa7: {  	s7 =	simm.s32 $0x1080  }
0xa8: {  	[tilespmem:s7], [sflag:$0x1] =	stream.indirect_vreg.gather [hbm4b:s3+s2], $0x80, v3, vm0, $0xb8;
	[tilespmem:$0x10080] =	vst v63  }
0xa9: {  	s16 =	simm.s32 $0x1880  }
0xaa: {  	[tilespmem:s16], [sflag:$0x1] =	stream.indirect_vreg.gather [hbm4b:s4+s2], $0x80, v3, vm0, $0xb8;
	[tilespmem:$0x10080] =	vst v63  }
0xab: {  	v3 =	vld [tilespmem:$0x10];
	_ =	sdelay $0x4  }
0xac: {  	v33 =	vshll.u32 v3, $0x2  }
0xad: {  	v3 =	vand.u32 $0x7, v3;
	v4 =	vand.u32 $0xFFFFFFE0, v33  }
0xae: {  	v3 =	vor.u32 v3, v4  }
0xaf: {  	v4 =	vperm.xlane v3, v0;
	_ =	sdelay $0x1  }
0xb0: {  	v4 =	vadd.s32 v1, v4;
	_ =	sdelay $0x1  }
0xb1: {  	v3 =	vperm.xlane v3, v2;
	_ =	sdelay $0x1  }
0xb2: {  	s8 =	simm.s32 $0x2080;
	v3 =	vadd.s32 v1, v3  }
0xb3: {  	[tilespmem:s8], [sflag:$0x1] =	stream.indirect_vreg.gather [hbm4b:s3+s2], $0x80, v4, vm0, $0xb8;
	[tilespmem:$0x10080] =	vst v63  }
0xb4: {  	s9 =	simm.s32 $0x2880  }
0xb5: {  	[tilespmem:s9], [sflag:$0x1] =	stream.indirect_vreg.gather [hbm4b:s4+s2], $0x80, v4, vm0, $0xb8;
	[tilespmem:$0x10080] =	vst v63  }
0xb6: {  	s10 =	simm.s32 $0x3080  }
0xb7: {  	[tilespmem:s10], [sflag:$0x1] =	stream.indirect_vreg.gather [hbm4b:s3+s2], $0x80, v3, vm0, $0xb8;
	[tilespmem:$0x10080] =	vst v63  }
0xb8: {  	s12 =	simm.s32 $0x3880  }
0xb9: {  	[tilespmem:s12], [sflag:$0x1] =	stream.indirect_vreg.gather [hbm4b:s4+s2], $0x80, v3, vm0, $0xb8;
	[tilespmem:$0x10080] =	vst v63  }
0xba: {  	v3 =	vld [tilespmem:$0x20];
	_ =	sdelay $0x4  }
0xbb: {  	v34 =	vshll.u32 v3, $0x2  }
0xbc: {  	v3 =	vand.u32 $0x7, v3;
	v4 =	vand.u32 $0xFFFFFFE0, v34  }
0xbd: {  	v3 =	vor.u32 v3, v4  }
0xbe: {  	v4 =	vperm.xlane v3, v0;
	_ =	sdelay $0x1  }
0xbf: {  	v4 =	vadd.s32 v1, v4;
	_ =	sdelay $0x1  }
0xc0: {  	v3 =	vperm.xlane v3, v2;
	_ =	sdelay $0x1  }
0xc1: {  	s11 =	simm.s32 $0x4080;
	v3 =	vadd.s32 v1, v3  }
0xc2: {  	[tilespmem:s11], [sflag:$0x1] =	stream.indirect_vreg.gather [hbm4b:s3+s2], $0x80, v4, vm0, $0xb8;
	[tilespmem:$0x10080] =	vst v63  }
0xc3: {  	s24 =	simm.s32 $0x4880  }
0xc4: {  	[tilespmem:s24], [sflag:$0x1] =	stream.indirect_vreg.gather [hbm4b:s4+s2], $0x80, v4, vm0, $0xb8;
	[tilespmem:$0x10080] =	vst v63  }
0xc5: {  	s12 =	simm.s32 $0x5080  }
0xc6: {  	[tilespmem:s12], [sflag:$0x1] =	stream.indirect_vreg.gather [hbm4b:s3+s2], $0x80, v3, vm0, $0xb8;
	[tilespmem:$0x10080] =	vst v63  }
0xc7: {  	s13 =	simm.s32 $0x5880  }
0xc8: {  	[tilespmem:s13], [sflag:$0x1] =	stream.indirect_vreg.gather [hbm4b:s4+s2], $0x80, v3, vm0, $0xb8;
	[tilespmem:$0x10080] =	vst v63  }
0xc9: {  	v3 =	vld [tilespmem:$0x30];
	_ =	sdelay $0x4  }
0xca: {  	v35 =	vshll.u32 v3, $0x2  }
0xcb: {  	v3 =	vand.u32 $0x7, v3;
	v4 =	vand.u32 $0xFFFFFFE0, v35  }
0xcc: {  	v3 =	vor.u32 v3, v4  }
0xcd: {  	v4 =	vperm.xlane v3, v0;
	_ =	sdelay $0x1  }
0xce: {  	v4 =	vadd.s32 v1, v4;
	_ =	sdelay $0x1  }
0xcf: {  	v3 =	vperm.xlane v3, v2;
	_ =	sdelay $0x1  }
0xd0: {  	s17 =	simm.s32 $0x6080;
	v3 =	vadd.s32 v1, v3  }
0xd1: {  	[tilespmem:s17], [sflag:$0x1] =	stream.indirect_vreg.gather [hbm4b:s3+s2], $0x80, v4, vm0, $0xb8;
	[tilespmem:$0x10080] =	vst v63  }
0xd2: {  	s18 =	simm.s32 $0x6880  }
0xd3: {  	[tilespmem:s18], [sflag:$0x1] =	stream.indirect_vreg.gather [hbm4b:s4+s2], $0x80, v4, vm0, $0xb8;
	[tilespmem:$0x10080] =	vst v63  }
0xd4: {  	s19 =	simm.s32 $0x7080  }
0xd5: {  	[tilespmem:s19], [sflag:$0x1] =	stream.indirect_vreg.gather [hbm4b:s3+s2], $0x80, v3, vm0, $0xb8;
	[tilespmem:$0x10080] =	vst v63  }
0xd6: {  	s20 =	simm.s32 $0x7880  }
0xd7: {  	[tilespmem:s20], [sflag:$0x1] =	stream.indirect_vreg.gather [hbm4b:s4+s2], $0x80, v3, vm0, $0xb8;
	[tilespmem:$0x10080] =	vst v63  }
0xd8: {  	v3 =	vld [tilespmem:$0x40];
	_ =	sdelay $0x4  }
0xd9: {  	v36 =	vshll.u32 v3, $0x2  }
0xda: {  	v3 =	vand.u32 $0x7, v3;
	v4 =	vand.u32 $0xFFFFFFE0, v36  }
0xdb: {  	v3 =	vor.u32 v3, v4  }
0xdc: {  	v4 =	vperm.xlane v3, v0;
	_ =	sdelay $0x1  }
0xdd: {  	v4 =	vadd.s32 v1, v4;
	_ =	sdelay $0x1  }
0xde: {  	v3 =	vperm.xlane v3, v2;
	_ =	sdelay $0x1  }
0xdf: {  	s1 =	simm.s32 $0x8080;
	v3 =	vadd.s32 v1, v3  }
0xe0: {  	[tilespmem:s1], [sflag:$0x1] =	stream.indirect_vreg.gather [hbm4b:s3+s2], $0x80, v4, vm0, $0xb8;
	[tilespmem:$0x10080] =	vst v63  }
0xe1: {  	s0 =	simm.s32 $0x8880  }
0xe2: {  	[tilespmem:s0], [sflag:$0x1] =	stream.indirect_vreg.gather [hbm4b:s4+s2], $0x80, v4, vm0, $0xb8;
	[tilespmem:$0x10080] =	vst v63  }
0xe3: {  	s7 =	simm.s32 $0x9080  }
0xe4: {  	[tilespmem:s7], [sflag:$0x1] =	stream.indirect_vreg.gather [hbm4b:s3+s2], $0x80, v3, vm0, $0xb8;
	[tilespmem:$0x10080] =	vst v63  }
0xe5: {  	s11 =	simm.s32 $0x9880  }
0xe6: {  	[tilespmem:s11], [sflag:$0x1] =	stream.indirect_vreg.gather [hbm4b:s4+s2], $0x80, v3, vm0, $0xb8;
	[tilespmem:$0x10080] =	vst v63  }
0xe7: {  	v3 =	vld [tilespmem:$0x50];
	_ =	sdelay $0x4  }
0xe8: {  	v37 =	vshll.u32 v3, $0x2  }
0xe9: {  	v3 =	vand.u32 $0x7, v3;
	v4 =	vand.u32 $0xFFFFFFE0, v37  }
0xea: {  	v3 =	vor.u32 v3, v4  }
0xeb: {  	v4 =	vperm.xlane v3, v0;
	_ =	sdelay $0x1  }
0xec: {  	v4 =	vadd.s32 v1, v4;
	_ =	sdelay $0x1  }
0xed: {  	v3 =	vperm.xlane v3, v2;
	_ =	sdelay $0x1  }
0xee: {  	s8 =	simm.s32 $0xA080;
	v3 =	vadd.s32 v1, v3  }
0xef: {  	[tilespmem:s8], [sflag:$0x1] =	stream.indirect_vreg.gather [hbm4b:s3+s2], $0x80, v4, vm0, $0xb8;
	[tilespmem:$0x10080] =	vst v63  }
0xf0: {  	s9 =	simm.s32 $0xA880  }
0xf1: {  	[tilespmem:s9], [sflag:$0x1] =	stream.indirect_vreg.gather [hbm4b:s4+s2], $0x80, v4, vm0, $0xb8;
	[tilespmem:$0x10080] =	vst v63  }
0xf2: {  	s10 =	simm.s32 $0xB080  }
0xf3: {  	[tilespmem:s10], [sflag:$0x1] =	stream.indirect_vreg.gather [hbm4b:s3+s2], $0x80, v3, vm0, $0xb8;
	[tilespmem:$0x10080] =	vst v63  }
0xf4: {  	s23 =	simm.s32 $0xB880  }
0xf5: {  	[tilespmem:s23], [sflag:$0x1] =	stream.indirect_vreg.gather [hbm4b:s4+s2], $0x80, v3, vm0, $0xb8;
	[tilespmem:$0x10080] =	vst v63  }
0xf6: {  	v3 =	vld [tilespmem:$0x60];
	_ =	sdelay $0x4  }
0xf7: {  	v38 =	vshll.u32 v3, $0x2  }
0xf8: {  	v3 =	vand.u32 $0x7, v3;
	v4 =	vand.u32 $0xFFFFFFE0, v38  }
0xf9: {  	v3 =	vor.u32 v3, v4  }
0xfa: {  	v4 =	vperm.xlane v3, v0;
	_ =	sdelay $0x1  }
0xfb: {  	v4 =	vadd.s32 v1, v4;
	_ =	sdelay $0x1  }
0xfc: {  	v3 =	vperm.xlane v3, v2;
	_ =	sdelay $0x1  }
0xfd: {  	s30 =	simm.s32 $0xC080;
	v3 =	vadd.s32 v1, v3  }
0xfe: {  	[tilespmem:s30], [sflag:$0x1] =	stream.indirect_vreg.gather [hbm4b:s3+s2], $0x80, v4, vm0, $0xb8;
	[tilespmem:$0x10080] =	vst v63  }
0xff: {  	s30 =	simm.s32 $0xC880  }
0x100: {  	[tilespmem:s30], [sflag:$0x1] =	stream.indirect_vreg.gather [hbm4b:s4+s2], $0x80, v4, vm0, $0xb8;
	[tilespmem:$0x10080] =	vst v63  }
0x101: {  	s23 =	simm.s32 $0xD080  }
0x102: {  	[tilespmem:s23], [sflag:$0x1] =	stream.indirect_vreg.gather [hbm4b:s3+s2], $0x80, v3, vm0, $0xb8;
	[tilespmem:$0x10080] =	vst v63  }
0x103: {  	s22 =	simm.s32 $0xD880  }
0x104: {  	[tilespmem:s22], [sflag:$0x1] =	stream.indirect_vreg.gather [hbm4b:s4+s2], $0x80, v3, vm0, $0xb8;
	[tilespmem:$0x10080] =	vst v63  }
0x105: {  	v3 =	vld [tilespmem:$0x70];
	_ =	sdelay $0x4  }
0x106: {  	v39 =	vshll.u32 v3, $0x2  }
0x107: {  	v3 =	vand.u32 $0x7, v3;
	v4 =	vand.u32 $0xFFFFFFE0, v39  }
0x108: {  	v3 =	vor.u32 v3, v4  }
0x109: {  	v4 =	vperm.xlane v3, v0;
	_ =	sdelay $0x1  }
0x10a: {  	v4 =	vadd.s32 v1, v4;
	_ =	sdelay $0x1  }
0x10b: {  	v3 =	vperm.xlane v3, v2;
	_ =	sdelay $0x1  }
0x10c: {  	s26 =	simm.s32 $0xE080;
	v3 =	vadd.s32 v1, v3  }
0x10d: {  	[tilespmem:s26], [sflag:$0x1] =	stream.indirect_vreg.gather [hbm4b:s3+s2], $0x80, v4, vm0, $0xb8;
	[tilespmem:$0x10080] =	vst v63  }
0x10e: {  	s28 =	simm.s32 $0xE880  }
0x10f: {  	[tilespmem:s28], [sflag:$0x1] =	stream.indirect_vreg.gather [hbm4b:s4+s2], $0x80, v4, vm0, $0xb8;
	[tilespmem:$0x10080] =	vst v63  }
0x110: {  	s28 =	simm.s32 $0xF080  }
0x111: {  	[tilespmem:s28], [sflag:$0x1] =	stream.indirect_vreg.gather [hbm4b:s3+s2], $0x80, v3, vm0, $0xb8;
	[tilespmem:$0x10080] =	vst v63  }
0x112: {  	s21 =	simm.s32 $0xF880  }
0x113: {  	[tilespmem:s21], [sflag:$0x1] =	stream.indirect_vreg.gather [hbm4b:s4+s2], $0x80, v3, vm0, $0xb8;
	[tilespmem:$0x10080] =	vst v63  }
0x114: {  	_ =	swait.ge [sflag:s14], $0x10000  }
0x115: {  	[sflag:s14] =	ssyncset.done $0x0  }
0x116: {  	s15 =	rddreg [dreg:$0x5];
	[sflag:s14] =	ssyncadd.s32 $0xFFFF0000  }
0x117: {  	[hbm4b:s15+s2] =	stream.linear.scatter [tilespmem:s25], [sflag:$0x2], $0x10000, $0x38;
	[tilespmem:$0x10080] =	vst v63  }
0x118: {  	_ =	swait.ge [sflag:s6], $0x10000  }
0x119: {  	[sflag:s6] =	ssyncset.done $0x0  }
0x11a: {  	s15 =	rddreg [dreg:$0x6];
	[sflag:s6] =	ssyncadd.s32 $0xFFFF0000  }
0x11b: {  	[tilespmem:s2], [sflag:$0x2] =	stream.linear.gather [hbm4b:s15+s2], $0x80, $0x38;
	[tilespmem:$0x10080] =	vst v63  }
0x11c: {  	_ =	swait.ge [sflag:s6], $0x80  }
0x11d: {  	[sflag:s6] =	ssyncset.done $0x0  }
0x11e: {  	[sflag:s6] =	ssyncadd.s32 $0xFFFFFF80  }
0x11f: {  	v3 =	vld [tilespmem:$0x0];
	_ =	sdelay $0x4  }
0x120: {  	v40 =	vshll.u32 v3, $0x2  }
0x121: {  	v3 =	vand.u32 $0x7, v3;
	v4 =	vand.u32 $0xFFFFFFE0, v40  }
0x122: {  	v3 =	vor.u32 v3, v4  }
0x123: {  	v4 =	vperm.xlane v3, v0;
	_ =	sdelay $0x1  }
0x124: {  	v4 =	vadd.s32 v1, v4;
	_ =	sdelay $0x1  }
0x125: {  	v3 =	vperm.xlane v3, v2;
	_ =	sdelay $0x1  }
0x126: {  	v3 =	vadd.s32 v1, v3  }
0x127: {  	[tilespmem:s25], [sflag:$0x1] =	stream.indirect_vreg.gather [hbm4b:s3+s2], $0x80, v4, vm0, $0xb8;
	[tilespmem:$0x10080] =	vst v63  }
0x128: {  	s31 =	simm.s32 $0x880  }
0x129: {  	[tilespmem:s31], [sflag:$0x1] =	stream.indirect_vreg.gather [hbm4b:s4+s2], $0x80, v4, vm0, $0xb8;
	[tilespmem:$0x10080] =	vst v63  }
0x12a: {  	s31 =	simm.s32 $0x1080  }
0x12b: {  	[tilespmem:s31], [sflag:$0x1] =	stream.indirect_vreg.gather [hbm4b:s3+s2], $0x80, v3, vm0, $0xb8;
	[tilespmem:$0x10080] =	vst v63  }
0x12c: {  	_ = 	snop  }
0x12d: {  	[tilespmem:s16], [sflag:$0x1] =	stream.indirect_vreg.gather [hbm4b:s4+s2], $0x80, v3, vm0, $0xb8;
	[tilespmem:$0x10080] =	vst v63  }
0x12e: {  	v3 =	vld [tilespmem:$0x10];
	_ =	sdelay $0x4  }
0x12f: {  	v41 =	vshll.u32 v3, $0x2  }
0x130: {  	v3 =	vand.u32 $0x7, v3;
	v4 =	vand.u32 $0xFFFFFFE0, v41  }
0x131: {  	v3 =	vor.u32 v3, v4  }
0x132: {  	v4 =	vperm.xlane v3, v0;
	_ =	sdelay $0x1  }
0x133: {  	v4 =	vadd.s32 v1, v4;
	_ =	sdelay $0x1  }
0x134: {  	v3 =	vperm.xlane v3, v2;
	_ =	sdelay $0x1  }
0x135: {  	s31 =	simm.s32 $0x2080;
	v3 =	vadd.s32 v1, v3  }
0x136: {  	[tilespmem:s31], [sflag:$0x1] =	stream.indirect_vreg.gather [hbm4b:s3+s2], $0x80, v4, vm0, $0xb8;
	[tilespmem:$0x10080] =	vst v63  }
0x137: {  	s31 =	simm.s32 $0x2880  }
0x138: {  	[tilespmem:s31], [sflag:$0x1] =	stream.indirect_vreg.gather [hbm4b:s4+s2], $0x80, v4, vm0, $0xb8;
	[tilespmem:$0x10080] =	vst v63  }
0x139: {  	s31 =	simm.s32 $0x3080  }
0x13a: {  	[tilespmem:s31], [sflag:$0x1] =	stream.indirect_vreg.gather [hbm4b:s3+s2], $0x80, v3, vm0, $0xb8;
	[tilespmem:$0x10080] =	vst v63  }
0x13b: {  	s31 =	simm.s32 $0x3880  }
0x13c: {  	[tilespmem:s31], [sflag:$0x1] =	stream.indirect_vreg.gather [hbm4b:s4+s2], $0x80, v3, vm0, $0xb8;
	[tilespmem:$0x10080] =	vst v63  }
0x13d: {  	v3 =	vld [tilespmem:$0x20];
	_ =	sdelay $0x4  }
0x13e: {  	v42 =	vshll.u32 v3, $0x2  }
0x13f: {  	v3 =	vand.u32 $0x7, v3;
	v4 =	vand.u32 $0xFFFFFFE0, v42  }
0x140: {  	v3 =	vor.u32 v3, v4  }
0x141: {  	v4 =	vperm.xlane v3, v0;
	_ =	sdelay $0x1  }
0x142: {  	v4 =	vadd.s32 v1, v4;
	_ =	sdelay $0x1  }
0x143: {  	v3 =	vperm.xlane v3, v2;
	_ =	sdelay $0x1  }
0x144: {  	s31 =	simm.s32 $0x4080;
	v3 =	vadd.s32 v1, v3  }
0x145: {  	[tilespmem:s31], [sflag:$0x1] =	stream.indirect_vreg.gather [hbm4b:s3+s2], $0x80, v4, vm0, $0xb8;
	[tilespmem:$0x10080] =	vst v63  }
0x146: {  	_ = 	snop  }
0x147: {  	[tilespmem:s24], [sflag:$0x1] =	stream.indirect_vreg.gather [hbm4b:s4+s2], $0x80, v4, vm0, $0xb8;
	[tilespmem:$0x10080] =	vst v63  }
0x148: {  	_ = 	snop  }
0x149: {  	[tilespmem:s12], [sflag:$0x1] =	stream.indirect_vreg.gather [hbm4b:s3+s2], $0x80, v3, vm0, $0xb8;
	[tilespmem:$0x10080] =	vst v63  }
0x14a: {  	_ = 	snop  }
0x14b: {  	[tilespmem:s13], [sflag:$0x1] =	stream.indirect_vreg.gather [hbm4b:s4+s2], $0x80, v3, vm0, $0xb8;
	[tilespmem:$0x10080] =	vst v63  }
0x14c: {  	v3 =	vld [tilespmem:$0x30];
	_ =	sdelay $0x4  }
0x14d: {  	v43 =	vshll.u32 v3, $0x2  }
0x14e: {  	v3 =	vand.u32 $0x7, v3;
	v4 =	vand.u32 $0xFFFFFFE0, v43  }
0x14f: {  	v3 =	vor.u32 v3, v4  }
0x150: {  	v4 =	vperm.xlane v3, v0;
	_ =	sdelay $0x1  }
0x151: {  	v4 =	vadd.s32 v1, v4;
	_ =	sdelay $0x1  }
0x152: {  	v3 =	vperm.xlane v3, v2;
	_ =	sdelay $0x1  }
0x153: {  	v3 =	vadd.s32 v1, v3  }
0x154: {  	[tilespmem:s17], [sflag:$0x1] =	stream.indirect_vreg.gather [hbm4b:s3+s2], $0x80, v4, vm0, $0xb8;
	[tilespmem:$0x10080] =	vst v63  }
0x155: {  	_ = 	snop  }
0x156: {  	[tilespmem:s18], [sflag:$0x1] =	stream.indirect_vreg.gather [hbm4b:s4+s2], $0x80, v4, vm0, $0xb8;
	[tilespmem:$0x10080] =	vst v63  }
0x157: {  	_ = 	snop  }
0x158: {  	[tilespmem:s19], [sflag:$0x1] =	stream.indirect_vreg.gather [hbm4b:s3+s2], $0x80, v3, vm0, $0xb8;
	[tilespmem:$0x10080] =	vst v63  }
0x159: {  	_ = 	snop  }
0x15a: {  	[tilespmem:s20], [sflag:$0x1] =	stream.indirect_vreg.gather [hbm4b:s4+s2], $0x80, v3, vm0, $0xb8;
	[tilespmem:$0x10080] =	vst v63  }
0x15b: {  	v3 =	vld [tilespmem:$0x40];
	_ =	sdelay $0x4  }
0x15c: {  	v44 =	vshll.u32 v3, $0x2  }
0x15d: {  	v3 =	vand.u32 $0x7, v3;
	v4 =	vand.u32 $0xFFFFFFE0, v44  }
0x15e: {  	v3 =	vor.u32 v3, v4  }
0x15f: {  	v4 =	vperm.xlane v3, v0;
	_ =	sdelay $0x1  }
0x160: {  	v4 =	vadd.s32 v1, v4;
	_ =	sdelay $0x1  }
0x161: {  	v3 =	vperm.xlane v3, v2;
	_ =	sdelay $0x1  }
0x162: {  	v3 =	vadd.s32 v1, v3  }
0x163: {  	[tilespmem:s1], [sflag:$0x1] =	stream.indirect_vreg.gather [hbm4b:s3+s2], $0x80, v4, vm0, $0xb8;
	[tilespmem:$0x10080] =	vst v63  }
0x164: {  	_ = 	snop  }
0x165: {  	[tilespmem:s0], [sflag:$0x1] =	stream.indirect_vreg.gather [hbm4b:s4+s2], $0x80, v4, vm0, $0xb8;
	[tilespmem:$0x10080] =	vst v63  }
0x166: {  	_ = 	snop  }
0x167: {  	[tilespmem:s7], [sflag:$0x1] =	stream.indirect_vreg.gather [hbm4b:s3+s2], $0x80, v3, vm0, $0xb8;
	[tilespmem:$0x10080] =	vst v63  }
0x168: {  	_ = 	snop  }
0x169: {  	[tilespmem:s11], [sflag:$0x1] =	stream.indirect_vreg.gather [hbm4b:s4+s2], $0x80, v3, vm0, $0xb8;
	[tilespmem:$0x10080] =	vst v63  }
0x16a: {  	v3 =	vld [tilespmem:$0x50];
	_ =	sdelay $0x4  }
0x16b: {  	v45 =	vshll.u32 v3, $0x2  }
0x16c: {  	v3 =	vand.u32 $0x7, v3;
	v4 =	vand.u32 $0xFFFFFFE0, v45  }
0x16d: {  	v3 =	vor.u32 v3, v4  }
0x16e: {  	v4 =	vperm.xlane v3, v0;
	_ =	sdelay $0x1  }
0x16f: {  	v4 =	vadd.s32 v1, v4;
	_ =	sdelay $0x1  }
0x170: {  	v3 =	vperm.xlane v3, v2;
	_ =	sdelay $0x1  }
0x171: {  	v3 =	vadd.s32 v1, v3  }
0x172: {  	[tilespmem:s8], [sflag:$0x1] =	stream.indirect_vreg.gather [hbm4b:s3+s2], $0x80, v4, vm0, $0xb8;
	[tilespmem:$0x10080] =	vst v63  }
0x173: {  	_ = 	snop  }
0x174: {  	[tilespmem:s9], [sflag:$0x1] =	stream.indirect_vreg.gather [hbm4b:s4+s2], $0x80, v4, vm0, $0xb8;
	[tilespmem:$0x10080] =	vst v63  }
0x175: {  	_ = 	snop  }
0x176: {  	[tilespmem:s10], [sflag:$0x1] =	stream.indirect_vreg.gather [hbm4b:s3+s2], $0x80, v3, vm0, $0xb8;
	[tilespmem:$0x10080] =	vst v63  }
0x177: {  	s15 =	simm.s32 $0xB880  }
0x178: {  	[tilespmem:s15], [sflag:$0x1] =	stream.indirect_vreg.gather [hbm4b:s4+s2], $0x80, v3, vm0, $0xb8;
	[tilespmem:$0x10080] =	vst v63  }
0x179: {  	v3 =	vld [tilespmem:$0x60];
	_ =	sdelay $0x4  }
0x17a: {  	v46 =	vshll.u32 v3, $0x2  }
0x17b: {  	v3 =	vand.u32 $0x7, v3;
	v4 =	vand.u32 $0xFFFFFFE0, v46  }
0x17c: {  	v3 =	vor.u32 v3, v4  }
0x17d: {  	v4 =	vperm.xlane v3, v0;
	_ =	sdelay $0x1  }
0x17e: {  	v4 =	vadd.s32 v1, v4;
	_ =	sdelay $0x1  }
0x17f: {  	v3 =	vperm.xlane v3, v2;
	_ =	sdelay $0x1  }
0x180: {  	s29 =	simm.s32 $0xC080;
	v3 =	vadd.s32 v1, v3  }
0x181: {  	[tilespmem:s29], [sflag:$0x1] =	stream.indirect_vreg.gather [hbm4b:s3+s2], $0x80, v4, vm0, $0xb8;
	[tilespmem:$0x10080] =	vst v63  }
0x182: {  	s30 =	simm.s32 $0xC880  }
0x183: {  	[tilespmem:s30], [sflag:$0x1] =	stream.indirect_vreg.gather [hbm4b:s4+s2], $0x80, v4, vm0, $0xb8;
	[tilespmem:$0x10080] =	vst v63  }
0x184: {  	s23 =	simm.s32 $0xD080  }
0x185: {  	[tilespmem:s23], [sflag:$0x1] =	stream.indirect_vreg.gather [hbm4b:s3+s2], $0x80, v3, vm0, $0xb8;
	[tilespmem:$0x10080] =	vst v63  }
0x186: {  	s23 =	simm.s32 $0xD880  }
0x187: {  	[tilespmem:s23], [sflag:$0x1] =	stream.indirect_vreg.gather [hbm4b:s4+s2], $0x80, v3, vm0, $0xb8;
	[tilespmem:$0x10080] =	vst v63  }
0x188: {  	v3 =	vld [tilespmem:$0x70];
	_ =	sdelay $0x4  }
0x189: {  	v47 =	vshll.u32 v3, $0x2  }
0x18a: {  	v3 =	vand.u32 $0x7, v3;
	v4 =	vand.u32 $0xFFFFFFE0, v47  }
0x18b: {  	v3 =	vor.u32 v3, v4  }
0x18c: {  	v4 =	vperm.xlane v3, v0;
	_ =	sdelay $0x1  }
0x18d: {  	v4 =	vadd.s32 v1, v4;
	_ =	sdelay $0x1  }
0x18e: {  	v3 =	vperm.xlane v3, v2;
	_ =	sdelay $0x1  }
0x18f: {  	s22 =	simm.s32 $0xE080;
	v3 =	vadd.s32 v1, v3  }
0x190: {  	[tilespmem:s22], [sflag:$0x1] =	stream.indirect_vreg.gather [hbm4b:s3+s2], $0x80, v4, vm0, $0xb8;
	[tilespmem:$0x10080] =	vst v63  }
0x191: {  	s26 =	simm.s32 $0xE880  }
0x192: {  	[tilespmem:s26], [sflag:$0x1] =	stream.indirect_vreg.gather [hbm4b:s4+s2], $0x80, v4, vm0, $0xb8;
	[tilespmem:$0x10080] =	vst v63  }
0x193: {  	s28 =	simm.s32 $0xF080  }
0x194: {  	[tilespmem:s28], [sflag:$0x1] =	stream.indirect_vreg.gather [hbm4b:s3+s2], $0x80, v3, vm0, $0xb8;
	[tilespmem:$0x10080] =	vst v63  }
0x195: {  	s21 =	simm.s32 $0xF880  }
0x196: {  	[tilespmem:s21], [sflag:$0x1] =	stream.indirect_vreg.gather [hbm4b:s4+s2], $0x80, v3, vm0, $0xb8;
	[tilespmem:$0x10080] =	vst v63  }
0x197: {  	_ =	swait.ge [sflag:s14], $0x10000  }
0x198: {  	[sflag:s14] =	ssyncset.done $0x0  }
0x199: {  	s10 =	rddreg [dreg:$0x7];
	[sflag:s14] =	ssyncadd.s32 $0xFFFF0000  }
0x19a: {  	[hbm4b:s10+s2] =	stream.linear.scatter [tilespmem:s25], [sflag:$0x2], $0x10000, $0x38;
	[tilespmem:$0x10080] =	vst v63  }
0x19b: {  	_ =	swait.ge [sflag:s6], $0x10000  }
0x19c: {  	[sflag:s6] =	ssyncset.done $0x0  }
0x19d: {  	s21 =	rddreg [dreg:$0x8];
	[sflag:s6] =	ssyncadd.s32 $0xFFFF0000  }
0x19e: {  	[tilespmem:s2], [sflag:$0x2] =	stream.linear.gather [hbm4b:s21+s2], $0x80, $0x38;
	[tilespmem:$0x10080] =	vst v63  }
0x19f: {  	_ =	swait.ge [sflag:s6], $0x80  }
0x1a0: {  	[sflag:s6] =	ssyncset.done $0x0  }
0x1a1: {  	[sflag:s6] =	ssyncadd.s32 $0xFFFFFF80  }
0x1a2: {  	v3 =	vld [tilespmem:$0x0];
	_ =	sdelay $0x4  }
0x1a3: {  	v48 =	vshll.u32 v3, $0x2  }
0x1a4: {  	v3 =	vand.u32 $0x7, v3;
	v4 =	vand.u32 $0xFFFFFFE0, v48  }
0x1a5: {  	v3 =	vor.u32 v3, v4  }
0x1a6: {  	v4 =	vperm.xlane v3, v0;
	_ =	sdelay $0x1  }
0x1a7: {  	v4 =	vadd.s32 v1, v4;
	_ =	sdelay $0x1  }
0x1a8: {  	v3 =	vperm.xlane v3, v2;
	_ =	sdelay $0x1  }
0x1a9: {  	v3 =	vadd.s32 v1, v3  }
0x1aa: {  	[tilespmem:s25], [sflag:$0x1] =	stream.indirect_vreg.gather [hbm4b:s3+s2], $0x80, v4, vm0, $0xb8;
	[tilespmem:$0x10080] =	vst v63  }
0x1ab: {  	s28 =	simm.s32 $0x880  }
0x1ac: {  	[tilespmem:s28], [sflag:$0x1] =	stream.indirect_vreg.gather [hbm4b:s4+s2], $0x80, v4, vm0, $0xb8;
	[tilespmem:$0x10080] =	vst v63  }
0x1ad: {  	s15 =	simm.s32 $0x1080  }
0x1ae: {  	[tilespmem:s15], [sflag:$0x1] =	stream.indirect_vreg.gather [hbm4b:s3+s2], $0x80, v3, vm0, $0xb8;
	[tilespmem:$0x10080] =	vst v63  }
0x1af: {  	s16 =	simm.s32 $0x1880  }
0x1b0: {  	[tilespmem:s16], [sflag:$0x1] =	stream.indirect_vreg.gather [hbm4b:s4+s2], $0x80, v3, vm0, $0xb8;
	[tilespmem:$0x10080] =	vst v63  }
0x1b1: {  	v3 =	vld [tilespmem:$0x10];
	_ =	sdelay $0x4  }
0x1b2: {  	v49 =	vshll.u32 v3, $0x2  }
0x1b3: {  	v3 =	vand.u32 $0x7, v3;
	v4 =	vand.u32 $0xFFFFFFE0, v49  }
0x1b4: {  	v3 =	vor.u32 v3, v4  }
0x1b5: {  	v4 =	vperm.xlane v3, v0;
	_ =	sdelay $0x1  }
0x1b6: {  	v4 =	vadd.s32 v1, v4;
	_ =	sdelay $0x1  }
0x1b7: {  	v3 =	vperm.xlane v3, v2;
	_ =	sdelay $0x1  }
0x1b8: {  	s16 =	simm.s32 $0x2080;
	v3 =	vadd.s32 v1, v3  }
0x1b9: {  	[tilespmem:s16], [sflag:$0x1] =	stream.indirect_vreg.gather [hbm4b:s3+s2], $0x80, v4, vm0, $0xb8;
	[tilespmem:$0x10080] =	vst v63  }
0x1ba: {  	s21 =	simm.s32 $0x2880  }
0x1bb: {  	[tilespmem:s21], [sflag:$0x1] =	stream.indirect_vreg.gather [hbm4b:s4+s2], $0x80, v4, vm0, $0xb8;
	[tilespmem:$0x10080] =	vst v63  }
0x1bc: {  	s15 =	simm.s32 $0x3080  }
0x1bd: {  	[tilespmem:s15], [sflag:$0x1] =	stream.indirect_vreg.gather [hbm4b:s3+s2], $0x80, v3, vm0, $0xb8;
	[tilespmem:$0x10080] =	vst v63  }
0x1be: {  	s16 =	simm.s32 $0x3880  }
0x1bf: {  	[tilespmem:s16], [sflag:$0x1] =	stream.indirect_vreg.gather [hbm4b:s4+s2], $0x80, v3, vm0, $0xb8;
	[tilespmem:$0x10080] =	vst v63  }
0x1c0: {  	v3 =	vld [tilespmem:$0x20];
	_ =	sdelay $0x4  }
0x1c1: {  	v50 =	vshll.u32 v3, $0x2  }
0x1c2: {  	v3 =	vand.u32 $0x7, v3;
	v4 =	vand.u32 $0xFFFFFFE0, v50  }
0x1c3: {  	v3 =	vor.u32 v3, v4  }
0x1c4: {  	v4 =	vperm.xlane v3, v0;
	_ =	sdelay $0x1  }
0x1c5: {  	v4 =	vadd.s32 v1, v4;
	_ =	sdelay $0x1  }
0x1c6: {  	v3 =	vperm.xlane v3, v2;
	_ =	sdelay $0x1  }
0x1c7: {  	s21 =	simm.s32 $0x4080;
	v3 =	vadd.s32 v1, v3  }
0x1c8: {  	[tilespmem:s21], [sflag:$0x1] =	stream.indirect_vreg.gather [hbm4b:s3+s2], $0x80, v4, vm0, $0xb8;
	[tilespmem:$0x10080] =	vst v63  }
0x1c9: {  	s24 =	simm.s32 $0x4880  }
0x1ca: {  	[tilespmem:s24], [sflag:$0x1] =	stream.indirect_vreg.gather [hbm4b:s4+s2], $0x80, v4, vm0, $0xb8;
	[tilespmem:$0x10080] =	vst v63  }
0x1cb: {  	s12 =	simm.s32 $0x5080  }
0x1cc: {  	[tilespmem:s12], [sflag:$0x1] =	stream.indirect_vreg.gather [hbm4b:s3+s2], $0x80, v3, vm0, $0xb8;
	[tilespmem:$0x10080] =	vst v63  }
0x1cd: {  	s31 =	simm.s32 $0x5880  }
0x1ce: {  	[tilespmem:s31], [sflag:$0x1] =	stream.indirect_vreg.gather [hbm4b:s4+s2], $0x80, v3, vm0, $0xb8;
	[tilespmem:$0x10080] =	vst v63  }
0x1cf: {  	v3 =	vld [tilespmem:$0x30];
	_ =	sdelay $0x4  }
0x1d0: {  	v51 =	vshll.u32 v3, $0x2  }
0x1d1: {  	v3 =	vand.u32 $0x7, v3;
	v4 =	vand.u32 $0xFFFFFFE0, v51  }
0x1d2: {  	v3 =	vor.u32 v3, v4  }
0x1d3: {  	v4 =	vperm.xlane v3, v0;
	_ =	sdelay $0x1  }
0x1d4: {  	v4 =	vadd.s32 v1, v4;
	_ =	sdelay $0x1  }
0x1d5: {  	v3 =	vperm.xlane v3, v2;
	_ =	sdelay $0x1  }
0x1d6: {  	s17 =	simm.s32 $0x6080;
	v3 =	vadd.s32 v1, v3  }
0x1d7: {  	[tilespmem:s17], [sflag:$0x1] =	stream.indirect_vreg.gather [hbm4b:s3+s2], $0x80, v4, vm0, $0xb8;
	[tilespmem:$0x10080] =	vst v63  }
0x1d8: {  	s18 =	simm.s32 $0x6880  }
0x1d9: {  	[tilespmem:s18], [sflag:$0x1] =	stream.indirect_vreg.gather [hbm4b:s4+s2], $0x80, v4, vm0, $0xb8;
	[tilespmem:$0x10080] =	vst v63  }
0x1da: {  	s19 =	simm.s32 $0x7080  }
0x1db: {  	[tilespmem:s19], [sflag:$0x1] =	stream.indirect_vreg.gather [hbm4b:s3+s2], $0x80, v3, vm0, $0xb8;
	[tilespmem:$0x10080] =	vst v63  }
0x1dc: {  	s20 =	simm.s32 $0x7880  }
0x1dd: {  	[tilespmem:s20], [sflag:$0x1] =	stream.indirect_vreg.gather [hbm4b:s4+s2], $0x80, v3, vm0, $0xb8;
	[tilespmem:$0x10080] =	vst v63  }
0x1de: {  	v3 =	vld [tilespmem:$0x40];
	_ =	sdelay $0x4  }
0x1df: {  	v52 =	vshll.u32 v3, $0x2  }
0x1e0: {  	v3 =	vand.u32 $0x7, v3;
	v4 =	vand.u32 $0xFFFFFFE0, v52  }
0x1e1: {  	v3 =	vor.u32 v3, v4  }
0x1e2: {  	v4 =	vperm.xlane v3, v0;
	_ =	sdelay $0x1  }
0x1e3: {  	v4 =	vadd.s32 v1, v4;
	_ =	sdelay $0x1  }
0x1e4: {  	v3 =	vperm.xlane v3, v2;
	_ =	sdelay $0x1  }
0x1e5: {  	s13 =	simm.s32 $0x8080;
	v3 =	vadd.s32 v1, v3  }
0x1e6: {  	[tilespmem:s13], [sflag:$0x1] =	stream.indirect_vreg.gather [hbm4b:s3+s2], $0x80, v4, vm0, $0xb8;
	[tilespmem:$0x10080] =	vst v63  }
0x1e7: {  	s0 =	simm.s32 $0x8880  }
0x1e8: {  	[tilespmem:s0], [sflag:$0x1] =	stream.indirect_vreg.gather [hbm4b:s4+s2], $0x80, v4, vm0, $0xb8;
	[tilespmem:$0x10080] =	vst v63  }
0x1e9: {  	s1 =	simm.s32 $0x9080  }
0x1ea: {  	[tilespmem:s1], [sflag:$0x1] =	stream.indirect_vreg.gather [hbm4b:s3+s2], $0x80, v3, vm0, $0xb8;
	[tilespmem:$0x10080] =	vst v63  }
0x1eb: {  	s11 =	simm.s32 $0x9880  }
0x1ec: {  	[tilespmem:s11], [sflag:$0x1] =	stream.indirect_vreg.gather [hbm4b:s4+s2], $0x80, v3, vm0, $0xb8;
	[tilespmem:$0x10080] =	vst v63  }
0x1ed: {  	v3 =	vld [tilespmem:$0x50];
	_ =	sdelay $0x4  }
0x1ee: {  	v53 =	vshll.u32 v3, $0x2  }
0x1ef: {  	v3 =	vand.u32 $0x7, v3;
	v4 =	vand.u32 $0xFFFFFFE0, v53  }
0x1f0: {  	v3 =	vor.u32 v3, v4  }
0x1f1: {  	v4 =	vperm.xlane v3, v0;
	_ =	sdelay $0x1  }
0x1f2: {  	v4 =	vadd.s32 v1, v4;
	_ =	sdelay $0x1  }
0x1f3: {  	v3 =	vperm.xlane v3, v2;
	_ =	sdelay $0x1  }
0x1f4: {  	s7 =	simm.s32 $0xA080;
	v3 =	vadd.s32 v1, v3  }
0x1f5: {  	[tilespmem:s7], [sflag:$0x1] =	stream.indirect_vreg.gather [hbm4b:s3+s2], $0x80, v4, vm0, $0xb8;
	[tilespmem:$0x10080] =	vst v63  }
0x1f6: {  	s8 =	simm.s32 $0xA880  }
0x1f7: {  	[tilespmem:s8], [sflag:$0x1] =	stream.indirect_vreg.gather [hbm4b:s4+s2], $0x80, v4, vm0, $0xb8;
	[tilespmem:$0x10080] =	vst v63  }
0x1f8: {  	s9 =	simm.s32 $0xB080  }
0x1f9: {  	[tilespmem:s9], [sflag:$0x1] =	stream.indirect_vreg.gather [hbm4b:s3+s2], $0x80, v3, vm0, $0xb8;
	[tilespmem:$0x10080] =	vst v63  }
0x1fa: {  	s11 =	simm.s32 $0xB880  }
0x1fb: {  	[tilespmem:s11], [sflag:$0x1] =	stream.indirect_vreg.gather [hbm4b:s4+s2], $0x80, v3, vm0, $0xb8;
	[tilespmem:$0x10080] =	vst v63  }
0x1fc: {  	v3 =	vld [tilespmem:$0x60];
	_ =	sdelay $0x4  }
0x1fd: {  	v54 =	vshll.u32 v3, $0x2  }
0x1fe: {  	v3 =	vand.u32 $0x7, v3;
	v4 =	vand.u32 $0xFFFFFFE0, v54  }
0x1ff: {  	v3 =	vor.u32 v3, v4  }
0x200: {  	v4 =	vperm.xlane v3, v0;
	_ =	sdelay $0x1  }
0x201: {  	v4 =	vadd.s32 v1, v4;
	_ =	sdelay $0x1  }
0x202: {  	v3 =	vperm.xlane v3, v2;
	_ =	sdelay $0x1  }
0x203: {  	s29 =	simm.s32 $0xC080;
	v3 =	vadd.s32 v1, v3  }
0x204: {  	[tilespmem:s29], [sflag:$0x1] =	stream.indirect_vreg.gather [hbm4b:s3+s2], $0x80, v4, vm0, $0xb8;
	[tilespmem:$0x10080] =	vst v63  }
0x205: {  	s30 =	simm.s32 $0xC880  }
0x206: {  	[tilespmem:s30], [sflag:$0x1] =	stream.indirect_vreg.gather [hbm4b:s4+s2], $0x80, v4, vm0, $0xb8;
	[tilespmem:$0x10080] =	vst v63  }
0x207: {  	s15 =	simm.s32 $0xD080  }
0x208: {  	[tilespmem:s15], [sflag:$0x1] =	stream.indirect_vreg.gather [hbm4b:s3+s2], $0x80, v3, vm0, $0xb8;
	[tilespmem:$0x10080] =	vst v63  }
0x209: {  	s20 =	simm.s32 $0xD880  }
0x20a: {  	[tilespmem:s20], [sflag:$0x1] =	stream.indirect_vreg.gather [hbm4b:s4+s2], $0x80, v3, vm0, $0xb8;
	[tilespmem:$0x10080] =	vst v63  }
0x20b: {  	v3 =	vld [tilespmem:$0x70];
	_ =	sdelay $0x4  }
0x20c: {  	v55 =	vshll.u32 v3, $0x2  }
0x20d: {  	v3 =	vand.u32 $0x7, v3;
	v4 =	vand.u32 $0xFFFFFFE0, v55  }
0x20e: {  	v3 =	vor.u32 v3, v4  }
0x20f: {  	v4 =	vperm.xlane v3, v0;
	_ =	sdelay $0x1  }
0x210: {  	v4 =	vadd.s32 v1, v4;
	_ =	sdelay $0x1  }
0x211: {  	v3 =	vperm.xlane v3, v2;
	_ =	sdelay $0x1  }
0x212: {  	s22 =	simm.s32 $0xE080;
	v3 =	vadd.s32 v1, v3  }
0x213: {  	[tilespmem:s22], [sflag:$0x1] =	stream.indirect_vreg.gather [hbm4b:s3+s2], $0x80, v4, vm0, $0xb8;
	[tilespmem:$0x10080] =	vst v63  }
0x214: {  	s23 =	simm.s32 $0xE880  }
0x215: {  	[tilespmem:s23], [sflag:$0x1] =	stream.indirect_vreg.gather [hbm4b:s4+s2], $0x80, v4, vm0, $0xb8;
	[tilespmem:$0x10080] =	vst v63  }
0x216: {  	s26 =	simm.s32 $0xF080  }
0x217: {  	[tilespmem:s26], [sflag:$0x1] =	stream.indirect_vreg.gather [hbm4b:s3+s2], $0x80, v3, vm0, $0xb8;
	[tilespmem:$0x10080] =	vst v63  }
0x218: {  	s22 =	simm.s32 $0xF880  }
0x219: {  	[tilespmem:s22], [sflag:$0x1] =	stream.indirect_vreg.gather [hbm4b:s4+s2], $0x80, v3, vm0, $0xb8;
	[tilespmem:$0x10080] =	vst v63  }
0x21a: {  	_ =	swait.ge [sflag:s14], $0x10000  }
0x21b: {  	[sflag:s14] =	ssyncset.done $0x0  }
0x21c: {  	s23 =	rddreg [dreg:$0x9];
	[sflag:s14] =	ssyncadd.s32 $0xFFFF0000  }
0x21d: {  	[hbm4b:s23+s2] =	stream.linear.scatter [tilespmem:s25], [sflag:$0x2], $0x10000, $0x38;
	[tilespmem:$0x10080] =	vst v63  }
0x21e: {  	_ =	swait.ge [sflag:s6], $0x10000  }
0x21f: {  	[sflag:s6] =	ssyncset.done $0x0  }
0x220: {  	s26 =	rddreg [dreg:$0xa];
	[sflag:s6] =	ssyncadd.s32 $0xFFFF0000  }
0x221: {  	[tilespmem:s2], [sflag:$0x2] =	stream.linear.gather [hbm4b:s26+s2], $0x80, $0x38;
	[tilespmem:$0x10080] =	vst v63  }
0x222: {  	_ =	swait.ge [sflag:s6], $0x80  }
0x223: {  	[sflag:s6] =	ssyncset.done $0x0  }
0x224: {  	[sflag:s6] =	ssyncadd.s32 $0xFFFFFF80  }
0x225: {  	v3 =	vld [tilespmem:$0x0];
	_ =	sdelay $0x4  }
0x226: {  	v56 =	vshll.u32 v3, $0x2  }
0x227: {  	v3 =	vand.u32 $0x7, v3;
	v4 =	vand.u32 $0xFFFFFFE0, v56  }
0x228: {  	v3 =	vor.u32 v3, v4  }
0x229: {  	v4 =	vperm.xlane v3, v0;
	_ =	sdelay $0x1  }
0x22a: {  	v4 =	vadd.s32 v1, v4;
	_ =	sdelay $0x1  }
0x22b: {  	v3 =	vperm.xlane v3, v2;
	_ =	sdelay $0x1  }
0x22c: {  	v3 =	vadd.s32 v1, v3  }
0x22d: {  	[tilespmem:s25], [sflag:$0x1] =	stream.indirect_vreg.gather [hbm4b:s3+s2], $0x80, v4, vm0, $0xb8;
	[tilespmem:$0x10080] =	vst v63  }
0x22e: {  	s23 =	simm.s32 $0x880  }
0x22f: {  	[tilespmem:s23], [sflag:$0x1] =	stream.indirect_vreg.gather [hbm4b:s4+s2], $0x80, v4, vm0, $0xb8;
	[tilespmem:$0x10080] =	vst v63  }
0x230: {  	s26 =	simm.s32 $0x1080  }
0x231: {  	[tilespmem:s26], [sflag:$0x1] =	stream.indirect_vreg.gather [hbm4b:s3+s2], $0x80, v3, vm0, $0xb8;
	[tilespmem:$0x10080] =	vst v63  }
0x232: {  	s28 =	simm.s32 $0x1880  }
0x233: {  	[tilespmem:s28], [sflag:$0x1] =	stream.indirect_vreg.gather [hbm4b:s4+s2], $0x80, v3, vm0, $0xb8;
	[tilespmem:$0x10080] =	vst v63  }
0x234: {  	v3 =	vld [tilespmem:$0x10];
	_ =	sdelay $0x4  }
0x235: {  	v57 =	vshll.u32 v3, $0x2  }
0x236: {  	v3 =	vand.u32 $0x7, v3;
	v4 =	vand.u32 $0xFFFFFFE0, v57  }
0x237: {  	v3 =	vor.u32 v3, v4  }
0x238: {  	v4 =	vperm.xlane v3, v0;
	_ =	sdelay $0x1  }
0x239: {  	v4 =	vadd.s32 v1, v4;
	_ =	sdelay $0x1  }
0x23a: {  	v3 =	vperm.xlane v3, v2;
	_ =	sdelay $0x1  }
0x23b: {  	s23 =	simm.s32 $0x2080;
	v3 =	vadd.s32 v1, v3  }
0x23c: {  	[tilespmem:s23], [sflag:$0x1] =	stream.indirect_vreg.gather [hbm4b:s3+s2], $0x80, v4, vm0, $0xb8;
	[tilespmem:$0x10080] =	vst v63  }
0x23d: {  	s26 =	simm.s32 $0x2880  }
0x23e: {  	[tilespmem:s26], [sflag:$0x1] =	stream.indirect_vreg.gather [hbm4b:s4+s2], $0x80, v4, vm0, $0xb8;
	[tilespmem:$0x10080] =	vst v63  }
0x23f: {  	s28 =	simm.s32 $0x3080  }
0x240: {  	[tilespmem:s28], [sflag:$0x1] =	stream.indirect_vreg.gather [hbm4b:s3+s2], $0x80, v3, vm0, $0xb8;
	[tilespmem:$0x10080] =	vst v63  }
0x241: {  	s23 =	simm.s32 $0x3880  }
0x242: {  	[tilespmem:s23], [sflag:$0x1] =	stream.indirect_vreg.gather [hbm4b:s4+s2], $0x80, v3, vm0, $0xb8;
	[tilespmem:$0x10080] =	vst v63  }
0x243: {  	v3 =	vld [tilespmem:$0x20];
	_ =	sdelay $0x4  }
0x244: {  	v58 =	vshll.u32 v3, $0x2  }
0x245: {  	v3 =	vand.u32 $0x7, v3;
	v4 =	vand.u32 $0xFFFFFFE0, v58  }
0x246: {  	v3 =	vor.u32 v3, v4  }
0x247: {  	v4 =	vperm.xlane v3, v0;
	_ =	sdelay $0x1  }
0x248: {  	v4 =	vadd.s32 v1, v4;
	_ =	sdelay $0x1  }
0x249: {  	v3 =	vperm.xlane v3, v2;
	_ =	sdelay $0x1  }
0x24a: {  	s26 =	simm.s32 $0x4080;
	v3 =	vadd.s32 v1, v3  }
0x24b: {  	[tilespmem:s26], [sflag:$0x1] =	stream.indirect_vreg.gather [hbm4b:s3+s2], $0x80, v4, vm0, $0xb8;
	[tilespmem:$0x10080] =	vst v63  }
0x24c: {  	s16 =	simm.s32 $0x4880  }
0x24d: {  	[tilespmem:s16], [sflag:$0x1] =	stream.indirect_vreg.gather [hbm4b:s4+s2], $0x80, v4, vm0, $0xb8;
	[tilespmem:$0x10080] =	vst v63  }
0x24e: {  	s24 =	simm.s32 $0x5080  }
0x24f: {  	[tilespmem:s24], [sflag:$0x1] =	stream.indirect_vreg.gather [hbm4b:s3+s2], $0x80, v3, vm0, $0xb8;
	[tilespmem:$0x10080] =	vst v63  }
0x250: {  	s10 =	simm.s32 $0x5880  }
0x251: {  	[tilespmem:s10], [sflag:$0x1] =	stream.indirect_vreg.gather [hbm4b:s4+s2], $0x80, v3, vm0, $0xb8;
	[tilespmem:$0x10080] =	vst v63  }
0x252: {  	v3 =	vld [tilespmem:$0x30];
	_ =	sdelay $0x4  }
0x253: {  	v59 =	vshll.u32 v3, $0x2  }
0x254: {  	v3 =	vand.u32 $0x7, v3;
	v4 =	vand.u32 $0xFFFFFFE0, v59  }
0x255: {  	v3 =	vor.u32 v3, v4  }
0x256: {  	v4 =	vperm.xlane v3, v0;
	_ =	sdelay $0x1  }
0x257: {  	v4 =	vadd.s32 v1, v4;
	_ =	sdelay $0x1  }
0x258: {  	v3 =	vperm.xlane v3, v2;
	_ =	sdelay $0x1  }
0x259: {  	s31 =	simm.s32 $0x6080;
	v3 =	vadd.s32 v1, v3  }
0x25a: {  	[tilespmem:s31], [sflag:$0x1] =	stream.indirect_vreg.gather [hbm4b:s3+s2], $0x80, v4, vm0, $0xb8;
	[tilespmem:$0x10080] =	vst v63  }
0x25b: {  	s17 =	simm.s32 $0x6880  }
0x25c: {  	[tilespmem:s17], [sflag:$0x1] =	stream.indirect_vreg.gather [hbm4b:s4+s2], $0x80, v4, vm0, $0xb8;
	[tilespmem:$0x10080] =	vst v63  }
0x25d: {  	s18 =	simm.s32 $0x7080  }
0x25e: {  	[tilespmem:s18], [sflag:$0x1] =	stream.indirect_vreg.gather [hbm4b:s3+s2], $0x80, v3, vm0, $0xb8;
	[tilespmem:$0x10080] =	vst v63  }
0x25f: {  	s19 =	simm.s32 $0x7880  }
0x260: {  	[tilespmem:s19], [sflag:$0x1] =	stream.indirect_vreg.gather [hbm4b:s4+s2], $0x80, v3, vm0, $0xb8;
	[tilespmem:$0x10080] =	vst v63  }
0x261: {  	v3 =	vld [tilespmem:$0x40];
	_ =	sdelay $0x4  }
0x262: {  	v60 =	vshll.u32 v3, $0x2  }
0x263: {  	v3 =	vand.u32 $0x7, v3;
	v4 =	vand.u32 $0xFFFFFFE0, v60  }
0x264: {  	v3 =	vor.u32 v3, v4  }
0x265: {  	v4 =	vperm.xlane v3, v0;
	_ =	sdelay $0x1  }
0x266: {  	v4 =	vadd.s32 v1, v4;
	_ =	sdelay $0x1  }
0x267: {  	v3 =	vperm.xlane v3, v2;
	_ =	sdelay $0x1  }
0x268: {  	s12 =	simm.s32 $0x8080;
	v3 =	vadd.s32 v1, v3  }
0x269: {  	[tilespmem:s12], [sflag:$0x1] =	stream.indirect_vreg.gather [hbm4b:s3+s2], $0x80, v4, vm0, $0xb8;
	[tilespmem:$0x10080] =	vst v63  }
0x26a: {  	s21 =	simm.s32 $0x8880  }
0x26b: {  	[tilespmem:s21], [sflag:$0x1] =	stream.indirect_vreg.gather [hbm4b:s4+s2], $0x80, v4, vm0, $0xb8;
	[tilespmem:$0x10080] =	vst v63  }
0x26c: {  	s0 =	simm.s32 $0x9080  }
0x26d: {  	[tilespmem:s0], [sflag:$0x1] =	stream.indirect_vreg.gather [hbm4b:s3+s2], $0x80, v3, vm0, $0xb8;
	[tilespmem:$0x10080] =	vst v63  }
0x26e: {  	s13 =	simm.s32 $0x9880  }
0x26f: {  	[tilespmem:s13], [sflag:$0x1] =	stream.indirect_vreg.gather [hbm4b:s4+s2], $0x80, v3, vm0, $0xb8;
	[tilespmem:$0x10080] =	vst v63  }
0x270: {  	v3 =	vld [tilespmem:$0x50];
	_ =	sdelay $0x4  }
0x271: {  	v61 =	vshll.u32 v3, $0x2  }
0x272: {  	v3 =	vand.u32 $0x7, v3;
	v4 =	vand.u32 $0xFFFFFFE0, v61  }
0x273: {  	v3 =	vor.u32 v3, v4  }
0x274: {  	v4 =	vperm.xlane v3, v0;
	_ =	sdelay $0x1  }
0x275: {  	v4 =	vadd.s32 v1, v4;
	_ =	sdelay $0x1  }
0x276: {  	v3 =	vperm.xlane v3, v2;
	_ =	sdelay $0x1  }
0x277: {  	s1 =	simm.s32 $0xA080;
	v3 =	vadd.s32 v1, v3  }
0x278: {  	[tilespmem:s1], [sflag:$0x1] =	stream.indirect_vreg.gather [hbm4b:s3+s2], $0x80, v4, vm0, $0xb8;
	[tilespmem:$0x10080] =	vst v63  }
0x279: {  	s7 =	simm.s32 $0xA880  }
0x27a: {  	[tilespmem:s7], [sflag:$0x1] =	stream.indirect_vreg.gather [hbm4b:s4+s2], $0x80, v4, vm0, $0xb8;
	[tilespmem:$0x10080] =	vst v63  }
0x27b: {  	s8 =	simm.s32 $0xB080  }
0x27c: {  	[tilespmem:s8], [sflag:$0x1] =	stream.indirect_vreg.gather [hbm4b:s3+s2], $0x80, v3, vm0, $0xb8;
	[tilespmem:$0x10080] =	vst v63  }
0x27d: {  	s28 =	simm.s32 $0xB880  }
0x27e: {  	[tilespmem:s28], [sflag:$0x1] =	stream.indirect_vreg.gather [hbm4b:s4+s2], $0x80, v3, vm0, $0xb8;
	[tilespmem:$0x10080] =	vst v63  }
0x27f: {  	v3 =	vld [tilespmem:$0x60];
	_ =	sdelay $0x4  }
0x280: {  	v62 =	vshll.u32 v3, $0x2  }
0x281: {  	v3 =	vand.u32 $0x7, v3;
	v4 =	vand.u32 $0xFFFFFFE0, v62  }
0x282: {  	v3 =	vor.u32 v3, v4  }
0x283: {  	v4 =	vperm.xlane v3, v0;
	_ =	sdelay $0x1  }
0x284: {  	v4 =	vadd.s32 v1, v4;
	_ =	sdelay $0x1  }
0x285: {  	v3 =	vperm.xlane v3, v2;
	_ =	sdelay $0x1  }
0x286: {  	s29 =	simm.s32 $0xC080;
	v3 =	vadd.s32 v1, v3  }
0x287: {  	[tilespmem:s29], [sflag:$0x1] =	stream.indirect_vreg.gather [hbm4b:s3+s2], $0x80, v4, vm0, $0xb8;
	[tilespmem:$0x10080] =	vst v63  }
0x288: {  	s30 =	simm.s32 $0xC880  }
0x289: {  	[tilespmem:s30], [sflag:$0x1] =	stream.indirect_vreg.gather [hbm4b:s4+s2], $0x80, v4, vm0, $0xb8;
	[tilespmem:$0x10080] =	vst v63  }
0x28a: {  	s29 =	simm.s32 $0xD080  }
0x28b: {  	[tilespmem:s29], [sflag:$0x1] =	stream.indirect_vreg.gather [hbm4b:s3+s2], $0x80, v3, vm0, $0xb8;
	[tilespmem:$0x10080] =	vst v63  }
0x28c: {  	s30 =	simm.s32 $0xD880  }
0x28d: {  	[tilespmem:s30], [sflag:$0x1] =	stream.indirect_vreg.gather [hbm4b:s4+s2], $0x80, v3, vm0, $0xb8;
	[tilespmem:$0x10080] =	vst v63  }
0x28e: {  	v3 =	vld [tilespmem:$0x70];
	_ =	sdelay $0x4  }
0x28f: {  	v63 =	vshll.u32 v3, $0x2  }
0x290: {  	v3 =	vand.u32 $0x7, v3;
	v4 =	vand.u32 $0xFFFFFFE0, v63  }
0x291: {  	v3 =	vor.u32 v3, v4  }
0x292: {  	v4 =	vperm.xlane v3, v0;
	_ =	sdelay $0x1  }
0x293: {  	v4 =	vadd.s32 v1, v4;
	_ =	sdelay $0x1  }
0x294: {  	v3 =	vperm.xlane v3, v2;
	_ =	sdelay $0x1  }
0x295: {  	s9 =	simm.s32 $0xE080;
	v3 =	vadd.s32 v1, v3  }
0x296: {  	[tilespmem:s9], [sflag:$0x1] =	stream.indirect_vreg.gather [hbm4b:s3+s2], $0x80, v4, vm0, $0xb8;
	[tilespmem:$0x10080] =	vst v63  }
0x297: {  	s11 =	simm.s32 $0xE880  }
0x298: {  	[tilespmem:s11], [sflag:$0x1] =	stream.indirect_vreg.gather [hbm4b:s4+s2], $0x80, v4, vm0, $0xb8;
	[tilespmem:$0x10080] =	vst v63  }
0x299: {  	s20 =	simm.s32 $0xF080  }
0x29a: {  	[tilespmem:s20], [sflag:$0x1] =	stream.indirect_vreg.gather [hbm4b:s3+s2], $0x80, v3, vm0, $0xb8;
	[tilespmem:$0x10080] =	vst v63  }
0x29b: {  	s22 =	simm.s32 $0xF880  }
0x29c: {  	[tilespmem:s22], [sflag:$0x1] =	stream.indirect_vreg.gather [hbm4b:s4+s2], $0x80, v3, vm0, $0xb8;
	[tilespmem:$0x10080] =	vst v63  }
0x29d: {  	_ =	swait.ge [sflag:s14], $0x10000  }
0x29e: {  	p0 =	sne.s32 s5, $0x1;
	[sflag:s14] =	ssyncset.done $0x0  }
.Ltmp0:
0x29f: {  	s31 =	rddreg [dreg:$0xb];
	[sflag:s14] =	ssyncadd.s32 $0xFFFF0000;
	(pc) =	sbr.rel @p0 .LBB2_1-.Ltmp0, $4  }
0x2a0: {  	[hbm4b:s31+s2] =	stream.linear.scatter [tilespmem:s25], [sflag:$0x2], $0x10000, $0x38;
	[tilespmem:$0x10080] =	vst v63  }
0x2a1: {  	_ =	swait.ge [sflag:s6], $0x10000  }
0x2a2: {  	[sflag:s6] =	ssyncset.done $0x0  }
0x2a3: {  	s5 =	sadd.s32 $0xFFFFFFFF, s5;
	[sflag:s6] =	ssyncadd.s32 $0xFFFF0000  }
0x2a4: {  	_ =	sfence.sel $0x180000  }
0x2a5: {  	[bflag:$0x0] =	sbarrier.arrive $0xFFFF  }
0x2a6: {  	_ =	strace $0x9000004D  }
0x2a7: {  	s0 =	stileid.u32;
	[bflag:$0x2] =	sbarrier.arrive $0xFFFF  }
0x2a8: {  	p0 =	sne.s32 s0, $0x0;
	s0 =	rddreg [dreg:$0x1]  }
0x2a9: {  	s0 =	sadd.s32 @!p0 $0x100000, s0  }
0x2aa: {  	[sflag:s0] =	ssyncadd.tile.s32 @!p0 $0x1;
	_ =	shalt  }
.Lfunc_end2:
_tile_overlayer_lowered:
.L_overlay_start_2:
0x2ab: {  	(tag) =	ssettag $0x2  }
0x2ac: {  	s0 =	rddreg [dreg:$0x0];
	s2 =	stileid.u32  }
0x2ad: {  	s1 =	rddreg [dreg:$0x1];
	p0 =	sne.s32 s2, $0x0  }
0x2ae: {  	s3 =	rddreg [dreg:$0x2];
	[bflag:$0x3] =	sbarrier.arrive $0xFFFF;
	s2 =	simm.s32 @!p0 $0x1C02  }
0x2af: {  	[timem:s3], [sflag:s2] =	dma.local @!p0 [hbm:s0], s1  }
0x2b0: {  	s0 =	simm.s32 @!p0 $0x2  }
0x2b1: {  	_ =	swait.ge @!p0 [sflag:s0], s1  }
0x2b2: {  	s1 =	ssub.s32 @!p0 $0x0, s1;
	[sflag:s0] =	ssyncset.done @!p0 $0x0  }
0x2b3: {  	[sflag:s0] =	ssyncadd.s32 @!p0 s1  }
0x2b4: {  	[bflag:$0x3] =	sbarrier.arrive $0xFFFF  }
0x2b5: {  	_ =	shalt  }

// kernel: sparse-core-data-format-call.1.cloned.1.call-start
scs
called_computation.1_lowered:
.L_overlay_start_0:
0x0: {  	s1 =	sld [smem:$0x3FD9]  }
0x1: {  	s2 =	sld [smem:$0x3FFE];
	_ =	sdelay $0x1  }
0x2: {  	s3 =	srdreg.scid  }
0x3: {  	s0 =	sand.u32 $0x1, s3  }
0x4: {  	s17 =	sshll.u32 s0, $0xA;
	s1 =	sadd.s32 s2, s1  }
0x5: {  	s1 =	sadd.s32 s1, s17  }
0x6: {  	[smem:$0x3FB5] =	sst s1  }
0x7: {  	_ = 	snop  }
0x8: {  	(tm) =	ssettm $0x1  }
0x9: {  	s18 =	sld [smem:$0x3FFB];
	_ =	sdelay $0x3  }
0xa: {  	_ =	strace s18  }
0xb: {  	s1 =	sld [smem:$0x3FFC];
	_ =	sdelay $0x3  }
0xc: {  	_ =	strace s1  }
0xd: {  	s1 =	sld [smem:$0x3FFD];
	_ =	sdelay $0x3  }
0xe: {  	_ =	strace s1  }
0xf: {  	_ =	strace $0x8FFFFFFF  }
0x10: {  	s19 =	sld [smem:$0x3FDB];
	_ =	sdelay $0x1  }
0x11: {  	s20 =	simm.s32 $_scs_section_size  }
0x12: {  	s4 =	simm.s32 $_size__tile_overlayer_lowered;
	s5 =	simm.s32 $_tile_overlayer_lowered  }
0x13: {  	s23 =	simm.s32 $0x1BFF;
	s22 =	sshll.u32 s5, $0x1;
	s1 =	sadd.s32 s20, s19  }
0x14: {  	s6 =	simm.s32 $0x0;
	s21 =	sshll.u32 s4, $0x1;
	s4 =	sadd.s32 s22, s1  }
0x15: {  	[timem:s6], [sflag:s23] =	dma.local [hbm:s4], s21  }
0x16: {  	_ =	swait.ge [sflag:s23], s21  }
0x17: {  	s2 =	ssub.s32 $0x0, s21;
	[sflag:s23] =	ssyncset.done $0x0  }
0x18: {  	[sflag:s23] =	ssyncadd.s32 s2;
	_ =	sdelay $0x1  }
0x19: {  	s24 =	simm.s32 $0x1B8B  }
0x1a: {  	_ =	swait.ge [sflag:s24], $0x1  }
0x1b: {  	[sflag:s24] =	ssyncset.done $0x0  }
0x1c: {  	s26 =	simm.s32 $0x1B8E;
	s25 =	sld [smem:$0x3FFE];
	[sflag:s24] =	ssyncadd.s32 $0xFFFFFFFF  }
0x1d: {  	s27 =	simm.s32 $execute0_lowered;
	[smem:$0x3FD2] =	sst s26  }
0x1e: {  	s4 =	sshll.u32 s27, $0x1;
	_ =	strace $0x8000005E;
	[dreg:$0x1] =	wrdreg $0xFFFFFFFF  }
0x1f: {  	s28 =	simm.s32 $_size_execute0_lowered;
	s1 =	sadd.s32 s1, s4;
	[dreg:$0x0] =	wrdreg $0x0  }
0x20: {  	s4 =	sshll.u32 s28, $0x1;
	[dreg:$0x2] =	wrdreg s1  }
0x21: {  	[dreg:$0x3] =	wrdreg s4  }
0x22: {  	[dreg:$0x4] =	wrdreg $0xC0  }
0x23: {  	_ =	task [dreg:s6], $0x5FFFF  }
0x24: {  	[dreg:$0x1] =	wrdreg $0xFFFFFFFF  }
0x25: {  	[dreg:$0x0] =	wrdreg $0x60  }
0x26: {  	[dreg:$0x2] =	wrdreg s25  }
0x27: {  	[dreg:$0x3] =	wrdreg $0x9  }
0x28: {  	_ =	task.clear_ibuf [dreg:s6], $0x4FFFF;
	_ =	strace $0x9000005E  }
0x29: {  	s29 =	simm.s32 $0x9;
	_ =	strace $0x80000060  }
0x2a: {  	_ =	swait.ge [sflag:s29], $0x1  }
0x2b: {  	[sflag:s29] =	ssyncadd.s32 $0xFFFFFFFF  }
0x2c: {  	_ =	strace $0x90000060  }
0x2d: {  	_ =	sfence  }
0x2e: {  	s30 =	sld [smem:$0x0];
	_ =	sdelay $0x2  }
0x2f: {  	s31 =	sshll.u32 s3, $0xD;
	s3 =	sshrl.u32 s3, $0x2  }
0x30: {  	s2 =	sand.u32 $0x4000, s31;
	s1 =	sadd.s32 s3, s30  }
0x31: {  	s0 =	sor.u32 s2, s0;
	s1 =	sshll.u32 s1, $0x11  }
0x32: {  	s0 =	sor.u32 s1, s0  }
0x33: {  	s0 =	sadd.s32 $0x8F2B, s0  }
0x34: {  	[sflag:s0] =	ssyncadd.remote.s32 $0x1  }
0x35: {  	_ =	sfence.sel $0xFFFF  }
0x36: {  	[dreg:$0x0] =	wrdreg $0xFFFFFFFF;
	(pc) =	sbr.abs _section_cstart, $3  }
0x37: {  	[dreg:$0x1] =	wrdreg $0xFFFFFFFF  }
0x38: {  	_ =	task.clear_ibuf [dreg:s6], $0x2FFFF;
	_ =	strace $0x9FFFFFFF  }
0x39: {  	(tm) =	ssettm $0x7FFFFFFF  }
tec
execute0_lowered:
.L_overlay_start_1:
0x0: {  	(tag) =	ssettag $0x1  }
0x1: {  	s0 =	srdreg.scid  }
0x2: {  	s1 =	sshll.u32 s0, $0x4  }
0x3: {  	s6 =	rddreg [dreg:$0x0];
	s0 =	stileid.u32;
	s1 =	sand.u32 $0x10, s1  }
0x4: {  	s5 =	simm.s32 $0x1;
	s31 =	simm.s32 $0x2;
	s1 =	sor.u32 s0, s1  }
0x5: {  	s13 =	simm.s32 $0x0;
	s8 =	simm.s32 $0x20000;
	s2 =	sshll.u32 s1, $0x7  }
0x6: {  	s12 =	simm.s32 $0x0;
	s9 =	simm.s32 $0x0;
	s3 =	ssub.s32 $0x4000, s2  }
0x7: {  	s11 =	simm.s32 $0x0;
	s1 =	rddreg [dreg:$0x1];
	s4 =	sand.u32 $0xF80, s3  }
.Ltmp0:
0x8: {  	_ =	strace $0x8000005F;
	p0 =	sne.s32 s4, $0x0;
	(pc) =	sbr.rel .LBB1_1-.Ltmp0, $4  }
0x9: {  	s10 =	smov.u32 s2;
	s7 =	sshrl.u32 s3, $0xC;
	s5 =	simm.s32 @!p0 $0x0  }
0xa: {  	s3 =	sadd.s32 $0x24000, s6;
	s4 =	simm.s32 $0x1;
	s5 =	sadd.s32 s5, s7  }
0xb: {  	s6 =	sadd.s32 $0x124000, s6;
	[sflag:s4] =	ssyncpa.u1 $0x0;
	s5 =	sshll.u32 s5, $0x2  }
0xc: {  	p0 =	por $0x0, $0x0;
	[sflag:s31] =	ssyncpa.u1 $0x0;
	s7 =	sor.u32 $0x1, s5  }
.LBB1_4:
0xd: {  	v5 =	vld [tilespmem:s16+$0xFFFFFFD0]  }
0xe: {  	[tilespmem:s17+$0x2040 ss:$0x81] =	vst.msk $0xffff, v1;
	v58 =	vld [tilespmem:s16+$0xFFFFFFE0]  }
0xf: {  	[tilespmem:s17+$0x2850 ss:$0x81] =	vst.msk $0xffff, v2;
	v59 =	vld [tilespmem:s16+$0xFFFFFFF0]  }
0x10: {  	s18 =	sshra.s32 s18, $0x2;
	[tilespmem:s17+$0x3060 ss:$0x81] =	vst.msk $0xffff, v3;
	v60 =	vld [tilespmem:s16+$0x0]  }
0x11: {  	[tilespmem:s17+$0x0 ss:$0x81] =	vst.msk $0xffff, v0;
	v61 =	vld [tilespmem:s16+$0x10];
	s15 =	sadd.s32 s18, s15  }
0x12: {  	s26 =	sshll.u32 s13, $0xE;
	v62 =	vld [tilespmem:s16+$0x20];
	[tilespmem:s15+$0x3870 ss:$0x81] =	vst.msk $0xffff, v4  }
0x13: {  	s27 =	sand.u32 $0x78, s12;
	s19 =	sshll.u32 s12, $0x3;
	v63 =	vld [tilespmem:s16+$0xFFFFFFC0];
	s29 =	sshll.u32 s13, $0x7;
	[tilespmem:s15+$0x810 ss:$0x81] =	vst.msk $0xffff, v5  }
0x14: {  	s17 =	sand.u32 $0x7E0000, s26;
	s28 =	sand.u32 $0x7FFC00, s19;
	s19 =	sand.u32 $0x3C00, s19;
	[tilespmem:s15+$0x1020 ss:$0x81] =	vst.msk $0xffff, v58  }
0x15: {  	s13 =	sand.u32 $0x380, s29;
	s16 =	sadd.s32 s28, s17;
	s30 =	sor.u32 s27, s19;
	[tilespmem:s15+$0x1830 ss:$0x81] =	vst.msk $0xffff, v59  }
0x16: {  	s16 =	sand.u32 $0x7FC000, s16;
	s13 =	sor.u32 s13, s30;
	[tilespmem:s15+$0x2040 ss:$0x81] =	vst.msk $0xffff, v60  }
0x17: {  	s31 =	sand.u32 $0x7, s12;
	s13 =	sor.u32 s16, s13;
	[tilespmem:s15+$0x2850 ss:$0x81] =	vst.msk $0xffff, v61  }
0x18: {  	s12 =	sshll.u32 s31, $0x12;
	[tilespmem:s15+$0x3060 ss:$0x81] =	vst.msk $0xffff, v62;
	s13 =	sshrl.u32 s13, $0x3  }
0x19: {  	s12 =	sor.u32 $0x400, s12;
	[tilespmem:s15+$0x0 ss:$0x81] =	vst.msk $0xffff, v63;
	s13 =	sadd.s32 s6, s13  }
0x1a: {  	[hbm4b:s13+s12] =	stream.strided.scatter [tilespmem:s14], [sflag:$0x2], $0x4000, s8, s12, $0x20;
	[tilespmem:$0x10100] =	vst v63  }
.LBB1_5:
0x1b: {  	s14 =	sadd.s32 $0x80, s9  }
0x1c: {  	s12 =	sadd.s32 $0x1000, s10;
	s16 =	smov.u32 s10;
	p2 =	sgt.s32 s14, $0x1FF  }
0x1d: {  	s16 =	smov.u32 @p2 s12  }
0x1e: {  	s14 =	simm.s32 @p2 $0x0;
	p2 =	sgt.s32 s16, $0x3FFF  }
0x1f: {  	s16 =	smov.u32 @p2 s2;
	p2 =	sne.s32 s11, s7  }
.Ltmp1:
0x20: {  	p1 =	slt.u32 s11, $0x2;
	(pc) =	sbr.rel @!p2 .LBB1_6-.Ltmp1, $4  }
0x21: {  	s15 =	simm.s32 @!p1 $0x2  }
0x22: {  	s13 =	smov.u32 s9;
	p0 =	por !p0, !p0;
	_ =	swait.ge @!p1 [sflag:s15], $0x4000  }
0x23: {  	s12 =	smov.u32 s10;
	[sflag:s15] =	ssyncset.done @!p1 $0x0;
	s9 =	smov.u32 s14  }
0x24: {  	s11 =	sadd.s32 $0x1, s11;
	[sflag:s15] =	ssyncadd.s32 @!p1 $0xFFFFC000;
	s10 =	smov.u32 s16  }
.LBB1_1:
0x25: {  	p1 =	sge.u32 s11, s5  }
0x26: {  	s31 =	sadd.s32 $0xFFFFFFFF, s11;
	s14 =	sshll.u32 @!p1 s10, $0x9  }
0x27: {  	s15 =	sshll.u32 @!p1 s9, $0x3;
	s16 =	sshll.u32 @!p1 s10, $0x7;
	s14 =	sand.u32 @!p1 $0x7FF000, s14  }
0x28: {  	s17 =	sand.u32 @!p1 $0x78, s9;
	s14 =	sadd.s32 @!p1 s14, s15;
	s15 =	sand.u32 @!p1 $0x380, s16  }
0x29: {  	s16 =	sxor.u32 @!p1 $0xFFFFFFFF, s11;
	s14 =	sand.u32 @!p1 $0x7FFC00, s14;
	s15 =	sor.u32 @!p1 s15, s17  }
0x2a: {  	s16 =	sshll.u32 @!p1 s16, $0xE;
	s14 =	sor.u32 @!p1 s14, s15;
	s15 =	sand.u32 @!p1 $0x7, s9  }
0x2b: {  	s17 =	simm.s32 @!p1 $0x1000;
	s14 =	sshrl.u32 @!p1 s14, $0x3;
	s15 =	sshll.u32 @!p1 s15, $0x12  }
0x2c: {  	s16 =	sand.u32 @!p1 $0x4000, s16;
	s14 =	sadd.s32 @!p1 s3, s14;
	s15 =	sor.u32 @!p1 $0x400, s15  }
0x2d: {  	[tilespmem:s16], [sflag:$0x1] =	stream.strided.gather @!p1 [hbm4b:s14+s15], $0x4000, s17, s15, $0x38;
	[tilespmem:$0x10100] =	vst v63  }
0x2e: {  	p1 =	sge.u32 s31, s5  }
.Ltmp2:
0x2f: {  	_ = 	snop;
	(pc) =	sbr.rel @p1 .LBB1_5-.Ltmp2, $1  }
0x30: {  	_ =	sdelay $0x3  }
0x31: {  	s14 =	simm.s32 $0x1  }
0x32: {  	_ =	swait.ge [sflag:s4], $0x4000;
	s14 =	simm.s32 @!p0 $0x0  }
0x33: {  	[sflag:s4] =	ssyncset.done $0x0;
	s15 =	sshll.u32 s14, $0xE  }
0x34: {  	[sflag:s4] =	ssyncadd.s32 $0xFFFFC000;
	s16 =	sor.u32 $0x40, s15  }
0x35: {  	s14 =	smul.u32 $0x10200, s14;
	v0 =	vld [tilespmem:s16+$0x30]  }
0x36: {  	v3 =	vld [tilespmem:s16+$0xFFFFFFD0]  }
0x37: {  	s14 =	sshrl.u32 s14, $0x2;
	v4 =	vld [tilespmem:s16+$0xFFFFFFE0]  }
0x38: {  	v5 =	vld [tilespmem:s16+$0xFFFFFFF0];
	s15 =	sor.u32 $0x8000, s14  }
0x39: {  	s31 =	sand.u32 $0x1, s11;
	v1 =	vld [tilespmem:s16+$0x0];
	s17 =	sadd.s32 $0x0, s15  }
0x3a: {  	v2 =	vld [tilespmem:s16+$0x10];
	s14 =	smul.u32 $0x10200, s31;
	[tilespmem:s17+$0x3870 ss:$0x81] =	vst.msk $0xffff, v0  }
0x3b: {  	[tilespmem:s17+$0x810 ss:$0x81] =	vst.msk $0xffff, v3;
	v3 =	vld [tilespmem:s16+$0x20]  }
0x3c: {  	s14 =	sshrl.u32 s14, $0x2;
	v0 =	vld [tilespmem:s16+$0xFFFFFFC0];
	[tilespmem:s17+$0x1020 ss:$0x81] =	vst.msk $0xffff, v4;
	s16 =	sadd.s32 $0x80, s16  }
0x3d: {  	s18 =	simm.s32 $0x4;
	s19 =	simm.s32 $0x8;
	s14 =	sor.u32 $0x8000, s14;
	[tilespmem:s17+$0x1830 ss:$0x81] =	vst.msk $0xffff, v5;
	v4 =	vld [tilespmem:s16+$0x30]  }
.LBB1_3:
0x3e: {  	p1 =	sne.s32 s19, $0x1FC;
	v5 =	vld [tilespmem:s16+$0xFFFFFFD0];
	[tilespmem:s17+$0x2040 ss:$0x81] =	vst.msk $0xffff, v1  }
0x3f: {  	v6 =	vld [tilespmem:s16+$0xFFFFFFE0];
	[tilespmem:s17+$0x2850 ss:$0x81] =	vst.msk $0xffff, v2  }
0x40: {  	s20 =	sshra.s32 s18, $0x2;
	s18 =	smov.u32 s19;
	v7 =	vld [tilespmem:s16+$0xFFFFFFF0];
	[tilespmem:s17+$0x3060 ss:$0x81] =	vst.msk $0xffff, v3  }
.Ltmp3:
0x41: {  	v1 =	vld [tilespmem:s16+$0x0];
	[tilespmem:s17+$0x0 ss:$0x81] =	vst.msk $0xffff, v0;
	s17 =	sadd.s32 s20, s15;
	(pc) =	sbr.rel @p1 .LBB1_3-.Ltmp3, $4  }
0x42: {  	v2 =	vld [tilespmem:s16+$0x10];
	[tilespmem:s17+$0x3870 ss:$0x81] =	vst.msk $0xffff, v4  }
0x43: {  	[tilespmem:s17+$0x810 ss:$0x81] =	vst.msk $0xffff, v5;
	v3 =	vld [tilespmem:s16+$0x20]  }
0x44: {  	v0 =	vld [tilespmem:s16+$0xFFFFFFC0];
	[tilespmem:s17+$0x1020 ss:$0x81] =	vst.msk $0xffff, v6;
	s16 =	sadd.s32 $0x80, s16  }
0x45: {  	s19 =	sadd.s32 $0x4, s19;
	v4 =	vld [tilespmem:s16+$0x30];
	[tilespmem:s17+$0x1830 ss:$0x81] =	vst.msk $0xffff, v7  }
.Ltmp4:
0x46: {  	_ = 	snop;
	(pc) =	sbr.rel .LBB1_4-.Ltmp4, $1  }
0x47: {  	_ =	sdelay $0x3  }
.LBB1_6:
0x48: {  	_ =	sfence.sel $0x180000  }
0x49: {  	s2 =	simm.s32 $0x1;
	[bflag:$0x0] =	sbarrier.arrive $0xFFFF  }
0x4a: {  	s31 =	simm.s32 $0x2;
	[sflag:s2] =	ssyncpa.u1 $0x1  }
0x4b: {  	[sflag:s31] =	ssyncpa.u1 $0x1  }
0x4c: {  	p0 =	sne.s32 s0, $0x0;
	_ =	strace $0x9000005F  }
0x4d: {  	s0 =	sadd.s32 @!p0 $0x100000, s1;
	[bflag:$0x2] =	sbarrier.arrive $0xFFFF  }
0x4e: {  	[sflag:s0] =	ssyncadd.tile.s32 @!p0 $0x1;
	_ =	shalt  }
.Lfunc_end1:
_tile_overlayer_lowered:
.L_overlay_start_2:
0x4f: {  	(tag) =	ssettag $0x2  }
0x50: {  	s0 =	rddreg [dreg:$0x0];
	s2 =	stileid.u32  }
0x51: {  	s1 =	rddreg [dreg:$0x1];
	p0 =	sne.s32 s2, $0x0  }
0x52: {  	s3 =	rddreg [dreg:$0x2];
	[bflag:$0x3] =	sbarrier.arrive $0xFFFF;
	s2 =	simm.s32 @!p0 $0x1C01  }
0x53: {  	[timem:s3], [sflag:s2] =	dma.local @!p0 [hbm:s0], s1  }
0x54: {  	s0 =	simm.s32 @!p0 $0x1  }
0x55: {  	_ =	swait.ge @!p0 [sflag:s0], s1  }
0x56: {  	s1 =	ssub.s32 @!p0 $0x0, s1;
	[sflag:s0] =	ssyncset.done @!p0 $0x0  }
0x57: {  	[sflag:s0] =	ssyncadd.s32 @!p0 s1  }
0x58: {  	[bflag:$0x3] =	sbarrier.arrive $0xFFFF  }
0x59: {  	_ =	shalt  }

// kernel: sparse-core-data-format-call.2.cloned.1.call-start
scs
called_computation.2_lowered:
.L_overlay_start_0:
0x0: {  	s1 =	sld [smem:$0x3FD9]  }
0x1: {  	s2 =	sld [smem:$0x3FFE];
	_ =	sdelay $0x1  }
0x2: {  	s3 =	srdreg.scid  }
0x3: {  	s0 =	sand.u32 $0x1, s3  }
0x4: {  	s17 =	sshll.u32 s0, $0xA;
	s1 =	sadd.s32 s2, s1  }
0x5: {  	s1 =	sadd.s32 s1, s17  }
0x6: {  	[smem:$0x3FB5] =	sst s1  }
0x7: {  	_ = 	snop  }
0x8: {  	(tm) =	ssettm $0x1  }
0x9: {  	s18 =	sld [smem:$0x3FFB];
	_ =	sdelay $0x3  }
0xa: {  	_ =	strace s18  }
0xb: {  	s1 =	sld [smem:$0x3FFC];
	_ =	sdelay $0x3  }
0xc: {  	_ =	strace s1  }
0xd: {  	s1 =	sld [smem:$0x3FFD];
	_ =	sdelay $0x3  }
0xe: {  	_ =	strace s1  }
0xf: {  	_ =	strace $0x8FFFFFFF  }
0x10: {  	s19 =	sld [smem:$0x3FDB];
	_ =	sdelay $0x1  }
0x11: {  	s20 =	simm.s32 $_scs_section_size  }
0x12: {  	s4 =	simm.s32 $_size__tile_overlayer_lowered;
	s5 =	simm.s32 $_tile_overlayer_lowered  }
0x13: {  	s23 =	simm.s32 $0x1BFF;
	s22 =	sshll.u32 s5, $0x1;
	s1 =	sadd.s32 s20, s19  }
0x14: {  	s6 =	simm.s32 $0x0;
	s21 =	sshll.u32 s4, $0x1;
	s4 =	sadd.s32 s22, s1  }
0x15: {  	[timem:s6], [sflag:s23] =	dma.local [hbm:s4], s21  }
0x16: {  	_ =	swait.ge [sflag:s23], s21  }
0x17: {  	s2 =	ssub.s32 $0x0, s21;
	[sflag:s23] =	ssyncset.done $0x0  }
0x18: {  	[sflag:s23] =	ssyncadd.s32 s2;
	_ =	sdelay $0x1  }
0x19: {  	s24 =	simm.s32 $0x1B8B  }
0x1a: {  	_ =	swait.ge [sflag:s24], $0x1  }
0x1b: {  	[sflag:s24] =	ssyncset.done $0x0  }
0x1c: {  	s26 =	simm.s32 $0x1B8E;
	s25 =	sld [smem:$0x3FFE];
	[sflag:s24] =	ssyncadd.s32 $0xFFFFFFFF  }
0x1d: {  	s27 =	simm.s32 $execute0_lowered;
	[smem:$0x3FD2] =	sst s26  }
0x1e: {  	s4 =	sshll.u32 s27, $0x1;
	_ =	strace $0x80000058;
	[dreg:$0x1] =	wrdreg $0xFFFFFFFF  }
0x1f: {  	s28 =	simm.s32 $_size_execute0_lowered;
	s1 =	sadd.s32 s1, s4;
	[dreg:$0x0] =	wrdreg $0x0  }
0x20: {  	s4 =	sshll.u32 s28, $0x1;
	[dreg:$0x2] =	wrdreg s1  }
0x21: {  	[dreg:$0x3] =	wrdreg s4  }
0x22: {  	[dreg:$0x4] =	wrdreg $0xC0  }
0x23: {  	_ =	task [dreg:s6], $0x5FFFF  }
0x24: {  	[dreg:$0x1] =	wrdreg $0xFFFFFFFF  }
0x25: {  	[dreg:$0x0] =	wrdreg $0x60  }
0x26: {  	[dreg:$0x2] =	wrdreg s25  }
0x27: {  	[dreg:$0x3] =	wrdreg $0x9  }
0x28: {  	_ =	task.clear_ibuf [dreg:s6], $0x4FFFF;
	_ =	strace $0x90000058  }
0x29: {  	s29 =	simm.s32 $0x9;
	_ =	strace $0x8000005A  }
0x2a: {  	_ =	swait.ge [sflag:s29], $0x1  }
0x2b: {  	[sflag:s29] =	ssyncadd.s32 $0xFFFFFFFF  }
0x2c: {  	_ =	strace $0x9000005A  }
0x2d: {  	_ =	sfence  }
0x2e: {  	s30 =	sld [smem:$0x0];
	_ =	sdelay $0x2  }
0x2f: {  	s31 =	sshll.u32 s3, $0xD;
	s3 =	sshrl.u32 s3, $0x2  }
0x30: {  	s2 =	sand.u32 $0x4000, s31;
	s1 =	sadd.s32 s3, s30  }
0x31: {  	s0 =	sor.u32 s2, s0;
	s1 =	sshll.u32 s1, $0x11  }
0x32: {  	s0 =	sor.u32 s1, s0  }
0x33: {  	s0 =	sadd.s32 $0x8F2B, s0  }
0x34: {  	[sflag:s0] =	ssyncadd.remote.s32 $0x1  }
0x35: {  	_ =	sfence.sel $0xFFFF  }
0x36: {  	[dreg:$0x0] =	wrdreg $0xFFFFFFFF;
	(pc) =	sbr.abs _section_cstart, $3  }
0x37: {  	[dreg:$0x1] =	wrdreg $0xFFFFFFFF  }
0x38: {  	_ =	task.clear_ibuf [dreg:s6], $0x2FFFF;
	_ =	strace $0x9FFFFFFF  }
0x39: {  	(tm) =	ssettm $0x7FFFFFFF  }
tec
execute0_lowered:
.L_overlay_start_1:
0x0: {  	(tag) =	ssettag $0x1  }
0x1: {  	s0 =	stileid.u32;
	s1 =	srdreg.scid  }
0x2: {  	s7 =	rddreg [dreg:$0x0];
	s31 =	simm.s32 $0x2;
	s14 =	simm.s32 $0x0  }
0x3: {  	s13 =	simm.s32 $0x0;
	s12 =	simm.s32 $0x0;
	s2 =	sshll.u32 s0, $0x7  }
0x4: {  	s3 =	sshll.u32 s0, $0x5;
	s1 =	sshll.u32 s1, $0x9;
	s2 =	sand.u32 $0x180, s2  }
0x5: {  	s3 =	sor.u32 s3, s1;
	s1 =	rddreg [dreg:$0x1];
	_ =	strace $0x80000059  }
0x6: {  	s3 =	sand.u32 $0x380, s3;
	s4 =	ssub.s32 $0x200, s2;
	s11 =	smov.u32 s2  }
0x7: {  	s5 =	sand.u32 $0x180, s4;
	s6 =	ssub.s32 $0x5000, s3;
	s9 =	sshrl.u32 s4, $0x9  }
0x8: {  	p0 =	sne.s32 s5, $0x0;
	s5 =	simm.s32 $0x1;
	s8 =	sand.u32 $0x380, s6  }
0x9: {  	s5 =	simm.s32 @!p0 $0x0;
	p0 =	sne.s32 s8, $0x0;
	s8 =	simm.s32 $0x1  }
.Ltmp0:
0xa: {  	s6 =	sshrl.u32 s6, $0xA;
	s8 =	simm.s32 @!p0 $0x0;
	(pc) =	sbr.rel .LBB1_1-.Ltmp0, $4  }
0xb: {  	s4 =	simm.s32 $0x1;
	s5 =	sadd.s32 s5, s9;
	s6 =	sadd.s32 s8, s6  }
0xc: {  	s10 =	smov.u32 s3;
	[sflag:s4] =	ssyncpa.u1 $0x0;
	s5 =	smul.u32 s5, s6  }
0xd: {  	[sflag:s31] =	ssyncpa.u1 $0x0;
	p0 =	por $0x0, $0x0;
	s9 =	simm.s32 $0x1000  }
0xe: {  	s6 =	sadd.s32 $0x24000, s7;
	s7 =	sadd.s32 $0x164000, s7;
	s8 =	sadd.s32 $0x1, s5  }
.LBB1_4:
0xf: {  	s20 =	sshll.u32 s14, $0x9;
	s21 =	sshll.u32 s13, $0x3  }
0x10: {  	v5 =	vld [tilespmem:s18+$0xFFFFFFD0];
	[tilespmem:s17+$0x2040 ss:$0x81] =	vst.msk $0xffff, v4;
	s25 =	sshll.u32 s14, $0x7;
	s20 =	sand.u32 $0xFFFFF000, s20;
	s21 =	sand.u32 $0xFFFFFC00, s21  }
0x11: {  	v58 =	vld [tilespmem:s18+$0xFFFFFFE0];
	[tilespmem:s17+$0x2850 ss:$0x81] =	vst.msk $0xffff, v3;
	s26 =	sand.u32 $0x200, s25;
	s20 =	sadd.s32 s21, s20  }
0x12: {  	s19 =	sshra.s32 s19, $0x2;
	v59 =	vld [tilespmem:s18+$0xFFFFFFF0];
	[tilespmem:s17+$0x3060 ss:$0x81] =	vst.msk $0xffff, v2;
	s20 =	sor.u32 s26, s20  }
0x13: {  	v60 =	vld [tilespmem:s18+$0x0];
	[tilespmem:s17+$0x0 ss:$0x81] =	vst.msk $0xffff, v0;
	s16 =	sadd.s32 s19, s16;
	s27 =	sshrl.u32 s20, $0x9  }
0x14: {  	v61 =	vld [tilespmem:s18+$0x10];
	[tilespmem:s16+$0x3870 ss:$0x81] =	vst.msk $0xffff, v1;
	s28 =	smulhi.u32 $0x666667, s27  }
0x15: {  	v62 =	vld [tilespmem:s18+$0x20];
	[tilespmem:s16+$0x810 ss:$0x81] =	vst.msk $0xffff, v5  }
0x16: {  	v63 =	vld [tilespmem:s18+$0xFFFFFFC0];
	[tilespmem:s16+$0x1020 ss:$0x81] =	vst.msk $0xffff, v58;
	s29 =	sshrl.u32 s28, $0x5  }
0x17: {  	s30 =	sand.u32 $0x78, s13;
	s14 =	sand.u32 $0x180, s25;
	[tilespmem:s16+$0x1830 ss:$0x81] =	vst.msk $0xffff, v59;
	s18 =	smul.u32 $0x5000, s29  }
0x18: {  	s14 =	sor.u32 s30, s14;
	[tilespmem:s16+$0x2040 ss:$0x81] =	vst.msk $0xffff, v60  }
0x19: {  	s31 =	sand.u32 $0x7, s13;
	s14 =	sshrl.u32 s14, $0x3;
	[tilespmem:s16+$0x2850 ss:$0x81] =	vst.msk $0xffff, v61;
	s17 =	ssub.s32 s27, s18  }
0x1a: {  	s13 =	sshll.u32 s31, $0x12;
	s14 =	sadd.s32 s7, s14;
	[tilespmem:s16+$0x3060 ss:$0x81] =	vst.msk $0xffff, v62;
	s17 =	sshll.u32 s17, $0x6  }
0x1b: {  	s13 =	sor.u32 $0x400, s13;
	[tilespmem:s16+$0x0 ss:$0x81] =	vst.msk $0xffff, v63;
	s14 =	sadd.s32 s17, s14  }
0x1c: {  	[hbm4b:s14+s13] =	stream.strided.scatter [tilespmem:s15], [sflag:$0x2], $0x4000, s9, s13, $0x20;
	[tilespmem:$0x10100] =	vst v63  }
.LBB1_5:
0x1d: {  	s15 =	sadd.s32 $0x400, s10  }
0x1e: {  	s13 =	sadd.s32 $0x200, s11;
	s17 =	smov.u32 s11;
	p2 =	sgt.s32 s15, $0x4FFF  }
0x1f: {  	s17 =	smov.u32 @p2 s13  }
0x20: {  	s15 =	smov.u32 @p2 s3;
	p2 =	sgt.s32 s17, $0x1FF  }
0x21: {  	s17 =	smov.u32 @p2 s2;
	p2 =	sne.s32 s12, s8  }
.Ltmp1:
0x22: {  	p1 =	slt.u32 s12, $0x2;
	(pc) =	sbr.rel @!p2 .LBB1_6-.Ltmp1, $4  }
0x23: {  	s16 =	simm.s32 @!p1 $0x2  }
0x24: {  	s14 =	smov.u32 s10;
	p0 =	por !p0, !p0;
	_ =	swait.ge @!p1 [sflag:s16], $0x4000  }
0x25: {  	s13 =	smov.u32 s11;
	[sflag:s16] =	ssyncset.done @!p1 $0x0;
	s10 =	smov.u32 s15  }
0x26: {  	s12 =	sadd.s32 $0x1, s12;
	[sflag:s16] =	ssyncadd.s32 @!p1 $0xFFFFC000;
	s11 =	smov.u32 s17  }
.LBB1_1:
0x27: {  	p1 =	sge.u32 s12, s5  }
0x28: {  	s15 =	sshrl.u32 @!p1 s11, $0x3  }
0x29: {  	s16 =	sshll.u32 @!p1 s10, $0x3;
	s17 =	sshll.u32 @!p1 s11, $0x7;
	s15 =	smul.u32 @!p1 $0x28000, s15  }
0x2a: {  	s18 =	sand.u32 @!p1 $0x7F, s10;
	s16 =	sand.u32 @!p1 $0xFFFFFC00, s16;
	s17 =	sand.u32 @!p1 $0x380, s17  }
0x2b: {  	s15 =	sadd.s32 @!p1 s15, s16;
	s16 =	sor.u32 @!p1 s18, s17  }
0x2c: {  	s16 =	sor.u32 @!p1 s15, s16  }
0x2d: {  	s17 =	smulhi.u32 @!p1 $0xCCCCCCCD, s16;
	_ =	sdelay $0x1  }
0x2e: {  	s15 =	smulhi.u32 @!p1 $0xCCCCCCCD, s15;
	s17 =	sshrl.u32 @!p1 s17, $0xE  }
0x2f: {  	s17 =	smul.u32 @!p1 $0x5000, s17  }
0x30: {  	s31 =	sadd.s32 $0xFFFFFFFF, s12;
	s18 =	sxor.u32 @!p1 $0xFFFFFFFF, s12;
	s15 =	sshrl.u32 @!p1 s15, $0xE  }
0x31: {  	s18 =	sshll.u32 @!p1 s18, $0xE;
	s15 =	sand.u32 @!p1 $0x1FF, s15;
	s16 =	ssub.s32 @!p1 s16, s17  }
0x32: {  	s15 =	smul.u32 @!p1 $0xA00, s15;
	s17 =	sshrl.u32 @!p1 s16, $0x3;
	s16 =	sand.u32 @!p1 $0x7, s16  }
0x33: {  	s18 =	sand.u32 @!p1 $0x4000, s18;
	s17 =	sadd.s32 @!p1 s6, s17;
	s16 =	sshll.u32 @!p1 s16, $0x12  }
0x34: {  	s15 =	sadd.s32 @!p1 s15, s17;
	s16 =	sor.u32 @!p1 $0x400, s16;
	s17 =	simm.s32 @!p1 $0x28000  }
0x35: {  	[tilespmem:s18], [sflag:$0x1] =	stream.strided.gather @!p1 [hbm4b:s15+s16], $0x4000, s17, s16, $0x38;
	[tilespmem:$0x10100] =	vst v63  }
0x36: {  	p1 =	sge.u32 s31, s5  }
.Ltmp2:
0x37: {  	_ = 	snop;
	(pc) =	sbr.rel @p1 .LBB1_5-.Ltmp2, $1  }
0x38: {  	_ =	sdelay $0x3  }
0x39: {  	s15 =	simm.s32 $0x1  }
0x3a: {  	_ =	swait.ge [sflag:s4], $0x4000;
	s15 =	simm.s32 @!p0 $0x0  }
0x3b: {  	[sflag:s4] =	ssyncset.done $0x0;
	s16 =	sshll.u32 s15, $0xE  }
0x3c: {  	[sflag:s4] =	ssyncadd.s32 $0xFFFFC000;
	s18 =	sor.u32 $0x40, s16  }
0x3d: {  	s15 =	smul.u32 $0x10200, s15;
	v0 =	vld [tilespmem:s18+$0x30]  }
0x3e: {  	v1 =	vld [tilespmem:s18+$0xFFFFFFD0]  }
0x3f: {  	s15 =	sshrl.u32 s15, $0x2;
	v5 =	vld [tilespmem:s18+$0xFFFFFFE0]  }
0x40: {  	v6 =	vld [tilespmem:s18+$0xFFFFFFF0];
	s16 =	sor.u32 $0x8000, s15  }
0x41: {  	s31 =	sand.u32 $0x1, s12;
	v4 =	vld [tilespmem:s18+$0x0];
	s17 =	sadd.s32 $0x0, s16  }
0x42: {  	v3 =	vld [tilespmem:s18+$0x10];
	s15 =	smul.u32 $0x10200, s31;
	[tilespmem:s17+$0x3870 ss:$0x81] =	vst.msk $0xffff, v0  }
0x43: {  	v2 =	vld [tilespmem:s18+$0x20];
	[tilespmem:s17+$0x810 ss:$0x81] =	vst.msk $0xffff, v1  }
0x44: {  	s15 =	sshrl.u32 s15, $0x2;
	v0 =	vld [tilespmem:s18+$0xFFFFFFC0];
	[tilespmem:s17+$0x1020 ss:$0x81] =	vst.msk $0xffff, v5;
	s18 =	sadd.s32 $0x80, s18  }
0x45: {  	s19 =	simm.s32 $0x4;
	s20 =	simm.s32 $0x8;
	s15 =	sor.u32 $0x8000, s15;
	[tilespmem:s17+$0x1830 ss:$0x81] =	vst.msk $0xffff, v6;
	v1 =	vld [tilespmem:s18+$0x30]  }
.LBB1_3:
0x46: {  	p1 =	sne.s32 s20, $0x1FC;
	v5 =	vld [tilespmem:s18+$0xFFFFFFD0];
	[tilespmem:s17+$0x2040 ss:$0x81] =	vst.msk $0xffff, v4  }
0x47: {  	v6 =	vld [tilespmem:s18+$0xFFFFFFE0];
	[tilespmem:s17+$0x2850 ss:$0x81] =	vst.msk $0xffff, v3  }
0x48: {  	s21 =	sshra.s32 s19, $0x2;
	s19 =	smov.u32 s20;
	v7 =	vld [tilespmem:s18+$0xFFFFFFF0];
	[tilespmem:s17+$0x3060 ss:$0x81] =	vst.msk $0xffff, v2  }
.Ltmp3:
0x49: {  	v4 =	vld [tilespmem:s18+$0x0];
	[tilespmem:s17+$0x0 ss:$0x81] =	vst.msk $0xffff, v0;
	s17 =	sadd.s32 s21, s16;
	(pc) =	sbr.rel @p1 .LBB1_3-.Ltmp3, $4  }
0x4a: {  	v3 =	vld [tilespmem:s18+$0x10];
	[tilespmem:s17+$0x3870 ss:$0x81] =	vst.msk $0xffff, v1  }
0x4b: {  	[tilespmem:s17+$0x810 ss:$0x81] =	vst.msk $0xffff, v5;
	v2 =	vld [tilespmem:s18+$0x20]  }
0x4c: {  	v0 =	vld [tilespmem:s18+$0xFFFFFFC0];
	[tilespmem:s17+$0x1020 ss:$0x81] =	vst.msk $0xffff, v6;
	s18 =	sadd.s32 $0x80, s18  }
0x4d: {  	s20 =	sadd.s32 $0x4, s20;
	v1 =	vld [tilespmem:s18+$0x30];
	[tilespmem:s17+$0x1830 ss:$0x81] =	vst.msk $0xffff, v7  }
.Ltmp4:
0x4e: {  	_ = 	snop;
	(pc) =	sbr.rel .LBB1_4-.Ltmp4, $1  }
0x4f: {  	_ =	sdelay $0x3  }
.LBB1_6:
0x50: {  	_ =	sfence.sel $0x180000  }
0x51: {  	s2 =	simm.s32 $0x1;
	[bflag:$0x0] =	sbarrier.arrive $0xFFFF  }
0x52: {  	s31 =	simm.s32 $0x2;
	[sflag:s2] =	ssyncpa.u1 $0x1  }
0x53: {  	[sflag:s31] =	ssyncpa.u1 $0x1  }
0x54: {  	p0 =	sne.s32 s0, $0x0;
	_ =	strace $0x90000059  }
0x55: {  	s0 =	sadd.s32 @!p0 $0x100000, s1;
	[bflag:$0x2] =	sbarrier.arrive $0xFFFF  }
0x56: {  	[sflag:s0] =	ssyncadd.tile.s32 @!p0 $0x1;
	_ =	shalt  }
.Lfunc_end1:
_tile_overlayer_lowered:
.L_overlay_start_2:
0x57: {  	(tag) =	ssettag $0x2  }
0x58: {  	s0 =	rddreg [dreg:$0x0];
	s2 =	stileid.u32  }
0x59: {  	s1 =	rddreg [dreg:$0x1];
	p0 =	sne.s32 s2, $0x0  }
0x5a: {  	s3 =	rddreg [dreg:$0x2];
	[bflag:$0x3] =	sbarrier.arrive $0xFFFF;
	s2 =	simm.s32 @!p0 $0x1C01  }
0x5b: {  	[timem:s3], [sflag:s2] =	dma.local @!p0 [hbm:s0], s1  }
0x5c: {  	s0 =	simm.s32 @!p0 $0x1  }
0x5d: {  	_ =	swait.ge @!p0 [sflag:s0], s1  }
0x5e: {  	s1 =	ssub.s32 @!p0 $0x0, s1;
	[sflag:s0] =	ssyncset.done @!p0 $0x0  }
0x5f: {  	[sflag:s0] =	ssyncadd.s32 @!p0 s1  }
0x60: {  	[bflag:$0x3] =	sbarrier.arrive $0xFFFF  }
0x61: {  	_ =	shalt  }

// kernel: sparse-core-data-format-call.3.cloned.1.call-start
scs
called_computation.3_lowered:
.L_overlay_start_0:
0x0: {  	s1 =	sld [smem:$0x3FD9]  }
0x1: {  	s2 =	sld [smem:$0x3FFE];
	_ =	sdelay $0x1  }
0x2: {  	s3 =	srdreg.scid  }
0x3: {  	s0 =	sand.u32 $0x1, s3  }
0x4: {  	s17 =	sshll.u32 s0, $0xA;
	s1 =	sadd.s32 s2, s1  }
0x5: {  	s1 =	sadd.s32 s1, s17  }
0x6: {  	[smem:$0x3FB5] =	sst s1  }
0x7: {  	_ = 	snop  }
0x8: {  	(tm) =	ssettm $0x1  }
0x9: {  	s18 =	sld [smem:$0x3FFB];
	_ =	sdelay $0x3  }
0xa: {  	_ =	strace s18  }
0xb: {  	s1 =	sld [smem:$0x3FFC];
	_ =	sdelay $0x3  }
0xc: {  	_ =	strace s1  }
0xd: {  	s1 =	sld [smem:$0x3FFD];
	_ =	sdelay $0x3  }
0xe: {  	_ =	strace s1  }
0xf: {  	_ =	strace $0x8FFFFFFF  }
0x10: {  	s19 =	sld [smem:$0x3FDB];
	_ =	sdelay $0x1  }
0x11: {  	s20 =	simm.s32 $_scs_section_size  }
0x12: {  	s4 =	simm.s32 $_size__tile_overlayer_lowered;
	s5 =	simm.s32 $_tile_overlayer_lowered  }
0x13: {  	s23 =	simm.s32 $0x1BFF;
	s22 =	sshll.u32 s5, $0x1;
	s1 =	sadd.s32 s20, s19  }
0x14: {  	s6 =	simm.s32 $0x0;
	s21 =	sshll.u32 s4, $0x1;
	s4 =	sadd.s32 s22, s1  }
0x15: {  	[timem:s6], [sflag:s23] =	dma.local [hbm:s4], s21  }
0x16: {  	_ =	swait.ge [sflag:s23], s21  }
0x17: {  	s2 =	ssub.s32 $0x0, s21;
	[sflag:s23] =	ssyncset.done $0x0  }
0x18: {  	[sflag:s23] =	ssyncadd.s32 s2;
	_ =	sdelay $0x1  }
0x19: {  	s24 =	simm.s32 $0x1B8B  }
0x1a: {  	_ =	swait.ge [sflag:s24], $0x1  }
0x1b: {  	[sflag:s24] =	ssyncset.done $0x0  }
0x1c: {  	s26 =	simm.s32 $0x1B8E;
	s25 =	sld [smem:$0x3FFE];
	[sflag:s24] =	ssyncadd.s32 $0xFFFFFFFF  }
0x1d: {  	s27 =	simm.s32 $execute0_lowered;
	[smem:$0x3FD2] =	sst s26  }
0x1e: {  	s4 =	sshll.u32 s27, $0x1;
	_ =	strace $0x80000055;
	[dreg:$0x1] =	wrdreg $0xFFFFFFFF  }
0x1f: {  	s28 =	simm.s32 $_size_execute0_lowered;
	s1 =	sadd.s32 s1, s4;
	[dreg:$0x0] =	wrdreg $0x0  }
0x20: {  	s4 =	sshll.u32 s28, $0x1;
	[dreg:$0x2] =	wrdreg s1  }
0x21: {  	[dreg:$0x3] =	wrdreg s4  }
0x22: {  	[dreg:$0x4] =	wrdreg $0xC0  }
0x23: {  	_ =	task [dreg:s6], $0x5FFFF  }
0x24: {  	[dreg:$0x1] =	wrdreg $0xFFFFFFFF  }
0x25: {  	[dreg:$0x0] =	wrdreg $0x60  }
0x26: {  	[dreg:$0x2] =	wrdreg s25  }
0x27: {  	[dreg:$0x3] =	wrdreg $0x9  }
0x28: {  	_ =	task.clear_ibuf [dreg:s6], $0x4FFFF;
	_ =	strace $0x90000055  }
0x29: {  	s29 =	simm.s32 $0x9;
	_ =	strace $0x80000057  }
0x2a: {  	_ =	swait.ge [sflag:s29], $0x1  }
0x2b: {  	[sflag:s29] =	ssyncadd.s32 $0xFFFFFFFF  }
0x2c: {  	_ =	strace $0x90000057  }
0x2d: {  	_ =	sfence  }
0x2e: {  	s30 =	sld [smem:$0x0];
	_ =	sdelay $0x2  }
0x2f: {  	s31 =	sshll.u32 s3, $0xD;
	s3 =	sshrl.u32 s3, $0x2  }
0x30: {  	s2 =	sand.u32 $0x4000, s31;
	s1 =	sadd.s32 s3, s30  }
0x31: {  	s0 =	sor.u32 s2, s0;
	s1 =	sshll.u32 s1, $0x11  }
0x32: {  	s0 =	sor.u32 s1, s0  }
0x33: {  	s0 =	sadd.s32 $0x8F2B, s0  }
0x34: {  	[sflag:s0] =	ssyncadd.remote.s32 $0x1  }
0x35: {  	_ =	sfence.sel $0xFFFF  }
0x36: {  	[dreg:$0x0] =	wrdreg $0xFFFFFFFF;
	(pc) =	sbr.abs _section_cstart, $3  }
0x37: {  	[dreg:$0x1] =	wrdreg $0xFFFFFFFF  }
0x38: {  	_ =	task.clear_ibuf [dreg:s6], $0x2FFFF;
	_ =	strace $0x9FFFFFFF  }
0x39: {  	(tm) =	ssettm $0x7FFFFFFF  }
tec
execute0_lowered:
.L_overlay_start_1:
0x0: {  	(tag) =	ssettag $0x1  }
0x1: {  	s0 =	srdreg.scid  }
0x2: {  	s1 =	sshll.u32 s0, $0x4  }
0x3: {  	s6 =	rddreg [dreg:$0x0];
	s0 =	stileid.u32;
	s1 =	sand.u32 $0x10, s1  }
0x4: {  	s5 =	simm.s32 $0x1;
	s31 =	simm.s32 $0x2;
	s1 =	sor.u32 s0, s1  }
0x5: {  	s12 =	simm.s32 $0x0;
	s8 =	simm.s32 $0x28000;
	s2 =	sshll.u32 s1, $0x7  }
0x6: {  	s13 =	simm.s32 $0x0;
	s9 =	simm.s32 $0x0;
	s3 =	ssub.s32 $0x5000, s2  }
0x7: {  	s11 =	simm.s32 $0x0;
	s1 =	rddreg [dreg:$0x1];
	s4 =	sand.u32 $0xF80, s3  }
.Ltmp0:
0x8: {  	_ =	strace $0x80000056;
	p0 =	sne.s32 s4, $0x0;
	(pc) =	sbr.rel .LBB1_1-.Ltmp0, $4  }
0x9: {  	s10 =	smov.u32 s2;
	s7 =	sshrl.u32 s3, $0xC;
	s5 =	simm.s32 @!p0 $0x0  }
0xa: {  	s3 =	sadd.s32 $0x2A4000, s6;
	s4 =	simm.s32 $0x1;
	s5 =	sadd.s32 s5, s7  }
0xb: {  	s6 =	sadd.s32 $0x24000, s6;
	[sflag:s4] =	ssyncpa.u1 $0x0;
	s5 =	sshll.u32 s5, $0x3  }
0xc: {  	p0 =	por $0x0, $0x0;
	[sflag:s31] =	ssyncpa.u1 $0x0;
	s7 =	sor.u32 $0x1, s5  }
.LBB1_4:
0xd: {  	s19 =	sshrl.u32 s12, $0x3  }
0xe: {  	s20 =	sshll.u32 s13, $0x3;
	s24 =	sshll.u32 s12, $0x7;
	s19 =	smul.u32 $0x28000, s19  }
0xf: {  	v5 =	vld [tilespmem:s17+$0xFFFFFFD0];
	[tilespmem:s16+$0x2040 ss:$0x81] =	vst.msk $0xffff, v4;
	s25 =	sand.u32 $0x7F, s13;
	s20 =	sand.u32 $0xFFFFFC00, s20;
	s12 =	sand.u32 $0x380, s24  }
0x10: {  	v58 =	vld [tilespmem:s17+$0xFFFFFFE0];
	[tilespmem:s16+$0x2850 ss:$0x81] =	vst.msk $0xffff, v2;
	s12 =	sor.u32 s25, s12;
	s19 =	sadd.s32 s20, s19  }
0x11: {  	s26 =	sshra.s32 s18, $0x2;
	v59 =	vld [tilespmem:s17+$0xFFFFFFF0];
	[tilespmem:s16+$0x3060 ss:$0x81] =	vst.msk $0xffff, v3;
	s12 =	sor.u32 s19, s12  }
0x12: {  	v60 =	vld [tilespmem:s17+$0x0];
	[tilespmem:s16+$0x0 ss:$0x81] =	vst.msk $0xffff, v0;
	s13 =	sadd.s32 s26, s15;
	s27 =	smulhi.u32 $0xCCCCCCCD, s12  }
0x13: {  	v61 =	vld [tilespmem:s17+$0x10];
	[tilespmem:s13+$0x3870 ss:$0x81] =	vst.msk $0xffff, v1  }
0x14: {  	v62 =	vld [tilespmem:s17+$0x20];
	s28 =	smulhi.u32 $0xCCCCCCCD, s19;
	[tilespmem:s13+$0x810 ss:$0x81] =	vst.msk $0xffff, v5;
	s15 =	sshrl.u32 s27, $0xE  }
0x15: {  	v63 =	vld [tilespmem:s17+$0xFFFFFFC0];
	[tilespmem:s13+$0x1020 ss:$0x81] =	vst.msk $0xffff, v58;
	s15 =	smul.u32 $0x5000, s15  }
0x16: {  	[tilespmem:s13+$0x1830 ss:$0x81] =	vst.msk $0xffff, v59;
	s16 =	sshrl.u32 s28, $0xE  }
0x17: {  	[tilespmem:s13+$0x2040 ss:$0x81] =	vst.msk $0xffff, v60;
	s29 =	sand.u32 $0x3FF, s16;
	s12 =	ssub.s32 s12, s15  }
0x18: {  	[tilespmem:s13+$0x2850 ss:$0x81] =	vst.msk $0xffff, v61;
	s15 =	smul.u32 $0xA00, s29;
	s30 =	sshrl.u32 s12, $0x3;
	s12 =	sand.u32 $0x7, s12  }
0x19: {  	[tilespmem:s13+$0x3060 ss:$0x81] =	vst.msk $0xffff, v62;
	s16 =	sadd.s32 s6, s30;
	s12 =	sshll.u32 s12, $0x12  }
0x1a: {  	[tilespmem:s13+$0x0 ss:$0x81] =	vst.msk $0xffff, v63;
	s31 =	sadd.s32 s15, s16;
	s12 =	sor.u32 $0x400, s12  }
0x1b: {  	[hbm4b:s31+s12] =	stream.strided.scatter [tilespmem:s14], [sflag:$0x2], $0x4000, s8, s12, $0x20;
	[tilespmem:$0x10100] =	vst v63  }
.LBB1_5:
0x1c: {  	s14 =	sadd.s32 $0x80, s9  }
0x1d: {  	s12 =	sadd.s32 $0x1000, s10;
	s16 =	smov.u32 s10;
	p2 =	sgt.s32 s14, $0x3FF  }
0x1e: {  	s16 =	smov.u32 @p2 s12  }
0x1f: {  	s14 =	simm.s32 @p2 $0x0;
	p2 =	sgt.s32 s16, $0x4FFF  }
0x20: {  	s16 =	smov.u32 @p2 s2;
	p2 =	sne.s32 s11, s7  }
.Ltmp1:
0x21: {  	p1 =	slt.u32 s11, $0x2;
	(pc) =	sbr.rel @!p2 .LBB1_6-.Ltmp1, $4  }
0x22: {  	s15 =	simm.s32 @!p1 $0x2  }
0x23: {  	s13 =	smov.u32 s10;
	p0 =	por !p0, !p0;
	_ =	swait.ge @!p1 [sflag:s15], $0x4000  }
0x24: {  	s12 =	smov.u32 s9;
	[sflag:s15] =	ssyncset.done @!p1 $0x0;
	s9 =	smov.u32 s14  }
0x25: {  	s11 =	sadd.s32 $0x1, s11;
	[sflag:s15] =	ssyncadd.s32 @!p1 $0xFFFFC000;
	s10 =	smov.u32 s16  }
.LBB1_1:
0x26: {  	p1 =	sge.u32 s11, s5  }
0x27: {  	s14 =	sshll.u32 @!p1 s10, $0xA  }
0x28: {  	s15 =	sshll.u32 @!p1 s9, $0x3;
	s14 =	sand.u32 @!p1 $0xFFFFE000, s14  }
0x29: {  	s14 =	sadd.s32 @!p1 s14, s15  }
0x2a: {  	s14 =	sshrl.u32 @!p1 s14, $0xA  }
0x2b: {  	s15 =	smulhi.u32 @!p1 $0xCCCCD, s14  }
0x2c: {  	s16 =	sxor.u32 @!p1 $0xFFFFFFFF, s11  }
0x2d: {  	s17 =	sshll.u32 @!p1 s10, $0x7;
	s18 =	sand.u32 @!p1 $0x78, s9;
	s15 =	sshrl.u32 @!p1 s15, $0x2  }
0x2e: {  	s16 =	sshll.u32 @!p1 s16, $0xE;
	s17 =	sand.u32 @!p1 $0x380, s17;
	s15 =	smul.u32 @!p1 $0x5000, s15  }
0x2f: {  	s31 =	sadd.s32 $0xFFFFFFFF, s11;
	s17 =	sor.u32 @!p1 s18, s17;
	s16 =	sand.u32 @!p1 $0x4000, s16  }
0x30: {  	s14 =	ssub.s32 @!p1 s14, s15;
	s15 =	sshrl.u32 @!p1 s17, $0x3;
	s17 =	sand.u32 @!p1 $0x7, s9  }
0x31: {  	s14 =	sshll.u32 @!p1 s14, $0x7;
	s15 =	sadd.s32 @!p1 s3, s15;
	s17 =	sshll.u32 @!p1 s17, $0x12  }
0x32: {  	s14 =	sadd.s32 @!p1 s14, s15;
	s15 =	sor.u32 @!p1 $0x400, s17;
	s17 =	simm.s32 @!p1 $0x2000  }
0x33: {  	[tilespmem:s16], [sflag:$0x1] =	stream.strided.gather @!p1 [hbm4b:s14+s15], $0x4000, s17, s15, $0x38;
	[tilespmem:$0x10100] =	vst v63  }
0x34: {  	p1 =	sge.u32 s31, s5  }
.Ltmp2:
0x35: {  	_ = 	snop;
	(pc) =	sbr.rel @p1 .LBB1_5-.Ltmp2, $1  }
0x36: {  	_ =	sdelay $0x3  }
0x37: {  	s14 =	simm.s32 $0x1  }
0x38: {  	_ =	swait.ge [sflag:s4], $0x4000;
	s14 =	simm.s32 @!p0 $0x0  }
0x39: {  	[sflag:s4] =	ssyncset.done $0x0;
	s15 =	sshll.u32 s14, $0xE  }
0x3a: {  	[sflag:s4] =	ssyncadd.s32 $0xFFFFC000;
	s17 =	sor.u32 $0x40, s15  }
0x3b: {  	s14 =	smul.u32 $0x10200, s14;
	v0 =	vld [tilespmem:s17+$0x30]  }
0x3c: {  	v1 =	vld [tilespmem:s17+$0xFFFFFFD0]  }
0x3d: {  	s14 =	sshrl.u32 s14, $0x2;
	v5 =	vld [tilespmem:s17+$0xFFFFFFE0]  }
0x3e: {  	v6 =	vld [tilespmem:s17+$0xFFFFFFF0];
	s15 =	sor.u32 $0x8000, s14  }
0x3f: {  	s31 =	sand.u32 $0x1, s11;
	v4 =	vld [tilespmem:s17+$0x0];
	s16 =	sadd.s32 $0x0, s15  }
0x40: {  	v2 =	vld [tilespmem:s17+$0x10];
	s14 =	smul.u32 $0x10200, s31;
	[tilespmem:s16+$0x3870 ss:$0x81] =	vst.msk $0xffff, v0  }
0x41: {  	v3 =	vld [tilespmem:s17+$0x20];
	[tilespmem:s16+$0x810 ss:$0x81] =	vst.msk $0xffff, v1  }
0x42: {  	s14 =	sshrl.u32 s14, $0x2;
	v0 =	vld [tilespmem:s17+$0xFFFFFFC0];
	[tilespmem:s16+$0x1020 ss:$0x81] =	vst.msk $0xffff, v5;
	s17 =	sadd.s32 $0x80, s17  }
0x43: {  	s18 =	simm.s32 $0x4;
	s19 =	simm.s32 $0x8;
	s14 =	sor.u32 $0x8000, s14;
	[tilespmem:s16+$0x1830 ss:$0x81] =	vst.msk $0xffff, v6;
	v1 =	vld [tilespmem:s17+$0x30]  }
.LBB1_3:
0x44: {  	p1 =	sne.s32 s19, $0x1FC;
	v5 =	vld [tilespmem:s17+$0xFFFFFFD0];
	[tilespmem:s16+$0x2040 ss:$0x81] =	vst.msk $0xffff, v4  }
0x45: {  	v6 =	vld [tilespmem:s17+$0xFFFFFFE0];
	[tilespmem:s16+$0x2850 ss:$0x81] =	vst.msk $0xffff, v2  }
0x46: {  	s20 =	sshra.s32 s18, $0x2;
	s18 =	smov.u32 s19;
	v7 =	vld [tilespmem:s17+$0xFFFFFFF0];
	[tilespmem:s16+$0x3060 ss:$0x81] =	vst.msk $0xffff, v3  }
.Ltmp3:
0x47: {  	v4 =	vld [tilespmem:s17+$0x0];
	[tilespmem:s16+$0x0 ss:$0x81] =	vst.msk $0xffff, v0;
	s16 =	sadd.s32 s20, s15;
	(pc) =	sbr.rel @p1 .LBB1_3-.Ltmp3, $4  }
0x48: {  	v2 =	vld [tilespmem:s17+$0x10];
	[tilespmem:s16+$0x3870 ss:$0x81] =	vst.msk $0xffff, v1  }
0x49: {  	[tilespmem:s16+$0x810 ss:$0x81] =	vst.msk $0xffff, v5;
	v3 =	vld [tilespmem:s17+$0x20]  }
0x4a: {  	v0 =	vld [tilespmem:s17+$0xFFFFFFC0];
	[tilespmem:s16+$0x1020 ss:$0x81] =	vst.msk $0xffff, v6;
	s17 =	sadd.s32 $0x80, s17  }
0x4b: {  	s19 =	sadd.s32 $0x4, s19;
	v1 =	vld [tilespmem:s17+$0x30];
	[tilespmem:s16+$0x1830 ss:$0x81] =	vst.msk $0xffff, v7  }
.Ltmp4:
0x4c: {  	_ = 	snop;
	(pc) =	sbr.rel .LBB1_4-.Ltmp4, $1  }
0x4d: {  	_ =	sdelay $0x3  }
.LBB1_6:
0x4e: {  	_ =	sfence.sel $0x180000  }
0x4f: {  	s2 =	simm.s32 $0x1;
	[bflag:$0x0] =	sbarrier.arrive $0xFFFF  }
0x50: {  	s31 =	simm.s32 $0x2;
	[sflag:s2] =	ssyncpa.u1 $0x1  }
0x51: {  	[sflag:s31] =	ssyncpa.u1 $0x1  }
0x52: {  	p0 =	sne.s32 s0, $0x0;
	_ =	strace $0x90000056  }
0x53: {  	s0 =	sadd.s32 @!p0 $0x100000, s1;
	[bflag:$0x2] =	sbarrier.arrive $0xFFFF  }
0x54: {  	[sflag:s0] =	ssyncadd.tile.s32 @!p0 $0x1;
	_ =	shalt  }
.Lfunc_end1:
_tile_overlayer_lowered:
.L_overlay_start_2:
0x55: {  	(tag) =	ssettag $0x2  }
0x56: {  	s0 =	rddreg [dreg:$0x0];
	s2 =	stileid.u32  }
0x57: {  	s1 =	rddreg [dreg:$0x1];
	p0 =	sne.s32 s2, $0x0  }
0x58: {  	s3 =	rddreg [dreg:$0x2];
	[bflag:$0x3] =	sbarrier.arrive $0xFFFF;
	s2 =	simm.s32 @!p0 $0x1C01  }
0x59: {  	[timem:s3], [sflag:s2] =	dma.local @!p0 [hbm:s0], s1  }
0x5a: {  	s0 =	simm.s32 @!p0 $0x1  }
0x5b: {  	_ =	swait.ge @!p0 [sflag:s0], s1  }
0x5c: {  	s1 =	ssub.s32 @!p0 $0x0, s1;
	[sflag:s0] =	ssyncset.done @!p0 $0x0  }
0x5d: {  	[sflag:s0] =	ssyncadd.s32 @!p0 s1  }
0x5e: {  	[bflag:$0x3] =	sbarrier.arrive $0xFFFF  }
0x5f: {  	_ =	shalt  }

// kernel: sparse-core-data-format-call.4.cloned.1.call-start
scs
called_computation.4_lowered:
.L_overlay_start_0:
0x0: {  	s1 =	sld [smem:$0x3FD9]  }
0x1: {  	s2 =	sld [smem:$0x3FFE];
	_ =	sdelay $0x1  }
0x2: {  	s3 =	srdreg.scid  }
0x3: {  	s0 =	sand.u32 $0x1, s3  }
0x4: {  	s17 =	sshll.u32 s0, $0xA;
	s1 =	sadd.s32 s2, s1  }
0x5: {  	s1 =	sadd.s32 s1, s17  }
0x6: {  	[smem:$0x3FB5] =	sst s1  }
0x7: {  	_ = 	snop  }
0x8: {  	(tm) =	ssettm $0x1  }
0x9: {  	s18 =	sld [smem:$0x3FFB];
	_ =	sdelay $0x3  }
0xa: {  	_ =	strace s18  }
0xb: {  	s1 =	sld [smem:$0x3FFC];
	_ =	sdelay $0x3  }
0xc: {  	_ =	strace s1  }
0xd: {  	s1 =	sld [smem:$0x3FFD];
	_ =	sdelay $0x3  }
0xe: {  	_ =	strace s1  }
0xf: {  	_ =	strace $0x8FFFFFFF  }
0x10: {  	s19 =	sld [smem:$0x3FDB];
	_ =	sdelay $0x1  }
0x11: {  	s20 =	simm.s32 $_scs_section_size  }
0x12: {  	s4 =	simm.s32 $_size__tile_overlayer_lowered;
	s5 =	simm.s32 $_tile_overlayer_lowered  }
0x13: {  	s23 =	simm.s32 $0x1BFF;
	s22 =	sshll.u32 s5, $0x1;
	s1 =	sadd.s32 s20, s19  }
0x14: {  	s6 =	simm.s32 $0x0;
	s21 =	sshll.u32 s4, $0x1;
	s4 =	sadd.s32 s22, s1  }
0x15: {  	[timem:s6], [sflag:s23] =	dma.local [hbm:s4], s21  }
0x16: {  	_ =	swait.ge [sflag:s23], s21  }
0x17: {  	s2 =	ssub.s32 $0x0, s21;
	[sflag:s23] =	ssyncset.done $0x0  }
0x18: {  	[sflag:s23] =	ssyncadd.s32 s2;
	_ =	sdelay $0x1  }
0x19: {  	s24 =	simm.s32 $0x1B8B  }
0x1a: {  	_ =	swait.ge [sflag:s24], $0x1  }
0x1b: {  	[sflag:s24] =	ssyncset.done $0x0  }
0x1c: {  	s26 =	simm.s32 $0x1B8E;
	s25 =	sld [smem:$0x3FFE];
	[sflag:s24] =	ssyncadd.s32 $0xFFFFFFFF  }
0x1d: {  	s27 =	simm.s32 $execute0_lowered;
	[smem:$0x3FD2] =	sst s26  }
0x1e: {  	s4 =	sshll.u32 s27, $0x1;
	_ =	strace $0x80000052;
	[dreg:$0x1] =	wrdreg $0xFFFFFFFF  }
0x1f: {  	s28 =	simm.s32 $_size_execute0_lowered;
	s1 =	sadd.s32 s1, s4;
	[dreg:$0x0] =	wrdreg $0x0  }
0x20: {  	s4 =	sshll.u32 s28, $0x1;
	[dreg:$0x2] =	wrdreg s1  }
0x21: {  	[dreg:$0x3] =	wrdreg s4  }
0x22: {  	[dreg:$0x4] =	wrdreg $0xC0  }
0x23: {  	_ =	task [dreg:s6], $0x5FFFF  }
0x24: {  	[dreg:$0x1] =	wrdreg $0xFFFFFFFF  }
0x25: {  	[dreg:$0x0] =	wrdreg $0x60  }
0x26: {  	[dreg:$0x2] =	wrdreg s25  }
0x27: {  	[dreg:$0x3] =	wrdreg $0x9  }
0x28: {  	_ =	task.clear_ibuf [dreg:s6], $0x4FFFF;
	_ =	strace $0x90000052  }
0x29: {  	s29 =	simm.s32 $0x9;
	_ =	strace $0x80000054  }
0x2a: {  	_ =	swait.ge [sflag:s29], $0x1  }
0x2b: {  	[sflag:s29] =	ssyncadd.s32 $0xFFFFFFFF  }
0x2c: {  	_ =	strace $0x90000054  }
0x2d: {  	_ =	sfence  }
0x2e: {  	s30 =	sld [smem:$0x0];
	_ =	sdelay $0x2  }
0x2f: {  	s31 =	sshll.u32 s3, $0xD;
	s3 =	sshrl.u32 s3, $0x2  }
0x30: {  	s2 =	sand.u32 $0x4000, s31;
	s1 =	sadd.s32 s3, s30  }
0x31: {  	s0 =	sor.u32 s2, s0;
	s1 =	sshll.u32 s1, $0x11  }
0x32: {  	s0 =	sor.u32 s1, s0  }
0x33: {  	s0 =	sadd.s32 $0x8F2B, s0  }
0x34: {  	[sflag:s0] =	ssyncadd.remote.s32 $0x1  }
0x35: {  	_ =	sfence.sel $0xFFFF  }
0x36: {  	[dreg:$0x0] =	wrdreg $0xFFFFFFFF;
	(pc) =	sbr.abs _section_cstart, $3  }
0x37: {  	[dreg:$0x1] =	wrdreg $0xFFFFFFFF  }
0x38: {  	_ =	task.clear_ibuf [dreg:s6], $0x2FFFF;
	_ =	strace $0x9FFFFFFF  }
0x39: {  	(tm) =	ssettm $0x7FFFFFFF  }
tec
execute0_lowered:
.L_overlay_start_1:
0x0: {  	(tag) =	ssettag $0x1  }
0x1: {  	s0 =	stileid.u32;
	s1 =	srdreg.scid  }
0x2: {  	s7 =	rddreg [dreg:$0x0];
	s31 =	simm.s32 $0x2;
	s14 =	simm.s32 $0x0  }
0x3: {  	s13 =	simm.s32 $0x0;
	s12 =	simm.s32 $0x0;
	s2 =	sshll.u32 s0, $0x7  }
0x4: {  	s3 =	sshll.u32 s0, $0x4;
	s1 =	sshll.u32 s1, $0x8;
	s2 =	sand.u32 $0x380, s2  }
0x5: {  	s3 =	sor.u32 s3, s1;
	s1 =	rddreg [dreg:$0x1];
	_ =	strace $0x80000053  }
0x6: {  	s3 =	sand.u32 $0x180, s3;
	s4 =	ssub.s32 $0x400, s2;
	s11 =	smov.u32 s2  }
0x7: {  	s5 =	sand.u32 $0x380, s4;
	s6 =	ssub.s32 $0x5000, s3;
	s9 =	sshrl.u32 s4, $0xA  }
0x8: {  	p0 =	sne.s32 s5, $0x0;
	s5 =	simm.s32 $0x1;
	s8 =	sand.u32 $0x180, s6  }
0x9: {  	s5 =	simm.s32 @!p0 $0x0;
	p0 =	sne.s32 s8, $0x0;
	s8 =	simm.s32 $0x1  }
.Ltmp0:
0xa: {  	s6 =	sshrl.u32 s6, $0x9;
	s8 =	simm.s32 @!p0 $0x0;
	(pc) =	sbr.rel .LBB1_1-.Ltmp0, $4  }
0xb: {  	s4 =	simm.s32 $0x1;
	s5 =	sadd.s32 s5, s9;
	s6 =	sadd.s32 s8, s6  }
0xc: {  	s10 =	smov.u32 s3;
	[sflag:s4] =	ssyncpa.u1 $0x0;
	s5 =	smul.u32 s5, s6  }
0xd: {  	[sflag:s31] =	ssyncpa.u1 $0x0;
	p0 =	por $0x0, $0x0;
	s9 =	simm.s32 $0x2000  }
0xe: {  	s6 =	sadd.s32 $0x4A4600, s7;
	s7 =	sadd.s32 $0x224600, s7;
	s8 =	sadd.s32 $0x1, s5  }
.LBB1_4:
0xf: {  	v5 =	vld [tilespmem:s18+$0xFFFFFFD0];
	[tilespmem:s17+$0x2040 ss:$0x81] =	vst.msk $0xffff, v4;
	s20 =	sshll.u32 s14, $0xA;
	s21 =	sshll.u32 s13, $0x3  }
0x10: {  	v58 =	vld [tilespmem:s18+$0xFFFFFFE0];
	[tilespmem:s17+$0x2850 ss:$0x81] =	vst.msk $0xffff, v3;
	s20 =	sand.u32 $0xFFFFE000, s20;
	s21 =	sand.u32 $0xFFFFFC00, s21  }
0x11: {  	s19 =	sshra.s32 s19, $0x2;
	v59 =	vld [tilespmem:s18+$0xFFFFFFF0];
	[tilespmem:s17+$0x3060 ss:$0x81] =	vst.msk $0xffff, v2;
	s20 =	sadd.s32 s21, s20  }
0x12: {  	v60 =	vld [tilespmem:s18+$0x0];
	[tilespmem:s17+$0x0 ss:$0x81] =	vst.msk $0xffff, v0;
	s16 =	sadd.s32 s19, s16;
	s26 =	sshrl.u32 s20, $0xA  }
0x13: {  	v61 =	vld [tilespmem:s18+$0x10];
	[tilespmem:s16+$0x3870 ss:$0x81] =	vst.msk $0xffff, v1;
	s27 =	smulhi.u32 $0xCCCCD, s26  }
0x14: {  	v62 =	vld [tilespmem:s18+$0x20];
	[tilespmem:s16+$0x810 ss:$0x81] =	vst.msk $0xffff, v5  }
0x15: {  	v63 =	vld [tilespmem:s18+$0xFFFFFFC0];
	s28 =	sshll.u32 s14, $0x7;
	[tilespmem:s16+$0x1020 ss:$0x81] =	vst.msk $0xffff, v58;
	s29 =	sshrl.u32 s27, $0x2  }
0x16: {  	s30 =	sand.u32 $0x78, s13;
	s14 =	sand.u32 $0x380, s28;
	[tilespmem:s16+$0x1830 ss:$0x81] =	vst.msk $0xffff, v59;
	s18 =	smul.u32 $0x5000, s29  }
0x17: {  	s14 =	sor.u32 s30, s14;
	[tilespmem:s16+$0x2040 ss:$0x81] =	vst.msk $0xffff, v60  }
0x18: {  	s31 =	sand.u32 $0x7, s13;
	s14 =	sshrl.u32 s14, $0x3;
	[tilespmem:s16+$0x2850 ss:$0x81] =	vst.msk $0xffff, v61;
	s17 =	ssub.s32 s26, s18  }
0x19: {  	s13 =	sshll.u32 s31, $0x12;
	s14 =	sadd.s32 s7, s14;
	[tilespmem:s16+$0x3060 ss:$0x81] =	vst.msk $0xffff, v62;
	s17 =	sshll.u32 s17, $0x7  }
0x1a: {  	s13 =	sor.u32 $0x400, s13;
	[tilespmem:s16+$0x0 ss:$0x81] =	vst.msk $0xffff, v63;
	s14 =	sadd.s32 s17, s14  }
0x1b: {  	[hbm4b:s14+s13] =	stream.strided.scatter [tilespmem:s15], [sflag:$0x2], $0x4000, s9, s13, $0x20;
	[tilespmem:$0x10100] =	vst v63  }
.LBB1_5:
0x1c: {  	s15 =	sadd.s32 $0x200, s10  }
0x1d: {  	s13 =	sadd.s32 $0x400, s11;
	s17 =	smov.u32 s11;
	p2 =	sgt.s32 s15, $0x4FFF  }
0x1e: {  	s17 =	smov.u32 @p2 s13  }
0x1f: {  	s15 =	smov.u32 @p2 s3;
	p2 =	sgt.s32 s17, $0x3FF  }
0x20: {  	s17 =	smov.u32 @p2 s2;
	p2 =	sne.s32 s12, s8  }
.Ltmp1:
0x21: {  	p1 =	slt.u32 s12, $0x2;
	(pc) =	sbr.rel @!p2 .LBB1_6-.Ltmp1, $4  }
0x22: {  	s16 =	simm.s32 @!p1 $0x2  }
0x23: {  	s14 =	smov.u32 s10;
	p0 =	por !p0, !p0;
	_ =	swait.ge @!p1 [sflag:s16], $0x4000  }
0x24: {  	s13 =	smov.u32 s11;
	[sflag:s16] =	ssyncset.done @!p1 $0x0;
	s10 =	smov.u32 s15  }
0x25: {  	s12 =	sadd.s32 $0x1, s12;
	[sflag:s16] =	ssyncadd.s32 @!p1 $0xFFFFC000;
	s11 =	smov.u32 s17  }
.LBB1_1:
0x26: {  	p1 =	sge.u32 s12, s5  }
0x27: {  	s15 =	sshrl.u32 @!p1 s11, $0x3  }
0x28: {  	s16 =	sshll.u32 @!p1 s10, $0x3;
	s17 =	sshll.u32 @!p1 s11, $0x7;
	s15 =	smul.u32 @!p1 $0x28000, s15  }
0x29: {  	s18 =	sand.u32 @!p1 $0x7F, s10;
	s16 =	sand.u32 @!p1 $0xFFFFFC00, s16;
	s17 =	sand.u32 @!p1 $0x380, s17  }
0x2a: {  	s15 =	sadd.s32 @!p1 s15, s16;
	s16 =	sor.u32 @!p1 s18, s17  }
0x2b: {  	s16 =	sor.u32 @!p1 s15, s16  }
0x2c: {  	s17 =	smulhi.u32 @!p1 $0xCCCCCCCD, s16;
	_ =	sdelay $0x1  }
0x2d: {  	s15 =	smulhi.u32 @!p1 $0xCCCCCCCD, s15;
	s17 =	sshrl.u32 @!p1 s17, $0xE  }
0x2e: {  	s17 =	smul.u32 @!p1 $0x5000, s17  }
0x2f: {  	s31 =	sadd.s32 $0xFFFFFFFF, s12;
	s18 =	sxor.u32 @!p1 $0xFFFFFFFF, s12;
	s15 =	sshrl.u32 @!p1 s15, $0xE  }
0x30: {  	s18 =	sshll.u32 @!p1 s18, $0xE;
	s15 =	sand.u32 @!p1 $0x3FF, s15;
	s16 =	ssub.s32 @!p1 s16, s17  }
0x31: {  	s15 =	smul.u32 @!p1 $0xA00, s15;
	s17 =	sshrl.u32 @!p1 s16, $0x3;
	s16 =	sand.u32 @!p1 $0x7, s16  }
0x32: {  	s18 =	sand.u32 @!p1 $0x4000, s18;
	s17 =	sadd.s32 @!p1 s6, s17;
	s16 =	sshll.u32 @!p1 s16, $0x12  }
0x33: {  	s15 =	sadd.s32 @!p1 s15, s17;
	s16 =	sor.u32 @!p1 $0x400, s16;
	s17 =	simm.s32 @!p1 $0x28000  }
0x34: {  	[tilespmem:s18], [sflag:$0x1] =	stream.strided.gather @!p1 [hbm4b:s15+s16], $0x4000, s17, s16, $0x38;
	[tilespmem:$0x10100] =	vst v63  }
0x35: {  	p1 =	sge.u32 s31, s5  }
.Ltmp2:
0x36: {  	_ = 	snop;
	(pc) =	sbr.rel @p1 .LBB1_5-.Ltmp2, $1  }
0x37: {  	_ =	sdelay $0x3  }
0x38: {  	s15 =	simm.s32 $0x1  }
0x39: {  	_ =	swait.ge [sflag:s4], $0x4000;
	s15 =	simm.s32 @!p0 $0x0  }
0x3a: {  	[sflag:s4] =	ssyncset.done $0x0;
	s16 =	sshll.u32 s15, $0xE  }
0x3b: {  	[sflag:s4] =	ssyncadd.s32 $0xFFFFC000;
	s18 =	sor.u32 $0x40, s16  }
0x3c: {  	s15 =	smul.u32 $0x10200, s15;
	v0 =	vld [tilespmem:s18+$0x30]  }
0x3d: {  	v1 =	vld [tilespmem:s18+$0xFFFFFFD0]  }
0x3e: {  	s15 =	sshrl.u32 s15, $0x2;
	v5 =	vld [tilespmem:s18+$0xFFFFFFE0]  }
0x3f: {  	v6 =	vld [tilespmem:s18+$0xFFFFFFF0];
	s16 =	sor.u32 $0x8000, s15  }
0x40: {  	s31 =	sand.u32 $0x1, s12;
	v4 =	vld [tilespmem:s18+$0x0];
	s17 =	sadd.s32 $0x0, s16  }
0x41: {  	v3 =	vld [tilespmem:s18+$0x10];
	s15 =	smul.u32 $0x10200, s31;
	[tilespmem:s17+$0x3870 ss:$0x81] =	vst.msk $0xffff, v0  }
0x42: {  	v2 =	vld [tilespmem:s18+$0x20];
	[tilespmem:s17+$0x810 ss:$0x81] =	vst.msk $0xffff, v1  }
0x43: {  	s15 =	sshrl.u32 s15, $0x2;
	v0 =	vld [tilespmem:s18+$0xFFFFFFC0];
	[tilespmem:s17+$0x1020 ss:$0x81] =	vst.msk $0xffff, v5;
	s18 =	sadd.s32 $0x80, s18  }
0x44: {  	s19 =	simm.s32 $0x4;
	s20 =	simm.s32 $0x8;
	s15 =	sor.u32 $0x8000, s15;
	[tilespmem:s17+$0x1830 ss:$0x81] =	vst.msk $0xffff, v6;
	v1 =	vld [tilespmem:s18+$0x30]  }
.LBB1_3:
0x45: {  	p1 =	sne.s32 s20, $0x1FC;
	v5 =	vld [tilespmem:s18+$0xFFFFFFD0];
	[tilespmem:s17+$0x2040 ss:$0x81] =	vst.msk $0xffff, v4  }
0x46: {  	v6 =	vld [tilespmem:s18+$0xFFFFFFE0];
	[tilespmem:s17+$0x2850 ss:$0x81] =	vst.msk $0xffff, v3  }
0x47: {  	s21 =	sshra.s32 s19, $0x2;
	s19 =	smov.u32 s20;
	v7 =	vld [tilespmem:s18+$0xFFFFFFF0];
	[tilespmem:s17+$0x3060 ss:$0x81] =	vst.msk $0xffff, v2  }
.Ltmp3:
0x48: {  	v4 =	vld [tilespmem:s18+$0x0];
	[tilespmem:s17+$0x0 ss:$0x81] =	vst.msk $0xffff, v0;
	s17 =	sadd.s32 s21, s16;
	(pc) =	sbr.rel @p1 .LBB1_3-.Ltmp3, $4  }
0x49: {  	v3 =	vld [tilespmem:s18+$0x10];
	[tilespmem:s17+$0x3870 ss:$0x81] =	vst.msk $0xffff, v1  }
0x4a: {  	[tilespmem:s17+$0x810 ss:$0x81] =	vst.msk $0xffff, v5;
	v2 =	vld [tilespmem:s18+$0x20]  }
0x4b: {  	v0 =	vld [tilespmem:s18+$0xFFFFFFC0];
	[tilespmem:s17+$0x1020 ss:$0x81] =	vst.msk $0xffff, v6;
	s18 =	sadd.s32 $0x80, s18  }
0x4c: {  	s20 =	sadd.s32 $0x4, s20;
	v1 =	vld [tilespmem:s18+$0x30];
	[tilespmem:s17+$0x1830 ss:$0x81] =	vst.msk $0xffff, v7  }
.Ltmp4:
0x4d: {  	_ = 	snop;
	(pc) =	sbr.rel .LBB1_4-.Ltmp4, $1  }
0x4e: {  	_ =	sdelay $0x3  }
.LBB1_6:
0x4f: {  	_ =	sfence.sel $0x180000  }
0x50: {  	s2 =	simm.s32 $0x1;
	[bflag:$0x0] =	sbarrier.arrive $0xFFFF  }
0x51: {  	s31 =	simm.s32 $0x2;
	[sflag:s2] =	ssyncpa.u1 $0x1  }
0x52: {  	[sflag:s31] =	ssyncpa.u1 $0x1  }
0x53: {  	p0 =	sne.s32 s0, $0x0;
	_ =	strace $0x90000053  }
0x54: {  	s0 =	sadd.s32 @!p0 $0x100000, s1;
	[bflag:$0x2] =	sbarrier.arrive $0xFFFF  }
0x55: {  	[sflag:s0] =	ssyncadd.tile.s32 @!p0 $0x1;
	_ =	shalt  }
.Lfunc_end1:
_tile_overlayer_lowered:
.L_overlay_start_2:
0x56: {  	(tag) =	ssettag $0x2  }
0x57: {  	s0 =	rddreg [dreg:$0x0];
	s2 =	stileid.u32  }
0x58: {  	s1 =	rddreg [dreg:$0x1];
	p0 =	sne.s32 s2, $0x0  }
0x59: {  	s3 =	rddreg [dreg:$0x2];
	[bflag:$0x3] =	sbarrier.arrive $0xFFFF;
	s2 =	simm.s32 @!p0 $0x1C01  }
0x5a: {  	[timem:s3], [sflag:s2] =	dma.local @!p0 [hbm:s0], s1  }
0x5b: {  	s0 =	simm.s32 @!p0 $0x1  }
0x5c: {  	_ =	swait.ge @!p0 [sflag:s0], s1  }
0x5d: {  	s1 =	ssub.s32 @!p0 $0x0, s1;
	[sflag:s0] =	ssyncset.done @!p0 $0x0  }
0x5e: {  	[sflag:s0] =	ssyncadd.s32 @!p0 s1  }
0x5f: {  	[bflag:$0x3] =	sbarrier.arrive $0xFFFF  }
0x60: {  	_ =	shalt  }

// kernel: sparse-core-data-format-call.5.cloned.1.call-start
scs
called_computation.5_lowered:
.L_overlay_start_0:
0x0: {  	s1 =	sld [smem:$0x3FD9]  }
0x1: {  	s2 =	sld [smem:$0x3FFE];
	_ =	sdelay $0x1  }
0x2: {  	s3 =	srdreg.scid  }
0x3: {  	s0 =	sand.u32 $0x1, s3  }
0x4: {  	s17 =	sshll.u32 s0, $0xA;
	s1 =	sadd.s32 s2, s1  }
0x5: {  	s1 =	sadd.s32 s1, s17  }
0x6: {  	[smem:$0x3FB5] =	sst s1  }
0x7: {  	_ = 	snop  }
0x8: {  	(tm) =	ssettm $0x1  }
0x9: {  	s18 =	sld [smem:$0x3FFB];
	_ =	sdelay $0x3  }
0xa: {  	_ =	strace s18  }
0xb: {  	s1 =	sld [smem:$0x3FFC];
	_ =	sdelay $0x3  }
0xc: {  	_ =	strace s1  }
0xd: {  	s1 =	sld [smem:$0x3FFD];
	_ =	sdelay $0x3  }
0xe: {  	_ =	strace s1  }
0xf: {  	_ =	strace $0x8FFFFFFF  }
0x10: {  	s19 =	sld [smem:$0x3FDB];
	_ =	sdelay $0x1  }
0x11: {  	s20 =	simm.s32 $_scs_section_size  }
0x12: {  	s4 =	simm.s32 $_size__tile_overlayer_lowered;
	s5 =	simm.s32 $_tile_overlayer_lowered  }
0x13: {  	s23 =	simm.s32 $0x1BFF;
	s22 =	sshll.u32 s5, $0x1;
	s1 =	sadd.s32 s20, s19  }
0x14: {  	s6 =	simm.s32 $0x0;
	s21 =	sshll.u32 s4, $0x1;
	s4 =	sadd.s32 s22, s1  }
0x15: {  	[timem:s6], [sflag:s23] =	dma.local [hbm:s4], s21  }
0x16: {  	_ =	swait.ge [sflag:s23], s21  }
0x17: {  	s2 =	ssub.s32 $0x0, s21;
	[sflag:s23] =	ssyncset.done $0x0  }
0x18: {  	[sflag:s23] =	ssyncadd.s32 s2;
	_ =	sdelay $0x1  }
0x19: {  	s24 =	simm.s32 $0x1B8B  }
0x1a: {  	_ =	swait.ge [sflag:s24], $0x1  }
0x1b: {  	[sflag:s24] =	ssyncset.done $0x0  }
0x1c: {  	s26 =	simm.s32 $0x1B8E;
	s25 =	sld [smem:$0x3FFE];
	[sflag:s24] =	ssyncadd.s32 $0xFFFFFFFF  }
0x1d: {  	s27 =	simm.s32 $execute0_lowered;
	[smem:$0x3FD2] =	sst s26  }
0x1e: {  	s4 =	sshll.u32 s27, $0x1;
	_ =	strace $0x8000004F;
	[dreg:$0x1] =	wrdreg $0xFFFFFFFF  }
0x1f: {  	s28 =	simm.s32 $_size_execute0_lowered;
	s1 =	sadd.s32 s1, s4;
	[dreg:$0x0] =	wrdreg $0x0  }
0x20: {  	s4 =	sshll.u32 s28, $0x1;
	[dreg:$0x2] =	wrdreg s1  }
0x21: {  	[dreg:$0x3] =	wrdreg s4  }
0x22: {  	[dreg:$0x4] =	wrdreg $0xC0  }
0x23: {  	_ =	task [dreg:s6], $0x5FFFF  }
0x24: {  	[dreg:$0x1] =	wrdreg $0xFFFFFFFF  }
0x25: {  	[dreg:$0x0] =	wrdreg $0x60  }
0x26: {  	[dreg:$0x2] =	wrdreg s25  }
0x27: {  	[dreg:$0x3] =	wrdreg $0x9  }
0x28: {  	_ =	task.clear_ibuf [dreg:s6], $0x4FFFF;
	_ =	strace $0x9000004F  }
0x29: {  	s29 =	simm.s32 $0x9;
	_ =	strace $0x80000051  }
0x2a: {  	_ =	swait.ge [sflag:s29], $0x1  }
0x2b: {  	[sflag:s29] =	ssyncadd.s32 $0xFFFFFFFF  }
0x2c: {  	_ =	strace $0x90000051  }
0x2d: {  	_ =	sfence  }
0x2e: {  	s30 =	sld [smem:$0x0];
	_ =	sdelay $0x2  }
0x2f: {  	s31 =	sshll.u32 s3, $0xD;
	s3 =	sshrl.u32 s3, $0x2  }
0x30: {  	s2 =	sand.u32 $0x4000, s31;
	s1 =	sadd.s32 s3, s30  }
0x31: {  	s0 =	sor.u32 s2, s0;
	s1 =	sshll.u32 s1, $0x11  }
0x32: {  	s0 =	sor.u32 s1, s0  }
0x33: {  	s0 =	sadd.s32 $0x8F2B, s0  }
0x34: {  	[sflag:s0] =	ssyncadd.remote.s32 $0x1  }
0x35: {  	_ =	sfence.sel $0xFFFF  }
0x36: {  	[dreg:$0x0] =	wrdreg $0xFFFFFFFF;
	(pc) =	sbr.abs _section_cstart, $3  }
0x37: {  	[dreg:$0x1] =	wrdreg $0xFFFFFFFF  }
0x38: {  	_ =	task.clear_ibuf [dreg:s6], $0x2FFFF;
	_ =	strace $0x9FFFFFFF  }
0x39: {  	(tm) =	ssettm $0x7FFFFFFF  }
tec
execute0_lowered:
.L_overlay_start_1:
0x0: {  	(tag) =	ssettag $0x1  }
0x1: {  	s0 =	srdreg.scid  }
0x2: {  	s1 =	sshll.u32 s0, $0x4  }
0x3: {  	s6 =	rddreg [dreg:$0x0];
	s0 =	stileid.u32;
	s1 =	sand.u32 $0x10, s1  }
0x4: {  	s5 =	simm.s32 $0x1;
	s31 =	simm.s32 $0x2;
	s1 =	sor.u32 s0, s1  }
0x5: {  	s12 =	simm.s32 $0x0;
	s8 =	simm.s32 $0x28000;
	s2 =	sshll.u32 s1, $0x7  }
0x6: {  	s13 =	simm.s32 $0x0;
	s9 =	simm.s32 $0x0;
	s3 =	ssub.s32 $0x5000, s2  }
0x7: {  	s11 =	simm.s32 $0x0;
	s1 =	rddreg [dreg:$0x1];
	s4 =	sand.u32 $0xF80, s3  }
.Ltmp0:
0x8: {  	_ =	strace $0x80000050;
	p0 =	sne.s32 s4, $0x0;
	(pc) =	sbr.rel .LBB1_1-.Ltmp0, $4  }
0x9: {  	s10 =	smov.u32 s2;
	s7 =	sshrl.u32 s3, $0xC;
	s5 =	simm.s32 @!p0 $0x0  }
0xa: {  	s3 =	sadd.s32 $0x224600, s6;
	s4 =	simm.s32 $0x1;
	s5 =	sadd.s32 s5, s7  }
0xb: {  	s6 =	sadd.s32 $0x23C00, s6;
	[sflag:s4] =	ssyncpa.u1 $0x0;
	s5 =	sshll.u32 s5, $0x2  }
0xc: {  	p0 =	por $0x0, $0x0;
	[sflag:s31] =	ssyncpa.u1 $0x0;
	s7 =	sor.u32 $0x1, s5  }
.LBB1_4:
0xd: {  	s19 =	sshrl.u32 s12, $0x3  }
0xe: {  	s20 =	sshll.u32 s13, $0x3;
	s24 =	sshll.u32 s12, $0x7;
	s19 =	smul.u32 $0x28000, s19  }
0xf: {  	v5 =	vld [tilespmem:s17+$0xFFFFFFD0];
	[tilespmem:s16+$0x2040 ss:$0x81] =	vst.msk $0xffff, v4;
	s25 =	sand.u32 $0x7F, s13;
	s20 =	sand.u32 $0xFFFFFC00, s20;
	s12 =	sand.u32 $0x380, s24  }
0x10: {  	v58 =	vld [tilespmem:s17+$0xFFFFFFE0];
	[tilespmem:s16+$0x2850 ss:$0x81] =	vst.msk $0xffff, v2;
	s12 =	sor.u32 s25, s12;
	s19 =	sadd.s32 s20, s19  }
0x11: {  	s26 =	sshra.s32 s18, $0x2;
	v59 =	vld [tilespmem:s17+$0xFFFFFFF0];
	[tilespmem:s16+$0x3060 ss:$0x81] =	vst.msk $0xffff, v3;
	s12 =	sor.u32 s19, s12  }
0x12: {  	v60 =	vld [tilespmem:s17+$0x0];
	[tilespmem:s16+$0x0 ss:$0x81] =	vst.msk $0xffff, v0;
	s13 =	sadd.s32 s26, s15;
	s27 =	smulhi.u32 $0xCCCCCCCD, s12  }
0x13: {  	v61 =	vld [tilespmem:s17+$0x10];
	[tilespmem:s13+$0x3870 ss:$0x81] =	vst.msk $0xffff, v1  }
0x14: {  	v62 =	vld [tilespmem:s17+$0x20];
	s28 =	smulhi.u32 $0xCCCCCCCD, s19;
	[tilespmem:s13+$0x810 ss:$0x81] =	vst.msk $0xffff, v5;
	s15 =	sshrl.u32 s27, $0xE  }
0x15: {  	v63 =	vld [tilespmem:s17+$0xFFFFFFC0];
	[tilespmem:s13+$0x1020 ss:$0x81] =	vst.msk $0xffff, v58;
	s15 =	smul.u32 $0x5000, s15  }
0x16: {  	[tilespmem:s13+$0x1830 ss:$0x81] =	vst.msk $0xffff, v59;
	s16 =	sshrl.u32 s28, $0xE  }
0x17: {  	[tilespmem:s13+$0x2040 ss:$0x81] =	vst.msk $0xffff, v60;
	s29 =	sand.u32 $0x1FF, s16;
	s12 =	ssub.s32 s12, s15  }
0x18: {  	[tilespmem:s13+$0x2850 ss:$0x81] =	vst.msk $0xffff, v61;
	s15 =	smul.u32 $0xA00, s29;
	s30 =	sshrl.u32 s12, $0x3;
	s12 =	sand.u32 $0x7, s12  }
0x19: {  	[tilespmem:s13+$0x3060 ss:$0x81] =	vst.msk $0xffff, v62;
	s16 =	sadd.s32 s6, s30;
	s12 =	sshll.u32 s12, $0x12  }
0x1a: {  	[tilespmem:s13+$0x0 ss:$0x81] =	vst.msk $0xffff, v63;
	s31 =	sadd.s32 s15, s16;
	s12 =	sor.u32 $0x400, s12  }
0x1b: {  	[hbm4b:s31+s12] =	stream.strided.scatter [tilespmem:s14], [sflag:$0x2], $0x4000, s8, s12, $0x20;
	[tilespmem:$0x10100] =	vst v63  }
.LBB1_5:
0x1c: {  	s14 =	sadd.s32 $0x80, s9  }
0x1d: {  	s12 =	sadd.s32 $0x1000, s10;
	s16 =	smov.u32 s10;
	p2 =	sgt.s32 s14, $0x1FF  }
0x1e: {  	s16 =	smov.u32 @p2 s12  }
0x1f: {  	s14 =	simm.s32 @p2 $0x0;
	p2 =	sgt.s32 s16, $0x4FFF  }
0x20: {  	s16 =	smov.u32 @p2 s2;
	p2 =	sne.s32 s11, s7  }
.Ltmp1:
0x21: {  	p1 =	slt.u32 s11, $0x2;
	(pc) =	sbr.rel @!p2 .LBB1_6-.Ltmp1, $4  }
0x22: {  	s15 =	simm.s32 @!p1 $0x2  }
0x23: {  	s13 =	smov.u32 s10;
	p0 =	por !p0, !p0;
	_ =	swait.ge @!p1 [sflag:s15], $0x4000  }
0x24: {  	s12 =	smov.u32 s9;
	[sflag:s15] =	ssyncset.done @!p1 $0x0;
	s9 =	smov.u32 s14  }
0x25: {  	s11 =	sadd.s32 $0x1, s11;
	[sflag:s15] =	ssyncadd.s32 @!p1 $0xFFFFC000;
	s10 =	smov.u32 s16  }
.LBB1_1:
0x26: {  	p1 =	sge.u32 s11, s5  }
0x27: {  	s14 =	sshll.u32 @!p1 s10, $0x9;
	s15 =	sshll.u32 @!p1 s9, $0x3  }
0x28: {  	s16 =	sshll.u32 @!p1 s10, $0x7;
	s14 =	sand.u32 @!p1 $0xFFFFF000, s14;
	s15 =	sand.u32 @!p1 $0xFFFFFC00, s15  }
0x29: {  	s14 =	sadd.s32 @!p1 s14, s15;
	s15 =	sand.u32 @!p1 $0x200, s16  }
0x2a: {  	s14 =	sor.u32 @!p1 s15, s14  }
0x2b: {  	s14 =	sshrl.u32 @!p1 s14, $0x9  }
0x2c: {  	s15 =	smulhi.u32 @!p1 $0x666667, s14;
	_ =	sdelay $0x1  }
0x2d: {  	s17 =	sxor.u32 @!p1 $0xFFFFFFFF, s11;
	s18 =	sand.u32 @!p1 $0x78, s9;
	s15 =	sshrl.u32 @!p1 s15, $0x5  }
0x2e: {  	s17 =	sshll.u32 @!p1 s17, $0xE;
	s16 =	sand.u32 @!p1 $0x180, s16;
	s15 =	smul.u32 @!p1 $0x5000, s15  }
0x2f: {  	s31 =	sadd.s32 $0xFFFFFFFF, s11;
	s17 =	sand.u32 @!p1 $0x4000, s17;
	s16 =	sor.u32 @!p1 s18, s16  }
0x30: {  	s14 =	ssub.s32 @!p1 s14, s15;
	s15 =	sshrl.u32 @!p1 s16, $0x3;
	s16 =	sand.u32 @!p1 $0x7, s9  }
0x31: {  	s14 =	sshll.u32 @!p1 s14, $0x6;
	s15 =	sadd.s32 @!p1 s3, s15;
	s16 =	sshll.u32 @!p1 s16, $0x12  }
0x32: {  	s14 =	sadd.s32 @!p1 s14, s15;
	s15 =	sor.u32 @!p1 $0x400, s16;
	s16 =	simm.s32 @!p1 $0x1000  }
0x33: {  	[tilespmem:s17], [sflag:$0x1] =	stream.strided.gather @!p1 [hbm4b:s14+s15], $0x4000, s16, s15, $0x38;
	[tilespmem:$0x10100] =	vst v63  }
0x34: {  	p1 =	sge.u32 s31, s5  }
.Ltmp2:
0x35: {  	_ = 	snop;
	(pc) =	sbr.rel @p1 .LBB1_5-.Ltmp2, $1  }
0x36: {  	_ =	sdelay $0x3  }
0x37: {  	s14 =	simm.s32 $0x1  }
0x38: {  	_ =	swait.ge [sflag:s4], $0x4000;
	s14 =	simm.s32 @!p0 $0x0  }
0x39: {  	[sflag:s4] =	ssyncset.done $0x0;
	s15 =	sshll.u32 s14, $0xE  }
0x3a: {  	[sflag:s4] =	ssyncadd.s32 $0xFFFFC000;
	s17 =	sor.u32 $0x40, s15  }
0x3b: {  	s14 =	smul.u32 $0x10200, s14;
	v0 =	vld [tilespmem:s17+$0x30]  }
0x3c: {  	v1 =	vld [tilespmem:s17+$0xFFFFFFD0]  }
0x3d: {  	s14 =	sshrl.u32 s14, $0x2;
	v5 =	vld [tilespmem:s17+$0xFFFFFFE0]  }
0x3e: {  	v6 =	vld [tilespmem:s17+$0xFFFFFFF0];
	s15 =	sor.u32 $0x8000, s14  }
0x3f: {  	s31 =	sand.u32 $0x1, s11;
	v4 =	vld [tilespmem:s17+$0x0];
	s16 =	sadd.s32 $0x0, s15  }
0x40: {  	v2 =	vld [tilespmem:s17+$0x10];
	s14 =	smul.u32 $0x10200, s31;
	[tilespmem:s16+$0x3870 ss:$0x81] =	vst.msk $0xffff, v0  }
0x41: {  	v3 =	vld [tilespmem:s17+$0x20];
	[tilespmem:s16+$0x810 ss:$0x81] =	vst.msk $0xffff, v1  }
0x42: {  	s14 =	sshrl.u32 s14, $0x2;
	v0 =	vld [tilespmem:s17+$0xFFFFFFC0];
	[tilespmem:s16+$0x1020 ss:$0x81] =	vst.msk $0xffff, v5;
	s17 =	sadd.s32 $0x80, s17  }
0x43: {  	s18 =	simm.s32 $0x4;
	s19 =	simm.s32 $0x8;
	s14 =	sor.u32 $0x8000, s14;
	[tilespmem:s16+$0x1830 ss:$0x81] =	vst.msk $0xffff, v6;
	v1 =	vld [tilespmem:s17+$0x30]  }
.LBB1_3:
0x44: {  	p1 =	sne.s32 s19, $0x1FC;
	v5 =	vld [tilespmem:s17+$0xFFFFFFD0];
	[tilespmem:s16+$0x2040 ss:$0x81] =	vst.msk $0xffff, v4  }
0x45: {  	v6 =	vld [tilespmem:s17+$0xFFFFFFE0];
	[tilespmem:s16+$0x2850 ss:$0x81] =	vst.msk $0xffff, v2  }
0x46: {  	s20 =	sshra.s32 s18, $0x2;
	s18 =	smov.u32 s19;
	v7 =	vld [tilespmem:s17+$0xFFFFFFF0];
	[tilespmem:s16+$0x3060 ss:$0x81] =	vst.msk $0xffff, v3  }
.Ltmp3:
0x47: {  	v4 =	vld [tilespmem:s17+$0x0];
	[tilespmem:s16+$0x0 ss:$0x81] =	vst.msk $0xffff, v0;
	s16 =	sadd.s32 s20, s15;
	(pc) =	sbr.rel @p1 .LBB1_3-.Ltmp3, $4  }
0x48: {  	v2 =	vld [tilespmem:s17+$0x10];
	[tilespmem:s16+$0x3870 ss:$0x81] =	vst.msk $0xffff, v1  }
0x49: {  	[tilespmem:s16+$0x810 ss:$0x81] =	vst.msk $0xffff, v5;
	v3 =	vld [tilespmem:s17+$0x20]  }
0x4a: {  	v0 =	vld [tilespmem:s17+$0xFFFFFFC0];
	[tilespmem:s16+$0x1020 ss:$0x81] =	vst.msk $0xffff, v6;
	s17 =	sadd.s32 $0x80, s17  }
0x4b: {  	s19 =	sadd.s32 $0x4, s19;
	v1 =	vld [tilespmem:s17+$0x30];
	[tilespmem:s16+$0x1830 ss:$0x81] =	vst.msk $0xffff, v7  }
.Ltmp4:
0x4c: {  	_ = 	snop;
	(pc) =	sbr.rel .LBB1_4-.Ltmp4, $1  }
0x4d: {  	_ =	sdelay $0x3  }
.LBB1_6:
0x4e: {  	_ =	sfence.sel $0x180000  }
0x4f: {  	s2 =	simm.s32 $0x1;
	[bflag:$0x0] =	sbarrier.arrive $0xFFFF  }
0x50: {  	s31 =	simm.s32 $0x2;
	[sflag:s2] =	ssyncpa.u1 $0x1  }
0x51: {  	[sflag:s31] =	ssyncpa.u1 $0x1  }
0x52: {  	p0 =	sne.s32 s0, $0x0;
	_ =	strace $0x90000050  }
0x53: {  	s0 =	sadd.s32 @!p0 $0x100000, s1;
	[bflag:$0x2] =	sbarrier.arrive $0xFFFF  }
0x54: {  	[sflag:s0] =	ssyncadd.tile.s32 @!p0 $0x1;
	_ =	shalt  }
.Lfunc_end1:
_tile_overlayer_lowered:
.L_overlay_start_2:
0x55: {  	(tag) =	ssettag $0x2  }
0x56: {  	s0 =	rddreg [dreg:$0x0];
	s2 =	stileid.u32  }
0x57: {  	s1 =	rddreg [dreg:$0x1];
	p0 =	sne.s32 s2, $0x0  }
0x58: {  	s3 =	rddreg [dreg:$0x2];
	[bflag:$0x3] =	sbarrier.arrive $0xFFFF;
	s2 =	simm.s32 @!p0 $0x1C01  }
0x59: {  	[timem:s3], [sflag:s2] =	dma.local @!p0 [hbm:s0], s1  }
0x5a: {  	s0 =	simm.s32 @!p0 $0x1  }
0x5b: {  	_ =	swait.ge @!p0 [sflag:s0], s1  }
0x5c: {  	s1 =	ssub.s32 @!p0 $0x0, s1;
	[sflag:s0] =	ssyncset.done @!p0 $0x0  }
0x5d: {  	[sflag:s0] =	ssyncadd.s32 @!p0 s1  }
0x5e: {  	[bflag:$0x3] =	sbarrier.arrive $0xFFFF  }
0x5f: {  	_ =	shalt  }

// kernel: sparse-core-data-format-call.6.cloned.1.call-start
scs
called_computation.6_lowered:
.L_overlay_start_0:
0x0: {  	s2 =	sld [smem:$0x3FD9]  }
0x1: {  	s3 =	sld [smem:$0x3FFE];
	_ =	sdelay $0x1  }
0x2: {  	s1 =	srdreg.scid  }
0x3: {  	s0 =	sand.u32 $0x1, s1  }
0x4: {  	s18 =	sshll.u32 s0, $0xA;
	s2 =	sadd.s32 s3, s2  }
0x5: {  	s2 =	sadd.s32 s2, s18  }
0x6: {  	[smem:$0x3FB5] =	sst s2  }
0x7: {  	_ = 	snop  }
0x8: {  	(tm) =	ssettm $0x1  }
0x9: {  	s19 =	sld [smem:$0x3FFB];
	_ =	sdelay $0x3  }
0xa: {  	_ =	strace s19  }
0xb: {  	s2 =	sld [smem:$0x3FFC];
	_ =	sdelay $0x3  }
0xc: {  	_ =	strace s2  }
0xd: {  	s2 =	sld [smem:$0x3FFD];
	_ =	sdelay $0x3  }
0xe: {  	_ =	strace s2  }
0xf: {  	_ =	strace $0x8FFFFFFF  }
0x10: {  	s20 =	sld [smem:$0x3FDB];
	_ =	sdelay $0x1  }
0x11: {  	s21 =	simm.s32 $_scs_section_size  }
0x12: {  	s4 =	simm.s32 $_size__tile_overlayer_lowered;
	s5 =	simm.s32 $_tile_overlayer_lowered  }
0x13: {  	s6 =	simm.s32 $0x1BFF;
	s22 =	sshll.u32 s5, $0x1;
	s3 =	sadd.s32 s21, s20  }
0x14: {  	s23 =	simm.s32 $0x0;
	s4 =	sshll.u32 s4, $0x1;
	s5 =	sadd.s32 s22, s3  }
0x15: {  	[timem:s23], [sflag:s6] =	dma.local [hbm:s5], s4  }
0x16: {  	_ =	swait.ge [sflag:s6], s4  }
0x17: {  	s4 =	ssub.s32 $0x0, s4;
	[sflag:s6] =	ssyncset.done $0x0  }
0x18: {  	[sflag:s6] =	ssyncadd.s32 s4;
	_ =	sdelay $0x1  }
0x19: {  	s24 =	simm.s32 $0x1B8B  }
0x1a: {  	_ =	swait.ge [sflag:s24], $0x1  }
0x1b: {  	[sflag:s24] =	ssyncset.done $0x0  }
0x1c: {  	[sflag:s24] =	ssyncadd.s32 $0xFFFFFFFF  }
0x1d: {  	s4 =	sld [smem:$0x0]  }
0x1e: {  	s5 =	sand.u32 $0xFFFFFFFE, s1  }
0x1f: {  	p0 =	sne.s32 s1, s5  }
0x20: {  	s5 =	sshll.u32 @p0 s5, $0xE  }
0x21: {  	s5 =	sadd.s32 @p0 $0x11B8D, s5;
	s6 =	sshll.u32 @p0 s4, $0x11  }
0x22: {  	s5 =	sor.u32 @p0 s6, s5  }
0x23: {  	[sflag:s5] =	ssyncadd.remote.s32 @p0 $0x1;
	_ =	sdelay $0x1  }
0x24: {  	s5 =	simm.s32 @p0 $0x1B8D  }
0x25: {  	_ =	swait.eq @p0 [sflag:s5], $0x1  }
0x26: {  	[sflag:s5] =	ssyncadd.s32 @p0 $0xFFFFFFFF  }
0x27: {  	s6 =	sshll.u32 @!p0 s1, $0xE  }
0x28: {  	s6 =	sor.u32 @!p0 $0x4000, s6;
	s5 =	simm.s32 @!p0 $0x1B8D  }
0x29: {  	s4 =	sshll.u32 @!p0 s4, $0x11;
	s6 =	sadd.s32 @!p0 $0x11B8D, s6;
	_ =	swait.eq @!p0 [sflag:s5], $0x1  }
0x2a: {  	s4 =	sor.u32 @!p0 s4, s6;
	[sflag:s5] =	ssyncadd.s32 @!p0 $0xFFFFFFFF  }
0x2b: {  	s26 =	simm.s32 $0x1B8E;
	s25 =	sld [smem:$0x3FFE];
	[sflag:s4] =	ssyncadd.remote.s32 @!p0 $0x1  }
0x2c: {  	s27 =	simm.s32 $execute0_lowered;
	[smem:$0x3FD2] =	sst s26  }
0x2d: {  	s5 =	sshll.u32 s27, $0x1;
	_ =	strace $0x80000049;
	[dreg:$0x1] =	wrdreg $0xFFFFFFFF  }
0x2e: {  	s28 =	simm.s32 $_size_execute0_lowered;
	s3 =	sadd.s32 s3, s5;
	[dreg:$0x0] =	wrdreg $0x0  }
0x2f: {  	s5 =	sshll.u32 s28, $0x1;
	[dreg:$0x2] =	wrdreg s3  }
0x30: {  	[dreg:$0x3] =	wrdreg s5  }
0x31: {  	[dreg:$0x4] =	wrdreg $0xC0  }
0x32: {  	_ =	task [dreg:s23], $0x5FFFF  }
0x33: {  	[dreg:$0x1] =	wrdreg $0xFFFFFFFF  }
0x34: {  	[dreg:$0x0] =	wrdreg $0x60  }
0x35: {  	[dreg:$0x2] =	wrdreg s25  }
0x36: {  	[dreg:$0x3] =	wrdreg $0x9  }
0x37: {  	_ =	task.clear_ibuf [dreg:s23], $0x4FFFF;
	_ =	strace $0x90000049  }
0x38: {  	s29 =	simm.s32 $0x9;
	_ =	strace $0x8000004B  }
0x39: {  	_ =	swait.ge [sflag:s29], $0x1  }
0x3a: {  	[sflag:s29] =	ssyncadd.s32 $0xFFFFFFFF  }
0x3b: {  	_ =	strace $0x9000004B  }
0x3c: {  	_ =	sfence  }
0x3d: {  	s30 =	sld [smem:$0x0];
	_ =	sdelay $0x2  }
0x3e: {  	s31 =	sshll.u32 s1, $0xD;
	s1 =	sshrl.u32 s1, $0x2  }
0x3f: {  	s4 =	sand.u32 $0x4000, s31;
	s1 =	sadd.s32 s1, s30  }
0x40: {  	s0 =	sor.u32 s4, s0;
	s1 =	sshll.u32 s1, $0x11  }
0x41: {  	s0 =	sor.u32 s1, s0  }
0x42: {  	s0 =	sadd.s32 $0x8F2B, s0  }
0x43: {  	[sflag:s0] =	ssyncadd.remote.s32 $0x1  }
0x44: {  	_ =	sfence.sel $0xFFFF  }
0x45: {  	[dreg:$0x0] =	wrdreg $0xFFFFFFFF;
	(pc) =	sbr.abs _section_cstart, $3  }
0x46: {  	[dreg:$0x1] =	wrdreg $0xFFFFFFFF  }
0x47: {  	_ =	task.clear_ibuf [dreg:s23], $0x2FFFF;
	_ =	strace $0x9FFFFFFF  }
0x48: {  	(tm) =	ssettm $0x7FFFFFFF  }
0x49: {  	_ =	shalt  }
tec
execute0_lowered:
.L_overlay_start_1:
0x0: {  	(tag) =	ssettag $0x1  }
0x1: {  	s0 =	srdreg.scid  }
0x2: {  	s1 =	sshll.u32 s0, $0x4  }
0x3: {  	s6 =	rddreg [dreg:$0x0];
	s0 =	stileid.u32;
	s1 =	sand.u32 $0x10, s1  }
0x4: {  	s5 =	simm.s32 $0x1;
	s31 =	simm.s32 $0x2;
	s1 =	sor.u32 s0, s1  }
0x5: {  	s13 =	simm.s32 $0x0;
	s8 =	simm.s32 $0x10000;
	s2 =	sshll.u32 s1, $0x7  }
0x6: {  	s12 =	simm.s32 $0x0;
	s9 =	simm.s32 $0x0;
	s3 =	ssub.s32 $0x2000, s2  }
0x7: {  	s11 =	simm.s32 $0x0;
	s1 =	rddreg [dreg:$0x1];
	s4 =	sand.u32 $0xF80, s3  }
.Ltmp0:
0x8: {  	_ =	strace $0x8000004A;
	p0 =	sne.s32 s4, $0x0;
	(pc) =	sbr.rel .LBB1_1-.Ltmp0, $4  }
0x9: {  	s10 =	smov.u32 s2;
	s7 =	sshrl.u32 s3, $0xC;
	s5 =	simm.s32 @!p0 $0x0  }
0xa: {  	s3 =	sadd.s32 $0x24400, s6;
	s4 =	simm.s32 $0x1;
	s5 =	sadd.s32 s5, s7  }
0xb: {  	s6 =	sadd.s32 $0x124400, s6;
	[sflag:s4] =	ssyncpa.u1 $0x0;
	s5 =	sshll.u32 s5, $0x3  }
0xc: {  	p0 =	por $0x0, $0x0;
	[sflag:s31] =	ssyncpa.u1 $0x0;
	s7 =	sor.u32 $0x1, s5  }
.LBB1_4:
0xd: {  	v5 =	vld [tilespmem:s16+$0xFFFFFFD0]  }
0xe: {  	[tilespmem:s17+$0x2040 ss:$0x81] =	vst.msk $0xffff, v1;
	v58 =	vld [tilespmem:s16+$0xFFFFFFE0]  }
0xf: {  	[tilespmem:s17+$0x2850 ss:$0x81] =	vst.msk $0xffff, v2;
	v59 =	vld [tilespmem:s16+$0xFFFFFFF0]  }
0x10: {  	s18 =	sshra.s32 s18, $0x2;
	[tilespmem:s17+$0x3060 ss:$0x81] =	vst.msk $0xffff, v3;
	v60 =	vld [tilespmem:s16+$0x0]  }
0x11: {  	[tilespmem:s17+$0x0 ss:$0x81] =	vst.msk $0xffff, v0;
	v61 =	vld [tilespmem:s16+$0x10];
	s15 =	sadd.s32 s18, s15  }
0x12: {  	s26 =	sshll.u32 s13, $0xD;
	v62 =	vld [tilespmem:s16+$0x20];
	[tilespmem:s15+$0x3870 ss:$0x81] =	vst.msk $0xffff, v4  }
0x13: {  	s27 =	sand.u32 $0x78, s12;
	s19 =	sshll.u32 s12, $0x3;
	v63 =	vld [tilespmem:s16+$0xFFFFFFC0];
	s29 =	sshll.u32 s13, $0x7;
	[tilespmem:s15+$0x810 ss:$0x81] =	vst.msk $0xffff, v5  }
0x14: {  	s17 =	sand.u32 $0x7F0000, s26;
	s28 =	sand.u32 $0x7FFC00, s19;
	s19 =	sand.u32 $0x1C00, s19;
	[tilespmem:s15+$0x1020 ss:$0x81] =	vst.msk $0xffff, v58  }
0x15: {  	s13 =	sand.u32 $0x380, s29;
	s16 =	sadd.s32 s28, s17;
	s30 =	sor.u32 s27, s19;
	[tilespmem:s15+$0x1830 ss:$0x81] =	vst.msk $0xffff, v59  }
0x16: {  	s16 =	sand.u32 $0x7FE000, s16;
	s13 =	sor.u32 s13, s30;
	[tilespmem:s15+$0x2040 ss:$0x81] =	vst.msk $0xffff, v60  }
0x17: {  	s31 =	sand.u32 $0x7, s12;
	s13 =	sor.u32 s16, s13;
	[tilespmem:s15+$0x2850 ss:$0x81] =	vst.msk $0xffff, v61  }
0x18: {  	s12 =	sshll.u32 s31, $0x12;
	[tilespmem:s15+$0x3060 ss:$0x81] =	vst.msk $0xffff, v62;
	s13 =	sshrl.u32 s13, $0x3  }
0x19: {  	s12 =	sor.u32 $0x400, s12;
	[tilespmem:s15+$0x0 ss:$0x81] =	vst.msk $0xffff, v63;
	s13 =	sadd.s32 s6, s13  }
0x1a: {  	[hbm4b:s13+s12] =	stream.strided.scatter [tilespmem:s14], [sflag:$0x2], $0x4000, s8, s12, $0x20;
	[tilespmem:$0x10100] =	vst v63  }
.LBB1_5:
0x1b: {  	s14 =	sadd.s32 $0x80, s9  }
0x1c: {  	s12 =	sadd.s32 $0x1000, s10;
	s16 =	smov.u32 s10;
	p2 =	sgt.s32 s14, $0x3FF  }
0x1d: {  	s16 =	smov.u32 @p2 s12  }
0x1e: {  	s14 =	simm.s32 @p2 $0x0;
	p2 =	sgt.s32 s16, $0x1FFF  }
0x1f: {  	s16 =	smov.u32 @p2 s2;
	p2 =	sne.s32 s11, s7  }
.Ltmp1:
0x20: {  	p1 =	slt.u32 s11, $0x2;
	(pc) =	sbr.rel @!p2 .LBB1_6-.Ltmp1, $4  }
0x21: {  	s15 =	simm.s32 @!p1 $0x2  }
0x22: {  	s13 =	smov.u32 s9;
	p0 =	por !p0, !p0;
	_ =	swait.ge @!p1 [sflag:s15], $0x4000  }
0x23: {  	s12 =	smov.u32 s10;
	[sflag:s15] =	ssyncset.done @!p1 $0x0;
	s9 =	smov.u32 s14  }
0x24: {  	s11 =	sadd.s32 $0x1, s11;
	[sflag:s15] =	ssyncadd.s32 @!p1 $0xFFFFC000;
	s10 =	smov.u32 s16  }
.LBB1_1:
0x25: {  	p1 =	sge.u32 s11, s5  }
0x26: {  	s31 =	sadd.s32 $0xFFFFFFFF, s11;
	s14 =	sshll.u32 @!p1 s10, $0xA  }
0x27: {  	s15 =	sshll.u32 @!p1 s9, $0x3;
	s16 =	sshll.u32 @!p1 s10, $0x7;
	s14 =	sand.u32 @!p1 $0x7FE000, s14  }
0x28: {  	s17 =	sand.u32 @!p1 $0x78, s9;
	s14 =	sadd.s32 @!p1 s14, s15;
	s15 =	sand.u32 @!p1 $0x380, s16  }
0x29: {  	s16 =	sxor.u32 @!p1 $0xFFFFFFFF, s11;
	s14 =	sand.u32 @!p1 $0x7FFC00, s14;
	s15 =	sor.u32 @!p1 s15, s17  }
0x2a: {  	s16 =	sshll.u32 @!p1 s16, $0xE;
	s14 =	sor.u32 @!p1 s14, s15;
	s15 =	sand.u32 @!p1 $0x7, s9  }
0x2b: {  	s17 =	simm.s32 @!p1 $0x2000;
	s14 =	sshrl.u32 @!p1 s14, $0x3;
	s15 =	sshll.u32 @!p1 s15, $0x12  }
0x2c: {  	s16 =	sand.u32 @!p1 $0x4000, s16;
	s14 =	sadd.s32 @!p1 s3, s14;
	s15 =	sor.u32 @!p1 $0x400, s15  }
0x2d: {  	[tilespmem:s16], [sflag:$0x1] =	stream.strided.gather @!p1 [hbm4b:s14+s15], $0x4000, s17, s15, $0x38;
	[tilespmem:$0x10100] =	vst v63  }
0x2e: {  	p1 =	sge.u32 s31, s5  }
.Ltmp2:
0x2f: {  	_ = 	snop;
	(pc) =	sbr.rel @p1 .LBB1_5-.Ltmp2, $1  }
0x30: {  	_ =	sdelay $0x3  }
0x31: {  	s14 =	simm.s32 $0x1  }
0x32: {  	_ =	swait.ge [sflag:s4], $0x4000;
	s14 =	simm.s32 @!p0 $0x0  }
0x33: {  	[sflag:s4] =	ssyncset.done $0x0;
	s15 =	sshll.u32 s14, $0xE  }
0x34: {  	[sflag:s4] =	ssyncadd.s32 $0xFFFFC000;
	s16 =	sor.u32 $0x40, s15  }
0x35: {  	s14 =	smul.u32 $0x10200, s14;
	v0 =	vld [tilespmem:s16+$0x30]  }
0x36: {  	v3 =	vld [tilespmem:s16+$0xFFFFFFD0]  }
0x37: {  	s14 =	sshrl.u32 s14, $0x2;
	v4 =	vld [tilespmem:s16+$0xFFFFFFE0]  }
0x38: {  	v5 =	vld [tilespmem:s16+$0xFFFFFFF0];
	s15 =	sor.u32 $0x8000, s14  }
0x39: {  	s31 =	sand.u32 $0x1, s11;
	v1 =	vld [tilespmem:s16+$0x0];
	s17 =	sadd.s32 $0x0, s15  }
0x3a: {  	v2 =	vld [tilespmem:s16+$0x10];
	s14 =	smul.u32 $0x10200, s31;
	[tilespmem:s17+$0x3870 ss:$0x81] =	vst.msk $0xffff, v0  }
0x3b: {  	[tilespmem:s17+$0x810 ss:$0x81] =	vst.msk $0xffff, v3;
	v3 =	vld [tilespmem:s16+$0x20]  }
0x3c: {  	s14 =	sshrl.u32 s14, $0x2;
	v0 =	vld [tilespmem:s16+$0xFFFFFFC0];
	[tilespmem:s17+$0x1020 ss:$0x81] =	vst.msk $0xffff, v4;
	s16 =	sadd.s32 $0x80, s16  }
0x3d: {  	s18 =	simm.s32 $0x4;
	s19 =	simm.s32 $0x8;
	s14 =	sor.u32 $0x8000, s14;
	[tilespmem:s17+$0x1830 ss:$0x81] =	vst.msk $0xffff, v5;
	v4 =	vld [tilespmem:s16+$0x30]  }
.LBB1_3:
0x3e: {  	p1 =	sne.s32 s19, $0x1FC;
	v5 =	vld [tilespmem:s16+$0xFFFFFFD0];
	[tilespmem:s17+$0x2040 ss:$0x81] =	vst.msk $0xffff, v1  }
0x3f: {  	v6 =	vld [tilespmem:s16+$0xFFFFFFE0];
	[tilespmem:s17+$0x2850 ss:$0x81] =	vst.msk $0xffff, v2  }
0x40: {  	s20 =	sshra.s32 s18, $0x2;
	s18 =	smov.u32 s19;
	v7 =	vld [tilespmem:s16+$0xFFFFFFF0];
	[tilespmem:s17+$0x3060 ss:$0x81] =	vst.msk $0xffff, v3  }
.Ltmp3:
0x41: {  	v1 =	vld [tilespmem:s16+$0x0];
	[tilespmem:s17+$0x0 ss:$0x81] =	vst.msk $0xffff, v0;
	s17 =	sadd.s32 s20, s15;
	(pc) =	sbr.rel @p1 .LBB1_3-.Ltmp3, $4  }
0x42: {  	v2 =	vld [tilespmem:s16+$0x10];
	[tilespmem:s17+$0x3870 ss:$0x81] =	vst.msk $0xffff, v4  }
0x43: {  	[tilespmem:s17+$0x810 ss:$0x81] =	vst.msk $0xffff, v5;
	v3 =	vld [tilespmem:s16+$0x20]  }
0x44: {  	v0 =	vld [tilespmem:s16+$0xFFFFFFC0];
	[tilespmem:s17+$0x1020 ss:$0x81] =	vst.msk $0xffff, v6;
	s16 =	sadd.s32 $0x80, s16  }
0x45: {  	s19 =	sadd.s32 $0x4, s19;
	v4 =	vld [tilespmem:s16+$0x30];
	[tilespmem:s17+$0x1830 ss:$0x81] =	vst.msk $0xffff, v7  }
.Ltmp4:
0x46: {  	_ = 	snop;
	(pc) =	sbr.rel .LBB1_4-.Ltmp4, $1  }
0x47: {  	_ =	sdelay $0x3  }
.LBB1_6:
0x48: {  	_ =	sfence.sel $0x180000  }
0x49: {  	s2 =	simm.s32 $0x1;
	[bflag:$0x0] =	sbarrier.arrive $0xFFFF  }
0x4a: {  	s31 =	simm.s32 $0x2;
	[sflag:s2] =	ssyncpa.u1 $0x1  }
0x4b: {  	[sflag:s31] =	ssyncpa.u1 $0x1  }
0x4c: {  	p0 =	sne.s32 s0, $0x0;
	_ =	strace $0x9000004A  }
0x4d: {  	s0 =	sadd.s32 @!p0 $0x100000, s1;
	[bflag:$0x2] =	sbarrier.arrive $0xFFFF  }
0x4e: {  	[sflag:s0] =	ssyncadd.tile.s32 @!p0 $0x1;
	_ =	shalt  }
.Lfunc_end1:
_tile_overlayer_lowered:
.L_overlay_start_2:
0x4f: {  	(tag) =	ssettag $0x2  }
0x50: {  	s0 =	rddreg [dreg:$0x0];
	s2 =	stileid.u32  }
0x51: {  	s1 =	rddreg [dreg:$0x1];
	p0 =	sne.s32 s2, $0x0  }
0x52: {  	s3 =	rddreg [dreg:$0x2];
	[bflag:$0x3] =	sbarrier.arrive $0xFFFF;
	s2 =	simm.s32 @!p0 $0x1C01  }
0x53: {  	[timem:s3], [sflag:s2] =	dma.local @!p0 [hbm:s0], s1  }
0x54: {  	s0 =	simm.s32 @!p0 $0x1  }
0x55: {  	_ =	swait.ge @!p0 [sflag:s0], s1  }
0x56: {  	s1 =	ssub.s32 @!p0 $0x0, s1;
	[sflag:s0] =	ssyncset.done @!p0 $0x0  }
0x57: {  	[sflag:s0] =	ssyncadd.s32 @!p0 s1  }
0x58: {  	[bflag:$0x3] =	sbarrier.arrive $0xFFFF  }
0x59: {  	_ =	shalt  }

// kernel: sparse-core-data-format-call.cloned.1.call-start
scs
called_computation_lowered:
.L_overlay_start_0:
0x0: {  	s1 =	sld [smem:$0x3FD9]  }
0x1: {  	s2 =	sld [smem:$0x3FFE];
	_ =	sdelay $0x1  }
0x2: {  	s3 =	srdreg.scid  }
0x3: {  	s0 =	sand.u32 $0x1, s3  }
0x4: {  	s17 =	sshll.u32 s0, $0xA;
	s1 =	sadd.s32 s2, s1  }
0x5: {  	s1 =	sadd.s32 s1, s17  }
0x6: {  	[smem:$0x3FB5] =	sst s1  }
0x7: {  	_ = 	snop  }
0x8: {  	(tm) =	ssettm $0x1  }
0x9: {  	s18 =	sld [smem:$0x3FFB];
	_ =	sdelay $0x3  }
0xa: {  	_ =	strace s18  }
0xb: {  	s1 =	sld [smem:$0x3FFC];
	_ =	sdelay $0x3  }
0xc: {  	_ =	strace s1  }
0xd: {  	s1 =	sld [smem:$0x3FFD];
	_ =	sdelay $0x3  }
0xe: {  	_ =	strace s1  }
0xf: {  	_ =	strace $0x8FFFFFFF  }
0x10: {  	s19 =	sld [smem:$0x3FDB];
	_ =	sdelay $0x1  }
0x11: {  	s20 =	simm.s32 $_scs_section_size  }
0x12: {  	s4 =	simm.s32 $_size__tile_overlayer_lowered;
	s5 =	simm.s32 $_tile_overlayer_lowered  }
0x13: {  	s23 =	simm.s32 $0x1BFF;
	s22 =	sshll.u32 s5, $0x1;
	s1 =	sadd.s32 s20, s19  }
0x14: {  	s6 =	simm.s32 $0x0;
	s21 =	sshll.u32 s4, $0x1;
	s4 =	sadd.s32 s22, s1  }
0x15: {  	[timem:s6], [sflag:s23] =	dma.local [hbm:s4], s21  }
0x16: {  	_ =	swait.ge [sflag:s23], s21  }
0x17: {  	s2 =	ssub.s32 $0x0, s21;
	[sflag:s23] =	ssyncset.done $0x0  }
0x18: {  	[sflag:s23] =	ssyncadd.s32 s2;
	_ =	sdelay $0x1  }
0x19: {  	s24 =	simm.s32 $0x1B8B  }
0x1a: {  	_ =	swait.ge [sflag:s24], $0x1  }
0x1b: {  	[sflag:s24] =	ssyncset.done $0x0  }
0x1c: {  	s26 =	simm.s32 $0x1B8E;
	s25 =	sld [smem:$0x3FFE];
	[sflag:s24] =	ssyncadd.s32 $0xFFFFFFFF  }
0x1d: {  	s27 =	simm.s32 $execute0_lowered;
	[smem:$0x3FD2] =	sst s26  }
0x1e: {  	s4 =	sshll.u32 s27, $0x1;
	_ =	strace $0x80000061;
	[dreg:$0x1] =	wrdreg $0xFFFFFFFF  }
0x1f: {  	s28 =	simm.s32 $_size_execute0_lowered;
	s1 =	sadd.s32 s1, s4;
	[dreg:$0x0] =	wrdreg $0x0  }
0x20: {  	s4 =	sshll.u32 s28, $0x1;
	[dreg:$0x2] =	wrdreg s1  }
0x21: {  	[dreg:$0x3] =	wrdreg s4  }
0x22: {  	[dreg:$0x4] =	wrdreg $0xC0  }
0x23: {  	_ =	task [dreg:s6], $0x5FFFF  }
0x24: {  	[dreg:$0x1] =	wrdreg $0xFFFFFFFF  }
0x25: {  	[dreg:$0x0] =	wrdreg $0x60  }
0x26: {  	[dreg:$0x2] =	wrdreg s25  }
0x27: {  	[dreg:$0x3] =	wrdreg $0x9  }
0x28: {  	_ =	task.clear_ibuf [dreg:s6], $0x4FFFF;
	_ =	strace $0x90000061  }
0x29: {  	s29 =	simm.s32 $0x9;
	_ =	strace $0x80000063  }
0x2a: {  	_ =	swait.ge [sflag:s29], $0x1  }
0x2b: {  	[sflag:s29] =	ssyncadd.s32 $0xFFFFFFFF  }
0x2c: {  	_ =	strace $0x90000063  }
0x2d: {  	_ =	sfence  }
0x2e: {  	s30 =	sld [smem:$0x0];
	_ =	sdelay $0x2  }
0x2f: {  	s31 =	sshll.u32 s3, $0xD;
	s3 =	sshrl.u32 s3, $0x2  }
0x30: {  	s2 =	sand.u32 $0x4000, s31;
	s1 =	sadd.s32 s3, s30  }
0x31: {  	s0 =	sor.u32 s2, s0;
	s1 =	sshll.u32 s1, $0x11  }
0x32: {  	s0 =	sor.u32 s1, s0  }
0x33: {  	s0 =	sadd.s32 $0x8F2B, s0  }
0x34: {  	[sflag:s0] =	ssyncadd.remote.s32 $0x1  }
0x35: {  	_ =	sfence.sel $0xFFFF  }
0x36: {  	[dreg:$0x0] =	wrdreg $0xFFFFFFFF;
	(pc) =	sbr.abs _section_cstart, $3  }
0x37: {  	[dreg:$0x1] =	wrdreg $0xFFFFFFFF  }
0x38: {  	_ =	task.clear_ibuf [dreg:s6], $0x2FFFF;
	_ =	strace $0x9FFFFFFF  }
0x39: {  	(tm) =	ssettm $0x7FFFFFFF  }
tec
execute0_lowered:
.L_overlay_start_1:
0x0: {  	(tag) =	ssettag $0x1  }
0x1: {  	s0 =	stileid.u32;
	s1 =	srdreg.scid  }
0x2: {  	s7 =	rddreg [dreg:$0x0];
	s31 =	simm.s32 $0x2;
	s14 =	simm.s32 $0x0  }
0x3: {  	s13 =	simm.s32 $0x0;
	s12 =	simm.s32 $0x0;
	s2 =	sshll.u32 s0, $0x7  }
0x4: {  	s3 =	sshll.u32 s0, $0x4;
	s1 =	sshll.u32 s1, $0x8;
	s2 =	sand.u32 $0x380, s2  }
0x5: {  	s3 =	sor.u32 s3, s1;
	s1 =	rddreg [dreg:$0x1];
	_ =	strace $0x80000062  }
0x6: {  	s3 =	sand.u32 $0x180, s3;
	s4 =	ssub.s32 $0x400, s2;
	s11 =	smov.u32 s2  }
0x7: {  	s5 =	sand.u32 $0x380, s4;
	s6 =	ssub.s32 $0x4000, s3;
	s9 =	sshrl.u32 s4, $0xA  }
0x8: {  	p0 =	sne.s32 s5, $0x0;
	s5 =	simm.s32 $0x1;
	s8 =	sand.u32 $0x180, s6  }
0x9: {  	s5 =	simm.s32 @!p0 $0x0;
	p0 =	sne.s32 s8, $0x0;
	s8 =	simm.s32 $0x1  }
.Ltmp0:
0xa: {  	s6 =	sshrl.u32 s6, $0x9;
	s8 =	simm.s32 @!p0 $0x0;
	(pc) =	sbr.rel .LBB1_1-.Ltmp0, $4  }
0xb: {  	s4 =	simm.s32 $0x1;
	s5 =	sadd.s32 s5, s9;
	s6 =	sadd.s32 s8, s6  }
0xc: {  	s10 =	smov.u32 s3;
	[sflag:s4] =	ssyncpa.u1 $0x0;
	s5 =	smul.u32 s5, s6  }
0xd: {  	[sflag:s31] =	ssyncpa.u1 $0x0;
	p0 =	por $0x0, $0x0;
	s9 =	simm.s32 $0x2000  }
0xe: {  	s6 =	sadd.s32 $0x24000, s7;
	s7 =	sadd.s32 $0x224000, s7;
	s8 =	sadd.s32 $0x1, s5  }
.LBB1_4:
0xf: {  	v5 =	vld [tilespmem:s18+$0xFFFFFFD0];
	[tilespmem:s17+$0x2040 ss:$0x81] =	vst.msk $0xffff, v1  }
0x10: {  	v58 =	vld [tilespmem:s18+$0xFFFFFFE0];
	[tilespmem:s17+$0x2850 ss:$0x81] =	vst.msk $0xffff, v2  }
0x11: {  	s19 =	sshra.s32 s19, $0x2;
	v59 =	vld [tilespmem:s18+$0xFFFFFFF0];
	[tilespmem:s17+$0x3060 ss:$0x81] =	vst.msk $0xffff, v3  }
0x12: {  	v60 =	vld [tilespmem:s18+$0x0];
	[tilespmem:s17+$0x0 ss:$0x81] =	vst.msk $0xffff, v0;
	s16 =	sadd.s32 s19, s16  }
0x13: {  	v61 =	vld [tilespmem:s18+$0x10];
	[tilespmem:s16+$0x3870 ss:$0x81] =	vst.msk $0xffff, v4  }
0x14: {  	v62 =	vld [tilespmem:s18+$0x20];
	s26 =	sshll.u32 s14, $0xA;
	s27 =	sshll.u32 s13, $0x3;
	[tilespmem:s16+$0x810 ss:$0x81] =	vst.msk $0xffff, v5  }
0x15: {  	v63 =	vld [tilespmem:s18+$0xFFFFFFC0];
	s29 =	sshll.u32 s14, $0x7;
	s17 =	sand.u32 $0xFFE000, s26;
	s28 =	sand.u32 $0xFFFC00, s27;
	[tilespmem:s16+$0x1020 ss:$0x81] =	vst.msk $0xffff, v58  }
0x16: {  	s30 =	sand.u32 $0x78, s13;
	s14 =	sand.u32 $0x380, s29;
	s17 =	sadd.s32 s28, s17;
	[tilespmem:s16+$0x1830 ss:$0x81] =	vst.msk $0xffff, v59  }
0x17: {  	s14 =	sor.u32 s30, s14;
	s17 =	sand.u32 $0xFFFC00, s17;
	[tilespmem:s16+$0x2040 ss:$0x81] =	vst.msk $0xffff, v60  }
0x18: {  	s31 =	sand.u32 $0x7, s13;
	s14 =	sor.u32 s17, s14;
	[tilespmem:s16+$0x2850 ss:$0x81] =	vst.msk $0xffff, v61  }
0x19: {  	s13 =	sshll.u32 s31, $0x12;
	[tilespmem:s16+$0x3060 ss:$0x81] =	vst.msk $0xffff, v62;
	s14 =	sshrl.u32 s14, $0x3  }
0x1a: {  	s13 =	sor.u32 $0x400, s13;
	[tilespmem:s16+$0x0 ss:$0x81] =	vst.msk $0xffff, v63;
	s14 =	sadd.s32 s7, s14  }
0x1b: {  	[hbm4b:s14+s13] =	stream.strided.scatter [tilespmem:s15], [sflag:$0x2], $0x4000, s9, s13, $0x20;
	[tilespmem:$0x10100] =	vst v63  }
.LBB1_5:
0x1c: {  	s15 =	sadd.s32 $0x200, s10  }
0x1d: {  	s13 =	sadd.s32 $0x400, s11;
	s17 =	smov.u32 s11;
	p2 =	sgt.s32 s15, $0x3FFF  }
0x1e: {  	s17 =	smov.u32 @p2 s13  }
0x1f: {  	s15 =	smov.u32 @p2 s3;
	p2 =	sgt.s32 s17, $0x3FF  }
0x20: {  	s17 =	smov.u32 @p2 s2;
	p2 =	sne.s32 s12, s8  }
.Ltmp1:
0x21: {  	p1 =	slt.u32 s12, $0x2;
	(pc) =	sbr.rel @!p2 .LBB1_6-.Ltmp1, $4  }
0x22: {  	s16 =	simm.s32 @!p1 $0x2  }
0x23: {  	s14 =	smov.u32 s10;
	p0 =	por !p0, !p0;
	_ =	swait.ge @!p1 [sflag:s16], $0x4000  }
0x24: {  	s13 =	smov.u32 s11;
	[sflag:s16] =	ssyncset.done @!p1 $0x0;
	s10 =	smov.u32 s15  }
0x25: {  	s12 =	sadd.s32 $0x1, s12;
	[sflag:s16] =	ssyncadd.s32 @!p1 $0xFFFFC000;
	s11 =	smov.u32 s17  }
.LBB1_1:
0x26: {  	p1 =	sge.u32 s12, s5;
	s31 =	sadd.s32 $0xFFFFFFFF, s12  }
0x27: {  	s15 =	sand.u32 @!p1 $0x78, s10;
	s16 =	sshll.u32 @!p1 s11, $0xE;
	s17 =	sshll.u32 @!p1 s11, $0x7  }
0x28: {  	s18 =	sshll.u32 @!p1 s10, $0x3;
	s16 =	sand.u32 @!p1 $0xFE0000, s16;
	s17 =	sand.u32 @!p1 $0x380, s17  }
0x29: {  	s16 =	sadd.s32 @!p1 s16, s18;
	s18 =	sand.u32 @!p1 $0x3C00, s18;
	s15 =	sor.u32 @!p1 s17, s15  }
0x2a: {  	s17 =	sxor.u32 @!p1 $0xFFFFFFFF, s12;
	s16 =	sand.u32 @!p1 $0xFFC000, s16;
	s15 =	sor.u32 @!p1 s18, s15  }
0x2b: {  	s17 =	sshll.u32 @!p1 s17, $0xE;
	s15 =	sor.u32 @!p1 s16, s15;
	s16 =	sand.u32 @!p1 $0x7, s10  }
0x2c: {  	s18 =	simm.s32 @!p1 $0x20000;
	s15 =	sshrl.u32 @!p1 s15, $0x3;
	s16 =	sshll.u32 @!p1 s16, $0x12  }
0x2d: {  	s17 =	sand.u32 @!p1 $0x4000, s17;
	s15 =	sadd.s32 @!p1 s6, s15;
	s16 =	sor.u32 @!p1 $0x400, s16  }
0x2e: {  	[tilespmem:s17], [sflag:$0x1] =	stream.strided.gather @!p1 [hbm4b:s15+s16], $0x4000, s18, s16, $0x38;
	[tilespmem:$0x10100] =	vst v63  }
0x2f: {  	p1 =	sge.u32 s31, s5  }
.Ltmp2:
0x30: {  	_ = 	snop;
	(pc) =	sbr.rel @p1 .LBB1_5-.Ltmp2, $1  }
0x31: {  	_ =	sdelay $0x3  }
0x32: {  	s15 =	simm.s32 $0x1  }
0x33: {  	_ =	swait.ge [sflag:s4], $0x4000;
	s15 =	simm.s32 @!p0 $0x0  }
0x34: {  	[sflag:s4] =	ssyncset.done $0x0;
	s16 =	sshll.u32 s15, $0xE  }
0x35: {  	[sflag:s4] =	ssyncadd.s32 $0xFFFFC000;
	s18 =	sor.u32 $0x40, s16  }
0x36: {  	s15 =	smul.u32 $0x10200, s15;
	v0 =	vld [tilespmem:s18+$0x30]  }
0x37: {  	v3 =	vld [tilespmem:s18+$0xFFFFFFD0]  }
0x38: {  	s15 =	sshrl.u32 s15, $0x2;
	v4 =	vld [tilespmem:s18+$0xFFFFFFE0]  }
0x39: {  	v5 =	vld [tilespmem:s18+$0xFFFFFFF0];
	s16 =	sor.u32 $0x8000, s15  }
0x3a: {  	s31 =	sand.u32 $0x1, s12;
	v1 =	vld [tilespmem:s18+$0x0];
	s17 =	sadd.s32 $0x0, s16  }
0x3b: {  	v2 =	vld [tilespmem:s18+$0x10];
	s15 =	smul.u32 $0x10200, s31;
	[tilespmem:s17+$0x3870 ss:$0x81] =	vst.msk $0xffff, v0  }
0x3c: {  	[tilespmem:s17+$0x810 ss:$0x81] =	vst.msk $0xffff, v3;
	v3 =	vld [tilespmem:s18+$0x20]  }
0x3d: {  	s15 =	sshrl.u32 s15, $0x2;
	v0 =	vld [tilespmem:s18+$0xFFFFFFC0];
	[tilespmem:s17+$0x1020 ss:$0x81] =	vst.msk $0xffff, v4;
	s18 =	sadd.s32 $0x80, s18  }
0x3e: {  	s19 =	simm.s32 $0x4;
	s20 =	simm.s32 $0x8;
	s15 =	sor.u32 $0x8000, s15;
	[tilespmem:s17+$0x1830 ss:$0x81] =	vst.msk $0xffff, v5;
	v4 =	vld [tilespmem:s18+$0x30]  }
.LBB1_3:
0x3f: {  	p1 =	sne.s32 s20, $0x1FC;
	v5 =	vld [tilespmem:s18+$0xFFFFFFD0];
	[tilespmem:s17+$0x2040 ss:$0x81] =	vst.msk $0xffff, v1  }
0x40: {  	v6 =	vld [tilespmem:s18+$0xFFFFFFE0];
	[tilespmem:s17+$0x2850 ss:$0x81] =	vst.msk $0xffff, v2  }
0x41: {  	s21 =	sshra.s32 s19, $0x2;
	s19 =	smov.u32 s20;
	v7 =	vld [tilespmem:s18+$0xFFFFFFF0];
	[tilespmem:s17+$0x3060 ss:$0x81] =	vst.msk $0xffff, v3  }
.Ltmp3:
0x42: {  	v1 =	vld [tilespmem:s18+$0x0];
	[tilespmem:s17+$0x0 ss:$0x81] =	vst.msk $0xffff, v0;
	s17 =	sadd.s32 s21, s16;
	(pc) =	sbr.rel @p1 .LBB1_3-.Ltmp3, $4  }
0x43: {  	v2 =	vld [tilespmem:s18+$0x10];
	[tilespmem:s17+$0x3870 ss:$0x81] =	vst.msk $0xffff, v4  }
0x44: {  	[tilespmem:s17+$0x810 ss:$0x81] =	vst.msk $0xffff, v5;
	v3 =	vld [tilespmem:s18+$0x20]  }
0x45: {  	v0 =	vld [tilespmem:s18+$0xFFFFFFC0];
	[tilespmem:s17+$0x1020 ss:$0x81] =	vst.msk $0xffff, v6;
	s18 =	sadd.s32 $0x80, s18  }
0x46: {  	s20 =	sadd.s32 $0x4, s20;
	v4 =	vld [tilespmem:s18+$0x30];
	[tilespmem:s17+$0x1830 ss:$0x81] =	vst.msk $0xffff, v7  }
.Ltmp4:
0x47: {  	_ = 	snop;
	(pc) =	sbr.rel .LBB1_4-.Ltmp4, $1  }
0x48: {  	_ =	sdelay $0x3  }
.LBB1_6:
0x49: {  	_ =	sfence.sel $0x180000  }
0x4a: {  	s2 =	simm.s32 $0x1;
	[bflag:$0x0] =	sbarrier.arrive $0xFFFF  }
0x4b: {  	s31 =	simm.s32 $0x2;
	[sflag:s2] =	ssyncpa.u1 $0x1  }
0x4c: {  	[sflag:s31] =	ssyncpa.u1 $0x1  }
0x4d: {  	p0 =	sne.s32 s0, $0x0;
	_ =	strace $0x90000062  }
0x4e: {  	s0 =	sadd.s32 @!p0 $0x100000, s1;
	[bflag:$0x2] =	sbarrier.arrive $0xFFFF  }
0x4f: {  	[sflag:s0] =	ssyncadd.tile.s32 @!p0 $0x1;
	_ =	shalt  }
.Lfunc_end1:
_tile_overlayer_lowered:
.L_overlay_start_2:
0x50: {  	(tag) =	ssettag $0x2  }
0x51: {  	s0 =	rddreg [dreg:$0x0];
	s2 =	stileid.u32  }
0x52: {  	s1 =	rddreg [dreg:$0x1];
	p0 =	sne.s32 s2, $0x0  }
0x53: {  	s3 =	rddreg [dreg:$0x2];
	[bflag:$0x3] =	sbarrier.arrive $0xFFFF;
	s2 =	simm.s32 @!p0 $0x1C01  }
0x54: {  	[timem:s3], [sflag:s2] =	dma.local @!p0 [hbm:s0], s1  }
0x55: {  	s0 =	simm.s32 @!p0 $0x1  }
0x56: {  	_ =	swait.ge @!p0 [sflag:s0], s1  }
0x57: {  	s1 =	ssub.s32 @!p0 $0x0, s1;
	[sflag:s0] =	ssyncset.done @!p0 $0x0  }
0x58: {  	[sflag:s0] =	ssyncadd.s32 @!p0 s1  }
0x59: {  	[bflag:$0x3] =	sbarrier.arrive $0xFFFF  }
0x5a: {  	_ =	shalt  }

</sc_bundles>
